<compile_context>
chip_gen: v7x
topology: tpu7x:2x2x1
jax: 0.10.2.dev20260603
libtpu: 0.0.44.dev20260713+nightly
codegen_flags: <defaults>
</compile_context>

<pallas_src>
import jax
import jax.numpy as jnp
from jax import lax
from jax.experimental import pallas as pl
from jax.experimental.pallas import tpu as pltpu
from jax.experimental.pallas import tpu_sc as plsc

N_NODES = 10000
N_EDGES = 320000
D = 128

NC = 2
NS = 16
NW = NC * NS
L = 16

K = 64
NCHUNK = 160
EPW = K * NCHUNK
E_PAD = EPW * NW
PAIRW = 2 * EPW
EPW0 = 6144
EPW1 = PAIRW - EPW0
EPWMAX = max(EPW0, EPW1)
N_PAD = 10240
DUMP_ROW = N_NODES
ROWS_PER_TILE = N_PAD // NS
DEGW = 16

_sc_mesh = plsc.VectorSubcoreMesh(core_axis_name="c", subcore_axis_name="s")


def _fill_f32(ref, rows, width, value):
    v = jnp.full((L,), value, jnp.float32)

    @pl.loop(0, rows)
    def _(r):
        for j in range(width // L):
            ref[r, pl.ds(j * L, L)] = v


def _deg_body(dst_hbm, deg_out_hbm, deg_acc, didx_v, ones_v, zbuf_v):
    cid = lax.axis_index("c")
    tid = lax.axis_index("s")
    wid = tid * NC + cid

    _fill_f32(ones_v, L, DEGW, 1.0)
    _fill_f32(zbuf_v, 64, DEGW, 0.0)
    for r in range(ROWS_PER_TILE // 64):
        pltpu.sync_copy(
            zbuf_v, deg_acc.at[pl.ds(tid * ROWS_PER_TILE + r * 64, 64)])
    pltpu.sync_copy(dst_hbm.at[pl.ds(wid * EPW, EPW)], didx_v)
    plsc.subcore_barrier()

    @pl.loop(0, EPW // L)
    def _(g):
        idx = didx_v[pl.ds(g * L, L)]
        pltpu.sync_copy(ones_v, deg_acc.at[idx], add=True)

    plsc.subcore_barrier()
    row0 = tid * ROWS_PER_TILE
    pltpu.sync_copy(
        deg_acc.at[pl.ds(row0, ROWS_PER_TILE)],
        deg_out_hbm.at[pl.ds(cid * N_PAD + row0, ROWS_PER_TILE)])


_deg_pass = pl.kernel(
    _deg_body,
    out_type=jax.ShapeDtypeStruct((NC * N_PAD, DEGW), jnp.float32),
    mesh=_sc_mesh,
    scratch_types=[
        pltpu.VMEM_SHARED((N_PAD, DEGW), jnp.float32),
        pltpu.VMEM((EPW,), jnp.int32),
        pltpu.VMEM((L, DEGW), jnp.float32),
        pltpu.VMEM((64, DEGW), jnp.float32),
    ],
)


def _seg_body(hp_hbm, src_hbm, dst_hbm, out_hbm,
              acc, sidx_v, didx_v, rows0_v, rows1_v,
              semg0, semg1, sems0, sems1):
    cid = lax.axis_index("c")
    tid = lax.axis_index("s")
    rows = (rows0_v, rows1_v)
    semg = (semg0, semg1)
    sems = (sems0, sems1)

    nchunk = jnp.where(cid == 0, EPW0 // K, EPW1 // K)

    _fill_f32(rows0_v, K, D, 0.0)
    for r in range(ROWS_PER_TILE // K):
        pltpu.sync_copy(
            rows0_v, acc.at[pl.ds(tid * ROWS_PER_TILE + r * K, K)])

    @pl.when(cid == 0)
    def _():
        pltpu.sync_copy(src_hbm.at[pl.ds(tid * PAIRW, EPW0)],
                        sidx_v.at[pl.ds(0, EPW0)])
        pltpu.sync_copy(dst_hbm.at[pl.ds(tid * PAIRW, EPW0)],
                        didx_v.at[pl.ds(0, EPW0)])

    @pl.when(cid == 1)
    def _():
        pltpu.sync_copy(src_hbm.at[pl.ds(tid * PAIRW + EPW0, EPW1)],
                        sidx_v.at[pl.ds(0, EPW1)])
        pltpu.sync_copy(dst_hbm.at[pl.ds(tid * PAIRW + EPW0, EPW1)],
                        didx_v.at[pl.ds(0, EPW1)])

    plsc.subcore_barrier()

    @pl.loop(0, nchunk, step=2)
    def _(c0):
        for b in range(2):
            c = c0 + b

            @pl.when(c >= 2)
            def _():
                for g in range(K // L):
                    idx = didx_v[pl.ds((c - 2) * K + g * L, L)]
                    pltpu.make_async_copy(
                        rows[b].at[pl.ds(g * L, L)], acc.at[idx],
                        sems[b]).wait()

            pltpu.async_copy(
                hp_hbm.at[sidx_v.at[pl.ds(c * K, K)]], rows[b],
                semg[b]).wait()
            for g in range(K // L):
                idx = didx_v[pl.ds(c * K + g * L, L)]
                pltpu.async_copy(
                    rows[b].at[pl.ds(g * L, L)], acc.at[idx], sems[b],
                    add=True)

    for b in range(2):
        c = nchunk - 2 + b
        for g in range(K // L):
            idx = didx_v[pl.ds(c * K + g * L, L)]
            pltpu.make_async_copy(
                rows[b].at[pl.ds(g * L, L)], acc.at[idx], sems[b]).wait()
    plsc.subcore_barrier()
    row0 = tid * ROWS_PER_TILE
    pltpu.sync_copy(
        acc.at[pl.ds(row0, ROWS_PER_TILE)],
        out_hbm.at[pl.ds(cid * N_PAD + row0, ROWS_PER_TILE)])


_seg_pass = pl.kernel(
    _seg_body,
    out_type=jax.ShapeDtypeStruct((NC * N_PAD, D), jnp.float32),
    mesh=_sc_mesh,
    scratch_types=[
        pltpu.VMEM_SHARED((N_PAD, D), jnp.float32),
        pltpu.VMEM((EPWMAX,), jnp.int32),
        pltpu.VMEM((EPWMAX,), jnp.int32),
        pltpu.VMEM((K, D), jnp.float32),
        pltpu.VMEM((K, D), jnp.float32),
        pltpu.SemaphoreType.DMA,
        pltpu.SemaphoreType.DMA,
        pltpu.SemaphoreType.DMA,
        pltpu.SemaphoreType.DMA,
    ],
)


R = 1000
G = N_NODES // R


def _mm1_body(degp_ref, x_ref, w_ref, hp_ref, dinv_ref):
    deg = degp_ref[0, :, 0:1] + degp_ref[1, :, 0:1] + 1.0
    dinv = lax.rsqrt(deg)
    hp = jnp.dot(x_ref[...], w_ref[...],
                 preferred_element_type=jnp.float32) * dinv
    hp_ref[...] = hp
    dinv_ref[...] = dinv


_mm1 = pl.pallas_call(
    _mm1_body,
    grid=(G,),
    in_specs=[
        pl.BlockSpec((NC, R, DEGW), lambda i: (0, i, 0)),
        pl.BlockSpec((R, D), lambda i: (i, 0)),
        pl.BlockSpec((D, D), lambda i: (0, 0)),
    ],
    out_specs=[
        pl.BlockSpec((R, D), lambda i: (i, 0)),
        pl.BlockSpec((R, 1), lambda i: (i, 0)),
    ],
    out_shape=[
        jax.ShapeDtypeStruct((N_NODES, D), jnp.float32),
        jax.ShapeDtypeStruct((N_NODES, 1), jnp.float32),
    ],
)


def _mid_body(sp_ref, hp_ref, dinv_ref, b_ref, w_ref, out_ref):
    dinv = dinv_ref[...]
    h = jnp.maximum(
        dinv * (sp_ref[0] + sp_ref[1] + hp_ref[...]) + b_ref[...], 0.0)
    out_ref[...] = jnp.dot(
        h, w_ref[...], preferred_element_type=jnp.float32) * dinv


_mid = pl.pallas_call(
    _mid_body,
    grid=(G,),
    in_specs=[
        pl.BlockSpec((NC, R, D), lambda i: (0, i, 0)),
        pl.BlockSpec((R, D), lambda i: (i, 0)),
        pl.BlockSpec((R, 1), lambda i: (i, 0)),
        pl.BlockSpec((1, D), lambda i: (0, 0)),
        pl.BlockSpec((D, D), lambda i: (0, 0)),
    ],
    out_specs=pl.BlockSpec((R, D), lambda i: (i, 0)),
    out_shape=jax.ShapeDtypeStruct((N_NODES, D), jnp.float32),
)


def _head_body(sp_ref, hp_ref, dinv_ref, b_ref, w_ref, bo_ref, out_ref):
    h = jnp.maximum(
        dinv_ref[...] * (sp_ref[0] + sp_ref[1] + hp_ref[...]) + b_ref[...],
        0.0)
    out_ref[...] = jnp.dot(
        h, w_ref[...], preferred_element_type=jnp.float32) + bo_ref[...]


_head = pl.pallas_call(
    _head_body,
    grid=(G,),
    in_specs=[
        pl.BlockSpec((NC, R, D), lambda i: (0, i, 0)),
        pl.BlockSpec((R, D), lambda i: (i, 0)),
        pl.BlockSpec((R, 1), lambda i: (i, 0)),
        pl.BlockSpec((1, D), lambda i: (0, 0)),
        pl.BlockSpec((D, D), lambda i: (0, 0)),
        pl.BlockSpec((1, D), lambda i: (0, 0)),
    ],
    out_specs=pl.BlockSpec((R, D), lambda i: (i, 0)),
    out_shape=jax.ShapeDtypeStruct((N_NODES, D), jnp.float32),
)


def kernel(X, A, W1, b1, W2, b2, Wo, bo):
    n_classes = Wo.shape[1]
    pad = E_PAD - N_EDGES
    src = jnp.concatenate([A[0], jnp.zeros((pad,), A.dtype)])
    dst = jnp.concatenate([A[1], jnp.full((pad,), DUMP_ROW, A.dtype)])

    degp = _deg_pass(dst).reshape(NC, N_PAD, DEGW)
    hp1, dinv = _mm1(degp, X, W1)
    s1 = _seg_pass(hp1, src, dst).reshape(NC, N_PAD, D)
    hp2 = _mid(s1, hp1, dinv, b1.reshape(1, D), W2)
    s2 = _seg_pass(hp2, src, dst).reshape(NC, N_PAD, D)
    wo_p = jnp.pad(Wo, ((0, 0), (0, D - n_classes)))
    bo_p = jnp.pad(bo, (0, D - n_classes)).reshape(1, D)
    out = _head(s2, hp2, dinv, b2.reshape(1, D), wo_p, bo_p)
    return out[:, :n_classes]

# --- scband reference (transcript-rebuilt; emitter-appended) ---
"""Pipeline reference for scband-base-model-79886391706232 (READ-ONLY COPY).

The authoritative reference and input builder live on the scoring server;
editing this copy changes nothing except your own understanding.
"""

import jax, jax.numpy as jnp
import numpy as np

N = 10000
E = 320000
D_IN = 128
D_HID = 128
N_CLASSES = 40


def setup_inputs(seed: int = 0) -> dict:
    key = jax.random.key(seed)
    ks = jax.random.split(key, 8)
    X = jax.random.normal(ks[0], (N, D_IN), dtype=jnp.float32)
    A = jax.random.randint(ks[1], (2, E), 0, N, dtype=jnp.int32)
    W1 = jax.random.normal(ks[2], (D_IN, D_HID), dtype=jnp.float32) * 0.05
    b1 = jnp.zeros((D_HID,), dtype=jnp.float32)
    W2 = jax.random.normal(ks[3], (D_HID, D_HID), dtype=jnp.float32) * 0.05
    b2 = jnp.zeros((D_HID,), dtype=jnp.float32)
    Wo = jax.random.normal(ks[4], (D_HID, N_CLASSES), dtype=jnp.float32) * 0.05
    bo = jnp.zeros((N_CLASSES,), dtype=jnp.float32)
    return {"X": X, "A": A, "W1": W1, "b1": b1, "W2": W2, "b2": b2, "Wo": Wo, "bo": bo}


def reference(X, A, W1, b1, W2, b2, Wo, bo):
    # GCNConv (Kipf & Welling) with self-loops and symmetric normalization,
    # two layers with ReLU (dropout = identity in eval mode), then linear head.
    src = A[0]
    dst = A[1]
    loop = jnp.arange(N, dtype=src.dtype)
    src = jnp.concatenate([src, loop])
    dst = jnp.concatenate([dst, loop])
    deg = jax.ops.segment_sum(jnp.ones_like(dst, dtype=jnp.float32), dst, num_segments=N)
    dinv = jax.lax.rsqrt(jnp.maximum(deg, 1.0))
    norm = dinv[src] * dinv[dst]

    def gcn_conv(h, W, b):
        h = h @ W
        msg = h[src] * norm[:, None]
        agg = jax.ops.segment_sum(msg, dst, num_segments=N)
        return agg + b

    h = jax.nn.relu(gcn_conv(X, W1, b1))
    h = jax.nn.relu(gcn_conv(h, W2, b2))
    out = h @ Wo + bo
    return out

if __name__ == "__main__":
    import jax
    _d = setup_inputs()
    print(jax.jit(kernel)(*tuple(_d.values())))

</pallas_src>

<mosaic_0001>
#map = affine_map<(d0, d1) -> (0, 0)>
#map1 = affine_map<(d0, d1) -> (0)>
module attributes {stable_mosaic.version = 14 : i64} {
  func.func @_seg_body(%arg0: i32, %arg1: i32, %arg2: memref<10000x128xf32, #tpu.memory_space<hbm>>, %arg3: memref<327680xi32, #tpu.memory_space<hbm>>, %arg4: memref<327680xi32, #tpu.memory_space<hbm>>, %arg5: memref<20480x128xf32, #tpu.memory_space<hbm>>, %arg6: memref<10240x128xf32, #tpu.memory_space<vmem_shared>>, %arg7: memref<14336xi32, #tpu.memory_space<vmem>>, %arg8: memref<14336xi32, #tpu.memory_space<vmem>>, %arg9: memref<64x128xf32, #tpu.memory_space<vmem>>, %arg10: memref<64x128xf32, #tpu.memory_space<vmem>>, %arg11: memref<!tpu.dma_semaphore, #tpu.memory_space<semaphore_mem>>, %arg12: memref<!tpu.dma_semaphore, #tpu.memory_space<semaphore_mem>>, %arg13: memref<!tpu.dma_semaphore, #tpu.memory_space<semaphore_mem>>, %arg14: memref<!tpu.dma_semaphore, #tpu.memory_space<semaphore_mem>>) attributes {dimension_semantics = [#tpu.dimension_semantics<core_parallel>, #tpu.dimension_semantics<subcore_parallel>], iteration_bounds = array<i64: 2, 16>, scalar_prefetch = 0 : i64, scratch_operands = 9 : i64, tpu.core_type = #tpu.core_type<sc_vector_subcore>, window_params = [{transform_indices = #map}, {transform_indices = #map1}, {transform_indices = #map1}, {transform_indices = #map}]} {
    %eq3A = arith.constant 0 : i32
    %eq3A_0 = arith.cmpi eq, %arg0, %eq3A : i32
    %jit3A = arith.constant 96 : i32
    %jit3A_1 = arith.constant 224 : i32
    %select_n3A = arith.select %eq3A_0, %jit3A, %jit3A_1 : i32
    %broadcast_in_dim3A = arith.constant 0.000000e+00 : f32
    %broadcast_in_dim3A_2 = vector.broadcast %broadcast_in_dim3A : f32 to vector<16xf32>
    %scan3A = arith.constant 0 : i32
    %scan3A_3 = arith.constant 64 : i32
    %scan3A_4 = arith.addi %scan3A, %scan3A_3 : i32
    %scan3A_5 = arith.constant 1 : i32
    scf.for %scan3A_185 = %scan3A to %scan3A_4 step %scan3A_5  : i32 {
      %mul3A_186 = arith.constant 1 : i32
      %mul3A_187 = arith.muli %scan3A_185, %mul3A_186 : i32
      %add3A_188 = arith.constant 0 : i32
      %add3A_189 = arith.addi %add3A_188, %mul3A_187 : i32
      %swap3A = arith.index_cast %add3A_189 : i32 to index
      %swap3A_190 = arith.constant 0 : index
      %swap3A_191 = tpu.vector_load %arg9[%swap3A, %swap3A_190] {strides = array<i32>} : memref<64x128xf32, #tpu.memory_space<vmem>>, vector<1x16xf32>,
      %swap3A_192 = vector.shape_cast %swap3A_191 : vector<1x16xf32> to vector<16xf32>
      %swap3A_193 = vector.shape_cast %broadcast_in_dim3A_2 : vector<16xf32> to vector<1x16xf32>
      tpu.vector_store %arg9[%swap3A, %swap3A_190], %swap3A_193 {strides = array<i32>} : memref<64x128xf32, #tpu.memory_space<vmem>>, vector<1x16xf32>,
      %swap3A_194 = arith.index_cast %add3A_189 : i32 to index
      %swap3A_195 = arith.constant 16 : index
      %swap3A_196 = tpu.vector_load %arg9[%swap3A_194, %swap3A_195] {strides = array<i32>} : memref<64x128xf32, #tpu.memory_space<vmem>>, vector<1x16xf32>,
      %swap3A_197 = vector.shape_cast %swap3A_196 : vector<1x16xf32> to vector<16xf32>
      %swap3A_198 = vector.shape_cast %broadcast_in_dim3A_2 : vector<16xf32> to vector<1x16xf32>
      tpu.vector_store %arg9[%swap3A_194, %swap3A_195], %swap3A_198 {strides = array<i32>} : memref<64x128xf32, #tpu.memory_space<vmem>>, vector<1x16xf32>,
      %swap3A_199 = arith.index_cast %add3A_189 : i32 to index
      %swap3A_200 = arith.constant 32 : index
      %swap3A_201 = tpu.vector_load %arg9[%swap3A_199, %swap3A_200] {strides = array<i32>} : memref<64x128xf32, #tpu.memory_space<vmem>>, vector<1x16xf32>,
      %swap3A_202 = vector.shape_cast %swap3A_201 : vector<1x16xf32> to vector<16xf32>
      %swap3A_203 = vector.shape_cast %broadcast_in_dim3A_2 : vector<16xf32> to vector<1x16xf32>
      tpu.vector_store %arg9[%swap3A_199, %swap3A_200], %swap3A_203 {strides = array<i32>} : memref<64x128xf32, #tpu.memory_space<vmem>>, vector<1x16xf32>,
      %swap3A_204 = arith.index_cast %add3A_189 : i32 to index
      %swap3A_205 = arith.constant 48 : index
      %swap3A_206 = tpu.vector_load %arg9[%swap3A_204, %swap3A_205] {strides = array<i32>} : memref<64x128xf32, #tpu.memory_space<vmem>>, vector<1x16xf32>,
      %swap3A_207 = vector.shape_cast %swap3A_206 : vector<1x16xf32> to vector<16xf32>
      %swap3A_208 = vector.shape_cast %broadcast_in_dim3A_2 : vector<16xf32> to vector<1x16xf32>
      tpu.vector_store %arg9[%swap3A_204, %swap3A_205], %swap3A_208 {strides = array<i32>} : memref<64x128xf32, #tpu.memory_space<vmem>>, vector<1x16xf32>,
      %swap3A_209 = arith.index_cast %add3A_189 : i32 to index
      %swap3A_210 = arith.constant 64 : index
      %swap3A_211 = tpu.vector_load %arg9[%swap3A_209, %swap3A_210] {strides = array<i32>} : memref<64x128xf32, #tpu.memory_space<vmem>>, vector<1x16xf32>,
      %swap3A_212 = vector.shape_cast %swap3A_211 : vector<1x16xf32> to vector<16xf32>
      %swap3A_213 = vector.shape_cast %broadcast_in_dim3A_2 : vector<16xf32> to vector<1x16xf32>
      tpu.vector_store %arg9[%swap3A_209, %swap3A_210], %swap3A_213 {strides = array<i32>} : memref<64x128xf32, #tpu.memory_space<vmem>>, vector<1x16xf32>,
      %swap3A_214 = arith.index_cast %add3A_189 : i32 to index
      %swap3A_215 = arith.constant 80 : index
      %swap3A_216 = tpu.vector_load %arg9[%swap3A_214, %swap3A_215] {strides = array<i32>} : memref<64x128xf32, #tpu.memory_space<vmem>>, vector<1x16xf32>,
      %swap3A_217 = vector.shape_cast %swap3A_216 : vector<1x16xf32> to vector<16xf32>
      %swap3A_218 = vector.shape_cast %broadcast_in_dim3A_2 : vector<16xf32> to vector<1x16xf32>
      tpu.vector_store %arg9[%swap3A_214, %swap3A_215], %swap3A_218 {strides = array<i32>} : memref<64x128xf32, #tpu.memory_space<vmem>>, vector<1x16xf32>,
      %swap3A_219 = arith.index_cast %add3A_189 : i32 to index
      %swap3A_220 = arith.constant 96 : index
      %swap3A_221 = tpu.vector_load %arg9[%swap3A_219, %swap3A_220] {strides = array<i32>} : memref<64x128xf32, #tpu.memory_space<vmem>>, vector<1x16xf32>,
      %swap3A_222 = vector.shape_cast %swap3A_221 : vector<1x16xf32> to vector<16xf32>
      %swap3A_223 = vector.shape_cast %broadcast_in_dim3A_2 : vector<16xf32> to vector<1x16xf32>
      tpu.vector_store %arg9[%swap3A_219, %swap3A_220], %swap3A_223 {strides = array<i32>} : memref<64x128xf32, #tpu.memory_space<vmem>>, vector<1x16xf32>,
      %swap3A_224 = arith.index_cast %add3A_189 : i32 to index
      %swap3A_225 = arith.constant 112 : index
      %swap3A_226 = tpu.vector_load %arg9[%swap3A_224, %swap3A_225] {strides = array<i32>} : memref<64x128xf32, #tpu.memory_space<vmem>>, vector<1x16xf32>,
      %swap3A_227 = vector.shape_cast %swap3A_226 : vector<1x16xf32> to vector<16xf32>
      %swap3A_228 = vector.shape_cast %broadcast_in_dim3A_2 : vector<16xf32> to vector<1x16xf32>
      tpu.vector_store %arg9[%swap3A_224, %swap3A_225], %swap3A_228 {strides = array<i32>} : memref<64x128xf32, #tpu.memory_space<vmem>>, vector<1x16xf32>,
    }
    %scan3A_6 = arith.constant 64 : i32
    %mul3A = arith.constant 640 : i32
    %mul3A_7 = arith.muli %arg1, %mul3A : i32
    %add3A = arith.constant 0 : i32
    %add3A_8 = arith.addi %mul3A_7, %add3A : i32
    "tpu.region"() ({
      %run_scoped3A = tpu.sem_alloc : memref<!tpu.dma_semaphore, #tpu.memory_space<semaphore_mem>>
      %dma_start3A = arith.constant 0 : i32
      %dma_start3A_185 = tpu.memref_slice %arg6[%add3A_8, %dma_start3A] : memref<10240x128xf32, #tpu.memory_space<vmem_shared>> -> memref<64x128xf32, #tpu.memory_space<vmem_shared>>
      %dma_start3A_186 = arith.constant 0 : i32
      %dma_start3A_187 = tpu.memref_slice %arg6[%add3A_8, %dma_start3A_186] : memref<10240x128xf32, #tpu.memory_space<vmem_shared>> -> memref<64x128xf32, #tpu.memory_space<vmem_shared>>
      tpu.enqueue_dma source(%arg9 : memref<64x128xf32, #tpu.memory_space<vmem>>) target(%dma_start3A_187 : memref<64x128xf32, #tpu.memory_space<vmem_shared>>) target_semaphore(%run_scoped3A : memref<!tpu.dma_semaphore, #tpu.memory_space<semaphore_mem>>)
      %dma_wait3A_188 = arith.constant 0 : i32
      %dma_wait3A_189 = tpu.memref_slice %arg6[%add3A_8, %dma_wait3A_188] : memref<10240x128xf32, #tpu.memory_space<vmem_shared>> -> memref<64x128xf32, #tpu.memory_space<vmem_shared>>
      %dma_wait3A_190 = arith.constant 0 : i32
      %dma_wait3A_191 = tpu.memref_slice %arg6[%add3A_8, %dma_wait3A_190] : memref<10240x128xf32, #tpu.memory_space<vmem_shared>> -> memref<64x128xf32, #tpu.memory_space<vmem_shared>>
      tpu.wait_dma2 semaphore(%run_scoped3A : memref<!tpu.dma_semaphore, #tpu.memory_space<semaphore_mem>>) src(%arg9 : memref<64x128xf32, #tpu.memory_space<vmem>>) dst(%dma_wait3A_191 : memref<64x128xf32, #tpu.memory_space<vmem_shared>>)
      tpu.yield
    }) : () -> ()
    %mul3A_9 = arith.constant 640 : i32
    %mul3A_10 = arith.muli %arg1, %mul3A_9 : i32
    %add3A_11 = arith.constant 64 : i32
    %add3A_12 = arith.addi %mul3A_10, %add3A_11 : i32
    "tpu.region"() ({
      %run_scoped3A = tpu.sem_alloc : memref<!tpu.dma_semaphore, #tpu.memory_space<semaphore_mem>>
      %dma_start3A = arith.constant 0 : i32
      %dma_start3A_185 = tpu.memref_slice %arg6[%add3A_12, %dma_start3A] : memref<10240x128xf32, #tpu.memory_space<vmem_shared>> -> memref<64x128xf32, #tpu.memory_space<vmem_shared>>
      %dma_start3A_186 = arith.constant 0 : i32
      %dma_start3A_187 = tpu.memref_slice %arg6[%add3A_12, %dma_start3A_186] : memref<10240x128xf32, #tpu.memory_space<vmem_shared>> -> memref<64x128xf32, #tpu.memory_space<vmem_shared>>
      tpu.enqueue_dma source(%arg9 : memref<64x128xf32, #tpu.memory_space<vmem>>) target(%dma_start3A_187 : memref<64x128xf32, #tpu.memory_space<vmem_shared>>) target_semaphore(%run_scoped3A : memref<!tpu.dma_semaphore, #tpu.memory_space<semaphore_mem>>)
      %dma_wait3A_188 = arith.constant 0 : i32
      %dma_wait3A_189 = tpu.memref_slice %arg6[%add3A_12, %dma_wait3A_188] : memref<10240x128xf32, #tpu.memory_space<vmem_shared>> -> memref<64x128xf32, #tpu.memory_space<vmem_shared>>
      %dma_wait3A_190 = arith.constant 0 : i32
      %dma_wait3A_191 = tpu.memref_slice %arg6[%add3A_12, %dma_wait3A_190] : memref<10240x128xf32, #tpu.memory_space<vmem_shared>> -> memref<64x128xf32, #tpu.memory_space<vmem_shared>>
      tpu.wait_dma2 semaphore(%run_scoped3A : memref<!tpu.dma_semaphore, #tpu.memory_space<semaphore_mem>>) src(%arg9 : memref<64x128xf32, #tpu.memory_space<vmem>>) dst(%dma_wait3A_191 : memref<64x128xf32, #tpu.memory_space<vmem_shared>>)
      tpu.yield
    }) : () -> ()
    %mul3A_13 = arith.constant 640 : i32
    %mul3A_14 = arith.muli %arg1, %mul3A_13 : i32
    %add3A_15 = arith.constant 128 : i32
    %add3A_16 = arith.addi %mul3A_14, %add3A_15 : i32
    "tpu.region"() ({
      %run_scoped3A = tpu.sem_alloc : memref<!tpu.dma_semaphore, #tpu.memory_space<semaphore_mem>>
      %dma_start3A = arith.constant 0 : i32
      %dma_start3A_185 = tpu.memref_slice %arg6[%add3A_16, %dma_start3A] : memref<10240x128xf32, #tpu.memory_space<vmem_shared>> -> memref<64x128xf32, #tpu.memory_space<vmem_shared>>
      %dma_start3A_186 = arith.constant 0 : i32
      %dma_start3A_187 = tpu.memref_slice %arg6[%add3A_16, %dma_start3A_186] : memref<10240x128xf32, #tpu.memory_space<vmem_shared>> -> memref<64x128xf32, #tpu.memory_space<vmem_shared>>
      tpu.enqueue_dma source(%arg9 : memref<64x128xf32, #tpu.memory_space<vmem>>) target(%dma_start3A_187 : memref<64x128xf32, #tpu.memory_space<vmem_shared>>) target_semaphore(%run_scoped3A : memref<!tpu.dma_semaphore, #tpu.memory_space<semaphore_mem>>)
      %dma_wait3A_188 = arith.constant 0 : i32
      %dma_wait3A_189 = tpu.memref_slice %arg6[%add3A_16, %dma_wait3A_188] : memref<10240x128xf32, #tpu.memory_space<vmem_shared>> -> memref<64x128xf32, #tpu.memory_space<vmem_shared>>
      %dma_wait3A_190 = arith.constant 0 : i32
      %dma_wait3A_191 = tpu.memref_slice %arg6[%add3A_16, %dma_wait3A_190] : memref<10240x128xf32, #tpu.memory_space<vmem_shared>> -> memref<64x128xf32, #tpu.memory_space<vmem_shared>>
      tpu.wait_dma2 semaphore(%run_scoped3A : memref<!tpu.dma_semaphore, #tpu.memory_space<semaphore_mem>>) src(%arg9 : memref<64x128xf32, #tpu.memory_space<vmem>>) dst(%dma_wait3A_191 : memref<64x128xf32, #tpu.memory_space<vmem_shared>>)
      tpu.yield
    }) : () -> ()
    %mul3A_17 = arith.constant 640 : i32
    %mul3A_18 = arith.muli %arg1, %mul3A_17 : i32
    %add3A_19 = arith.constant 192 : i32
    %add3A_20 = arith.addi %mul3A_18, %add3A_19 : i32
    "tpu.region"() ({
      %run_scoped3A = tpu.sem_alloc : memref<!tpu.dma_semaphore, #tpu.memory_space<semaphore_mem>>
      %dma_start3A = arith.constant 0 : i32
      %dma_start3A_185 = tpu.memref_slice %arg6[%add3A_20, %dma_start3A] : memref<10240x128xf32, #tpu.memory_space<vmem_shared>> -> memref<64x128xf32, #tpu.memory_space<vmem_shared>>
      %dma_start3A_186 = arith.constant 0 : i32
      %dma_start3A_187 = tpu.memref_slice %arg6[%add3A_20, %dma_start3A_186] : memref<10240x128xf32, #tpu.memory_space<vmem_shared>> -> memref<64x128xf32, #tpu.memory_space<vmem_shared>>
      tpu.enqueue_dma source(%arg9 : memref<64x128xf32, #tpu.memory_space<vmem>>) target(%dma_start3A_187 : memref<64x128xf32, #tpu.memory_space<vmem_shared>>) target_semaphore(%run_scoped3A : memref<!tpu.dma_semaphore, #tpu.memory_space<semaphore_mem>>)
      %dma_wait3A_188 = arith.constant 0 : i32
      %dma_wait3A_189 = tpu.memref_slice %arg6[%add3A_20, %dma_wait3A_188] : memref<10240x128xf32, #tpu.memory_space<vmem_shared>> -> memref<64x128xf32, #tpu.memory_space<vmem_shared>>
      %dma_wait3A_190 = arith.constant 0 : i32
      %dma_wait3A_191 = tpu.memref_slice %arg6[%add3A_20, %dma_wait3A_190] : memref<10240x128xf32, #tpu.memory_space<vmem_shared>> -> memref<64x128xf32, #tpu.memory_space<vmem_shared>>
      tpu.wait_dma2 semaphore(%run_scoped3A : memref<!tpu.dma_semaphore, #tpu.memory_space<semaphore_mem>>) src(%arg9 : memref<64x128xf32, #tpu.memory_space<vmem>>) dst(%dma_wait3A_191 : memref<64x128xf32, #tpu.memory_space<vmem_shared>>)
      tpu.yield
    }) : () -> ()
    %mul3A_21 = arith.constant 640 : i32
    %mul3A_22 = arith.muli %arg1, %mul3A_21 : i32
    %add3A_23 = arith.constant 256 : i32
    %add3A_24 = arith.addi %mul3A_22, %add3A_23 : i32
    "tpu.region"() ({
      %run_scoped3A = tpu.sem_alloc : memref<!tpu.dma_semaphore, #tpu.memory_space<semaphore_mem>>
      %dma_start3A = arith.constant 0 : i32
      %dma_start3A_185 = tpu.memref_slice %arg6[%add3A_24, %dma_start3A] : memref<10240x128xf32, #tpu.memory_space<vmem_shared>> -> memref<64x128xf32, #tpu.memory_space<vmem_shared>>
      %dma_start3A_186 = arith.constant 0 : i32
      %dma_start3A_187 = tpu.memref_slice %arg6[%add3A_24, %dma_start3A_186] : memref<10240x128xf32, #tpu.memory_space<vmem_shared>> -> memref<64x128xf32, #tpu.memory_space<vmem_shared>>
      tpu.enqueue_dma source(%arg9 : memref<64x128xf32, #tpu.memory_space<vmem>>) target(%dma_start3A_187 : memref<64x128xf32, #tpu.memory_space<vmem_shared>>) target_semaphore(%run_scoped3A : memref<!tpu.dma_semaphore, #tpu.memory_space<semaphore_mem>>)
      %dma_wait3A_188 = arith.constant 0 : i32
      %dma_wait3A_189 = tpu.memref_slice %arg6[%add3A_24, %dma_wait3A_188] : memref<10240x128xf32, #tpu.memory_space<vmem_shared>> -> memref<64x128xf32, #tpu.memory_space<vmem_shared>>
      %dma_wait3A_190 = arith.constant 0 : i32
      %dma_wait3A_191 = tpu.memref_slice %arg6[%add3A_24, %dma_wait3A_190] : memref<10240x128xf32, #tpu.memory_space<vmem_shared>> -> memref<64x128xf32, #tpu.memory_space<vmem_shared>>
      tpu.wait_dma2 semaphore(%run_scoped3A : memref<!tpu.dma_semaphore, #tpu.memory_space<semaphore_mem>>) src(%arg9 : memref<64x128xf32, #tpu.memory_space<vmem>>) dst(%dma_wait3A_191 : memref<64x128xf32, #tpu.memory_space<vmem_shared>>)
      tpu.yield
    }) : () -> ()
    %mul3A_25 = arith.constant 640 : i32
    %mul3A_26 = arith.muli %arg1, %mul3A_25 : i32
    %add3A_27 = arith.constant 320 : i32
    %add3A_28 = arith.addi %mul3A_26, %add3A_27 : i32
    "tpu.region"() ({
      %run_scoped3A = tpu.sem_alloc : memref<!tpu.dma_semaphore, #tpu.memory_space<semaphore_mem>>
      %dma_start3A = arith.constant 0 : i32
      %dma_start3A_185 = tpu.memref_slice %arg6[%add3A_28, %dma_start3A] : memref<10240x128xf32, #tpu.memory_space<vmem_shared>> -> memref<64x128xf32, #tpu.memory_space<vmem_shared>>
      %dma_start3A_186 = arith.constant 0 : i32
      %dma_start3A_187 = tpu.memref_slice %arg6[%add3A_28, %dma_start3A_186] : memref<10240x128xf32, #tpu.memory_space<vmem_shared>> -> memref<64x128xf32, #tpu.memory_space<vmem_shared>>
      tpu.enqueue_dma source(%arg9 : memref<64x128xf32, #tpu.memory_space<vmem>>) target(%dma_start3A_187 : memref<64x128xf32, #tpu.memory_space<vmem_shared>>) target_semaphore(%run_scoped3A : memref<!tpu.dma_semaphore, #tpu.memory_space<semaphore_mem>>)
      %dma_wait3A_188 = arith.constant 0 : i32
      %dma_wait3A_189 = tpu.memref_slice %arg6[%add3A_28, %dma_wait3A_188] : memref<10240x128xf32, #tpu.memory_space<vmem_shared>> -> memref<64x128xf32, #tpu.memory_space<vmem_shared>>
      %dma_wait3A_190 = arith.constant 0 : i32
      %dma_wait3A_191 = tpu.memref_slice %arg6[%add3A_28, %dma_wait3A_190] : memref<10240x128xf32, #tpu.memory_space<vmem_shared>> -> memref<64x128xf32, #tpu.memory_space<vmem_shared>>
      tpu.wait_dma2 semaphore(%run_scoped3A : memref<!tpu.dma_semaphore, #tpu.memory_space<semaphore_mem>>) src(%arg9 : memref<64x128xf32, #tpu.memory_space<vmem>>) dst(%dma_wait3A_191 : memref<64x128xf32, #tpu.memory_space<vmem_shared>>)
      tpu.yield
    }) : () -> ()
    %mul3A_29 = arith.constant 640 : i32
    %mul3A_30 = arith.muli %arg1, %mul3A_29 : i32
    %add3A_31 = arith.constant 384 : i32
    %add3A_32 = arith.addi %mul3A_30, %add3A_31 : i32
    "tpu.region"() ({
      %run_scoped3A = tpu.sem_alloc : memref<!tpu.dma_semaphore, #tpu.memory_space<semaphore_mem>>
      %dma_start3A = arith.constant 0 : i32
      %dma_start3A_185 = tpu.memref_slice %arg6[%add3A_32, %dma_start3A] : memref<10240x128xf32, #tpu.memory_space<vmem_shared>> -> memref<64x128xf32, #tpu.memory_space<vmem_shared>>
      %dma_start3A_186 = arith.constant 0 : i32
      %dma_start3A_187 = tpu.memref_slice %arg6[%add3A_32, %dma_start3A_186] : memref<10240x128xf32, #tpu.memory_space<vmem_shared>> -> memref<64x128xf32, #tpu.memory_space<vmem_shared>>
      tpu.enqueue_dma source(%arg9 : memref<64x128xf32, #tpu.memory_space<vmem>>) target(%dma_start3A_187 : memref<64x128xf32, #tpu.memory_space<vmem_shared>>) target_semaphore(%run_scoped3A : memref<!tpu.dma_semaphore, #tpu.memory_space<semaphore_mem>>)
      %dma_wait3A_188 = arith.constant 0 : i32
      %dma_wait3A_189 = tpu.memref_slice %arg6[%add3A_32, %dma_wait3A_188] : memref<10240x128xf32, #tpu.memory_space<vmem_shared>> -> memref<64x128xf32, #tpu.memory_space<vmem_shared>>
      %dma_wait3A_190 = arith.constant 0 : i32
      %dma_wait3A_191 = tpu.memref_slice %arg6[%add3A_32, %dma_wait3A_190] : memref<10240x128xf32, #tpu.memory_space<vmem_shared>> -> memref<64x128xf32, #tpu.memory_space<vmem_shared>>
      tpu.wait_dma2 semaphore(%run_scoped3A : memref<!tpu.dma_semaphore, #tpu.memory_space<semaphore_mem>>) src(%arg9 : memref<64x128xf32, #tpu.memory_space<vmem>>) dst(%dma_wait3A_191 : memref<64x128xf32, #tpu.memory_space<vmem_shared>>)
      tpu.yield
    }) : () -> ()
    %mul3A_33 = arith.constant 640 : i32
    %mul3A_34 = arith.muli %arg1, %mul3A_33 : i32
    %add3A_35 = arith.constant 448 : i32
    %add3A_36 = arith.addi %mul3A_34, %add3A_35 : i32
    "tpu.region"() ({
      %run_scoped3A = tpu.sem_alloc : memref<!tpu.dma_semaphore, #tpu.memory_space<semaphore_mem>>
      %dma_start3A = arith.constant 0 : i32
      %dma_start3A_185 = tpu.memref_slice %arg6[%add3A_36, %dma_start3A] : memref<10240x128xf32, #tpu.memory_space<vmem_shared>> -> memref<64x128xf32, #tpu.memory_space<vmem_shared>>
      %dma_start3A_186 = arith.constant 0 : i32
      %dma_start3A_187 = tpu.memref_slice %arg6[%add3A_36, %dma_start3A_186] : memref<10240x128xf32, #tpu.memory_space<vmem_shared>> -> memref<64x128xf32, #tpu.memory_space<vmem_shared>>
      tpu.enqueue_dma source(%arg9 : memref<64x128xf32, #tpu.memory_space<vmem>>) target(%dma_start3A_187 : memref<64x128xf32, #tpu.memory_space<vmem_shared>>) target_semaphore(%run_scoped3A : memref<!tpu.dma_semaphore, #tpu.memory_space<semaphore_mem>>)
      %dma_wait3A_188 = arith.constant 0 : i32
      %dma_wait3A_189 = tpu.memref_slice %arg6[%add3A_36, %dma_wait3A_188] : memref<10240x128xf32, #tpu.memory_space<vmem_shared>> -> memref<64x128xf32, #tpu.memory_space<vmem_shared>>
      %dma_wait3A_190 = arith.constant 0 : i32
      %dma_wait3A_191 = tpu.memref_slice %arg6[%add3A_36, %dma_wait3A_190] : memref<10240x128xf32, #tpu.memory_space<vmem_shared>> -> memref<64x128xf32, #tpu.memory_space<vmem_shared>>
      tpu.wait_dma2 semaphore(%run_scoped3A : memref<!tpu.dma_semaphore, #tpu.memory_space<semaphore_mem>>) src(%arg9 : memref<64x128xf32, #tpu.memory_space<vmem>>) dst(%dma_wait3A_191 : memref<64x128xf32, #tpu.memory_space<vmem_shared>>)
      tpu.yield
    }) : () -> ()
    %mul3A_37 = arith.constant 640 : i32
    %mul3A_38 = arith.muli %arg1, %mul3A_37 : i32
    %add3A_39 = arith.constant 512 : i32
    %add3A_40 = arith.addi %mul3A_38, %add3A_39 : i32
    "tpu.region"() ({
      %run_scoped3A = tpu.sem_alloc : memref<!tpu.dma_semaphore, #tpu.memory_space<semaphore_mem>>
      %dma_start3A = arith.constant 0 : i32
      %dma_start3A_185 = tpu.memref_slice %arg6[%add3A_40, %dma_start3A] : memref<10240x128xf32, #tpu.memory_space<vmem_shared>> -> memref<64x128xf32, #tpu.memory_space<vmem_shared>>
      %dma_start3A_186 = arith.constant 0 : i32
      %dma_start3A_187 = tpu.memref_slice %arg6[%add3A_40, %dma_start3A_186] : memref<10240x128xf32, #tpu.memory_space<vmem_shared>> -> memref<64x128xf32, #tpu.memory_space<vmem_shared>>
      tpu.enqueue_dma source(%arg9 : memref<64x128xf32, #tpu.memory_space<vmem>>) target(%dma_start3A_187 : memref<64x128xf32, #tpu.memory_space<vmem_shared>>) target_semaphore(%run_scoped3A : memref<!tpu.dma_semaphore, #tpu.memory_space<semaphore_mem>>)
      %dma_wait3A_188 = arith.constant 0 : i32
      %dma_wait3A_189 = tpu.memref_slice %arg6[%add3A_40, %dma_wait3A_188] : memref<10240x128xf32, #tpu.memory_space<vmem_shared>> -> memref<64x128xf32, #tpu.memory_space<vmem_shared>>
      %dma_wait3A_190 = arith.constant 0 : i32
      %dma_wait3A_191 = tpu.memref_slice %arg6[%add3A_40, %dma_wait3A_190] : memref<10240x128xf32, #tpu.memory_space<vmem_shared>> -> memref<64x128xf32, #tpu.memory_space<vmem_shared>>
      tpu.wait_dma2 semaphore(%run_scoped3A : memref<!tpu.dma_semaphore, #tpu.memory_space<semaphore_mem>>) src(%arg9 : memref<64x128xf32, #tpu.memory_space<vmem>>) dst(%dma_wait3A_191 : memref<64x128xf32, #tpu.memory_space<vmem_shared>>)
      tpu.yield
    }) : () -> ()
    %mul3A_41 = arith.constant 640 : i32
    %mul3A_42 = arith.muli %arg1, %mul3A_41 : i32
    %add3A_43 = arith.constant 576 : i32
    %add3A_44 = arith.addi %mul3A_42, %add3A_43 : i32
    "tpu.region"() ({
      %run_scoped3A = tpu.sem_alloc : memref<!tpu.dma_semaphore, #tpu.memory_space<semaphore_mem>>
      %dma_start3A = arith.constant 0 : i32
      %dma_start3A_185 = tpu.memref_slice %arg6[%add3A_44, %dma_start3A] : memref<10240x128xf32, #tpu.memory_space<vmem_shared>> -> memref<64x128xf32, #tpu.memory_space<vmem_shared>>
      %dma_start3A_186 = arith.constant 0 : i32
      %dma_start3A_187 = tpu.memref_slice %arg6[%add3A_44, %dma_start3A_186] : memref<10240x128xf32, #tpu.memory_space<vmem_shared>> -> memref<64x128xf32, #tpu.memory_space<vmem_shared>>
      tpu.enqueue_dma source(%arg9 : memref<64x128xf32, #tpu.memory_space<vmem>>) target(%dma_start3A_187 : memref<64x128xf32, #tpu.memory_space<vmem_shared>>) target_semaphore(%run_scoped3A : memref<!tpu.dma_semaphore, #tpu.memory_space<semaphore_mem>>)
      %dma_wait3A_188 = arith.constant 0 : i32
      %dma_wait3A_189 = tpu.memref_slice %arg6[%add3A_44, %dma_wait3A_188] : memref<10240x128xf32, #tpu.memory_space<vmem_shared>> -> memref<64x128xf32, #tpu.memory_space<vmem_shared>>
      %dma_wait3A_190 = arith.constant 0 : i32
      %dma_wait3A_191 = tpu.memref_slice %arg6[%add3A_44, %dma_wait3A_190] : memref<10240x128xf32, #tpu.memory_space<vmem_shared>> -> memref<64x128xf32, #tpu.memory_space<vmem_shared>>
      tpu.wait_dma2 semaphore(%run_scoped3A : memref<!tpu.dma_semaphore, #tpu.memory_space<semaphore_mem>>) src(%arg9 : memref<64x128xf32, #tpu.memory_space<vmem>>) dst(%dma_wait3A_191 : memref<64x128xf32, #tpu.memory_space<vmem_shared>>)
      tpu.yield
    }) : () -> ()
    %eq3A_45 = arith.constant 0 : i32
    %eq3A_46 = arith.cmpi eq, %arg0, %eq3A_45 : i32
    %convert_element_type3A = arith.extui %eq3A_46 : i1 to i32
    %cond3A = arith.constant 0 : i32
    %cond3A_47 = arith.cmpi ne, %convert_element_type3A, %cond3A : i32
    scf.if %cond3A_47 {
      %mul3A_185 = arith.constant 20480 : i32
      %mul3A_186 = arith.muli %arg1, %mul3A_185 : i32
      "tpu.region"() ({
        %run_scoped3A = tpu.sem_alloc : memref<!tpu.dma_semaphore, #tpu.memory_space<semaphore_mem>>
        %dma_start3A = arith.constant 0 : i32
        %dma_start3A_189 = tpu.memref_slice %arg7[%dma_start3A] : memref<14336xi32, #tpu.memory_space<vmem>> -> memref<6144xi32, #tpu.memory_space<vmem>>
        %dma_start3A_190 = tpu.memref_slice %arg3[%mul3A_186] : memref<327680xi32, #tpu.memory_space<hbm>> -> memref<6144xi32, #tpu.memory_space<hbm>>
        %dma_start3A_191 = arith.constant 0 : i32
        %dma_start3A_192 = tpu.memref_slice %arg7[%dma_start3A_191] : memref<14336xi32, #tpu.memory_space<vmem>> -> memref<6144xi32, #tpu.memory_space<vmem>>
        %dma_start3A_193 = tpu.memref_slice %arg3[%mul3A_186] : memref<327680xi32, #tpu.memory_space<hbm>> -> memref<6144xi32, #tpu.memory_space<hbm>>
        tpu.enqueue_dma source(%dma_start3A_193 : memref<6144xi32, #tpu.memory_space<hbm>>) target(%dma_start3A_192 : memref<6144xi32, #tpu.memory_space<vmem>>) target_semaphore(%run_scoped3A : memref<!tpu.dma_semaphore, #tpu.memory_space<semaphore_mem>>)
        %dma_wait3A_194 = arith.constant 0 : i32
        %dma_wait3A_195 = tpu.memref_slice %arg7[%dma_wait3A_194] : memref<14336xi32, #tpu.memory_space<vmem>> -> memref<6144xi32, #tpu.memory_space<vmem>>
        %dma_wait3A_196 = tpu.memref_slice %arg3[%mul3A_186] : memref<327680xi32, #tpu.memory_space<hbm>> -> memref<6144xi32, #tpu.memory_space<hbm>>
        %dma_wait3A_197 = arith.constant 0 : i32
        %dma_wait3A_198 = tpu.memref_slice %arg7[%dma_wait3A_197] : memref<14336xi32, #tpu.memory_space<vmem>> -> memref<6144xi32, #tpu.memory_space<vmem>>
        %dma_wait3A_199 = tpu.memref_slice %arg3[%mul3A_186] : memref<327680xi32, #tpu.memory_space<hbm>> -> memref<6144xi32, #tpu.memory_space<hbm>>
        tpu.wait_dma2 semaphore(%run_scoped3A : memref<!tpu.dma_semaphore, #tpu.memory_space<semaphore_mem>>) src(%dma_wait3A_199 : memref<6144xi32, #tpu.memory_space<hbm>>) dst(%dma_wait3A_198 : memref<6144xi32, #tpu.memory_space<vmem>>)
        tpu.yield
      }) : () -> ()
      %mul3A_187 = arith.constant 20480 : i32
      %mul3A_188 = arith.muli %arg1, %mul3A_187 : i32
      "tpu.region"() ({
        %run_scoped3A = tpu.sem_alloc : memref<!tpu.dma_semaphore, #tpu.memory_space<semaphore_mem>>
        %dma_start3A = arith.constant 0 : i32
        %dma_start3A_189 = tpu.memref_slice %arg8[%dma_start3A] : memref<14336xi32, #tpu.memory_space<vmem>> -> memref<6144xi32, #tpu.memory_space<vmem>>
        %dma_start3A_190 = tpu.memref_slice %arg4[%mul3A_188] : memref<327680xi32, #tpu.memory_space<hbm>> -> memref<6144xi32, #tpu.memory_space<hbm>>
        %dma_start3A_191 = arith.constant 0 : i32
        %dma_start3A_192 = tpu.memref_slice %arg8[%dma_start3A_191] : memref<14336xi32, #tpu.memory_space<vmem>> -> memref<6144xi32, #tpu.memory_space<vmem>>
        %dma_start3A_193 = tpu.memref_slice %arg4[%mul3A_188] : memref<327680xi32, #tpu.memory_space<hbm>> -> memref<6144xi32, #tpu.memory_space<hbm>>
        tpu.enqueue_dma source(%dma_start3A_193 : memref<6144xi32, #tpu.memory_space<hbm>>) target(%dma_start3A_192 : memref<6144xi32, #tpu.memory_space<vmem>>) target_semaphore(%run_scoped3A : memref<!tpu.dma_semaphore, #tpu.memory_space<semaphore_mem>>)
        %dma_wait3A_194 = arith.constant 0 : i32
        %dma_wait3A_195 = tpu.memref_slice %arg8[%dma_wait3A_194] : memref<14336xi32, #tpu.memory_space<vmem>> -> memref<6144xi32, #tpu.memory_space<vmem>>
        %dma_wait3A_196 = tpu.memref_slice %arg4[%mul3A_188] : memref<327680xi32, #tpu.memory_space<hbm>> -> memref<6144xi32, #tpu.memory_space<hbm>>
        %dma_wait3A_197 = arith.constant 0 : i32
        %dma_wait3A_198 = tpu.memref_slice %arg8[%dma_wait3A_197] : memref<14336xi32, #tpu.memory_space<vmem>> -> memref<6144xi32, #tpu.memory_space<vmem>>
        %dma_wait3A_199 = tpu.memref_slice %arg4[%mul3A_188] : memref<327680xi32, #tpu.memory_space<hbm>> -> memref<6144xi32, #tpu.memory_space<hbm>>
        tpu.wait_dma2 semaphore(%run_scoped3A : memref<!tpu.dma_semaphore, #tpu.memory_space<semaphore_mem>>) src(%dma_wait3A_199 : memref<6144xi32, #tpu.memory_space<hbm>>) dst(%dma_wait3A_198 : memref<6144xi32, #tpu.memory_space<vmem>>)
        tpu.yield
      }) : () -> ()
    } else {
    }
    %eq3A_48 = arith.constant 1 : i32
    %eq3A_49 = arith.cmpi eq, %arg0, %eq3A_48 : i32
    %convert_element_type3A_50 = arith.extui %eq3A_49 : i1 to i32
    %cond3A_51 = arith.constant 0 : i32
    %cond3A_52 = arith.cmpi ne, %convert_element_type3A_50, %cond3A_51 : i32
    scf.if %cond3A_52 {
      %mul3A_185 = arith.constant 20480 : i32
      %mul3A_186 = arith.muli %arg1, %mul3A_185 : i32
      %add3A_187 = arith.constant 6144 : i32
      %add3A_188 = arith.addi %mul3A_186, %add3A_187 : i32
      "tpu.region"() ({
        %run_scoped3A = tpu.sem_alloc : memref<!tpu.dma_semaphore, #tpu.memory_space<semaphore_mem>>
        %dma_start3A = arith.constant 0 : i32
        %dma_start3A_193 = tpu.memref_slice %arg7[%dma_start3A] : memref<14336xi32, #tpu.memory_space<vmem>> -> memref<14336xi32, #tpu.memory_space<vmem>>
        %dma_start3A_194 = tpu.memref_slice %arg3[%add3A_188] : memref<327680xi32, #tpu.memory_space<hbm>> -> memref<14336xi32, #tpu.memory_space<hbm>>
        %dma_start3A_195 = arith.constant 0 : i32
        %dma_start3A_196 = tpu.memref_slice %arg7[%dma_start3A_195] : memref<14336xi32, #tpu.memory_space<vmem>> -> memref<14336xi32, #tpu.memory_space<vmem>>
        %dma_start3A_197 = tpu.memref_slice %arg3[%add3A_188] : memref<327680xi32, #tpu.memory_space<hbm>> -> memref<14336xi32, #tpu.memory_space<hbm>>
        tpu.enqueue_dma source(%dma_start3A_197 : memref<14336xi32, #tpu.memory_space<hbm>>) target(%dma_start3A_196 : memref<14336xi32, #tpu.memory_space<vmem>>) target_semaphore(%run_scoped3A : memref<!tpu.dma_semaphore, #tpu.memory_space<semaphore_mem>>)
        %dma_wait3A_198 = arith.constant 0 : i32
        %dma_wait3A_199 = tpu.memref_slice %arg7[%dma_wait3A_198] : memref<14336xi32, #tpu.memory_space<vmem>> -> memref<14336xi32, #tpu.memory_space<vmem>>
        %dma_wait3A_200 = tpu.memref_slice %arg3[%add3A_188] : memref<327680xi32, #tpu.memory_space<hbm>> -> memref<14336xi32, #tpu.memory_space<hbm>>
        %dma_wait3A_201 = arith.constant 0 : i32
        %dma_wait3A_202 = tpu.memref_slice %arg7[%dma_wait3A_201] : memref<14336xi32, #tpu.memory_space<vmem>> -> memref<14336xi32, #tpu.memory_space<vmem>>
        %dma_wait3A_203 = tpu.memref_slice %arg3[%add3A_188] : memref<327680xi32, #tpu.memory_space<hbm>> -> memref<14336xi32, #tpu.memory_space<hbm>>
        tpu.wait_dma2 semaphore(%run_scoped3A : memref<!tpu.dma_semaphore, #tpu.memory_space<semaphore_mem>>) src(%dma_wait3A_203 : memref<14336xi32, #tpu.memory_space<hbm>>) dst(%dma_wait3A_202 : memref<14336xi32, #tpu.memory_space<vmem>>)
        tpu.yield
      }) : () -> ()
      %mul3A_189 = arith.constant 20480 : i32
      %mul3A_190 = arith.muli %arg1, %mul3A_189 : i32
      %add3A_191 = arith.constant 6144 : i32
      %add3A_192 = arith.addi %mul3A_190, %add3A_191 : i32
      "tpu.region"() ({
        %run_scoped3A = tpu.sem_alloc : memref<!tpu.dma_semaphore, #tpu.memory_space<semaphore_mem>>
        %dma_start3A = arith.constant 0 : i32
        %dma_start3A_193 = tpu.memref_slice %arg8[%dma_start3A] : memref<14336xi32, #tpu.memory_space<vmem>> -> memref<14336xi32, #tpu.memory_space<vmem>>
        %dma_start3A_194 = tpu.memref_slice %arg4[%add3A_192] : memref<327680xi32, #tpu.memory_space<hbm>> -> memref<14336xi32, #tpu.memory_space<hbm>>
        %dma_start3A_195 = arith.constant 0 : i32
        %dma_start3A_196 = tpu.memref_slice %arg8[%dma_start3A_195] : memref<14336xi32, #tpu.memory_space<vmem>> -> memref<14336xi32, #tpu.memory_space<vmem>>
        %dma_start3A_197 = tpu.memref_slice %arg4[%add3A_192] : memref<327680xi32, #tpu.memory_space<hbm>> -> memref<14336xi32, #tpu.memory_space<hbm>>
        tpu.enqueue_dma source(%dma_start3A_197 : memref<14336xi32, #tpu.memory_space<hbm>>) target(%dma_start3A_196 : memref<14336xi32, #tpu.memory_space<vmem>>) target_semaphore(%run_scoped3A : memref<!tpu.dma_semaphore, #tpu.memory_space<semaphore_mem>>)
        %dma_wait3A_198 = arith.constant 0 : i32
        %dma_wait3A_199 = tpu.memref_slice %arg8[%dma_wait3A_198] : memref<14336xi32, #tpu.memory_space<vmem>> -> memref<14336xi32, #tpu.memory_space<vmem>>
        %dma_wait3A_200 = tpu.memref_slice %arg4[%add3A_192] : memref<327680xi32, #tpu.memory_space<hbm>> -> memref<14336xi32, #tpu.memory_space<hbm>>
        %dma_wait3A_201 = arith.constant 0 : i32
        %dma_wait3A_202 = tpu.memref_slice %arg8[%dma_wait3A_201] : memref<14336xi32, #tpu.memory_space<vmem>> -> memref<14336xi32, #tpu.memory_space<vmem>>
        %dma_wait3A_203 = tpu.memref_slice %arg4[%add3A_192] : memref<327680xi32, #tpu.memory_space<hbm>> -> memref<14336xi32, #tpu.memory_space<hbm>>
        tpu.wait_dma2 semaphore(%run_scoped3A : memref<!tpu.dma_semaphore, #tpu.memory_space<semaphore_mem>>) src(%dma_wait3A_203 : memref<14336xi32, #tpu.memory_space<hbm>>) dst(%dma_wait3A_202 : memref<14336xi32, #tpu.memory_space<vmem>>)
        tpu.yield
      }) : () -> ()
    } else {
    }
    %barrier3A = arith.constant 0 : index
    tpu.barrier barrier_id(%barrier3A)
    %sub3A = arith.constant 0 : i32
    %sub3A_53 = arith.subi %select_n3A, %sub3A : i32
    %sub3A_54 = arith.constant 2 : i32
    %sub3A_55 = arith.constant 1 : i32
    %sub3A_56 = arith.subi %sub3A_54, %sub3A_55 : i32
    %add3A_57 = arith.addi %sub3A_53, %sub3A_56 : i32
    %div3A = arith.constant 2 : i32
    %div3A_58 = arith.divsi %add3A_57, %div3A : i32
    %while3A = arith.constant 2 : i32
    %while3A_59 = arith.constant 0 : i32
    %while3A_60 = arith.constant 0 : i32
    %while3A_61 = arith.subi %div3A_58, %while3A_60 : i32
    %while3A_62 = arith.addi %while3A_60, %while3A_61 : i32
    %while3A_63 = arith.constant 1 : i32
    %while3A_64 = arith.divsi %while3A_61, %while3A_63 : i32
    %while3A_65 = arith.muli %while3A_64, %while3A_63 : i32
    %while3A_66 = arith.addi %while3A_60, %while3A_65 : i32
    %while3A_67 = arith.constant 1 : i32
    scf.for %while3A_185 = %while3A_60 to %while3A_66 step %while3A_67  : i32 {
      %mul3A_186 = arith.muli %while3A_185, %while3A : i32
      %add3A_187 = arith.addi %while3A_59, %mul3A_186 : i32
      %add3A_188 = arith.constant 0 : i32
      %add3A_189 = arith.addi %add3A_187, %add3A_188 : i32
      %ge3A = arith.constant 2 : i32
      %ge3A_190 = arith.cmpi sge, %add3A_189, %ge3A : i32
      %convert_element_type3A_191 = arith.extui %ge3A_190 : i1 to i32
      %cond3A_192 = arith.constant 0 : i32
      %cond3A_193 = arith.cmpi ne, %convert_element_type3A_191, %cond3A_192 : i32
      scf.if %cond3A_193 {
        %sub3A_324 = arith.constant 2 : i32
        %sub3A_325 = arith.subi %add3A_189, %sub3A_324 : i32
        %mul3A_326 = arith.constant 64 : i32
        %mul3A_327 = arith.muli %sub3A_325, %mul3A_326 : i32
        %add3A_328 = arith.constant 0 : i32
        %add3A_329 = arith.addi %mul3A_327, %add3A_328 : i32
        %get3A_330 = arith.index_cast %add3A_329 : i32 to index
        %get3A_331 = tpu.vector_load %arg8[%get3A_330] {strides = array<i32>} : memref<14336xi32, #tpu.memory_space<vmem>>, vector<16xi32>,
        %get3A_332 = vector.shape_cast %get3A_331 : vector<16xi32> to vector<16xi32>
        %dma_wait3A_333 = arith.constant 0 : i32
        %dma_wait3A_334 = arith.constant 0 : i32
        %dma_wait3A_335 = tpu.memref_slice %arg9[%dma_wait3A_333, %dma_wait3A_334] : memref<64x128xf32, #tpu.memory_space<vmem>> -> memref<16x128xf32, #tpu.memory_space<vmem>>
        %dma_wait3A_336 = arith.constant 0 : i32
        %dma_wait3A_337 = arith.constant 0 : i32
        %dma_wait3A_338 = tpu.memref_slice %arg6[%dma_wait3A_336, %dma_wait3A_337] : memref<10240x128xf32, #tpu.memory_space<vmem_shared>> -> memref<10240x128xf32, #tpu.memory_space<vmem_shared>>
        tpu.wait_indirect_dma semaphore(%arg13 : memref<!tpu.dma_semaphore, #tpu.memory_space<semaphore_mem>>) src(%dma_wait3A_335 : memref<16x128xf32, #tpu.memory_space<vmem>>) dst(%dma_wait3A_338 : memref<10240x128xf32, #tpu.memory_space<vmem_shared>>)
        %sub3A_339 = arith.constant 2 : i32
        %sub3A_340 = arith.subi %add3A_189, %sub3A_339 : i32
        %mul3A_341 = arith.constant 64 : i32
        %mul3A_342 = arith.muli %sub3A_340, %mul3A_341 : i32
        %add3A_343 = arith.constant 16 : i32
        %add3A_344 = arith.addi %mul3A_342, %add3A_343 : i32
        %get3A_345 = arith.index_cast %add3A_344 : i32 to index
        %get3A_346 = tpu.vector_load %arg8[%get3A_345] {strides = array<i32>} : memref<14336xi32, #tpu.memory_space<vmem>>, vector<16xi32>,
        %get3A_347 = vector.shape_cast %get3A_346 : vector<16xi32> to vector<16xi32>
        %dma_wait3A_348 = arith.constant 16 : i32
        %dma_wait3A_349 = arith.constant 0 : i32
        %dma_wait3A_350 = tpu.memref_slice %arg9[%dma_wait3A_348, %dma_wait3A_349] : memref<64x128xf32, #tpu.memory_space<vmem>> -> memref<16x128xf32, #tpu.memory_space<vmem>>
        %dma_wait3A_351 = arith.constant 0 : i32
        %dma_wait3A_352 = arith.constant 0 : i32
        %dma_wait3A_353 = tpu.memref_slice %arg6[%dma_wait3A_351, %dma_wait3A_352] : memref<10240x128xf32, #tpu.memory_space<vmem_shared>> -> memref<10240x128xf32, #tpu.memory_space<vmem_shared>>
        tpu.wait_indirect_dma semaphore(%arg13 : memref<!tpu.dma_semaphore, #tpu.memory_space<semaphore_mem>>) src(%dma_wait3A_350 : memref<16x128xf32, #tpu.memory_space<vmem>>) dst(%dma_wait3A_353 : memref<10240x128xf32, #tpu.memory_space<vmem_shared>>)
        %sub3A_354 = arith.constant 2 : i32
        %sub3A_355 = arith.subi %add3A_189, %sub3A_354 : i32
        %mul3A_356 = arith.constant 64 : i32
        %mul3A_357 = arith.muli %sub3A_355, %mul3A_356 : i32
        %add3A_358 = arith.constant 32 : i32
        %add3A_359 = arith.addi %mul3A_357, %add3A_358 : i32
        %get3A_360 = arith.index_cast %add3A_359 : i32 to index
        %get3A_361 = tpu.vector_load %arg8[%get3A_360] {strides = array<i32>} : memref<14336xi32, #tpu.memory_space<vmem>>, vector<16xi32>,
        %get3A_362 = vector.shape_cast %get3A_361 : vector<16xi32> to vector<16xi32>
        %dma_wait3A_363 = arith.constant 32 : i32
        %dma_wait3A_364 = arith.constant 0 : i32
        %dma_wait3A_365 = tpu.memref_slice %arg9[%dma_wait3A_363, %dma_wait3A_364] : memref<64x128xf32, #tpu.memory_space<vmem>> -> memref<16x128xf32, #tpu.memory_space<vmem>>
        %dma_wait3A_366 = arith.constant 0 : i32
        %dma_wait3A_367 = arith.constant 0 : i32
        %dma_wait3A_368 = tpu.memref_slice %arg6[%dma_wait3A_366, %dma_wait3A_367] : memref<10240x128xf32, #tpu.memory_space<vmem_shared>> -> memref<10240x128xf32, #tpu.memory_space<vmem_shared>>
        tpu.wait_indirect_dma semaphore(%arg13 : memref<!tpu.dma_semaphore, #tpu.memory_space<semaphore_mem>>) src(%dma_wait3A_365 : memref<16x128xf32, #tpu.memory_space<vmem>>) dst(%dma_wait3A_368 : memref<10240x128xf32, #tpu.memory_space<vmem_shared>>)
        %sub3A_369 = arith.constant 2 : i32
        %sub3A_370 = arith.subi %add3A_189, %sub3A_369 : i32
        %mul3A_371 = arith.constant 64 : i32
        %mul3A_372 = arith.muli %sub3A_370, %mul3A_371 : i32
        %add3A_373 = arith.constant 48 : i32
        %add3A_374 = arith.addi %mul3A_372, %add3A_373 : i32
        %get3A_375 = arith.index_cast %add3A_374 : i32 to index
        %get3A_376 = tpu.vector_load %arg8[%get3A_375] {strides = array<i32>} : memref<14336xi32, #tpu.memory_space<vmem>>, vector<16xi32>,
        %get3A_377 = vector.shape_cast %get3A_376 : vector<16xi32> to vector<16xi32>
        %dma_wait3A_378 = arith.constant 48 : i32
        %dma_wait3A_379 = arith.constant 0 : i32
        %dma_wait3A_380 = tpu.memref_slice %arg9[%dma_wait3A_378, %dma_wait3A_379] : memref<64x128xf32, #tpu.memory_space<vmem>> -> memref<16x128xf32, #tpu.memory_space<vmem>>
        %dma_wait3A_381 = arith.constant 0 : i32
        %dma_wait3A_382 = arith.constant 0 : i32
        %dma_wait3A_383 = tpu.memref_slice %arg6[%dma_wait3A_381, %dma_wait3A_382] : memref<10240x128xf32, #tpu.memory_space<vmem_shared>> -> memref<10240x128xf32, #tpu.memory_space<vmem_shared>>
        tpu.wait_indirect_dma semaphore(%arg13 : memref<!tpu.dma_semaphore, #tpu.memory_space<semaphore_mem>>) src(%dma_wait3A_380 : memref<16x128xf32, #tpu.memory_space<vmem>>) dst(%dma_wait3A_383 : memref<10240x128xf32, #tpu.memory_space<vmem_shared>>)
      } else {
      }
      %mul3A_194 = arith.constant 64 : i32
      %mul3A_195 = arith.muli %add3A_189, %mul3A_194 : i32
      %dma_start3A = tpu.memref_slice %arg7[%mul3A_195] : memref<14336xi32, #tpu.memory_space<vmem>> -> memref<64xi32, #tpu.memory_space<vmem>>
      %dma_start3A_196 = arith.constant 0 : i32
      %dma_start3A_197 = arith.constant 0 : i32
      %dma_start3A_198 = tpu.memref_slice %arg2[%dma_start3A_196, %dma_start3A_197] : memref<10000x128xf32, #tpu.memory_space<hbm>> -> memref<10000x128xf32, #tpu.memory_space<hbm>>
      tpu.enqueue_indirect_dma source(%dma_start3A_198 : memref<10000x128xf32, #tpu.memory_space<hbm>>) target(%arg9 : memref<64x128xf32, #tpu.memory_space<vmem>>) offsets(%dma_start3A : memref<64xi32, #tpu.memory_space<vmem>>) semaphore(%arg11 : memref<!tpu.dma_semaphore, #tpu.memory_space<semaphore_mem>>)
      %dma_wait3A_199 = tpu.memref_slice %arg7[%mul3A_195] : memref<14336xi32, #tpu.memory_space<vmem>> -> memref<64xi32, #tpu.memory_space<vmem>>
      %dma_wait3A_200 = arith.constant 0 : i32
      %dma_wait3A_201 = arith.constant 0 : i32
      %dma_wait3A_202 = tpu.memref_slice %arg2[%dma_wait3A_200, %dma_wait3A_201] : memref<10000x128xf32, #tpu.memory_space<hbm>> -> memref<10000x128xf32, #tpu.memory_space<hbm>>
      tpu.wait_indirect_dma semaphore(%arg11 : memref<!tpu.dma_semaphore, #tpu.memory_space<semaphore_mem>>) src(%dma_wait3A_202 : memref<10000x128xf32, #tpu.memory_space<hbm>>) dst(%arg9 : memref<64x128xf32, #tpu.memory_space<vmem>>)
      %mul3A_203 = arith.constant 64 : i32
      %mul3A_204 = arith.muli %add3A_189, %mul3A_203 : i32
      %add3A_205 = arith.constant 0 : i32
      %add3A_206 = arith.addi %mul3A_204, %add3A_205 : i32
      %get3A_207 = arith.index_cast %add3A_206 : i32 to index
      %get3A_208 = tpu.vector_load %arg8[%get3A_207] {strides = array<i32>} : memref<14336xi32, #tpu.memory_space<vmem>>, vector<16xi32>,
      %get3A_209 = vector.shape_cast %get3A_208 : vector<16xi32> to vector<16xi32>
      %dma_start3A_210 = arith.constant 0 : i32
      %dma_start3A_211 = arith.constant 0 : i32
      %dma_start3A_212 = tpu.memref_slice %arg9[%dma_start3A_210, %dma_start3A_211] : memref<64x128xf32, #tpu.memory_space<vmem>> -> memref<16x128xf32, #tpu.memory_space<vmem>>
      %dma_start3A_213 = arith.constant 0 : i32
      %dma_start3A_214 = arith.constant 0 : i32
      %dma_start3A_215 = tpu.memref_slice %arg6[%dma_start3A_213, %dma_start3A_214] : memref<10240x128xf32, #tpu.memory_space<vmem_shared>> -> memref<10240x128xf32, #tpu.memory_space<vmem_shared>>
      tpu.enqueue_indirect_dma source(%dma_start3A_212 : memref<16x128xf32, #tpu.memory_space<vmem>>) target(%dma_start3A_215 : memref<10240x128xf32, #tpu.memory_space<vmem_shared>>) offsets(%get3A_209 : vector<16xi32>) semaphore(%arg13 : memref<!tpu.dma_semaphore, #tpu.memory_space<semaphore_mem>>) {add = true}
      %mul3A_216 = arith.constant 64 : i32
      %mul3A_217 = arith.muli %add3A_189, %mul3A_216 : i32
      %add3A_218 = arith.constant 16 : i32
      %add3A_219 = arith.addi %mul3A_217, %add3A_218 : i32
      %get3A_220 = arith.index_cast %add3A_219 : i32 to index
      %get3A_221 = tpu.vector_load %arg8[%get3A_220] {strides = array<i32>} : memref<14336xi32, #tpu.memory_space<vmem>>, vector<16xi32>,
      %get3A_222 = vector.shape_cast %get3A_221 : vector<16xi32> to vector<16xi32>
      %dma_start3A_223 = arith.constant 16 : i32
      %dma_start3A_224 = arith.constant 0 : i32
      %dma_start3A_225 = tpu.memref_slice %arg9[%dma_start3A_223, %dma_start3A_224] : memref<64x128xf32, #tpu.memory_space<vmem>> -> memref<16x128xf32, #tpu.memory_space<vmem>>
      %dma_start3A_226 = arith.constant 0 : i32
      %dma_start3A_227 = arith.constant 0 : i32
      %dma_start3A_228 = tpu.memref_slice %arg6[%dma_start3A_226, %dma_start3A_227] : memref<10240x128xf32, #tpu.memory_space<vmem_shared>> -> memref<10240x128xf32, #tpu.memory_space<vmem_shared>>
      tpu.enqueue_indirect_dma source(%dma_start3A_225 : memref<16x128xf32, #tpu.memory_space<vmem>>) target(%dma_start3A_228 : memref<10240x128xf32, #tpu.memory_space<vmem_shared>>) offsets(%get3A_222 : vector<16xi32>) semaphore(%arg13 : memref<!tpu.dma_semaphore, #tpu.memory_space<semaphore_mem>>) {add = true}
      %mul3A_229 = arith.constant 64 : i32
      %mul3A_230 = arith.muli %add3A_189, %mul3A_229 : i32
      %add3A_231 = arith.constant 32 : i32
      %add3A_232 = arith.addi %mul3A_230, %add3A_231 : i32
      %get3A_233 = arith.index_cast %add3A_232 : i32 to index
      %get3A_234 = tpu.vector_load %arg8[%get3A_233] {strides = array<i32>} : memref<14336xi32, #tpu.memory_space<vmem>>, vector<16xi32>,
      %get3A_235 = vector.shape_cast %get3A_234 : vector<16xi32> to vector<16xi32>
      %dma_start3A_236 = arith.constant 32 : i32
      %dma_start3A_237 = arith.constant 0 : i32
      %dma_start3A_238 = tpu.memref_slice %arg9[%dma_start3A_236, %dma_start3A_237] : memref<64x128xf32, #tpu.memory_space<vmem>> -> memref<16x128xf32, #tpu.memory_space<vmem>>
      %dma_start3A_239 = arith.constant 0 : i32
      %dma_start3A_240 = arith.constant 0 : i32
      %dma_start3A_241 = tpu.memref_slice %arg6[%dma_start3A_239, %dma_start3A_240] : memref<10240x128xf32, #tpu.memory_space<vmem_shared>> -> memref<10240x128xf32, #tpu.memory_space<vmem_shared>>
      tpu.enqueue_indirect_dma source(%dma_start3A_238 : memref<16x128xf32, #tpu.memory_space<vmem>>) target(%dma_start3A_241 : memref<10240x128xf32, #tpu.memory_space<vmem_shared>>) offsets(%get3A_235 : vector<16xi32>) semaphore(%arg13 : memref<!tpu.dma_semaphore, #tpu.memory_space<semaphore_mem>>) {add = true}
      %mul3A_242 = arith.constant 64 : i32
      %mul3A_243 = arith.muli %add3A_189, %mul3A_242 : i32
      %add3A_244 = arith.constant 48 : i32
      %add3A_245 = arith.addi %mul3A_243, %add3A_244 : i32
      %get3A_246 = arith.index_cast %add3A_245 : i32 to index
      %get3A_247 = tpu.vector_load %arg8[%get3A_246] {strides = array<i32>} : memref<14336xi32, #tpu.memory_space<vmem>>, vector<16xi32>,
      %get3A_248 = vector.shape_cast %get3A_247 : vector<16xi32> to vector<16xi32>
      %dma_start3A_249 = arith.constant 48 : i32
      %dma_start3A_250 = arith.constant 0 : i32
      %dma_start3A_251 = tpu.memref_slice %arg9[%dma_start3A_249, %dma_start3A_250] : memref<64x128xf32, #tpu.memory_space<vmem>> -> memref<16x128xf32, #tpu.memory_space<vmem>>
      %dma_start3A_252 = arith.constant 0 : i32
      %dma_start3A_253 = arith.constant 0 : i32
      %dma_start3A_254 = tpu.memref_slice %arg6[%dma_start3A_252, %dma_start3A_253] : memref<10240x128xf32, #tpu.memory_space<vmem_shared>> -> memref<10240x128xf32, #tpu.memory_space<vmem_shared>>
      tpu.enqueue_indirect_dma source(%dma_start3A_251 : memref<16x128xf32, #tpu.memory_space<vmem>>) target(%dma_start3A_254 : memref<10240x128xf32, #tpu.memory_space<vmem_shared>>) offsets(%get3A_248 : vector<16xi32>) semaphore(%arg13 : memref<!tpu.dma_semaphore, #tpu.memory_space<semaphore_mem>>) {add = true}
      %add3A_255 = arith.constant 1 : i32
      %add3A_256 = arith.addi %add3A_187, %add3A_255 : i32
      %ge3A_257 = arith.constant 2 : i32
      %ge3A_258 = arith.cmpi sge, %add3A_256, %ge3A_257 : i32
      %convert_element_type3A_259 = arith.extui %ge3A_258 : i1 to i32
      %cond3A_260 = arith.constant 0 : i32
      %cond3A_261 = arith.cmpi ne, %convert_element_type3A_259, %cond3A_260 : i32
      scf.if %cond3A_261 {
        %sub3A_324 = arith.constant 2 : i32
        %sub3A_325 = arith.subi %add3A_256, %sub3A_324 : i32
        %mul3A_326 = arith.constant 64 : i32
        %mul3A_327 = arith.muli %sub3A_325, %mul3A_326 : i32
        %add3A_328 = arith.constant 0 : i32
        %add3A_329 = arith.addi %mul3A_327, %add3A_328 : i32
        %get3A_330 = arith.index_cast %add3A_329 : i32 to index
        %get3A_331 = tpu.vector_load %arg8[%get3A_330] {strides = array<i32>} : memref<14336xi32, #tpu.memory_space<vmem>>, vector<16xi32>,
        %get3A_332 = vector.shape_cast %get3A_331 : vector<16xi32> to vector<16xi32>
        %dma_wait3A_333 = arith.constant 0 : i32
        %dma_wait3A_334 = arith.constant 0 : i32
        %dma_wait3A_335 = tpu.memref_slice %arg10[%dma_wait3A_333, %dma_wait3A_334] : memref<64x128xf32, #tpu.memory_space<vmem>> -> memref<16x128xf32, #tpu.memory_space<vmem>>
        %dma_wait3A_336 = arith.constant 0 : i32
        %dma_wait3A_337 = arith.constant 0 : i32
        %dma_wait3A_338 = tpu.memref_slice %arg6[%dma_wait3A_336, %dma_wait3A_337] : memref<10240x128xf32, #tpu.memory_space<vmem_shared>> -> memref<10240x128xf32, #tpu.memory_space<vmem_shared>>
        tpu.wait_indirect_dma semaphore(%arg14 : memref<!tpu.dma_semaphore, #tpu.memory_space<semaphore_mem>>) src(%dma_wait3A_335 : memref<16x128xf32, #tpu.memory_space<vmem>>) dst(%dma_wait3A_338 : memref<10240x128xf32, #tpu.memory_space<vmem_shared>>)
        %sub3A_339 = arith.constant 2 : i32
        %sub3A_340 = arith.subi %add3A_256, %sub3A_339 : i32
        %mul3A_341 = arith.constant 64 : i32
        %mul3A_342 = arith.muli %sub3A_340, %mul3A_341 : i32
        %add3A_343 = arith.constant 16 : i32
        %add3A_344 = arith.addi %mul3A_342, %add3A_343 : i32
        %get3A_345 = arith.index_cast %add3A_344 : i32 to index
        %get3A_346 = tpu.vector_load %arg8[%get3A_345] {strides = array<i32>} : memref<14336xi32, #tpu.memory_space<vmem>>, vector<16xi32>,
        %get3A_347 = vector.shape_cast %get3A_346 : vector<16xi32> to vector<16xi32>
        %dma_wait3A_348 = arith.constant 16 : i32
        %dma_wait3A_349 = arith.constant 0 : i32
        %dma_wait3A_350 = tpu.memref_slice %arg10[%dma_wait3A_348, %dma_wait3A_349] : memref<64x128xf32, #tpu.memory_space<vmem>> -> memref<16x128xf32, #tpu.memory_space<vmem>>
        %dma_wait3A_351 = arith.constant 0 : i32
        %dma_wait3A_352 = arith.constant 0 : i32
        %dma_wait3A_353 = tpu.memref_slice %arg6[%dma_wait3A_351, %dma_wait3A_352] : memref<10240x128xf32, #tpu.memory_space<vmem_shared>> -> memref<10240x128xf32, #tpu.memory_space<vmem_shared>>
        tpu.wait_indirect_dma semaphore(%arg14 : memref<!tpu.dma_semaphore, #tpu.memory_space<semaphore_mem>>) src(%dma_wait3A_350 : memref<16x128xf32, #tpu.memory_space<vmem>>) dst(%dma_wait3A_353 : memref<10240x128xf32, #tpu.memory_space<vmem_shared>>)
        %sub3A_354 = arith.constant 2 : i32
        %sub3A_355 = arith.subi %add3A_256, %sub3A_354 : i32
        %mul3A_356 = arith.constant 64 : i32
        %mul3A_357 = arith.muli %sub3A_355, %mul3A_356 : i32
        %add3A_358 = arith.constant 32 : i32
        %add3A_359 = arith.addi %mul3A_357, %add3A_358 : i32
        %get3A_360 = arith.index_cast %add3A_359 : i32 to index
        %get3A_361 = tpu.vector_load %arg8[%get3A_360] {strides = array<i32>} : memref<14336xi32, #tpu.memory_space<vmem>>, vector<16xi32>,
        %get3A_362 = vector.shape_cast %get3A_361 : vector<16xi32> to vector<16xi32>
        %dma_wait3A_363 = arith.constant 32 : i32
        %dma_wait3A_364 = arith.constant 0 : i32
        %dma_wait3A_365 = tpu.memref_slice %arg10[%dma_wait3A_363, %dma_wait3A_364] : memref<64x128xf32, #tpu.memory_space<vmem>> -> memref<16x128xf32, #tpu.memory_space<vmem>>
        %dma_wait3A_366 = arith.constant 0 : i32
        %dma_wait3A_367 = arith.constant 0 : i32
        %dma_wait3A_368 = tpu.memref_slice %arg6[%dma_wait3A_366, %dma_wait3A_367] : memref<10240x128xf32, #tpu.memory_space<vmem_shared>> -> memref<10240x128xf32, #tpu.memory_space<vmem_shared>>
        tpu.wait_indirect_dma semaphore(%arg14 : memref<!tpu.dma_semaphore, #tpu.memory_space<semaphore_mem>>) src(%dma_wait3A_365 : memref<16x128xf32, #tpu.memory_space<vmem>>) dst(%dma_wait3A_368 : memref<10240x128xf32, #tpu.memory_space<vmem_shared>>)
        %sub3A_369 = arith.constant 2 : i32
        %sub3A_370 = arith.subi %add3A_256, %sub3A_369 : i32
        %mul3A_371 = arith.constant 64 : i32
        %mul3A_372 = arith.muli %sub3A_370, %mul3A_371 : i32
        %add3A_373 = arith.constant 48 : i32
        %add3A_374 = arith.addi %mul3A_372, %add3A_373 : i32
        %get3A_375 = arith.index_cast %add3A_374 : i32 to index
        %get3A_376 = tpu.vector_load %arg8[%get3A_375] {strides = array<i32>} : memref<14336xi32, #tpu.memory_space<vmem>>, vector<16xi32>,
        %get3A_377 = vector.shape_cast %get3A_376 : vector<16xi32> to vector<16xi32>
        %dma_wait3A_378 = arith.constant 48 : i32
        %dma_wait3A_379 = arith.constant 0 : i32
        %dma_wait3A_380 = tpu.memref_slice %arg10[%dma_wait3A_378, %dma_wait3A_379] : memref<64x128xf32, #tpu.memory_space<vmem>> -> memref<16x128xf32, #tpu.memory_space<vmem>>
        %dma_wait3A_381 = arith.constant 0 : i32
        %dma_wait3A_382 = arith.constant 0 : i32
        %dma_wait3A_383 = tpu.memref_slice %arg6[%dma_wait3A_381, %dma_wait3A_382] : memref<10240x128xf32, #tpu.memory_space<vmem_shared>> -> memref<10240x128xf32, #tpu.memory_space<vmem_shared>>
        tpu.wait_indirect_dma semaphore(%arg14 : memref<!tpu.dma_semaphore, #tpu.memory_space<semaphore_mem>>) src(%dma_wait3A_380 : memref<16x128xf32, #tpu.memory_space<vmem>>) dst(%dma_wait3A_383 : memref<10240x128xf32, #tpu.memory_space<vmem_shared>>)
      } else {
      }
      %mul3A_262 = arith.constant 64 : i32
      %mul3A_263 = arith.muli %add3A_256, %mul3A_262 : i32
      %dma_start3A_264 = tpu.memref_slice %arg7[%mul3A_263] : memref<14336xi32, #tpu.memory_space<vmem>> -> memref<64xi32, #tpu.memory_space<vmem>>
      %dma_start3A_265 = arith.constant 0 : i32
      %dma_start3A_266 = arith.constant 0 : i32
      %dma_start3A_267 = tpu.memref_slice %arg2[%dma_start3A_265, %dma_start3A_266] : memref<10000x128xf32, #tpu.memory_space<hbm>> -> memref<10000x128xf32, #tpu.memory_space<hbm>>
      tpu.enqueue_indirect_dma source(%dma_start3A_267 : memref<10000x128xf32, #tpu.memory_space<hbm>>) target(%arg10 : memref<64x128xf32, #tpu.memory_space<vmem>>) offsets(%dma_start3A_264 : memref<64xi32, #tpu.memory_space<vmem>>) semaphore(%arg12 : memref<!tpu.dma_semaphore, #tpu.memory_space<semaphore_mem>>)
      %dma_wait3A_268 = tpu.memref_slice %arg7[%mul3A_263] : memref<14336xi32, #tpu.memory_space<vmem>> -> memref<64xi32, #tpu.memory_space<vmem>>
      %dma_wait3A_269 = arith.constant 0 : i32
      %dma_wait3A_270 = arith.constant 0 : i32
      %dma_wait3A_271 = tpu.memref_slice %arg2[%dma_wait3A_269, %dma_wait3A_270] : memref<10000x128xf32, #tpu.memory_space<hbm>> -> memref<10000x128xf32, #tpu.memory_space<hbm>>
      tpu.wait_indirect_dma semaphore(%arg12 : memref<!tpu.dma_semaphore, #tpu.memory_space<semaphore_mem>>) src(%dma_wait3A_271 : memref<10000x128xf32, #tpu.memory_space<hbm>>) dst(%arg10 : memref<64x128xf32, #tpu.memory_space<vmem>>)
      %mul3A_272 = arith.constant 64 : i32
      %mul3A_273 = arith.muli %add3A_256, %mul3A_272 : i32
      %add3A_274 = arith.constant 0 : i32
      %add3A_275 = arith.addi %mul3A_273, %add3A_274 : i32
      %get3A_276 = arith.index_cast %add3A_275 : i32 to index
      %get3A_277 = tpu.vector_load %arg8[%get3A_276] {strides = array<i32>} : memref<14336xi32, #tpu.memory_space<vmem>>, vector<16xi32>,
      %get3A_278 = vector.shape_cast %get3A_277 : vector<16xi32> to vector<16xi32>
      %dma_start3A_279 = arith.constant 0 : i32
      %dma_start3A_280 = arith.constant 0 : i32
      %dma_start3A_281 = tpu.memref_slice %arg10[%dma_start3A_279, %dma_start3A_280] : memref<64x128xf32, #tpu.memory_space<vmem>> -> memref<16x128xf32, #tpu.memory_space<vmem>>
      %dma_start3A_282 = arith.constant 0 : i32
      %dma_start3A_283 = arith.constant 0 : i32
      %dma_start3A_284 = tpu.memref_slice %arg6[%dma_start3A_282, %dma_start3A_283] : memref<10240x128xf32, #tpu.memory_space<vmem_shared>> -> memref<10240x128xf32, #tpu.memory_space<vmem_shared>>
      tpu.enqueue_indirect_dma source(%dma_start3A_281 : memref<16x128xf32, #tpu.memory_space<vmem>>) target(%dma_start3A_284 : memref<10240x128xf32, #tpu.memory_space<vmem_shared>>) offsets(%get3A_278 : vector<16xi32>) semaphore(%arg14 : memref<!tpu.dma_semaphore, #tpu.memory_space<semaphore_mem>>) {add = true}
      %mul3A_285 = arith.constant 64 : i32
      %mul3A_286 = arith.muli %add3A_256, %mul3A_285 : i32
      %add3A_287 = arith.constant 16 : i32
      %add3A_288 = arith.addi %mul3A_286, %add3A_287 : i32
      %get3A_289 = arith.index_cast %add3A_288 : i32 to index
      %get3A_290 = tpu.vector_load %arg8[%get3A_289] {strides = array<i32>} : memref<14336xi32, #tpu.memory_space<vmem>>, vector<16xi32>,
      %get3A_291 = vector.shape_cast %get3A_290 : vector<16xi32> to vector<16xi32>
      %dma_start3A_292 = arith.constant 16 : i32
      %dma_start3A_293 = arith.constant 0 : i32
      %dma_start3A_294 = tpu.memref_slice %arg10[%dma_start3A_292, %dma_start3A_293] : memref<64x128xf32, #tpu.memory_space<vmem>> -> memref<16x128xf32, #tpu.memory_space<vmem>>
      %dma_start3A_295 = arith.constant 0 : i32
      %dma_start3A_296 = arith.constant 0 : i32
      %dma_start3A_297 = tpu.memref_slice %arg6[%dma_start3A_295, %dma_start3A_296] : memref<10240x128xf32, #tpu.memory_space<vmem_shared>> -> memref<10240x128xf32, #tpu.memory_space<vmem_shared>>
      tpu.enqueue_indirect_dma source(%dma_start3A_294 : memref<16x128xf32, #tpu.memory_space<vmem>>) target(%dma_start3A_297 : memref<10240x128xf32, #tpu.memory_space<vmem_shared>>) offsets(%get3A_291 : vector<16xi32>) semaphore(%arg14 : memref<!tpu.dma_semaphore, #tpu.memory_space<semaphore_mem>>) {add = true}
      %mul3A_298 = arith.constant 64 : i32
      %mul3A_299 = arith.muli %add3A_256, %mul3A_298 : i32
      %add3A_300 = arith.constant 32 : i32
      %add3A_301 = arith.addi %mul3A_299, %add3A_300 : i32
      %get3A_302 = arith.index_cast %add3A_301 : i32 to index
      %get3A_303 = tpu.vector_load %arg8[%get3A_302] {strides = array<i32>} : memref<14336xi32, #tpu.memory_space<vmem>>, vector<16xi32>,
      %get3A_304 = vector.shape_cast %get3A_303 : vector<16xi32> to vector<16xi32>
      %dma_start3A_305 = arith.constant 32 : i32
      %dma_start3A_306 = arith.constant 0 : i32
      %dma_start3A_307 = tpu.memref_slice %arg10[%dma_start3A_305, %dma_start3A_306] : memref<64x128xf32, #tpu.memory_space<vmem>> -> memref<16x128xf32, #tpu.memory_space<vmem>>
      %dma_start3A_308 = arith.constant 0 : i32
      %dma_start3A_309 = arith.constant 0 : i32
      %dma_start3A_310 = tpu.memref_slice %arg6[%dma_start3A_308, %dma_start3A_309] : memref<10240x128xf32, #tpu.memory_space<vmem_shared>> -> memref<10240x128xf32, #tpu.memory_space<vmem_shared>>
      tpu.enqueue_indirect_dma source(%dma_start3A_307 : memref<16x128xf32, #tpu.memory_space<vmem>>) target(%dma_start3A_310 : memref<10240x128xf32, #tpu.memory_space<vmem_shared>>) offsets(%get3A_304 : vector<16xi32>) semaphore(%arg14 : memref<!tpu.dma_semaphore, #tpu.memory_space<semaphore_mem>>) {add = true}
      %mul3A_311 = arith.constant 64 : i32
      %mul3A_312 = arith.muli %add3A_256, %mul3A_311 : i32
      %add3A_313 = arith.constant 48 : i32
      %add3A_314 = arith.addi %mul3A_312, %add3A_313 : i32
      %get3A_315 = arith.index_cast %add3A_314 : i32 to index
      %get3A_316 = tpu.vector_load %arg8[%get3A_315] {strides = array<i32>} : memref<14336xi32, #tpu.memory_space<vmem>>, vector<16xi32>,
      %get3A_317 = vector.shape_cast %get3A_316 : vector<16xi32> to vector<16xi32>
      %dma_start3A_318 = arith.constant 48 : i32
      %dma_start3A_319 = arith.constant 0 : i32
      %dma_start3A_320 = tpu.memref_slice %arg10[%dma_start3A_318, %dma_start3A_319] : memref<64x128xf32, #tpu.memory_space<vmem>> -> memref<16x128xf32, #tpu.memory_space<vmem>>
      %dma_start3A_321 = arith.constant 0 : i32
      %dma_start3A_322 = arith.constant 0 : i32
      %dma_start3A_323 = tpu.memref_slice %arg6[%dma_start3A_321, %dma_start3A_322] : memref<10240x128xf32, #tpu.memory_space<vmem_shared>> -> memref<10240x128xf32, #tpu.memory_space<vmem_shared>>
      tpu.enqueue_indirect_dma source(%dma_start3A_320 : memref<16x128xf32, #tpu.memory_space<vmem>>) target(%dma_start3A_323 : memref<10240x128xf32, #tpu.memory_space<vmem_shared>>) offsets(%get3A_317 : vector<16xi32>) semaphore(%arg14 : memref<!tpu.dma_semaphore, #tpu.memory_space<semaphore_mem>>) {add = true}
    }
    %while3A_68 = arith.constant 1 : i32
    scf.for %while3A_185 = %while3A_66 to %while3A_62 step %while3A_68  : i32 {
      %mul3A_186 = arith.muli %while3A_185, %while3A : i32
      %add3A_187 = arith.addi %while3A_59, %mul3A_186 : i32
      %add3A_188 = arith.constant 0 : i32
      %add3A_189 = arith.addi %add3A_187, %add3A_188 : i32
      %ge3A = arith.constant 2 : i32
      %ge3A_190 = arith.cmpi sge, %add3A_189, %ge3A : i32
      %convert_element_type3A_191 = arith.extui %ge3A_190 : i1 to i32
      %cond3A_192 = arith.constant 0 : i32
      %cond3A_193 = arith.cmpi ne, %convert_element_type3A_191, %cond3A_192 : i32
      scf.if %cond3A_193 {
        %sub3A_324 = arith.constant 2 : i32
        %sub3A_325 = arith.subi %add3A_189, %sub3A_324 : i32
        %mul3A_326 = arith.constant 64 : i32
        %mul3A_327 = arith.muli %sub3A_325, %mul3A_326 : i32
        %add3A_328 = arith.constant 0 : i32
        %add3A_329 = arith.addi %mul3A_327, %add3A_328 : i32
        %get3A_330 = arith.index_cast %add3A_329 : i32 to index
        %get3A_331 = tpu.vector_load %arg8[%get3A_330] {strides = array<i32>} : memref<14336xi32, #tpu.memory_space<vmem>>, vector<16xi32>,
        %get3A_332 = vector.shape_cast %get3A_331 : vector<16xi32> to vector<16xi32>
        %dma_wait3A_333 = arith.constant 0 : i32
        %dma_wait3A_334 = arith.constant 0 : i32
        %dma_wait3A_335 = tpu.memref_slice %arg9[%dma_wait3A_333, %dma_wait3A_334] : memref<64x128xf32, #tpu.memory_space<vmem>> -> memref<16x128xf32, #tpu.memory_space<vmem>>
        %dma_wait3A_336 = arith.constant 0 : i32
        %dma_wait3A_337 = arith.constant 0 : i32
        %dma_wait3A_338 = tpu.memref_slice %arg6[%dma_wait3A_336, %dma_wait3A_337] : memref<10240x128xf32, #tpu.memory_space<vmem_shared>> -> memref<10240x128xf32, #tpu.memory_space<vmem_shared>>
        tpu.wait_indirect_dma semaphore(%arg13 : memref<!tpu.dma_semaphore, #tpu.memory_space<semaphore_mem>>) src(%dma_wait3A_335 : memref<16x128xf32, #tpu.memory_space<vmem>>) dst(%dma_wait3A_338 : memref<10240x128xf32, #tpu.memory_space<vmem_shared>>)
        %sub3A_339 = arith.constant 2 : i32
        %sub3A_340 = arith.subi %add3A_189, %sub3A_339 : i32
        %mul3A_341 = arith.constant 64 : i32
        %mul3A_342 = arith.muli %sub3A_340, %mul3A_341 : i32
        %add3A_343 = arith.constant 16 : i32
        %add3A_344 = arith.addi %mul3A_342, %add3A_343 : i32
        %get3A_345 = arith.index_cast %add3A_344 : i32 to index
        %get3A_346 = tpu.vector_load %arg8[%get3A_345] {strides = array<i32>} : memref<14336xi32, #tpu.memory_space<vmem>>, vector<16xi32>,
        %get3A_347 = vector.shape_cast %get3A_346 : vector<16xi32> to vector<16xi32>
        %dma_wait3A_348 = arith.constant 16 : i32
        %dma_wait3A_349 = arith.constant 0 : i32
        %dma_wait3A_350 = tpu.memref_slice %arg9[%dma_wait3A_348, %dma_wait3A_349] : memref<64x128xf32, #tpu.memory_space<vmem>> -> memref<16x128xf32, #tpu.memory_space<vmem>>
        %dma_wait3A_351 = arith.constant 0 : i32
        %dma_wait3A_352 = arith.constant 0 : i32
        %dma_wait3A_353 = tpu.memref_slice %arg6[%dma_wait3A_351, %dma_wait3A_352] : memref<10240x128xf32, #tpu.memory_space<vmem_shared>> -> memref<10240x128xf32, #tpu.memory_space<vmem_shared>>
        tpu.wait_indirect_dma semaphore(%arg13 : memref<!tpu.dma_semaphore, #tpu.memory_space<semaphore_mem>>) src(%dma_wait3A_350 : memref<16x128xf32, #tpu.memory_space<vmem>>) dst(%dma_wait3A_353 : memref<10240x128xf32, #tpu.memory_space<vmem_shared>>)
        %sub3A_354 = arith.constant 2 : i32
        %sub3A_355 = arith.subi %add3A_189, %sub3A_354 : i32
        %mul3A_356 = arith.constant 64 : i32
        %mul3A_357 = arith.muli %sub3A_355, %mul3A_356 : i32
        %add3A_358 = arith.constant 32 : i32
        %add3A_359 = arith.addi %mul3A_357, %add3A_358 : i32
        %get3A_360 = arith.index_cast %add3A_359 : i32 to index
        %get3A_361 = tpu.vector_load %arg8[%get3A_360] {strides = array<i32>} : memref<14336xi32, #tpu.memory_space<vmem>>, vector<16xi32>,
        %get3A_362 = vector.shape_cast %get3A_361 : vector<16xi32> to vector<16xi32>
        %dma_wait3A_363 = arith.constant 32 : i32
        %dma_wait3A_364 = arith.constant 0 : i32
        %dma_wait3A_365 = tpu.memref_slice %arg9[%dma_wait3A_363, %dma_wait3A_364] : memref<64x128xf32, #tpu.memory_space<vmem>> -> memref<16x128xf32, #tpu.memory_space<vmem>>
        %dma_wait3A_366 = arith.constant 0 : i32
        %dma_wait3A_367 = arith.constant 0 : i32
        %dma_wait3A_368 = tpu.memref_slice %arg6[%dma_wait3A_366, %dma_wait3A_367] : memref<10240x128xf32, #tpu.memory_space<vmem_shared>> -> memref<10240x128xf32, #tpu.memory_space<vmem_shared>>
        tpu.wait_indirect_dma semaphore(%arg13 : memref<!tpu.dma_semaphore, #tpu.memory_space<semaphore_mem>>) src(%dma_wait3A_365 : memref<16x128xf32, #tpu.memory_space<vmem>>) dst(%dma_wait3A_368 : memref<10240x128xf32, #tpu.memory_space<vmem_shared>>)
        %sub3A_369 = arith.constant 2 : i32
        %sub3A_370 = arith.subi %add3A_189, %sub3A_369 : i32
        %mul3A_371 = arith.constant 64 : i32
        %mul3A_372 = arith.muli %sub3A_370, %mul3A_371 : i32
        %add3A_373 = arith.constant 48 : i32
        %add3A_374 = arith.addi %mul3A_372, %add3A_373 : i32
        %get3A_375 = arith.index_cast %add3A_374 : i32 to index
        %get3A_376 = tpu.vector_load %arg8[%get3A_375] {strides = array<i32>} : memref<14336xi32, #tpu.memory_space<vmem>>, vector<16xi32>,
        %get3A_377 = vector.shape_cast %get3A_376 : vector<16xi32> to vector<16xi32>
        %dma_wait3A_378 = arith.constant 48 : i32
        %dma_wait3A_379 = arith.constant 0 : i32
        %dma_wait3A_380 = tpu.memref_slice %arg9[%dma_wait3A_378, %dma_wait3A_379] : memref<64x128xf32, #tpu.memory_space<vmem>> -> memref<16x128xf32, #tpu.memory_space<vmem>>
        %dma_wait3A_381 = arith.constant 0 : i32
        %dma_wait3A_382 = arith.constant 0 : i32
        %dma_wait3A_383 = tpu.memref_slice %arg6[%dma_wait3A_381, %dma_wait3A_382] : memref<10240x128xf32, #tpu.memory_space<vmem_shared>> -> memref<10240x128xf32, #tpu.memory_space<vmem_shared>>
        tpu.wait_indirect_dma semaphore(%arg13 : memref<!tpu.dma_semaphore, #tpu.memory_space<semaphore_mem>>) src(%dma_wait3A_380 : memref<16x128xf32, #tpu.memory_space<vmem>>) dst(%dma_wait3A_383 : memref<10240x128xf32, #tpu.memory_space<vmem_shared>>)
      } else {
      }
      %mul3A_194 = arith.constant 64 : i32
      %mul3A_195 = arith.muli %add3A_189, %mul3A_194 : i32
      %dma_start3A = tpu.memref_slice %arg7[%mul3A_195] : memref<14336xi32, #tpu.memory_space<vmem>> -> memref<64xi32, #tpu.memory_space<vmem>>
      %dma_start3A_196 = arith.constant 0 : i32
      %dma_start3A_197 = arith.constant 0 : i32
      %dma_start3A_198 = tpu.memref_slice %arg2[%dma_start3A_196, %dma_start3A_197] : memref<10000x128xf32, #tpu.memory_space<hbm>> -> memref<10000x128xf32, #tpu.memory_space<hbm>>
      tpu.enqueue_indirect_dma source(%dma_start3A_198 : memref<10000x128xf32, #tpu.memory_space<hbm>>) target(%arg9 : memref<64x128xf32, #tpu.memory_space<vmem>>) offsets(%dma_start3A : memref<64xi32, #tpu.memory_space<vmem>>) semaphore(%arg11 : memref<!tpu.dma_semaphore, #tpu.memory_space<semaphore_mem>>)
      %dma_wait3A_199 = tpu.memref_slice %arg7[%mul3A_195] : memref<14336xi32, #tpu.memory_space<vmem>> -> memref<64xi32, #tpu.memory_space<vmem>>
      %dma_wait3A_200 = arith.constant 0 : i32
      %dma_wait3A_201 = arith.constant 0 : i32
      %dma_wait3A_202 = tpu.memref_slice %arg2[%dma_wait3A_200, %dma_wait3A_201] : memref<10000x128xf32, #tpu.memory_space<hbm>> -> memref<10000x128xf32, #tpu.memory_space<hbm>>
      tpu.wait_indirect_dma semaphore(%arg11 : memref<!tpu.dma_semaphore, #tpu.memory_space<semaphore_mem>>) src(%dma_wait3A_202 : memref<10000x128xf32, #tpu.memory_space<hbm>>) dst(%arg9 : memref<64x128xf32, #tpu.memory_space<vmem>>)
      %mul3A_203 = arith.constant 64 : i32
      %mul3A_204 = arith.muli %add3A_189, %mul3A_203 : i32
      %add3A_205 = arith.constant 0 : i32
      %add3A_206 = arith.addi %mul3A_204, %add3A_205 : i32
      %get3A_207 = arith.index_cast %add3A_206 : i32 to index
      %get3A_208 = tpu.vector_load %arg8[%get3A_207] {strides = array<i32>} : memref<14336xi32, #tpu.memory_space<vmem>>, vector<16xi32>,
      %get3A_209 = vector.shape_cast %get3A_208 : vector<16xi32> to vector<16xi32>
      %dma_start3A_210 = arith.constant 0 : i32
      %dma_start3A_211 = arith.constant 0 : i32
      %dma_start3A_212 = tpu.memref_slice %arg9[%dma_start3A_210, %dma_start3A_211] : memref<64x128xf32, #tpu.memory_space<vmem>> -> memref<16x128xf32, #tpu.memory_space<vmem>>
      %dma_start3A_213 = arith.constant 0 : i32
      %dma_start3A_214 = arith.constant 0 : i32
      %dma_start3A_215 = tpu.memref_slice %arg6[%dma_start3A_213, %dma_start3A_214] : memref<10240x128xf32, #tpu.memory_space<vmem_shared>> -> memref<10240x128xf32, #tpu.memory_space<vmem_shared>>
      tpu.enqueue_indirect_dma source(%dma_start3A_212 : memref<16x128xf32, #tpu.memory_space<vmem>>) target(%dma_start3A_215 : memref<10240x128xf32, #tpu.memory_space<vmem_shared>>) offsets(%get3A_209 : vector<16xi32>) semaphore(%arg13 : memref<!tpu.dma_semaphore, #tpu.memory_space<semaphore_mem>>) {add = true}
      %mul3A_216 = arith.constant 64 : i32
      %mul3A_217 = arith.muli %add3A_189, %mul3A_216 : i32
      %add3A_218 = arith.constant 16 : i32
      %add3A_219 = arith.addi %mul3A_217, %add3A_218 : i32
      %get3A_220 = arith.index_cast %add3A_219 : i32 to index
      %get3A_221 = tpu.vector_load %arg8[%get3A_220] {strides = array<i32>} : memref<14336xi32, #tpu.memory_space<vmem>>, vector<16xi32>,
      %get3A_222 = vector.shape_cast %get3A_221 : vector<16xi32> to vector<16xi32>
      %dma_start3A_223 = arith.constant 16 : i32
      %dma_start3A_224 = arith.constant 0 : i32
      %dma_start3A_225 = tpu.memref_slice %arg9[%dma_start3A_223, %dma_start3A_224] : memref<64x128xf32, #tpu.memory_space<vmem>> -> memref<16x128xf32, #tpu.memory_space<vmem>>
      %dma_start3A_226 = arith.constant 0 : i32
      %dma_start3A_227 = arith.constant 0 : i32
      %dma_start3A_228 = tpu.memref_slice %arg6[%dma_start3A_226, %dma_start3A_227] : memref<10240x128xf32, #tpu.memory_space<vmem_shared>> -> memref<10240x128xf32, #tpu.memory_space<vmem_shared>>
      tpu.enqueue_indirect_dma source(%dma_start3A_225 : memref<16x128xf32, #tpu.memory_space<vmem>>) target(%dma_start3A_228 : memref<10240x128xf32, #tpu.memory_space<vmem_shared>>) offsets(%get3A_222 : vector<16xi32>) semaphore(%arg13 : memref<!tpu.dma_semaphore, #tpu.memory_space<semaphore_mem>>) {add = true}
      %mul3A_229 = arith.constant 64 : i32
      %mul3A_230 = arith.muli %add3A_189, %mul3A_229 : i32
      %add3A_231 = arith.constant 32 : i32
      %add3A_232 = arith.addi %mul3A_230, %add3A_231 : i32
      %get3A_233 = arith.index_cast %add3A_232 : i32 to index
      %get3A_234 = tpu.vector_load %arg8[%get3A_233] {strides = array<i32>} : memref<14336xi32, #tpu.memory_space<vmem>>, vector<16xi32>,
      %get3A_235 = vector.shape_cast %get3A_234 : vector<16xi32> to vector<16xi32>
      %dma_start3A_236 = arith.constant 32 : i32
      %dma_start3A_237 = arith.constant 0 : i32
      %dma_start3A_238 = tpu.memref_slice %arg9[%dma_start3A_236, %dma_start3A_237] : memref<64x128xf32, #tpu.memory_space<vmem>> -> memref<16x128xf32, #tpu.memory_space<vmem>>
      %dma_start3A_239 = arith.constant 0 : i32
      %dma_start3A_240 = arith.constant 0 : i32
      %dma_start3A_241 = tpu.memref_slice %arg6[%dma_start3A_239, %dma_start3A_240] : memref<10240x128xf32, #tpu.memory_space<vmem_shared>> -> memref<10240x128xf32, #tpu.memory_space<vmem_shared>>
      tpu.enqueue_indirect_dma source(%dma_start3A_238 : memref<16x128xf32, #tpu.memory_space<vmem>>) target(%dma_start3A_241 : memref<10240x128xf32, #tpu.memory_space<vmem_shared>>) offsets(%get3A_235 : vector<16xi32>) semaphore(%arg13 : memref<!tpu.dma_semaphore, #tpu.memory_space<semaphore_mem>>) {add = true}
      %mul3A_242 = arith.constant 64 : i32
      %mul3A_243 = arith.muli %add3A_189, %mul3A_242 : i32
      %add3A_244 = arith.constant 48 : i32
      %add3A_245 = arith.addi %mul3A_243, %add3A_244 : i32
      %get3A_246 = arith.index_cast %add3A_245 : i32 to index
      %get3A_247 = tpu.vector_load %arg8[%get3A_246] {strides = array<i32>} : memref<14336xi32, #tpu.memory_space<vmem>>, vector<16xi32>,
      %get3A_248 = vector.shape_cast %get3A_247 : vector<16xi32> to vector<16xi32>
      %dma_start3A_249 = arith.constant 48 : i32
      %dma_start3A_250 = arith.constant 0 : i32
      %dma_start3A_251 = tpu.memref_slice %arg9[%dma_start3A_249, %dma_start3A_250] : memref<64x128xf32, #tpu.memory_space<vmem>> -> memref<16x128xf32, #tpu.memory_space<vmem>>
      %dma_start3A_252 = arith.constant 0 : i32
      %dma_start3A_253 = arith.constant 0 : i32
      %dma_start3A_254 = tpu.memref_slice %arg6[%dma_start3A_252, %dma_start3A_253] : memref<10240x128xf32, #tpu.memory_space<vmem_shared>> -> memref<10240x128xf32, #tpu.memory_space<vmem_shared>>
      tpu.enqueue_indirect_dma source(%dma_start3A_251 : memref<16x128xf32, #tpu.memory_space<vmem>>) target(%dma_start3A_254 : memref<10240x128xf32, #tpu.memory_space<vmem_shared>>) offsets(%get3A_248 : vector<16xi32>) semaphore(%arg13 : memref<!tpu.dma_semaphore, #tpu.memory_space<semaphore_mem>>) {add = true}
      %add3A_255 = arith.constant 1 : i32
      %add3A_256 = arith.addi %add3A_187, %add3A_255 : i32
      %ge3A_257 = arith.constant 2 : i32
      %ge3A_258 = arith.cmpi sge, %add3A_256, %ge3A_257 : i32
      %convert_element_type3A_259 = arith.extui %ge3A_258 : i1 to i32
      %cond3A_260 = arith.constant 0 : i32
      %cond3A_261 = arith.cmpi ne, %convert_element_type3A_259, %cond3A_260 : i32
      scf.if %cond3A_261 {
        %sub3A_324 = arith.constant 2 : i32
        %sub3A_325 = arith.subi %add3A_256, %sub3A_324 : i32
        %mul3A_326 = arith.constant 64 : i32
        %mul3A_327 = arith.muli %sub3A_325, %mul3A_326 : i32
        %add3A_328 = arith.constant 0 : i32
        %add3A_329 = arith.addi %mul3A_327, %add3A_328 : i32
        %get3A_330 = arith.index_cast %add3A_329 : i32 to index
        %get3A_331 = tpu.vector_load %arg8[%get3A_330] {strides = array<i32>} : memref<14336xi32, #tpu.memory_space<vmem>>, vector<16xi32>,
        %get3A_332 = vector.shape_cast %get3A_331 : vector<16xi32> to vector<16xi32>
        %dma_wait3A_333 = arith.constant 0 : i32
        %dma_wait3A_334 = arith.constant 0 : i32
        %dma_wait3A_335 = tpu.memref_slice %arg10[%dma_wait3A_333, %dma_wait3A_334] : memref<64x128xf32, #tpu.memory_space<vmem>> -> memref<16x128xf32, #tpu.memory_space<vmem>>
        %dma_wait3A_336 = arith.constant 0 : i32
        %dma_wait3A_337 = arith.constant 0 : i32
        %dma_wait3A_338 = tpu.memref_slice %arg6[%dma_wait3A_336, %dma_wait3A_337] : memref<10240x128xf32, #tpu.memory_space<vmem_shared>> -> memref<10240x128xf32, #tpu.memory_space<vmem_shared>>
        tpu.wait_indirect_dma semaphore(%arg14 : memref<!tpu.dma_semaphore, #tpu.memory_space<semaphore_mem>>) src(%dma_wait3A_335 : memref<16x128xf32, #tpu.memory_space<vmem>>) dst(%dma_wait3A_338 : memref<10240x128xf32, #tpu.memory_space<vmem_shared>>)
        %sub3A_339 = arith.constant 2 : i32
        %sub3A_340 = arith.subi %add3A_256, %sub3A_339 : i32
        %mul3A_341 = arith.constant 64 : i32
        %mul3A_342 = arith.muli %sub3A_340, %mul3A_341 : i32
        %add3A_343 = arith.constant 16 : i32
        %add3A_344 = arith.addi %mul3A_342, %add3A_343 : i32
        %get3A_345 = arith.index_cast %add3A_344 : i32 to index
        %get3A_346 = tpu.vector_load %arg8[%get3A_345] {strides = array<i32>} : memref<14336xi32, #tpu.memory_space<vmem>>, vector<16xi32>,
        %get3A_347 = vector.shape_cast %get3A_346 : vector<16xi32> to vector<16xi32>
        %dma_wait3A_348 = arith.constant 16 : i32
        %dma_wait3A_349 = arith.constant 0 : i32
        %dma_wait3A_350 = tpu.memref_slice %arg10[%dma_wait3A_348, %dma_wait3A_349] : memref<64x128xf32, #tpu.memory_space<vmem>> -> memref<16x128xf32, #tpu.memory_space<vmem>>
        %dma_wait3A_351 = arith.constant 0 : i32
        %dma_wait3A_352 = arith.constant 0 : i32
        %dma_wait3A_353 = tpu.memref_slice %arg6[%dma_wait3A_351, %dma_wait3A_352] : memref<10240x128xf32, #tpu.memory_space<vmem_shared>> -> memref<10240x128xf32, #tpu.memory_space<vmem_shared>>
        tpu.wait_indirect_dma semaphore(%arg14 : memref<!tpu.dma_semaphore, #tpu.memory_space<semaphore_mem>>) src(%dma_wait3A_350 : memref<16x128xf32, #tpu.memory_space<vmem>>) dst(%dma_wait3A_353 : memref<10240x128xf32, #tpu.memory_space<vmem_shared>>)
        %sub3A_354 = arith.constant 2 : i32
        %sub3A_355 = arith.subi %add3A_256, %sub3A_354 : i32
        %mul3A_356 = arith.constant 64 : i32
        %mul3A_357 = arith.muli %sub3A_355, %mul3A_356 : i32
        %add3A_358 = arith.constant 32 : i32
        %add3A_359 = arith.addi %mul3A_357, %add3A_358 : i32
        %get3A_360 = arith.index_cast %add3A_359 : i32 to index
        %get3A_361 = tpu.vector_load %arg8[%get3A_360] {strides = array<i32>} : memref<14336xi32, #tpu.memory_space<vmem>>, vector<16xi32>,
        %get3A_362 = vector.shape_cast %get3A_361 : vector<16xi32> to vector<16xi32>
        %dma_wait3A_363 = arith.constant 32 : i32
        %dma_wait3A_364 = arith.constant 0 : i32
        %dma_wait3A_365 = tpu.memref_slice %arg10[%dma_wait3A_363, %dma_wait3A_364] : memref<64x128xf32, #tpu.memory_space<vmem>> -> memref<16x128xf32, #tpu.memory_space<vmem>>
        %dma_wait3A_366 = arith.constant 0 : i32
        %dma_wait3A_367 = arith.constant 0 : i32
        %dma_wait3A_368 = tpu.memref_slice %arg6[%dma_wait3A_366, %dma_wait3A_367] : memref<10240x128xf32, #tpu.memory_space<vmem_shared>> -> memref<10240x128xf32, #tpu.memory_space<vmem_shared>>
        tpu.wait_indirect_dma semaphore(%arg14 : memref<!tpu.dma_semaphore, #tpu.memory_space<semaphore_mem>>) src(%dma_wait3A_365 : memref<16x128xf32, #tpu.memory_space<vmem>>) dst(%dma_wait3A_368 : memref<10240x128xf32, #tpu.memory_space<vmem_shared>>)
        %sub3A_369 = arith.constant 2 : i32
        %sub3A_370 = arith.subi %add3A_256, %sub3A_369 : i32
        %mul3A_371 = arith.constant 64 : i32
        %mul3A_372 = arith.muli %sub3A_370, %mul3A_371 : i32
        %add3A_373 = arith.constant 48 : i32
        %add3A_374 = arith.addi %mul3A_372, %add3A_373 : i32
        %get3A_375 = arith.index_cast %add3A_374 : i32 to index
        %get3A_376 = tpu.vector_load %arg8[%get3A_375] {strides = array<i32>} : memref<14336xi32, #tpu.memory_space<vmem>>, vector<16xi32>,
        %get3A_377 = vector.shape_cast %get3A_376 : vector<16xi32> to vector<16xi32>
        %dma_wait3A_378 = arith.constant 48 : i32
        %dma_wait3A_379 = arith.constant 0 : i32
        %dma_wait3A_380 = tpu.memref_slice %arg10[%dma_wait3A_378, %dma_wait3A_379] : memref<64x128xf32, #tpu.memory_space<vmem>> -> memref<16x128xf32, #tpu.memory_space<vmem>>
        %dma_wait3A_381 = arith.constant 0 : i32
        %dma_wait3A_382 = arith.constant 0 : i32
        %dma_wait3A_383 = tpu.memref_slice %arg6[%dma_wait3A_381, %dma_wait3A_382] : memref<10240x128xf32, #tpu.memory_space<vmem_shared>> -> memref<10240x128xf32, #tpu.memory_space<vmem_shared>>
        tpu.wait_indirect_dma semaphore(%arg14 : memref<!tpu.dma_semaphore, #tpu.memory_space<semaphore_mem>>) src(%dma_wait3A_380 : memref<16x128xf32, #tpu.memory_space<vmem>>) dst(%dma_wait3A_383 : memref<10240x128xf32, #tpu.memory_space<vmem_shared>>)
      } else {
      }
      %mul3A_262 = arith.constant 64 : i32
      %mul3A_263 = arith.muli %add3A_256, %mul3A_262 : i32
      %dma_start3A_264 = tpu.memref_slice %arg7[%mul3A_263] : memref<14336xi32, #tpu.memory_space<vmem>> -> memref<64xi32, #tpu.memory_space<vmem>>
      %dma_start3A_265 = arith.constant 0 : i32
      %dma_start3A_266 = arith.constant 0 : i32
      %dma_start3A_267 = tpu.memref_slice %arg2[%dma_start3A_265, %dma_start3A_266] : memref<10000x128xf32, #tpu.memory_space<hbm>> -> memref<10000x128xf32, #tpu.memory_space<hbm>>
      tpu.enqueue_indirect_dma source(%dma_start3A_267 : memref<10000x128xf32, #tpu.memory_space<hbm>>) target(%arg10 : memref<64x128xf32, #tpu.memory_space<vmem>>) offsets(%dma_start3A_264 : memref<64xi32, #tpu.memory_space<vmem>>) semaphore(%arg12 : memref<!tpu.dma_semaphore, #tpu.memory_space<semaphore_mem>>)
      %dma_wait3A_268 = tpu.memref_slice %arg7[%mul3A_263] : memref<14336xi32, #tpu.memory_space<vmem>> -> memref<64xi32, #tpu.memory_space<vmem>>
      %dma_wait3A_269 = arith.constant 0 : i32
      %dma_wait3A_270 = arith.constant 0 : i32
      %dma_wait3A_271 = tpu.memref_slice %arg2[%dma_wait3A_269, %dma_wait3A_270] : memref<10000x128xf32, #tpu.memory_space<hbm>> -> memref<10000x128xf32, #tpu.memory_space<hbm>>
      tpu.wait_indirect_dma semaphore(%arg12 : memref<!tpu.dma_semaphore, #tpu.memory_space<semaphore_mem>>) src(%dma_wait3A_271 : memref<10000x128xf32, #tpu.memory_space<hbm>>) dst(%arg10 : memref<64x128xf32, #tpu.memory_space<vmem>>)
      %mul3A_272 = arith.constant 64 : i32
      %mul3A_273 = arith.muli %add3A_256, %mul3A_272 : i32
      %add3A_274 = arith.constant 0 : i32
      %add3A_275 = arith.addi %mul3A_273, %add3A_274 : i32
      %get3A_276 = arith.index_cast %add3A_275 : i32 to index
      %get3A_277 = tpu.vector_load %arg8[%get3A_276] {strides = array<i32>} : memref<14336xi32, #tpu.memory_space<vmem>>, vector<16xi32>,
      %get3A_278 = vector.shape_cast %get3A_277 : vector<16xi32> to vector<16xi32>
      %dma_start3A_279 = arith.constant 0 : i32
      %dma_start3A_280 = arith.constant 0 : i32
      %dma_start3A_281 = tpu.memref_slice %arg10[%dma_start3A_279, %dma_start3A_280] : memref<64x128xf32, #tpu.memory_space<vmem>> -> memref<16x128xf32, #tpu.memory_space<vmem>>
      %dma_start3A_282 = arith.constant 0 : i32
      %dma_start3A_283 = arith.constant 0 : i32
      %dma_start3A_284 = tpu.memref_slice %arg6[%dma_start3A_282, %dma_start3A_283] : memref<10240x128xf32, #tpu.memory_space<vmem_shared>> -> memref<10240x128xf32, #tpu.memory_space<vmem_shared>>
      tpu.enqueue_indirect_dma source(%dma_start3A_281 : memref<16x128xf32, #tpu.memory_space<vmem>>) target(%dma_start3A_284 : memref<10240x128xf32, #tpu.memory_space<vmem_shared>>) offsets(%get3A_278 : vector<16xi32>) semaphore(%arg14 : memref<!tpu.dma_semaphore, #tpu.memory_space<semaphore_mem>>) {add = true}
      %mul3A_285 = arith.constant 64 : i32
      %mul3A_286 = arith.muli %add3A_256, %mul3A_285 : i32
      %add3A_287 = arith.constant 16 : i32
      %add3A_288 = arith.addi %mul3A_286, %add3A_287 : i32
      %get3A_289 = arith.index_cast %add3A_288 : i32 to index
      %get3A_290 = tpu.vector_load %arg8[%get3A_289] {strides = array<i32>} : memref<14336xi32, #tpu.memory_space<vmem>>, vector<16xi32>,
      %get3A_291 = vector.shape_cast %get3A_290 : vector<16xi32> to vector<16xi32>
      %dma_start3A_292 = arith.constant 16 : i32
      %dma_start3A_293 = arith.constant 0 : i32
      %dma_start3A_294 = tpu.memref_slice %arg10[%dma_start3A_292, %dma_start3A_293] : memref<64x128xf32, #tpu.memory_space<vmem>> -> memref<16x128xf32, #tpu.memory_space<vmem>>
      %dma_start3A_295 = arith.constant 0 : i32
      %dma_start3A_296 = arith.constant 0 : i32
      %dma_start3A_297 = tpu.memref_slice %arg6[%dma_start3A_295, %dma_start3A_296] : memref<10240x128xf32, #tpu.memory_space<vmem_shared>> -> memref<10240x128xf32, #tpu.memory_space<vmem_shared>>
      tpu.enqueue_indirect_dma source(%dma_start3A_294 : memref<16x128xf32, #tpu.memory_space<vmem>>) target(%dma_start3A_297 : memref<10240x128xf32, #tpu.memory_space<vmem_shared>>) offsets(%get3A_291 : vector<16xi32>) semaphore(%arg14 : memref<!tpu.dma_semaphore, #tpu.memory_space<semaphore_mem>>) {add = true}
      %mul3A_298 = arith.constant 64 : i32
      %mul3A_299 = arith.muli %add3A_256, %mul3A_298 : i32
      %add3A_300 = arith.constant 32 : i32
      %add3A_301 = arith.addi %mul3A_299, %add3A_300 : i32
      %get3A_302 = arith.index_cast %add3A_301 : i32 to index
      %get3A_303 = tpu.vector_load %arg8[%get3A_302] {strides = array<i32>} : memref<14336xi32, #tpu.memory_space<vmem>>, vector<16xi32>,
      %get3A_304 = vector.shape_cast %get3A_303 : vector<16xi32> to vector<16xi32>
      %dma_start3A_305 = arith.constant 32 : i32
      %dma_start3A_306 = arith.constant 0 : i32
      %dma_start3A_307 = tpu.memref_slice %arg10[%dma_start3A_305, %dma_start3A_306] : memref<64x128xf32, #tpu.memory_space<vmem>> -> memref<16x128xf32, #tpu.memory_space<vmem>>
      %dma_start3A_308 = arith.constant 0 : i32
      %dma_start3A_309 = arith.constant 0 : i32
      %dma_start3A_310 = tpu.memref_slice %arg6[%dma_start3A_308, %dma_start3A_309] : memref<10240x128xf32, #tpu.memory_space<vmem_shared>> -> memref<10240x128xf32, #tpu.memory_space<vmem_shared>>
      tpu.enqueue_indirect_dma source(%dma_start3A_307 : memref<16x128xf32, #tpu.memory_space<vmem>>) target(%dma_start3A_310 : memref<10240x128xf32, #tpu.memory_space<vmem_shared>>) offsets(%get3A_304 : vector<16xi32>) semaphore(%arg14 : memref<!tpu.dma_semaphore, #tpu.memory_space<semaphore_mem>>) {add = true}
      %mul3A_311 = arith.constant 64 : i32
      %mul3A_312 = arith.muli %add3A_256, %mul3A_311 : i32
      %add3A_313 = arith.constant 48 : i32
      %add3A_314 = arith.addi %mul3A_312, %add3A_313 : i32
      %get3A_315 = arith.index_cast %add3A_314 : i32 to index
      %get3A_316 = tpu.vector_load %arg8[%get3A_315] {strides = array<i32>} : memref<14336xi32, #tpu.memory_space<vmem>>, vector<16xi32>,
      %get3A_317 = vector.shape_cast %get3A_316 : vector<16xi32> to vector<16xi32>
      %dma_start3A_318 = arith.constant 48 : i32
      %dma_start3A_319 = arith.constant 0 : i32
      %dma_start3A_320 = tpu.memref_slice %arg10[%dma_start3A_318, %dma_start3A_319] : memref<64x128xf32, #tpu.memory_space<vmem>> -> memref<16x128xf32, #tpu.memory_space<vmem>>
      %dma_start3A_321 = arith.constant 0 : i32
      %dma_start3A_322 = arith.constant 0 : i32
      %dma_start3A_323 = tpu.memref_slice %arg6[%dma_start3A_321, %dma_start3A_322] : memref<10240x128xf32, #tpu.memory_space<vmem_shared>> -> memref<10240x128xf32, #tpu.memory_space<vmem_shared>>
      tpu.enqueue_indirect_dma source(%dma_start3A_320 : memref<16x128xf32, #tpu.memory_space<vmem>>) target(%dma_start3A_323 : memref<10240x128xf32, #tpu.memory_space<vmem_shared>>) offsets(%get3A_317 : vector<16xi32>) semaphore(%arg14 : memref<!tpu.dma_semaphore, #tpu.memory_space<semaphore_mem>>) {add = true}
    }
    %sub3A_69 = arith.constant 2 : i32
    %sub3A_70 = arith.subi %select_n3A, %sub3A_69 : i32
    %add3A_71 = arith.constant 0 : i32
    %add3A_72 = arith.addi %sub3A_70, %add3A_71 : i32
    %mul3A_73 = arith.constant 64 : i32
    %mul3A_74 = arith.muli %add3A_72, %mul3A_73 : i32
    %add3A_75 = arith.constant 0 : i32
    %add3A_76 = arith.addi %mul3A_74, %add3A_75 : i32
    %get3A = arith.index_cast %add3A_76 : i32 to index
    %get3A_77 = tpu.vector_load %arg8[%get3A] {strides = array<i32>} : memref<14336xi32, #tpu.memory_space<vmem>>, vector<16xi32>,
    %get3A_78 = vector.shape_cast %get3A_77 : vector<16xi32> to vector<16xi32>
    %dma_wait3A = arith.constant 0 : i32
    %dma_wait3A_79 = arith.constant 0 : i32
    %dma_wait3A_80 = tpu.memref_slice %arg9[%dma_wait3A, %dma_wait3A_79] : memref<64x128xf32, #tpu.memory_space<vmem>> -> memref<16x128xf32, #tpu.memory_space<vmem>>
    %dma_wait3A_81 = arith.constant 0 : i32
    %dma_wait3A_82 = arith.constant 0 : i32
    %dma_wait3A_83 = tpu.memref_slice %arg6[%dma_wait3A_81, %dma_wait3A_82] : memref<10240x128xf32, #tpu.memory_space<vmem_shared>> -> memref<10240x128xf32, #tpu.memory_space<vmem_shared>>
    tpu.wait_indirect_dma semaphore(%arg13 : memref<!tpu.dma_semaphore, #tpu.memory_space<semaphore_mem>>) src(%dma_wait3A_80 : memref<16x128xf32, #tpu.memory_space<vmem>>) dst(%dma_wait3A_83 : memref<10240x128xf32, #tpu.memory_space<vmem_shared>>)
    %mul3A_84 = arith.constant 64 : i32
    %mul3A_85 = arith.muli %add3A_72, %mul3A_84 : i32
    %add3A_86 = arith.constant 16 : i32
    %add3A_87 = arith.addi %mul3A_85, %add3A_86 : i32
    %get3A_88 = arith.index_cast %add3A_87 : i32 to index
    %get3A_89 = tpu.vector_load %arg8[%get3A_88] {strides = array<i32>} : memref<14336xi32, #tpu.memory_space<vmem>>, vector<16xi32>,
    %get3A_90 = vector.shape_cast %get3A_89 : vector<16xi32> to vector<16xi32>
    %dma_wait3A_91 = arith.constant 16 : i32
    %dma_wait3A_92 = arith.constant 0 : i32
    %dma_wait3A_93 = tpu.memref_slice %arg9[%dma_wait3A_91, %dma_wait3A_92] : memref<64x128xf32, #tpu.memory_space<vmem>> -> memref<16x128xf32, #tpu.memory_space<vmem>>
    %dma_wait3A_94 = arith.constant 0 : i32
    %dma_wait3A_95 = arith.constant 0 : i32
    %dma_wait3A_96 = tpu.memref_slice %arg6[%dma_wait3A_94, %dma_wait3A_95] : memref<10240x128xf32, #tpu.memory_space<vmem_shared>> -> memref<10240x128xf32, #tpu.memory_space<vmem_shared>>
    tpu.wait_indirect_dma semaphore(%arg13 : memref<!tpu.dma_semaphore, #tpu.memory_space<semaphore_mem>>) src(%dma_wait3A_93 : memref<16x128xf32, #tpu.memory_space<vmem>>) dst(%dma_wait3A_96 : memref<10240x128xf32, #tpu.memory_space<vmem_shared>>)
    %mul3A_97 = arith.constant 64 : i32
    %mul3A_98 = arith.muli %add3A_72, %mul3A_97 : i32
    %add3A_99 = arith.constant 32 : i32
    %add3A_100 = arith.addi %mul3A_98, %add3A_99 : i32
    %get3A_101 = arith.index_cast %add3A_100 : i32 to index
    %get3A_102 = tpu.vector_load %arg8[%get3A_101] {strides = array<i32>} : memref<14336xi32, #tpu.memory_space<vmem>>, vector<16xi32>,
    %get3A_103 = vector.shape_cast %get3A_102 : vector<16xi32> to vector<16xi32>
    %dma_wait3A_104 = arith.constant 32 : i32
    %dma_wait3A_105 = arith.constant 0 : i32
    %dma_wait3A_106 = tpu.memref_slice %arg9[%dma_wait3A_104, %dma_wait3A_105] : memref<64x128xf32, #tpu.memory_space<vmem>> -> memref<16x128xf32, #tpu.memory_space<vmem>>
    %dma_wait3A_107 = arith.constant 0 : i32
    %dma_wait3A_108 = arith.constant 0 : i32
    %dma_wait3A_109 = tpu.memref_slice %arg6[%dma_wait3A_107, %dma_wait3A_108] : memref<10240x128xf32, #tpu.memory_space<vmem_shared>> -> memref<10240x128xf32, #tpu.memory_space<vmem_shared>>
    tpu.wait_indirect_dma semaphore(%arg13 : memref<!tpu.dma_semaphore, #tpu.memory_space<semaphore_mem>>) src(%dma_wait3A_106 : memref<16x128xf32, #tpu.memory_space<vmem>>) dst(%dma_wait3A_109 : memref<10240x128xf32, #tpu.memory_space<vmem_shared>>)
    %mul3A_110 = arith.constant 64 : i32
    %mul3A_111 = arith.muli %add3A_72, %mul3A_110 : i32
    %add3A_112 = arith.constant 48 : i32
    %add3A_113 = arith.addi %mul3A_111, %add3A_112 : i32
    %get3A_114 = arith.index_cast %add3A_113 : i32 to index
    %get3A_115 = tpu.vector_load %arg8[%get3A_114] {strides = array<i32>} : memref<14336xi32, #tpu.memory_space<vmem>>, vector<16xi32>,
    %get3A_116 = vector.shape_cast %get3A_115 : vector<16xi32> to vector<16xi32>
    %dma_wait3A_117 = arith.constant 48 : i32
    %dma_wait3A_118 = arith.constant 0 : i32
    %dma_wait3A_119 = tpu.memref_slice %arg9[%dma_wait3A_117, %dma_wait3A_118] : memref<64x128xf32, #tpu.memory_space<vmem>> -> memref<16x128xf32, #tpu.memory_space<vmem>>
    %dma_wait3A_120 = arith.constant 0 : i32
    %dma_wait3A_121 = arith.constant 0 : i32
    %dma_wait3A_122 = tpu.memref_slice %arg6[%dma_wait3A_120, %dma_wait3A_121] : memref<10240x128xf32, #tpu.memory_space<vmem_shared>> -> memref<10240x128xf32, #tpu.memory_space<vmem_shared>>
    tpu.wait_indirect_dma semaphore(%arg13 : memref<!tpu.dma_semaphore, #tpu.memory_space<semaphore_mem>>) src(%dma_wait3A_119 : memref<16x128xf32, #tpu.memory_space<vmem>>) dst(%dma_wait3A_122 : memref<10240x128xf32, #tpu.memory_space<vmem_shared>>)
    %sub3A_123 = arith.constant 2 : i32
    %sub3A_124 = arith.subi %select_n3A, %sub3A_123 : i32
    %add3A_125 = arith.constant 1 : i32
    %add3A_126 = arith.addi %sub3A_124, %add3A_125 : i32
    %mul3A_127 = arith.constant 64 : i32
    %mul3A_128 = arith.muli %add3A_126, %mul3A_127 : i32
    %add3A_129 = arith.constant 0 : i32
    %add3A_130 = arith.addi %mul3A_128, %add3A_129 : i32
    %get3A_131 = arith.index_cast %add3A_130 : i32 to index
    %get3A_132 = tpu.vector_load %arg8[%get3A_131] {strides = array<i32>} : memref<14336xi32, #tpu.memory_space<vmem>>, vector<16xi32>,
    %get3A_133 = vector.shape_cast %get3A_132 : vector<16xi32> to vector<16xi32>
    %dma_wait3A_134 = arith.constant 0 : i32
    %dma_wait3A_135 = arith.constant 0 : i32
    %dma_wait3A_136 = tpu.memref_slice %arg10[%dma_wait3A_134, %dma_wait3A_135] : memref<64x128xf32, #tpu.memory_space<vmem>> -> memref<16x128xf32, #tpu.memory_space<vmem>>
    %dma_wait3A_137 = arith.constant 0 : i32
    %dma_wait3A_138 = arith.constant 0 : i32
    %dma_wait3A_139 = tpu.memref_slice %arg6[%dma_wait3A_137, %dma_wait3A_138] : memref<10240x128xf32, #tpu.memory_space<vmem_shared>> -> memref<10240x128xf32, #tpu.memory_space<vmem_shared>>
    tpu.wait_indirect_dma semaphore(%arg14 : memref<!tpu.dma_semaphore, #tpu.memory_space<semaphore_mem>>) src(%dma_wait3A_136 : memref<16x128xf32, #tpu.memory_space<vmem>>) dst(%dma_wait3A_139 : memref<10240x128xf32, #tpu.memory_space<vmem_shared>>)
    %mul3A_140 = arith.constant 64 : i32
    %mul3A_141 = arith.muli %add3A_126, %mul3A_140 : i32
    %add3A_142 = arith.constant 16 : i32
    %add3A_143 = arith.addi %mul3A_141, %add3A_142 : i32
    %get3A_144 = arith.index_cast %add3A_143 : i32 to index
    %get3A_145 = tpu.vector_load %arg8[%get3A_144] {strides = array<i32>} : memref<14336xi32, #tpu.memory_space<vmem>>, vector<16xi32>,
    %get3A_146 = vector.shape_cast %get3A_145 : vector<16xi32> to vector<16xi32>
    %dma_wait3A_147 = arith.constant 16 : i32
    %dma_wait3A_148 = arith.constant 0 : i32
    %dma_wait3A_149 = tpu.memref_slice %arg10[%dma_wait3A_147, %dma_wait3A_148] : memref<64x128xf32, #tpu.memory_space<vmem>> -> memref<16x128xf32, #tpu.memory_space<vmem>>
    %dma_wait3A_150 = arith.constant 0 : i32
    %dma_wait3A_151 = arith.constant 0 : i32
    %dma_wait3A_152 = tpu.memref_slice %arg6[%dma_wait3A_150, %dma_wait3A_151] : memref<10240x128xf32, #tpu.memory_space<vmem_shared>> -> memref<10240x128xf32, #tpu.memory_space<vmem_shared>>
    tpu.wait_indirect_dma semaphore(%arg14 : memref<!tpu.dma_semaphore, #tpu.memory_space<semaphore_mem>>) src(%dma_wait3A_149 : memref<16x128xf32, #tpu.memory_space<vmem>>) dst(%dma_wait3A_152 : memref<10240x128xf32, #tpu.memory_space<vmem_shared>>)
    %mul3A_153 = arith.constant 64 : i32
    %mul3A_154 = arith.muli %add3A_126, %mul3A_153 : i32
    %add3A_155 = arith.constant 32 : i32
    %add3A_156 = arith.addi %mul3A_154, %add3A_155 : i32
    %get3A_157 = arith.index_cast %add3A_156 : i32 to index
    %get3A_158 = tpu.vector_load %arg8[%get3A_157] {strides = array<i32>} : memref<14336xi32, #tpu.memory_space<vmem>>, vector<16xi32>,
    %get3A_159 = vector.shape_cast %get3A_158 : vector<16xi32> to vector<16xi32>
    %dma_wait3A_160 = arith.constant 32 : i32
    %dma_wait3A_161 = arith.constant 0 : i32
    %dma_wait3A_162 = tpu.memref_slice %arg10[%dma_wait3A_160, %dma_wait3A_161] : memref<64x128xf32, #tpu.memory_space<vmem>> -> memref<16x128xf32, #tpu.memory_space<vmem>>
    %dma_wait3A_163 = arith.constant 0 : i32
    %dma_wait3A_164 = arith.constant 0 : i32
    %dma_wait3A_165 = tpu.memref_slice %arg6[%dma_wait3A_163, %dma_wait3A_164] : memref<10240x128xf32, #tpu.memory_space<vmem_shared>> -> memref<10240x128xf32, #tpu.memory_space<vmem_shared>>
    tpu.wait_indirect_dma semaphore(%arg14 : memref<!tpu.dma_semaphore, #tpu.memory_space<semaphore_mem>>) src(%dma_wait3A_162 : memref<16x128xf32, #tpu.memory_space<vmem>>) dst(%dma_wait3A_165 : memref<10240x128xf32, #tpu.memory_space<vmem_shared>>)
    %mul3A_166 = arith.constant 64 : i32
    %mul3A_167 = arith.muli %add3A_126, %mul3A_166 : i32
    %add3A_168 = arith.constant 48 : i32
    %add3A_169 = arith.addi %mul3A_167, %add3A_168 : i32
    %get3A_170 = arith.index_cast %add3A_169 : i32 to index
    %get3A_171 = tpu.vector_load %arg8[%get3A_170] {strides = array<i32>} : memref<14336xi32, #tpu.memory_space<vmem>>, vector<16xi32>,
    %get3A_172 = vector.shape_cast %get3A_171 : vector<16xi32> to vector<16xi32>
    %dma_wait3A_173 = arith.constant 48 : i32
    %dma_wait3A_174 = arith.constant 0 : i32
    %dma_wait3A_175 = tpu.memref_slice %arg10[%dma_wait3A_173, %dma_wait3A_174] : memref<64x128xf32, #tpu.memory_space<vmem>> -> memref<16x128xf32, #tpu.memory_space<vmem>>
    %dma_wait3A_176 = arith.constant 0 : i32
    %dma_wait3A_177 = arith.constant 0 : i32
    %dma_wait3A_178 = tpu.memref_slice %arg6[%dma_wait3A_176, %dma_wait3A_177] : memref<10240x128xf32, #tpu.memory_space<vmem_shared>> -> memref<10240x128xf32, #tpu.memory_space<vmem_shared>>
    tpu.wait_indirect_dma semaphore(%arg14 : memref<!tpu.dma_semaphore, #tpu.memory_space<semaphore_mem>>) src(%dma_wait3A_175 : memref<16x128xf32, #tpu.memory_space<vmem>>) dst(%dma_wait3A_178 : memref<10240x128xf32, #tpu.memory_space<vmem_shared>>)
    %barrier3A_179 = arith.constant 0 : index
    tpu.barrier barrier_id(%barrier3A_179)
    %mul3A_180 = arith.constant 640 : i32
    %mul3A_181 = arith.muli %arg1, %mul3A_180 : i32
    %mul3A_182 = arith.constant 10240 : i32
    %mul3A_183 = arith.muli %arg0, %mul3A_182 : i32
    %add3A_184 = arith.addi %mul3A_183, %mul3A_181 : i32
    "tpu.region"() ({
      %run_scoped3A = tpu.sem_alloc : memref<!tpu.dma_semaphore, #tpu.memory_space<semaphore_mem>>
      %dma_start3A = arith.constant 0 : i32
      %dma_start3A_185 = tpu.memref_slice %arg5[%add3A_184, %dma_start3A] : memref<20480x128xf32, #tpu.memory_space<hbm>> -> memref<640x128xf32, #tpu.memory_space<hbm>>
      %dma_start3A_186 = arith.constant 0 : i32
      %dma_start3A_187 = tpu.memref_slice %arg6[%mul3A_181, %dma_start3A_186] : memref<10240x128xf32, #tpu.memory_space<vmem_shared>> -> memref<640x128xf32, #tpu.memory_space<vmem_shared>>
      tpu.enqueue_dma source(%dma_start3A_187 : memref<640x128xf32, #tpu.memory_space<vmem_shared>>) target(%dma_start3A_185 : memref<640x128xf32, #tpu.memory_space<hbm>>) target_semaphore(%run_scoped3A : memref<!tpu.dma_semaphore, #tpu.memory_space<semaphore_mem>>)
      %dma_wait3A_188 = arith.constant 0 : i32
      %dma_wait3A_189 = tpu.memref_slice %arg5[%add3A_184, %dma_wait3A_188] : memref<20480x128xf32, #tpu.memory_space<hbm>> -> memref<640x128xf32, #tpu.memory_space<hbm>>
      %dma_wait3A_190 = arith.constant 0 : i32
      %dma_wait3A_191 = tpu.memref_slice %arg6[%mul3A_181, %dma_wait3A_190] : memref<10240x128xf32, #tpu.memory_space<vmem_shared>> -> memref<640x128xf32, #tpu.memory_space<vmem_shared>>
      tpu.wait_dma2 semaphore(%run_scoped3A : memref<!tpu.dma_semaphore, #tpu.memory_space<semaphore_mem>>) src(%dma_wait3A_191 : memref<640x128xf32, #tpu.memory_space<vmem_shared>>) dst(%dma_wait3A_189 : memref<640x128xf32, #tpu.memory_space<hbm>>)
      tpu.yield
    }) : () -> ()
    return
  }
}

#map = affine_map<(d0, d1) -> (0)>
#map1 = affine_map<(d0, d1) -> (0, 0)>
module attributes {stable_mosaic.version = 14 : i64} {
  func.func @_deg_body(%arg0: i32, %arg1: i32, %arg2: memref<327680xi32, #tpu.memory_space<hbm>>, %arg3: memref<20480x16xf32, #tpu.memory_space<hbm>>, %arg4: memref<10240x16xf32, #tpu.memory_space<vmem_shared>>, %arg5: memref<10240xi32, #tpu.memory_space<vmem>>, %arg6: memref<16x16xf32, #tpu.memory_space<vmem>>, %arg7: memref<64x16xf32, #tpu.memory_space<vmem>>) attributes {dimension_semantics = [#tpu.dimension_semantics<core_parallel>, #tpu.dimension_semantics<subcore_parallel>], iteration_bounds = array<i64: 2, 16>, scalar_prefetch = 0 : i64, scratch_operands = 4 : i64, tpu.core_type = #tpu.core_type<sc_vector_subcore>, window_params = [{transform_indices = #map}, {transform_indices = #map1}]} {
    %mul3A = arith.constant 2 : i32
    %mul3A_0 = arith.muli %arg1, %mul3A : i32
    %add3A = arith.addi %mul3A_0, %arg0 : i32
    %broadcast_in_dim3A = arith.constant 1.000000e+00 : f32
    %broadcast_in_dim3A_1 = vector.broadcast %broadcast_in_dim3A : f32 to vector<16xf32>
    %scan3A = arith.constant 0 : i32
    %scan3A_2 = arith.constant 16 : i32
    %scan3A_3 = arith.addi %scan3A, %scan3A_2 : i32
    %scan3A_4 = arith.constant 1 : i32
    scf.for %scan3A_66 = %scan3A to %scan3A_3 step %scan3A_4  : i32 {
      %mul3A_67 = arith.constant 1 : i32
      %mul3A_68 = arith.muli %scan3A_66, %mul3A_67 : i32
      %add3A_69 = arith.constant 0 : i32
      %add3A_70 = arith.addi %add3A_69, %mul3A_68 : i32
      %swap3A = arith.index_cast %add3A_70 : i32 to index
      %swap3A_71 = arith.constant 0 : index
      %swap3A_72 = tpu.vector_load %arg6[%swap3A, %swap3A_71] {strides = array<i32>} : memref<16x16xf32, #tpu.memory_space<vmem>>, vector<1x16xf32>,
      %swap3A_73 = vector.shape_cast %swap3A_72 : vector<1x16xf32> to vector<16xf32>
      %swap3A_74 = vector.shape_cast %broadcast_in_dim3A_1 : vector<16xf32> to vector<1x16xf32>
      tpu.vector_store %arg6[%swap3A, %swap3A_71], %swap3A_74 {strides = array<i32>} : memref<16x16xf32, #tpu.memory_space<vmem>>, vector<1x16xf32>,
    }
    %scan3A_5 = arith.constant 16 : i32
    %broadcast_in_dim3A_6 = arith.constant 0.000000e+00 : f32
    %broadcast_in_dim3A_7 = vector.broadcast %broadcast_in_dim3A_6 : f32 to vector<16xf32>
    %scan3A_8 = arith.constant 0 : i32
    %scan3A_9 = arith.constant 64 : i32
    %scan3A_10 = arith.addi %scan3A_8, %scan3A_9 : i32
    %scan3A_11 = arith.constant 1 : i32
    scf.for %scan3A_66 = %scan3A_8 to %scan3A_10 step %scan3A_11  : i32 {
      %mul3A_67 = arith.constant 1 : i32
      %mul3A_68 = arith.muli %scan3A_66, %mul3A_67 : i32
      %add3A_69 = arith.constant 0 : i32
      %add3A_70 = arith.addi %add3A_69, %mul3A_68 : i32
      %swap3A = arith.index_cast %add3A_70 : i32 to index
      %swap3A_71 = arith.constant 0 : index
      %swap3A_72 = tpu.vector_load %arg7[%swap3A, %swap3A_71] {strides = array<i32>} : memref<64x16xf32, #tpu.memory_space<vmem>>, vector<1x16xf32>,
      %swap3A_73 = vector.shape_cast %swap3A_72 : vector<1x16xf32> to vector<16xf32>
      %swap3A_74 = vector.shape_cast %broadcast_in_dim3A_7 : vector<16xf32> to vector<1x16xf32>
      tpu.vector_store %arg7[%swap3A, %swap3A_71], %swap3A_74 {strides = array<i32>} : memref<64x16xf32, #tpu.memory_space<vmem>>, vector<1x16xf32>,
    }
    %scan3A_12 = arith.constant 64 : i32
    %mul3A_13 = arith.constant 640 : i32
    %mul3A_14 = arith.muli %arg1, %mul3A_13 : i32
    %add3A_15 = arith.constant 0 : i32
    %add3A_16 = arith.addi %mul3A_14, %add3A_15 : i32
    "tpu.region"() ({
      %run_scoped3A = tpu.sem_alloc : memref<!tpu.dma_semaphore, #tpu.memory_space<semaphore_mem>>
      %dma_start3A = arith.constant 0 : i32
      %dma_start3A_66 = tpu.memref_slice %arg4[%add3A_16, %dma_start3A] : memref<10240x16xf32, #tpu.memory_space<vmem_shared>> -> memref<64x16xf32, #tpu.memory_space<vmem_shared>>
      %dma_start3A_67 = arith.constant 0 : i32
      %dma_start3A_68 = tpu.memref_slice %arg4[%add3A_16, %dma_start3A_67] : memref<10240x16xf32, #tpu.memory_space<vmem_shared>> -> memref<64x16xf32, #tpu.memory_space<vmem_shared>>
      tpu.enqueue_dma source(%arg7 : memref<64x16xf32, #tpu.memory_space<vmem>>) target(%dma_start3A_68 : memref<64x16xf32, #tpu.memory_space<vmem_shared>>) target_semaphore(%run_scoped3A : memref<!tpu.dma_semaphore, #tpu.memory_space<semaphore_mem>>)
      %dma_wait3A = arith.constant 0 : i32
      %dma_wait3A_69 = tpu.memref_slice %arg4[%add3A_16, %dma_wait3A] : memref<10240x16xf32, #tpu.memory_space<vmem_shared>> -> memref<64x16xf32, #tpu.memory_space<vmem_shared>>
      %dma_wait3A_70 = arith.constant 0 : i32
      %dma_wait3A_71 = tpu.memref_slice %arg4[%add3A_16, %dma_wait3A_70] : memref<10240x16xf32, #tpu.memory_space<vmem_shared>> -> memref<64x16xf32, #tpu.memory_space<vmem_shared>>
      tpu.wait_dma2 semaphore(%run_scoped3A : memref<!tpu.dma_semaphore, #tpu.memory_space<semaphore_mem>>) src(%arg7 : memref<64x16xf32, #tpu.memory_space<vmem>>) dst(%dma_wait3A_71 : memref<64x16xf32, #tpu.memory_space<vmem_shared>>)
      tpu.yield
    }) : () -> ()
    %mul3A_17 = arith.constant 640 : i32
    %mul3A_18 = arith.muli %arg1, %mul3A_17 : i32
    %add3A_19 = arith.constant 64 : i32
    %add3A_20 = arith.addi %mul3A_18, %add3A_19 : i32
    "tpu.region"() ({
      %run_scoped3A = tpu.sem_alloc : memref<!tpu.dma_semaphore, #tpu.memory_space<semaphore_mem>>
      %dma_start3A = arith.constant 0 : i32
      %dma_start3A_66 = tpu.memref_slice %arg4[%add3A_20, %dma_start3A] : memref<10240x16xf32, #tpu.memory_space<vmem_shared>> -> memref<64x16xf32, #tpu.memory_space<vmem_shared>>
      %dma_start3A_67 = arith.constant 0 : i32
      %dma_start3A_68 = tpu.memref_slice %arg4[%add3A_20, %dma_start3A_67] : memref<10240x16xf32, #tpu.memory_space<vmem_shared>> -> memref<64x16xf32, #tpu.memory_space<vmem_shared>>
      tpu.enqueue_dma source(%arg7 : memref<64x16xf32, #tpu.memory_space<vmem>>) target(%dma_start3A_68 : memref<64x16xf32, #tpu.memory_space<vmem_shared>>) target_semaphore(%run_scoped3A : memref<!tpu.dma_semaphore, #tpu.memory_space<semaphore_mem>>)
      %dma_wait3A = arith.constant 0 : i32
      %dma_wait3A_69 = tpu.memref_slice %arg4[%add3A_20, %dma_wait3A] : memref<10240x16xf32, #tpu.memory_space<vmem_shared>> -> memref<64x16xf32, #tpu.memory_space<vmem_shared>>
      %dma_wait3A_70 = arith.constant 0 : i32
      %dma_wait3A_71 = tpu.memref_slice %arg4[%add3A_20, %dma_wait3A_70] : memref<10240x16xf32, #tpu.memory_space<vmem_shared>> -> memref<64x16xf32, #tpu.memory_space<vmem_shared>>
      tpu.wait_dma2 semaphore(%run_scoped3A : memref<!tpu.dma_semaphore, #tpu.memory_space<semaphore_mem>>) src(%arg7 : memref<64x16xf32, #tpu.memory_space<vmem>>) dst(%dma_wait3A_71 : memref<64x16xf32, #tpu.memory_space<vmem_shared>>)
      tpu.yield
    }) : () -> ()
    %mul3A_21 = arith.constant 640 : i32
    %mul3A_22 = arith.muli %arg1, %mul3A_21 : i32
    %add3A_23 = arith.constant 128 : i32
    %add3A_24 = arith.addi %mul3A_22, %add3A_23 : i32
    "tpu.region"() ({
      %run_scoped3A = tpu.sem_alloc : memref<!tpu.dma_semaphore, #tpu.memory_space<semaphore_mem>>
      %dma_start3A = arith.constant 0 : i32
      %dma_start3A_66 = tpu.memref_slice %arg4[%add3A_24, %dma_start3A] : memref<10240x16xf32, #tpu.memory_space<vmem_shared>> -> memref<64x16xf32, #tpu.memory_space<vmem_shared>>
      %dma_start3A_67 = arith.constant 0 : i32
      %dma_start3A_68 = tpu.memref_slice %arg4[%add3A_24, %dma_start3A_67] : memref<10240x16xf32, #tpu.memory_space<vmem_shared>> -> memref<64x16xf32, #tpu.memory_space<vmem_shared>>
      tpu.enqueue_dma source(%arg7 : memref<64x16xf32, #tpu.memory_space<vmem>>) target(%dma_start3A_68 : memref<64x16xf32, #tpu.memory_space<vmem_shared>>) target_semaphore(%run_scoped3A : memref<!tpu.dma_semaphore, #tpu.memory_space<semaphore_mem>>)
      %dma_wait3A = arith.constant 0 : i32
      %dma_wait3A_69 = tpu.memref_slice %arg4[%add3A_24, %dma_wait3A] : memref<10240x16xf32, #tpu.memory_space<vmem_shared>> -> memref<64x16xf32, #tpu.memory_space<vmem_shared>>
      %dma_wait3A_70 = arith.constant 0 : i32
      %dma_wait3A_71 = tpu.memref_slice %arg4[%add3A_24, %dma_wait3A_70] : memref<10240x16xf32, #tpu.memory_space<vmem_shared>> -> memref<64x16xf32, #tpu.memory_space<vmem_shared>>
      tpu.wait_dma2 semaphore(%run_scoped3A : memref<!tpu.dma_semaphore, #tpu.memory_space<semaphore_mem>>) src(%arg7 : memref<64x16xf32, #tpu.memory_space<vmem>>) dst(%dma_wait3A_71 : memref<64x16xf32, #tpu.memory_space<vmem_shared>>)
      tpu.yield
    }) : () -> ()
    %mul3A_25 = arith.constant 640 : i32
    %mul3A_26 = arith.muli %arg1, %mul3A_25 : i32
    %add3A_27 = arith.constant 192 : i32
    %add3A_28 = arith.addi %mul3A_26, %add3A_27 : i32
    "tpu.region"() ({
      %run_scoped3A = tpu.sem_alloc : memref<!tpu.dma_semaphore, #tpu.memory_space<semaphore_mem>>
      %dma_start3A = arith.constant 0 : i32
      %dma_start3A_66 = tpu.memref_slice %arg4[%add3A_28, %dma_start3A] : memref<10240x16xf32, #tpu.memory_space<vmem_shared>> -> memref<64x16xf32, #tpu.memory_space<vmem_shared>>
      %dma_start3A_67 = arith.constant 0 : i32
      %dma_start3A_68 = tpu.memref_slice %arg4[%add3A_28, %dma_start3A_67] : memref<10240x16xf32, #tpu.memory_space<vmem_shared>> -> memref<64x16xf32, #tpu.memory_space<vmem_shared>>
      tpu.enqueue_dma source(%arg7 : memref<64x16xf32, #tpu.memory_space<vmem>>) target(%dma_start3A_68 : memref<64x16xf32, #tpu.memory_space<vmem_shared>>) target_semaphore(%run_scoped3A : memref<!tpu.dma_semaphore, #tpu.memory_space<semaphore_mem>>)
      %dma_wait3A = arith.constant 0 : i32
      %dma_wait3A_69 = tpu.memref_slice %arg4[%add3A_28, %dma_wait3A] : memref<10240x16xf32, #tpu.memory_space<vmem_shared>> -> memref<64x16xf32, #tpu.memory_space<vmem_shared>>
      %dma_wait3A_70 = arith.constant 0 : i32
      %dma_wait3A_71 = tpu.memref_slice %arg4[%add3A_28, %dma_wait3A_70] : memref<10240x16xf32, #tpu.memory_space<vmem_shared>> -> memref<64x16xf32, #tpu.memory_space<vmem_shared>>
      tpu.wait_dma2 semaphore(%run_scoped3A : memref<!tpu.dma_semaphore, #tpu.memory_space<semaphore_mem>>) src(%arg7 : memref<64x16xf32, #tpu.memory_space<vmem>>) dst(%dma_wait3A_71 : memref<64x16xf32, #tpu.memory_space<vmem_shared>>)
      tpu.yield
    }) : () -> ()
    %mul3A_29 = arith.constant 640 : i32
    %mul3A_30 = arith.muli %arg1, %mul3A_29 : i32
    %add3A_31 = arith.constant 256 : i32
    %add3A_32 = arith.addi %mul3A_30, %add3A_31 : i32
    "tpu.region"() ({
      %run_scoped3A = tpu.sem_alloc : memref<!tpu.dma_semaphore, #tpu.memory_space<semaphore_mem>>
      %dma_start3A = arith.constant 0 : i32
      %dma_start3A_66 = tpu.memref_slice %arg4[%add3A_32, %dma_start3A] : memref<10240x16xf32, #tpu.memory_space<vmem_shared>> -> memref<64x16xf32, #tpu.memory_space<vmem_shared>>
      %dma_start3A_67 = arith.constant 0 : i32
      %dma_start3A_68 = tpu.memref_slice %arg4[%add3A_32, %dma_start3A_67] : memref<10240x16xf32, #tpu.memory_space<vmem_shared>> -> memref<64x16xf32, #tpu.memory_space<vmem_shared>>
      tpu.enqueue_dma source(%arg7 : memref<64x16xf32, #tpu.memory_space<vmem>>) target(%dma_start3A_68 : memref<64x16xf32, #tpu.memory_space<vmem_shared>>) target_semaphore(%run_scoped3A : memref<!tpu.dma_semaphore, #tpu.memory_space<semaphore_mem>>)
      %dma_wait3A = arith.constant 0 : i32
      %dma_wait3A_69 = tpu.memref_slice %arg4[%add3A_32, %dma_wait3A] : memref<10240x16xf32, #tpu.memory_space<vmem_shared>> -> memref<64x16xf32, #tpu.memory_space<vmem_shared>>
      %dma_wait3A_70 = arith.constant 0 : i32
      %dma_wait3A_71 = tpu.memref_slice %arg4[%add3A_32, %dma_wait3A_70] : memref<10240x16xf32, #tpu.memory_space<vmem_shared>> -> memref<64x16xf32, #tpu.memory_space<vmem_shared>>
      tpu.wait_dma2 semaphore(%run_scoped3A : memref<!tpu.dma_semaphore, #tpu.memory_space<semaphore_mem>>) src(%arg7 : memref<64x16xf32, #tpu.memory_space<vmem>>) dst(%dma_wait3A_71 : memref<64x16xf32, #tpu.memory_space<vmem_shared>>)
      tpu.yield
    }) : () -> ()
    %mul3A_33 = arith.constant 640 : i32
    %mul3A_34 = arith.muli %arg1, %mul3A_33 : i32
    %add3A_35 = arith.constant 320 : i32
    %add3A_36 = arith.addi %mul3A_34, %add3A_35 : i32
    "tpu.region"() ({
      %run_scoped3A = tpu.sem_alloc : memref<!tpu.dma_semaphore, #tpu.memory_space<semaphore_mem>>
      %dma_start3A = arith.constant 0 : i32
      %dma_start3A_66 = tpu.memref_slice %arg4[%add3A_36, %dma_start3A] : memref<10240x16xf32, #tpu.memory_space<vmem_shared>> -> memref<64x16xf32, #tpu.memory_space<vmem_shared>>
      %dma_start3A_67 = arith.constant 0 : i32
      %dma_start3A_68 = tpu.memref_slice %arg4[%add3A_36, %dma_start3A_67] : memref<10240x16xf32, #tpu.memory_space<vmem_shared>> -> memref<64x16xf32, #tpu.memory_space<vmem_shared>>
      tpu.enqueue_dma source(%arg7 : memref<64x16xf32, #tpu.memory_space<vmem>>) target(%dma_start3A_68 : memref<64x16xf32, #tpu.memory_space<vmem_shared>>) target_semaphore(%run_scoped3A : memref<!tpu.dma_semaphore, #tpu.memory_space<semaphore_mem>>)
      %dma_wait3A = arith.constant 0 : i32
      %dma_wait3A_69 = tpu.memref_slice %arg4[%add3A_36, %dma_wait3A] : memref<10240x16xf32, #tpu.memory_space<vmem_shared>> -> memref<64x16xf32, #tpu.memory_space<vmem_shared>>
      %dma_wait3A_70 = arith.constant 0 : i32
      %dma_wait3A_71 = tpu.memref_slice %arg4[%add3A_36, %dma_wait3A_70] : memref<10240x16xf32, #tpu.memory_space<vmem_shared>> -> memref<64x16xf32, #tpu.memory_space<vmem_shared>>
      tpu.wait_dma2 semaphore(%run_scoped3A : memref<!tpu.dma_semaphore, #tpu.memory_space<semaphore_mem>>) src(%arg7 : memref<64x16xf32, #tpu.memory_space<vmem>>) dst(%dma_wait3A_71 : memref<64x16xf32, #tpu.memory_space<vmem_shared>>)
      tpu.yield
    }) : () -> ()
    %mul3A_37 = arith.constant 640 : i32
    %mul3A_38 = arith.muli %arg1, %mul3A_37 : i32
    %add3A_39 = arith.constant 384 : i32
    %add3A_40 = arith.addi %mul3A_38, %add3A_39 : i32
    "tpu.region"() ({
      %run_scoped3A = tpu.sem_alloc : memref<!tpu.dma_semaphore, #tpu.memory_space<semaphore_mem>>
      %dma_start3A = arith.constant 0 : i32
      %dma_start3A_66 = tpu.memref_slice %arg4[%add3A_40, %dma_start3A] : memref<10240x16xf32, #tpu.memory_space<vmem_shared>> -> memref<64x16xf32, #tpu.memory_space<vmem_shared>>
      %dma_start3A_67 = arith.constant 0 : i32
      %dma_start3A_68 = tpu.memref_slice %arg4[%add3A_40, %dma_start3A_67] : memref<10240x16xf32, #tpu.memory_space<vmem_shared>> -> memref<64x16xf32, #tpu.memory_space<vmem_shared>>
      tpu.enqueue_dma source(%arg7 : memref<64x16xf32, #tpu.memory_space<vmem>>) target(%dma_start3A_68 : memref<64x16xf32, #tpu.memory_space<vmem_shared>>) target_semaphore(%run_scoped3A : memref<!tpu.dma_semaphore, #tpu.memory_space<semaphore_mem>>)
      %dma_wait3A = arith.constant 0 : i32
      %dma_wait3A_69 = tpu.memref_slice %arg4[%add3A_40, %dma_wait3A] : memref<10240x16xf32, #tpu.memory_space<vmem_shared>> -> memref<64x16xf32, #tpu.memory_space<vmem_shared>>
      %dma_wait3A_70 = arith.constant 0 : i32
      %dma_wait3A_71 = tpu.memref_slice %arg4[%add3A_40, %dma_wait3A_70] : memref<10240x16xf32, #tpu.memory_space<vmem_shared>> -> memref<64x16xf32, #tpu.memory_space<vmem_shared>>
      tpu.wait_dma2 semaphore(%run_scoped3A : memref<!tpu.dma_semaphore, #tpu.memory_space<semaphore_mem>>) src(%arg7 : memref<64x16xf32, #tpu.memory_space<vmem>>) dst(%dma_wait3A_71 : memref<64x16xf32, #tpu.memory_space<vmem_shared>>)
      tpu.yield
    }) : () -> ()
    %mul3A_41 = arith.constant 640 : i32
    %mul3A_42 = arith.muli %arg1, %mul3A_41 : i32
    %add3A_43 = arith.constant 448 : i32
    %add3A_44 = arith.addi %mul3A_42, %add3A_43 : i32
    "tpu.region"() ({
      %run_scoped3A = tpu.sem_alloc : memref<!tpu.dma_semaphore, #tpu.memory_space<semaphore_mem>>
      %dma_start3A = arith.constant 0 : i32
      %dma_start3A_66 = tpu.memref_slice %arg4[%add3A_44, %dma_start3A] : memref<10240x16xf32, #tpu.memory_space<vmem_shared>> -> memref<64x16xf32, #tpu.memory_space<vmem_shared>>
      %dma_start3A_67 = arith.constant 0 : i32
      %dma_start3A_68 = tpu.memref_slice %arg4[%add3A_44, %dma_start3A_67] : memref<10240x16xf32, #tpu.memory_space<vmem_shared>> -> memref<64x16xf32, #tpu.memory_space<vmem_shared>>
      tpu.enqueue_dma source(%arg7 : memref<64x16xf32, #tpu.memory_space<vmem>>) target(%dma_start3A_68 : memref<64x16xf32, #tpu.memory_space<vmem_shared>>) target_semaphore(%run_scoped3A : memref<!tpu.dma_semaphore, #tpu.memory_space<semaphore_mem>>)
      %dma_wait3A = arith.constant 0 : i32
      %dma_wait3A_69 = tpu.memref_slice %arg4[%add3A_44, %dma_wait3A] : memref<10240x16xf32, #tpu.memory_space<vmem_shared>> -> memref<64x16xf32, #tpu.memory_space<vmem_shared>>
      %dma_wait3A_70 = arith.constant 0 : i32
      %dma_wait3A_71 = tpu.memref_slice %arg4[%add3A_44, %dma_wait3A_70] : memref<10240x16xf32, #tpu.memory_space<vmem_shared>> -> memref<64x16xf32, #tpu.memory_space<vmem_shared>>
      tpu.wait_dma2 semaphore(%run_scoped3A : memref<!tpu.dma_semaphore, #tpu.memory_space<semaphore_mem>>) src(%arg7 : memref<64x16xf32, #tpu.memory_space<vmem>>) dst(%dma_wait3A_71 : memref<64x16xf32, #tpu.memory_space<vmem_shared>>)
      tpu.yield
    }) : () -> ()
    %mul3A_45 = arith.constant 640 : i32
    %mul3A_46 = arith.muli %arg1, %mul3A_45 : i32
    %add3A_47 = arith.constant 512 : i32
    %add3A_48 = arith.addi %mul3A_46, %add3A_47 : i32
    "tpu.region"() ({
      %run_scoped3A = tpu.sem_alloc : memref<!tpu.dma_semaphore, #tpu.memory_space<semaphore_mem>>
      %dma_start3A = arith.constant 0 : i32
      %dma_start3A_66 = tpu.memref_slice %arg4[%add3A_48, %dma_start3A] : memref<10240x16xf32, #tpu.memory_space<vmem_shared>> -> memref<64x16xf32, #tpu.memory_space<vmem_shared>>
      %dma_start3A_67 = arith.constant 0 : i32
      %dma_start3A_68 = tpu.memref_slice %arg4[%add3A_48, %dma_start3A_67] : memref<10240x16xf32, #tpu.memory_space<vmem_shared>> -> memref<64x16xf32, #tpu.memory_space<vmem_shared>>
      tpu.enqueue_dma source(%arg7 : memref<64x16xf32, #tpu.memory_space<vmem>>) target(%dma_start3A_68 : memref<64x16xf32, #tpu.memory_space<vmem_shared>>) target_semaphore(%run_scoped3A : memref<!tpu.dma_semaphore, #tpu.memory_space<semaphore_mem>>)
      %dma_wait3A = arith.constant 0 : i32
      %dma_wait3A_69 = tpu.memref_slice %arg4[%add3A_48, %dma_wait3A] : memref<10240x16xf32, #tpu.memory_space<vmem_shared>> -> memref<64x16xf32, #tpu.memory_space<vmem_shared>>
      %dma_wait3A_70 = arith.constant 0 : i32
      %dma_wait3A_71 = tpu.memref_slice %arg4[%add3A_48, %dma_wait3A_70] : memref<10240x16xf32, #tpu.memory_space<vmem_shared>> -> memref<64x16xf32, #tpu.memory_space<vmem_shared>>
      tpu.wait_dma2 semaphore(%run_scoped3A : memref<!tpu.dma_semaphore, #tpu.memory_space<semaphore_mem>>) src(%arg7 : memref<64x16xf32, #tpu.memory_space<vmem>>) dst(%dma_wait3A_71 : memref<64x16xf32, #tpu.memory_space<vmem_shared>>)
      tpu.yield
    }) : () -> ()
    %mul3A_49 = arith.constant 640 : i32
    %mul3A_50 = arith.muli %arg1, %mul3A_49 : i32
    %add3A_51 = arith.constant 576 : i32
    %add3A_52 = arith.addi %mul3A_50, %add3A_51 : i32
    "tpu.region"() ({
      %run_scoped3A = tpu.sem_alloc : memref<!tpu.dma_semaphore, #tpu.memory_space<semaphore_mem>>
      %dma_start3A = arith.constant 0 : i32
      %dma_start3A_66 = tpu.memref_slice %arg4[%add3A_52, %dma_start3A] : memref<10240x16xf32, #tpu.memory_space<vmem_shared>> -> memref<64x16xf32, #tpu.memory_space<vmem_shared>>
      %dma_start3A_67 = arith.constant 0 : i32
      %dma_start3A_68 = tpu.memref_slice %arg4[%add3A_52, %dma_start3A_67] : memref<10240x16xf32, #tpu.memory_space<vmem_shared>> -> memref<64x16xf32, #tpu.memory_space<vmem_shared>>
      tpu.enqueue_dma source(%arg7 : memref<64x16xf32, #tpu.memory_space<vmem>>) target(%dma_start3A_68 : memref<64x16xf32, #tpu.memory_space<vmem_shared>>) target_semaphore(%run_scoped3A : memref<!tpu.dma_semaphore, #tpu.memory_space<semaphore_mem>>)
      %dma_wait3A = arith.constant 0 : i32
      %dma_wait3A_69 = tpu.memref_slice %arg4[%add3A_52, %dma_wait3A] : memref<10240x16xf32, #tpu.memory_space<vmem_shared>> -> memref<64x16xf32, #tpu.memory_space<vmem_shared>>
      %dma_wait3A_70 = arith.constant 0 : i32
      %dma_wait3A_71 = tpu.memref_slice %arg4[%add3A_52, %dma_wait3A_70] : memref<10240x16xf32, #tpu.memory_space<vmem_shared>> -> memref<64x16xf32, #tpu.memory_space<vmem_shared>>
      tpu.wait_dma2 semaphore(%run_scoped3A : memref<!tpu.dma_semaphore, #tpu.memory_space<semaphore_mem>>) src(%arg7 : memref<64x16xf32, #tpu.memory_space<vmem>>) dst(%dma_wait3A_71 : memref<64x16xf32, #tpu.memory_space<vmem_shared>>)
      tpu.yield
    }) : () -> ()
    %mul3A_53 = arith.constant 10240 : i32
    %mul3A_54 = arith.muli %add3A, %mul3A_53 : i32
    "tpu.region"() ({
      %run_scoped3A = tpu.sem_alloc : memref<!tpu.dma_semaphore, #tpu.memory_space<semaphore_mem>>
      %dma_start3A = tpu.memref_slice %arg2[%mul3A_54] : memref<327680xi32, #tpu.memory_space<hbm>> -> memref<10240xi32, #tpu.memory_space<hbm>>
      %dma_start3A_66 = tpu.memref_slice %arg2[%mul3A_54] : memref<327680xi32, #tpu.memory_space<hbm>> -> memref<10240xi32, #tpu.memory_space<hbm>>
      tpu.enqueue_dma source(%dma_start3A_66 : memref<10240xi32, #tpu.memory_space<hbm>>) target(%arg5 : memref<10240xi32, #tpu.memory_space<vmem>>) target_semaphore(%run_scoped3A : memref<!tpu.dma_semaphore, #tpu.memory_space<semaphore_mem>>)
      %dma_wait3A = tpu.memref_slice %arg2[%mul3A_54] : memref<327680xi32, #tpu.memory_space<hbm>> -> memref<10240xi32, #tpu.memory_space<hbm>>
      %dma_wait3A_67 = tpu.memref_slice %arg2[%mul3A_54] : memref<327680xi32, #tpu.memory_space<hbm>> -> memref<10240xi32, #tpu.memory_space<hbm>>
      tpu.wait_dma2 semaphore(%run_scoped3A : memref<!tpu.dma_semaphore, #tpu.memory_space<semaphore_mem>>) src(%dma_wait3A_67 : memref<10240xi32, #tpu.memory_space<hbm>>) dst(%arg5 : memref<10240xi32, #tpu.memory_space<vmem>>)
      tpu.yield
    }) : () -> ()
    %barrier3A = arith.constant 0 : index
    tpu.barrier barrier_id(%barrier3A)
    %scan3A_55 = arith.constant 0 : i32
    %scan3A_56 = arith.constant 640 : i32
    %scan3A_57 = arith.addi %scan3A_55, %scan3A_56 : i32
    %scan3A_58 = arith.constant 1 : i32
    scf.for %scan3A_66 = %scan3A_55 to %scan3A_57 step %scan3A_58  : i32 {
      %mul3A_67 = arith.constant 1 : i32
      %mul3A_68 = arith.muli %scan3A_66, %mul3A_67 : i32
      %add3A_69 = arith.constant 0 : i32
      %add3A_70 = arith.addi %add3A_69, %mul3A_68 : i32
      %mul3A_71 = arith.constant 16 : i32
      %mul3A_72 = arith.muli %add3A_70, %mul3A_71 : i32
      %get3A = arith.index_cast %mul3A_72 : i32 to index
      %get3A_73 = tpu.vector_load %arg5[%get3A] {strides = array<i32>} : memref<10240xi32, #tpu.memory_space<vmem>>, vector<16xi32>,
      %get3A_74 = vector.shape_cast %get3A_73 : vector<16xi32> to vector<16xi32>
      "tpu.region"() ({
        %run_scoped3A = tpu.sem_alloc : memref<!tpu.dma_semaphore, #tpu.memory_space<semaphore_mem>>
        %dma_start3A = arith.constant 0 : i32
        %dma_start3A_75 = arith.constant 0 : i32
        %dma_start3A_76 = tpu.memref_slice %arg4[%dma_start3A, %dma_start3A_75] : memref<10240x16xf32, #tpu.memory_space<vmem_shared>> -> memref<10240x16xf32, #tpu.memory_space<vmem_shared>>
        tpu.enqueue_indirect_dma source(%arg6 : memref<16x16xf32, #tpu.memory_space<vmem>>) target(%dma_start3A_76 : memref<10240x16xf32, #tpu.memory_space<vmem_shared>>) offsets(%get3A_74 : vector<16xi32>) semaphore(%run_scoped3A : memref<!tpu.dma_semaphore, #tpu.memory_space<semaphore_mem>>) {add = true}
        %dma_wait3A = arith.constant 0 : i32
        %dma_wait3A_77 = arith.constant 0 : i32
        %dma_wait3A_78 = tpu.memref_slice %arg4[%dma_wait3A, %dma_wait3A_77] : memref<10240x16xf32, #tpu.memory_space<vmem_shared>> -> memref<10240x16xf32, #tpu.memory_space<vmem_shared>>
        tpu.wait_indirect_dma semaphore(%run_scoped3A : memref<!tpu.dma_semaphore, #tpu.memory_space<semaphore_mem>>) src(%arg6 : memref<16x16xf32, #tpu.memory_space<vmem>>) dst(%dma_wait3A_78 : memref<10240x16xf32, #tpu.memory_space<vmem_shared>>)
        tpu.yield
      }) : () -> ()
    }
    %scan3A_59 = arith.constant 640 : i32
    %barrier3A_60 = arith.constant 0 : index
    tpu.barrier barrier_id(%barrier3A_60)
    %mul3A_61 = arith.constant 640 : i32
    %mul3A_62 = arith.muli %arg1, %mul3A_61 : i32
    %mul3A_63 = arith.constant 10240 : i32
    %mul3A_64 = arith.muli %arg0, %mul3A_63 : i32
    %add3A_65 = arith.addi %mul3A_64, %mul3A_62 : i32
    "tpu.region"() ({
      %run_scoped3A = tpu.sem_alloc : memref<!tpu.dma_semaphore, #tpu.memory_space<semaphore_mem>>
      %dma_start3A = arith.constant 0 : i32
      %dma_start3A_66 = tpu.memref_slice %arg3[%add3A_65, %dma_start3A] : memref<20480x16xf32, #tpu.memory_space<hbm>> -> memref<640x16xf32, #tpu.memory_space<hbm>>
      %dma_start3A_67 = arith.constant 0 : i32
      %dma_start3A_68 = tpu.memref_slice %arg4[%mul3A_62, %dma_start3A_67] : memref<10240x16xf32, #tpu.memory_space<vmem_shared>> -> memref<640x16xf32, #tpu.memory_space<vmem_shared>>
      tpu.enqueue_dma source(%dma_start3A_68 : memref<640x16xf32, #tpu.memory_space<vmem_shared>>) target(%dma_start3A_66 : memref<640x16xf32, #tpu.memory_space<hbm>>) target_semaphore(%run_scoped3A : memref<!tpu.dma_semaphore, #tpu.memory_space<semaphore_mem>>)
      %dma_wait3A = arith.constant 0 : i32
      %dma_wait3A_69 = tpu.memref_slice %arg3[%add3A_65, %dma_wait3A] : memref<20480x16xf32, #tpu.memory_space<hbm>> -> memref<640x16xf32, #tpu.memory_space<hbm>>
      %dma_wait3A_70 = arith.constant 0 : i32
      %dma_wait3A_71 = tpu.memref_slice %arg4[%mul3A_62, %dma_wait3A_70] : memref<10240x16xf32, #tpu.memory_space<vmem_shared>> -> memref<640x16xf32, #tpu.memory_space<vmem_shared>>
      tpu.wait_dma2 semaphore(%run_scoped3A : memref<!tpu.dma_semaphore, #tpu.memory_space<semaphore_mem>>) src(%dma_wait3A_71 : memref<640x16xf32, #tpu.memory_space<vmem_shared>>) dst(%dma_wait3A_69 : memref<640x16xf32, #tpu.memory_space<hbm>>)
      tpu.yield
    }) : () -> ()
    return
  }
}

#map = affine_map<(d0, d1) -> (0, 0)>
#map1 = affine_map<(d0, d1) -> (0)>
module attributes {stable_mosaic.version = 14 : i64} {
  func.func @_seg_body(%arg0: i32, %arg1: i32, %arg2: memref<10000x128xf32, #tpu.memory_space<hbm>>, %arg3: memref<327680xi32, #tpu.memory_space<hbm>>, %arg4: memref<327680xi32, #tpu.memory_space<hbm>>, %arg5: memref<20480x128xf32, #tpu.memory_space<hbm>>, %arg6: memref<10240x128xf32, #tpu.memory_space<vmem_shared>>, %arg7: memref<14336xi32, #tpu.memory_space<vmem>>, %arg8: memref<14336xi32, #tpu.memory_space<vmem>>, %arg9: memref<64x128xf32, #tpu.memory_space<vmem>>, %arg10: memref<64x128xf32, #tpu.memory_space<vmem>>, %arg11: memref<!tpu.dma_semaphore, #tpu.memory_space<semaphore_mem>>, %arg12: memref<!tpu.dma_semaphore, #tpu.memory_space<semaphore_mem>>, %arg13: memref<!tpu.dma_semaphore, #tpu.memory_space<semaphore_mem>>, %arg14: memref<!tpu.dma_semaphore, #tpu.memory_space<semaphore_mem>>) attributes {dimension_semantics = [#tpu.dimension_semantics<core_parallel>, #tpu.dimension_semantics<subcore_parallel>], iteration_bounds = array<i64: 2, 16>, scalar_prefetch = 0 : i64, scratch_operands = 9 : i64, tpu.core_type = #tpu.core_type<sc_vector_subcore>, window_params = [{transform_indices = #map}, {transform_indices = #map1}, {transform_indices = #map1}, {transform_indices = #map}]} {
    %eq3A = arith.constant 0 : i32
    %eq3A_0 = arith.cmpi eq, %arg0, %eq3A : i32
    %jit3A = arith.constant 96 : i32
    %jit3A_1 = arith.constant 224 : i32
    %select_n3A = arith.select %eq3A_0, %jit3A, %jit3A_1 : i32
    %broadcast_in_dim3A = arith.constant 0.000000e+00 : f32
    %broadcast_in_dim3A_2 = vector.broadcast %broadcast_in_dim3A : f32 to vector<16xf32>
    %scan3A = arith.constant 0 : i32
    %scan3A_3 = arith.constant 64 : i32
    %scan3A_4 = arith.addi %scan3A, %scan3A_3 : i32
    %scan3A_5 = arith.constant 1 : i32
    scf.for %scan3A_185 = %scan3A to %scan3A_4 step %scan3A_5  : i32 {
      %mul3A_186 = arith.constant 1 : i32
      %mul3A_187 = arith.muli %scan3A_185, %mul3A_186 : i32
      %add3A_188 = arith.constant 0 : i32
      %add3A_189 = arith.addi %add3A_188, %mul3A_187 : i32
      %swap3A = arith.index_cast %add3A_189 : i32 to index
      %swap3A_190 = arith.constant 0 : index
      %swap3A_191 = tpu.vector_load %arg9[%swap3A, %swap3A_190] {strides = array<i32>} : memref<64x128xf32, #tpu.memory_space<vmem>>, vector<1x16xf32>,
      %swap3A_192 = vector.shape_cast %swap3A_191 : vector<1x16xf32> to vector<16xf32>
      %swap3A_193 = vector.shape_cast %broadcast_in_dim3A_2 : vector<16xf32> to vector<1x16xf32>
      tpu.vector_store %arg9[%swap3A, %swap3A_190], %swap3A_193 {strides = array<i32>} : memref<64x128xf32, #tpu.memory_space<vmem>>, vector<1x16xf32>,
      %swap3A_194 = arith.index_cast %add3A_189 : i32 to index
      %swap3A_195 = arith.constant 16 : index
      %swap3A_196 = tpu.vector_load %arg9[%swap3A_194, %swap3A_195] {strides = array<i32>} : memref<64x128xf32, #tpu.memory_space<vmem>>, vector<1x16xf32>,
      %swap3A_197 = vector.shape_cast %swap3A_196 : vector<1x16xf32> to vector<16xf32>
      %swap3A_198 = vector.shape_cast %broadcast_in_dim3A_2 : vector<16xf32> to vector<1x16xf32>
      tpu.vector_store %arg9[%swap3A_194, %swap3A_195], %swap3A_198 {strides = array<i32>} : memref<64x128xf32, #tpu.memory_space<vmem>>, vector<1x16xf32>,
      %swap3A_199 = arith.index_cast %add3A_189 : i32 to index
      %swap3A_200 = arith.constant 32 : index
      %swap3A_201 = tpu.vector_load %arg9[%swap3A_199, %swap3A_200] {strides = array<i32>} : memref<64x128xf32, #tpu.memory_space<vmem>>, vector<1x16xf32>,
      %swap3A_202 = vector.shape_cast %swap3A_201 : vector<1x16xf32> to vector<16xf32>
      %swap3A_203 = vector.shape_cast %broadcast_in_dim3A_2 : vector<16xf32> to vector<1x16xf32>
      tpu.vector_store %arg9[%swap3A_199, %swap3A_200], %swap3A_203 {strides = array<i32>} : memref<64x128xf32, #tpu.memory_space<vmem>>, vector<1x16xf32>,
      %swap3A_204 = arith.index_cast %add3A_189 : i32 to index
      %swap3A_205 = arith.constant 48 : index
      %swap3A_206 = tpu.vector_load %arg9[%swap3A_204, %swap3A_205] {strides = array<i32>} : memref<64x128xf32, #tpu.memory_space<vmem>>, vector<1x16xf32>,
      %swap3A_207 = vector.shape_cast %swap3A_206 : vector<1x16xf32> to vector<16xf32>
      %swap3A_208 = vector.shape_cast %broadcast_in_dim3A_2 : vector<16xf32> to vector<1x16xf32>
      tpu.vector_store %arg9[%swap3A_204, %swap3A_205], %swap3A_208 {strides = array<i32>} : memref<64x128xf32, #tpu.memory_space<vmem>>, vector<1x16xf32>,
      %swap3A_209 = arith.index_cast %add3A_189 : i32 to index
      %swap3A_210 = arith.constant 64 : index
      %swap3A_211 = tpu.vector_load %arg9[%swap3A_209, %swap3A_210] {strides = array<i32>} : memref<64x128xf32, #tpu.memory_space<vmem>>, vector<1x16xf32>,
      %swap3A_212 = vector.shape_cast %swap3A_211 : vector<1x16xf32> to vector<16xf32>
      %swap3A_213 = vector.shape_cast %broadcast_in_dim3A_2 : vector<16xf32> to vector<1x16xf32>
      tpu.vector_store %arg9[%swap3A_209, %swap3A_210], %swap3A_213 {strides = array<i32>} : memref<64x128xf32, #tpu.memory_space<vmem>>, vector<1x16xf32>,
      %swap3A_214 = arith.index_cast %add3A_189 : i32 to index
      %swap3A_215 = arith.constant 80 : index
      %swap3A_216 = tpu.vector_load %arg9[%swap3A_214, %swap3A_215] {strides = array<i32>} : memref<64x128xf32, #tpu.memory_space<vmem>>, vector<1x16xf32>,
      %swap3A_217 = vector.shape_cast %swap3A_216 : vector<1x16xf32> to vector<16xf32>
      %swap3A_218 = vector.shape_cast %broadcast_in_dim3A_2 : vector<16xf32> to vector<1x16xf32>
      tpu.vector_store %arg9[%swap3A_214, %swap3A_215], %swap3A_218 {strides = array<i32>} : memref<64x128xf32, #tpu.memory_space<vmem>>, vector<1x16xf32>,
      %swap3A_219 = arith.index_cast %add3A_189 : i32 to index
      %swap3A_220 = arith.constant 96 : index
      %swap3A_221 = tpu.vector_load %arg9[%swap3A_219, %swap3A_220] {strides = array<i32>} : memref<64x128xf32, #tpu.memory_space<vmem>>, vector<1x16xf32>,
      %swap3A_222 = vector.shape_cast %swap3A_221 : vector<1x16xf32> to vector<16xf32>
      %swap3A_223 = vector.shape_cast %broadcast_in_dim3A_2 : vector<16xf32> to vector<1x16xf32>
      tpu.vector_store %arg9[%swap3A_219, %swap3A_220], %swap3A_223 {strides = array<i32>} : memref<64x128xf32, #tpu.memory_space<vmem>>, vector<1x16xf32>,
      %swap3A_224 = arith.index_cast %add3A_189 : i32 to index
      %swap3A_225 = arith.constant 112 : index
      %swap3A_226 = tpu.vector_load %arg9[%swap3A_224, %swap3A_225] {strides = array<i32>} : memref<64x128xf32, #tpu.memory_space<vmem>>, vector<1x16xf32>,
      %swap3A_227 = vector.shape_cast %swap3A_226 : vector<1x16xf32> to vector<16xf32>
      %swap3A_228 = vector.shape_cast %broadcast_in_dim3A_2 : vector<16xf32> to vector<1x16xf32>
      tpu.vector_store %arg9[%swap3A_224, %swap3A_225], %swap3A_228 {strides = array<i32>} : memref<64x128xf32, #tpu.memory_space<vmem>>, vector<1x16xf32>,
    }
    %scan3A_6 = arith.constant 64 : i32
    %mul3A = arith.constant 640 : i32
    %mul3A_7 = arith.muli %arg1, %mul3A : i32
    %add3A = arith.constant 0 : i32
    %add3A_8 = arith.addi %mul3A_7, %add3A : i32
    "tpu.region"() ({
      %run_scoped3A = tpu.sem_alloc : memref<!tpu.dma_semaphore, #tpu.memory_space<semaphore_mem>>
      %dma_start3A = arith.constant 0 : i32
      %dma_start3A_185 = tpu.memref_slice %arg6[%add3A_8, %dma_start3A] : memref<10240x128xf32, #tpu.memory_space<vmem_shared>> -> memref<64x128xf32, #tpu.memory_space<vmem_shared>>
      %dma_start3A_186 = arith.constant 0 : i32
      %dma_start3A_187 = tpu.memref_slice %arg6[%add3A_8, %dma_start3A_186] : memref<10240x128xf32, #tpu.memory_space<vmem_shared>> -> memref<64x128xf32, #tpu.memory_space<vmem_shared>>
      tpu.enqueue_dma source(%arg9 : memref<64x128xf32, #tpu.memory_space<vmem>>) target(%dma_start3A_187 : memref<64x128xf32, #tpu.memory_space<vmem_shared>>) target_semaphore(%run_scoped3A : memref<!tpu.dma_semaphore, #tpu.memory_space<semaphore_mem>>)
      %dma_wait3A_188 = arith.constant 0 : i32
      %dma_wait3A_189 = tpu.memref_slice %arg6[%add3A_8, %dma_wait3A_188] : memref<10240x128xf32, #tpu.memory_space<vmem_shared>> -> memref<64x128xf32, #tpu.memory_space<vmem_shared>>
      %dma_wait3A_190 = arith.constant 0 : i32
      %dma_wait3A_191 = tpu.memref_slice %arg6[%add3A_8, %dma_wait3A_190] : memref<10240x128xf32, #tpu.memory_space<vmem_shared>> -> memref<64x128xf32, #tpu.memory_space<vmem_shared>>
      tpu.wait_dma2 semaphore(%run_scoped3A : memref<!tpu.dma_semaphore, #tpu.memory_space<semaphore_mem>>) src(%arg9 : memref<64x128xf32, #tpu.memory_space<vmem>>) dst(%dma_wait3A_191 : memref<64x128xf32, #tpu.memory_space<vmem_shared>>)
      tpu.yield
    }) : () -> ()
    %mul3A_9 = arith.constant 640 : i32
    %mul3A_10 = arith.muli %arg1, %mul3A_9 : i32
    %add3A_11 = arith.constant 64 : i32
    %add3A_12 = arith.addi %mul3A_10, %add3A_11 : i32
    "tpu.region"() ({
      %run_scoped3A = tpu.sem_alloc : memref<!tpu.dma_semaphore, #tpu.memory_space<semaphore_mem>>
      %dma_start3A = arith.constant 0 : i32
      %dma_start3A_185 = tpu.memref_slice %arg6[%add3A_12, %dma_start3A] : memref<10240x128xf32, #tpu.memory_space<vmem_shared>> -> memref<64x128xf32, #tpu.memory_space<vmem_shared>>
      %dma_start3A_186 = arith.constant 0 : i32
      %dma_start3A_187 = tpu.memref_slice %arg6[%add3A_12, %dma_start3A_186] : memref<10240x128xf32, #tpu.memory_space<vmem_shared>> -> memref<64x128xf32, #tpu.memory_space<vmem_shared>>
      tpu.enqueue_dma source(%arg9 : memref<64x128xf32, #tpu.memory_space<vmem>>) target(%dma_start3A_187 : memref<64x128xf32, #tpu.memory_space<vmem_shared>>) target_semaphore(%run_scoped3A : memref<!tpu.dma_semaphore, #tpu.memory_space<semaphore_mem>>)
      %dma_wait3A_188 = arith.constant 0 : i32
      %dma_wait3A_189 = tpu.memref_slice %arg6[%add3A_12, %dma_wait3A_188] : memref<10240x128xf32, #tpu.memory_space<vmem_shared>> -> memref<64x128xf32, #tpu.memory_space<vmem_shared>>
      %dma_wait3A_190 = arith.constant 0 : i32
      %dma_wait3A_191 = tpu.memref_slice %arg6[%add3A_12, %dma_wait3A_190] : memref<10240x128xf32, #tpu.memory_space<vmem_shared>> -> memref<64x128xf32, #tpu.memory_space<vmem_shared>>
      tpu.wait_dma2 semaphore(%run_scoped3A : memref<!tpu.dma_semaphore, #tpu.memory_space<semaphore_mem>>) src(%arg9 : memref<64x128xf32, #tpu.memory_space<vmem>>) dst(%dma_wait3A_191 : memref<64x128xf32, #tpu.memory_space<vmem_shared>>)
      tpu.yield
    }) : () -> ()
    %mul3A_13 = arith.constant 640 : i32
    %mul3A_14 = arith.muli %arg1, %mul3A_13 : i32
    %add3A_15 = arith.constant 128 : i32
    %add3A_16 = arith.addi %mul3A_14, %add3A_15 : i32
    "tpu.region"() ({
      %run_scoped3A = tpu.sem_alloc : memref<!tpu.dma_semaphore, #tpu.memory_space<semaphore_mem>>
      %dma_start3A = arith.constant 0 : i32
      %dma_start3A_185 = tpu.memref_slice %arg6[%add3A_16, %dma_start3A] : memref<10240x128xf32, #tpu.memory_space<vmem_shared>> -> memref<64x128xf32, #tpu.memory_space<vmem_shared>>
      %dma_start3A_186 = arith.constant 0 : i32
      %dma_start3A_187 = tpu.memref_slice %arg6[%add3A_16, %dma_start3A_186] : memref<10240x128xf32, #tpu.memory_space<vmem_shared>> -> memref<64x128xf32, #tpu.memory_space<vmem_shared>>
      tpu.enqueue_dma source(%arg9 : memref<64x128xf32, #tpu.memory_space<vmem>>) target(%dma_start3A_187 : memref<64x128xf32, #tpu.memory_space<vmem_shared>>) target_semaphore(%run_scoped3A : memref<!tpu.dma_semaphore, #tpu.memory_space<semaphore_mem>>)
      %dma_wait3A_188 = arith.constant 0 : i32
      %dma_wait3A_189 = tpu.memref_slice %arg6[%add3A_16, %dma_wait3A_188] : memref<10240x128xf32, #tpu.memory_space<vmem_shared>> -> memref<64x128xf32, #tpu.memory_space<vmem_shared>>
      %dma_wait3A_190 = arith.constant 0 : i32
      %dma_wait3A_191 = tpu.memref_slice %arg6[%add3A_16, %dma_wait3A_190] : memref<10240x128xf32, #tpu.memory_space<vmem_shared>> -> memref<64x128xf32, #tpu.memory_space<vmem_shared>>
      tpu.wait_dma2 semaphore(%run_scoped3A : memref<!tpu.dma_semaphore, #tpu.memory_space<semaphore_mem>>) src(%arg9 : memref<64x128xf32, #tpu.memory_space<vmem>>) dst(%dma_wait3A_191 : memref<64x128xf32, #tpu.memory_space<vmem_shared>>)
      tpu.yield
    }) : () -> ()
    %mul3A_17 = arith.constant 640 : i32
    %mul3A_18 = arith.muli %arg1, %mul3A_17 : i32
    %add3A_19 = arith.constant 192 : i32
    %add3A_20 = arith.addi %mul3A_18, %add3A_19 : i32
    "tpu.region"() ({
      %run_scoped3A = tpu.sem_alloc : memref<!tpu.dma_semaphore, #tpu.memory_space<semaphore_mem>>
      %dma_start3A = arith.constant 0 : i32
      %dma_start3A_185 = tpu.memref_slice %arg6[%add3A_20, %dma_start3A] : memref<10240x128xf32, #tpu.memory_space<vmem_shared>> -> memref<64x128xf32, #tpu.memory_space<vmem_shared>>
      %dma_start3A_186 = arith.constant 0 : i32
      %dma_start3A_187 = tpu.memref_slice %arg6[%add3A_20, %dma_start3A_186] : memref<10240x128xf32, #tpu.memory_space<vmem_shared>> -> memref<64x128xf32, #tpu.memory_space<vmem_shared>>
      tpu.enqueue_dma source(%arg9 : memref<64x128xf32, #tpu.memory_space<vmem>>) target(%dma_start3A_187 : memref<64x128xf32, #tpu.memory_space<vmem_shared>>) target_semaphore(%run_scoped3A : memref<!tpu.dma_semaphore, #tpu.memory_space<semaphore_mem>>)
      %dma_wait3A_188 = arith.constant 0 : i32
      %dma_wait3A_189 = tpu.memref_slice %arg6[%add3A_20, %dma_wait3A_188] : memref<10240x128xf32, #tpu.memory_space<vmem_shared>> -> memref<64x128xf32, #tpu.memory_space<vmem_shared>>
      %dma_wait3A_190 = arith.constant 0 : i32
      %dma_wait3A_191 = tpu.memref_slice %arg6[%add3A_20, %dma_wait3A_190] : memref<10240x128xf32, #tpu.memory_space<vmem_shared>> -> memref<64x128xf32, #tpu.memory_space<vmem_shared>>
      tpu.wait_dma2 semaphore(%run_scoped3A : memref<!tpu.dma_semaphore, #tpu.memory_space<semaphore_mem>>) src(%arg9 : memref<64x128xf32, #tpu.memory_space<vmem>>) dst(%dma_wait3A_191 : memref<64x128xf32, #tpu.memory_space<vmem_shared>>)
      tpu.yield
    }) : () -> ()
    %mul3A_21 = arith.constant 640 : i32
    %mul3A_22 = arith.muli %arg1, %mul3A_21 : i32
    %add3A_23 = arith.constant 256 : i32
    %add3A_24 = arith.addi %mul3A_22, %add3A_23 : i32
    "tpu.region"() ({
      %run_scoped3A = tpu.sem_alloc : memref<!tpu.dma_semaphore, #tpu.memory_space<semaphore_mem>>
      %dma_start3A = arith.constant 0 : i32
      %dma_start3A_185 = tpu.memref_slice %arg6[%add3A_24, %dma_start3A] : memref<10240x128xf32, #tpu.memory_space<vmem_shared>> -> memref<64x128xf32, #tpu.memory_space<vmem_shared>>
      %dma_start3A_186 = arith.constant 0 : i32
      %dma_start3A_187 = tpu.memref_slice %arg6[%add3A_24, %dma_start3A_186] : memref<10240x128xf32, #tpu.memory_space<vmem_shared>> -> memref<64x128xf32, #tpu.memory_space<vmem_shared>>
      tpu.enqueue_dma source(%arg9 : memref<64x128xf32, #tpu.memory_space<vmem>>) target(%dma_start3A_187 : memref<64x128xf32, #tpu.memory_space<vmem_shared>>) target_semaphore(%run_scoped3A : memref<!tpu.dma_semaphore, #tpu.memory_space<semaphore_mem>>)
      %dma_wait3A_188 = arith.constant 0 : i32
      %dma_wait3A_189 = tpu.memref_slice %arg6[%add3A_24, %dma_wait3A_188] : memref<10240x128xf32, #tpu.memory_space<vmem_shared>> -> memref<64x128xf32, #tpu.memory_space<vmem_shared>>
      %dma_wait3A_190 = arith.constant 0 : i32
      %dma_wait3A_191 = tpu.memref_slice %arg6[%add3A_24, %dma_wait3A_190] : memref<10240x128xf32, #tpu.memory_space<vmem_shared>> -> memref<64x128xf32, #tpu.memory_space<vmem_shared>>
      tpu.wait_dma2 semaphore(%run_scoped3A : memref<!tpu.dma_semaphore, #tpu.memory_space<semaphore_mem>>) src(%arg9 : memref<64x128xf32, #tpu.memory_space<vmem>>) dst(%dma_wait3A_191 : memref<64x128xf32, #tpu.memory_space<vmem_shared>>)
      tpu.yield
    }) : () -> ()
    %mul3A_25 = arith.constant 640 : i32
    %mul3A_26 = arith.muli %arg1, %mul3A_25 : i32
    %add3A_27 = arith.constant 320 : i32
    %add3A_28 = arith.addi %mul3A_26, %add3A_27 : i32
    "tpu.region"() ({
      %run_scoped3A = tpu.sem_alloc : memref<!tpu.dma_semaphore, #tpu.memory_space<semaphore_mem>>
      %dma_start3A = arith.constant 0 : i32
      %dma_start3A_185 = tpu.memref_slice %arg6[%add3A_28, %dma_start3A] : memref<10240x128xf32, #tpu.memory_space<vmem_shared>> -> memref<64x128xf32, #tpu.memory_space<vmem_shared>>
      %dma_start3A_186 = arith.constant 0 : i32
      %dma_start3A_187 = tpu.memref_slice %arg6[%add3A_28, %dma_start3A_186] : memref<10240x128xf32, #tpu.memory_space<vmem_shared>> -> memref<64x128xf32, #tpu.memory_space<vmem_shared>>
      tpu.enqueue_dma source(%arg9 : memref<64x128xf32, #tpu.memory_space<vmem>>) target(%dma_start3A_187 : memref<64x128xf32, #tpu.memory_space<vmem_shared>>) target_semaphore(%run_scoped3A : memref<!tpu.dma_semaphore, #tpu.memory_space<semaphore_mem>>)
      %dma_wait3A_188 = arith.constant 0 : i32
      %dma_wait3A_189 = tpu.memref_slice %arg6[%add3A_28, %dma_wait3A_188] : memref<10240x128xf32, #tpu.memory_space<vmem_shared>> -> memref<64x128xf32, #tpu.memory_space<vmem_shared>>
      %dma_wait3A_190 = arith.constant 0 : i32
      %dma_wait3A_191 = tpu.memref_slice %arg6[%add3A_28, %dma_wait3A_190] : memref<10240x128xf32, #tpu.memory_space<vmem_shared>> -> memref<64x128xf32, #tpu.memory_space<vmem_shared>>
      tpu.wait_dma2 semaphore(%run_scoped3A : memref<!tpu.dma_semaphore, #tpu.memory_space<semaphore_mem>>) src(%arg9 : memref<64x128xf32, #tpu.memory_space<vmem>>) dst(%dma_wait3A_191 : memref<64x128xf32, #tpu.memory_space<vmem_shared>>)
      tpu.yield
    }) : () -> ()
    %mul3A_29 = arith.constant 640 : i32
    %mul3A_30 = arith.muli %arg1, %mul3A_29 : i32
    %add3A_31 = arith.constant 384 : i32
    %add3A_32 = arith.addi %mul3A_30, %add3A_31 : i32
    "tpu.region"() ({
      %run_scoped3A = tpu.sem_alloc : memref<!tpu.dma_semaphore, #tpu.memory_space<semaphore_mem>>
      %dma_start3A = arith.constant 0 : i32
      %dma_start3A_185 = tpu.memref_slice %arg6[%add3A_32, %dma_start3A] : memref<10240x128xf32, #tpu.memory_space<vmem_shared>> -> memref<64x128xf32, #tpu.memory_space<vmem_shared>>
      %dma_start3A_186 = arith.constant 0 : i32
      %dma_start3A_187 = tpu.memref_slice %arg6[%add3A_32, %dma_start3A_186] : memref<10240x128xf32, #tpu.memory_space<vmem_shared>> -> memref<64x128xf32, #tpu.memory_space<vmem_shared>>
      tpu.enqueue_dma source(%arg9 : memref<64x128xf32, #tpu.memory_space<vmem>>) target(%dma_start3A_187 : memref<64x128xf32, #tpu.memory_space<vmem_shared>>) target_semaphore(%run_scoped3A : memref<!tpu.dma_semaphore, #tpu.memory_space<semaphore_mem>>)
      %dma_wait3A_188 = arith.constant 0 : i32
      %dma_wait3A_189 = tpu.memref_slice %arg6[%add3A_32, %dma_wait3A_188] : memref<10240x128xf32, #tpu.memory_space<vmem_shared>> -> memref<64x128xf32, #tpu.memory_space<vmem_shared>>
      %dma_wait3A_190 = arith.constant 0 : i32
      %dma_wait3A_191 = tpu.memref_slice %arg6[%add3A_32, %dma_wait3A_190] : memref<10240x128xf32, #tpu.memory_space<vmem_shared>> -> memref<64x128xf32, #tpu.memory_space<vmem_shared>>
      tpu.wait_dma2 semaphore(%run_scoped3A : memref<!tpu.dma_semaphore, #tpu.memory_space<semaphore_mem>>) src(%arg9 : memref<64x128xf32, #tpu.memory_space<vmem>>) dst(%dma_wait3A_191 : memref<64x128xf32, #tpu.memory_space<vmem_shared>>)
      tpu.yield
    }) : () -> ()
    %mul3A_33 = arith.constant 640 : i32
    %mul3A_34 = arith.muli %arg1, %mul3A_33 : i32
    %add3A_35 = arith.constant 448 : i32
    %add3A_36 = arith.addi %mul3A_34, %add3A_35 : i32
    "tpu.region"() ({
      %run_scoped3A = tpu.sem_alloc : memref<!tpu.dma_semaphore, #tpu.memory_space<semaphore_mem>>
      %dma_start3A = arith.constant 0 : i32
      %dma_start3A_185 = tpu.memref_slice %arg6[%add3A_36, %dma_start3A] : memref<10240x128xf32, #tpu.memory_space<vmem_shared>> -> memref<64x128xf32, #tpu.memory_space<vmem_shared>>
      %dma_start3A_186 = arith.constant 0 : i32
      %dma_start3A_187 = tpu.memref_slice %arg6[%add3A_36, %dma_start3A_186] : memref<10240x128xf32, #tpu.memory_space<vmem_shared>> -> memref<64x128xf32, #tpu.memory_space<vmem_shared>>
      tpu.enqueue_dma source(%arg9 : memref<64x128xf32, #tpu.memory_space<vmem>>) target(%dma_start3A_187 : memref<64x128xf32, #tpu.memory_space<vmem_shared>>) target_semaphore(%run_scoped3A : memref<!tpu.dma_semaphore, #tpu.memory_space<semaphore_mem>>)
      %dma_wait3A_188 = arith.constant 0 : i32
      %dma_wait3A_189 = tpu.memref_slice %arg6[%add3A_36, %dma_wait3A_188] : memref<10240x128xf32, #tpu.memory_space<vmem_shared>> -> memref<64x128xf32, #tpu.memory_space<vmem_shared>>
      %dma_wait3A_190 = arith.constant 0 : i32
      %dma_wait3A_191 = tpu.memref_slice %arg6[%add3A_36, %dma_wait3A_190] : memref<10240x128xf32, #tpu.memory_space<vmem_shared>> -> memref<64x128xf32, #tpu.memory_space<vmem_shared>>
      tpu.wait_dma2 semaphore(%run_scoped3A : memref<!tpu.dma_semaphore, #tpu.memory_space<semaphore_mem>>) src(%arg9 : memref<64x128xf32, #tpu.memory_space<vmem>>) dst(%dma_wait3A_191 : memref<64x128xf32, #tpu.memory_space<vmem_shared>>)
      tpu.yield
    }) : () -> ()
    %mul3A_37 = arith.constant 640 : i32
    %mul3A_38 = arith.muli %arg1, %mul3A_37 : i32
    %add3A_39 = arith.constant 512 : i32
    %add3A_40 = arith.addi %mul3A_38, %add3A_39 : i32
    "tpu.region"() ({
      %run_scoped3A = tpu.sem_alloc : memref<!tpu.dma_semaphore, #tpu.memory_space<semaphore_mem>>
      %dma_start3A = arith.constant 0 : i32
      %dma_start3A_185 = tpu.memref_slice %arg6[%add3A_40, %dma_start3A] : memref<10240x128xf32, #tpu.memory_space<vmem_shared>> -> memref<64x128xf32, #tpu.memory_space<vmem_shared>>
      %dma_start3A_186 = arith.constant 0 : i32
      %dma_start3A_187 = tpu.memref_slice %arg6[%add3A_40, %dma_start3A_186] : memref<10240x128xf32, #tpu.memory_space<vmem_shared>> -> memref<64x128xf32, #tpu.memory_space<vmem_shared>>
      tpu.enqueue_dma source(%arg9 : memref<64x128xf32, #tpu.memory_space<vmem>>) target(%dma_start3A_187 : memref<64x128xf32, #tpu.memory_space<vmem_shared>>) target_semaphore(%run_scoped3A : memref<!tpu.dma_semaphore, #tpu.memory_space<semaphore_mem>>)
      %dma_wait3A_188 = arith.constant 0 : i32
      %dma_wait3A_189 = tpu.memref_slice %arg6[%add3A_40, %dma_wait3A_188] : memref<10240x128xf32, #tpu.memory_space<vmem_shared>> -> memref<64x128xf32, #tpu.memory_space<vmem_shared>>
      %dma_wait3A_190 = arith.constant 0 : i32
      %dma_wait3A_191 = tpu.memref_slice %arg6[%add3A_40, %dma_wait3A_190] : memref<10240x128xf32, #tpu.memory_space<vmem_shared>> -> memref<64x128xf32, #tpu.memory_space<vmem_shared>>
      tpu.wait_dma2 semaphore(%run_scoped3A : memref<!tpu.dma_semaphore, #tpu.memory_space<semaphore_mem>>) src(%arg9 : memref<64x128xf32, #tpu.memory_space<vmem>>) dst(%dma_wait3A_191 : memref<64x128xf32, #tpu.memory_space<vmem_shared>>)
      tpu.yield
    }) : () -> ()
    %mul3A_41 = arith.constant 640 : i32
    %mul3A_42 = arith.muli %arg1, %mul3A_41 : i32
    %add3A_43 = arith.constant 576 : i32
    %add3A_44 = arith.addi %mul3A_42, %add3A_43 : i32
    "tpu.region"() ({
      %run_scoped3A = tpu.sem_alloc : memref<!tpu.dma_semaphore, #tpu.memory_space<semaphore_mem>>
      %dma_start3A = arith.constant 0 : i32
      %dma_start3A_185 = tpu.memref_slice %arg6[%add3A_44, %dma_start3A] : memref<10240x128xf32, #tpu.memory_space<vmem_shared>> -> memref<64x128xf32, #tpu.memory_space<vmem_shared>>
      %dma_start3A_186 = arith.constant 0 : i32
      %dma_start3A_187 = tpu.memref_slice %arg6[%add3A_44, %dma_start3A_186] : memref<10240x128xf32, #tpu.memory_space<vmem_shared>> -> memref<64x128xf32, #tpu.memory_space<vmem_shared>>
      tpu.enqueue_dma source(%arg9 : memref<64x128xf32, #tpu.memory_space<vmem>>) target(%dma_start3A_187 : memref<64x128xf32, #tpu.memory_space<vmem_shared>>) target_semaphore(%run_scoped3A : memref<!tpu.dma_semaphore, #tpu.memory_space<semaphore_mem>>)
      %dma_wait3A_188 = arith.constant 0 : i32
      %dma_wait3A_189 = tpu.memref_slice %arg6[%add3A_44, %dma_wait3A_188] : memref<10240x128xf32, #tpu.memory_space<vmem_shared>> -> memref<64x128xf32, #tpu.memory_space<vmem_shared>>
      %dma_wait3A_190 = arith.constant 0 : i32
      %dma_wait3A_191 = tpu.memref_slice %arg6[%add3A_44, %dma_wait3A_190] : memref<10240x128xf32, #tpu.memory_space<vmem_shared>> -> memref<64x128xf32, #tpu.memory_space<vmem_shared>>
      tpu.wait_dma2 semaphore(%run_scoped3A : memref<!tpu.dma_semaphore, #tpu.memory_space<semaphore_mem>>) src(%arg9 : memref<64x128xf32, #tpu.memory_space<vmem>>) dst(%dma_wait3A_191 : memref<64x128xf32, #tpu.memory_space<vmem_shared>>)
      tpu.yield
    }) : () -> ()
    %eq3A_45 = arith.constant 0 : i32
    %eq3A_46 = arith.cmpi eq, %arg0, %eq3A_45 : i32
    %convert_element_type3A = arith.extui %eq3A_46 : i1 to i32
    %cond3A = arith.constant 0 : i32
    %cond3A_47 = arith.cmpi ne, %convert_element_type3A, %cond3A : i32
    scf.if %cond3A_47 {
      %mul3A_185 = arith.constant 20480 : i32
      %mul3A_186 = arith.muli %arg1, %mul3A_185 : i32
      "tpu.region"() ({
        %run_scoped3A = tpu.sem_alloc : memref<!tpu.dma_semaphore, #tpu.memory_space<semaphore_mem>>
        %dma_start3A = arith.constant 0 : i32
        %dma_start3A_189 = tpu.memref_slice %arg7[%dma_start3A] : memref<14336xi32, #tpu.memory_space<vmem>> -> memref<6144xi32, #tpu.memory_space<vmem>>
        %dma_start3A_190 = tpu.memref_slice %arg3[%mul3A_186] : memref<327680xi32, #tpu.memory_space<hbm>> -> memref<6144xi32, #tpu.memory_space<hbm>>
        %dma_start3A_191 = arith.constant 0 : i32
        %dma_start3A_192 = tpu.memref_slice %arg7[%dma_start3A_191] : memref<14336xi32, #tpu.memory_space<vmem>> -> memref<6144xi32, #tpu.memory_space<vmem>>
        %dma_start3A_193 = tpu.memref_slice %arg3[%mul3A_186] : memref<327680xi32, #tpu.memory_space<hbm>> -> memref<6144xi32, #tpu.memory_space<hbm>>
        tpu.enqueue_dma source(%dma_start3A_193 : memref<6144xi32, #tpu.memory_space<hbm>>) target(%dma_start3A_192 : memref<6144xi32, #tpu.memory_space<vmem>>) target_semaphore(%run_scoped3A : memref<!tpu.dma_semaphore, #tpu.memory_space<semaphore_mem>>)
        %dma_wait3A_194 = arith.constant 0 : i32
        %dma_wait3A_195 = tpu.memref_slice %arg7[%dma_wait3A_194] : memref<14336xi32, #tpu.memory_space<vmem>> -> memref<6144xi32, #tpu.memory_space<vmem>>
        %dma_wait3A_196 = tpu.memref_slice %arg3[%mul3A_186] : memref<327680xi32, #tpu.memory_space<hbm>> -> memref<6144xi32, #tpu.memory_space<hbm>>
        %dma_wait3A_197 = arith.constant 0 : i32
        %dma_wait3A_198 = tpu.memref_slice %arg7[%dma_wait3A_197] : memref<14336xi32, #tpu.memory_space<vmem>> -> memref<6144xi32, #tpu.memory_space<vmem>>
        %dma_wait3A_199 = tpu.memref_slice %arg3[%mul3A_186] : memref<327680xi32, #tpu.memory_space<hbm>> -> memref<6144xi32, #tpu.memory_space<hbm>>
        tpu.wait_dma2 semaphore(%run_scoped3A : memref<!tpu.dma_semaphore, #tpu.memory_space<semaphore_mem>>) src(%dma_wait3A_199 : memref<6144xi32, #tpu.memory_space<hbm>>) dst(%dma_wait3A_198 : memref<6144xi32, #tpu.memory_space<vmem>>)
        tpu.yield
      }) : () -> ()
      %mul3A_187 = arith.constant 20480 : i32
      %mul3A_188 = arith.muli %arg1, %mul3A_187 : i32
      "tpu.region"() ({
        %run_scoped3A = tpu.sem_alloc : memref<!tpu.dma_semaphore, #tpu.memory_space<semaphore_mem>>
        %dma_start3A = arith.constant 0 : i32
        %dma_start3A_189 = tpu.memref_slice %arg8[%dma_start3A] : memref<14336xi32, #tpu.memory_space<vmem>> -> memref<6144xi32, #tpu.memory_space<vmem>>
        %dma_start3A_190 = tpu.memref_slice %arg4[%mul3A_188] : memref<327680xi32, #tpu.memory_space<hbm>> -> memref<6144xi32, #tpu.memory_space<hbm>>
        %dma_start3A_191 = arith.constant 0 : i32
        %dma_start3A_192 = tpu.memref_slice %arg8[%dma_start3A_191] : memref<14336xi32, #tpu.memory_space<vmem>> -> memref<6144xi32, #tpu.memory_space<vmem>>
        %dma_start3A_193 = tpu.memref_slice %arg4[%mul3A_188] : memref<327680xi32, #tpu.memory_space<hbm>> -> memref<6144xi32, #tpu.memory_space<hbm>>
        tpu.enqueue_dma source(%dma_start3A_193 : memref<6144xi32, #tpu.memory_space<hbm>>) target(%dma_start3A_192 : memref<6144xi32, #tpu.memory_space<vmem>>) target_semaphore(%run_scoped3A : memref<!tpu.dma_semaphore, #tpu.memory_space<semaphore_mem>>)
        %dma_wait3A_194 = arith.constant 0 : i32
        %dma_wait3A_195 = tpu.memref_slice %arg8[%dma_wait3A_194] : memref<14336xi32, #tpu.memory_space<vmem>> -> memref<6144xi32, #tpu.memory_space<vmem>>
        %dma_wait3A_196 = tpu.memref_slice %arg4[%mul3A_188] : memref<327680xi32, #tpu.memory_space<hbm>> -> memref<6144xi32, #tpu.memory_space<hbm>>
        %dma_wait3A_197 = arith.constant 0 : i32
        %dma_wait3A_198 = tpu.memref_slice %arg8[%dma_wait3A_197] : memref<14336xi32, #tpu.memory_space<vmem>> -> memref<6144xi32, #tpu.memory_space<vmem>>
        %dma_wait3A_199 = tpu.memref_slice %arg4[%mul3A_188] : memref<327680xi32, #tpu.memory_space<hbm>> -> memref<6144xi32, #tpu.memory_space<hbm>>
        tpu.wait_dma2 semaphore(%run_scoped3A : memref<!tpu.dma_semaphore, #tpu.memory_space<semaphore_mem>>) src(%dma_wait3A_199 : memref<6144xi32, #tpu.memory_space<hbm>>) dst(%dma_wait3A_198 : memref<6144xi32, #tpu.memory_space<vmem>>)
        tpu.yield
      }) : () -> ()
    } else {
    }
    %eq3A_48 = arith.constant 1 : i32
    %eq3A_49 = arith.cmpi eq, %arg0, %eq3A_48 : i32
    %convert_element_type3A_50 = arith.extui %eq3A_49 : i1 to i32
    %cond3A_51 = arith.constant 0 : i32
    %cond3A_52 = arith.cmpi ne, %convert_element_type3A_50, %cond3A_51 : i32
    scf.if %cond3A_52 {
      %mul3A_185 = arith.constant 20480 : i32
      %mul3A_186 = arith.muli %arg1, %mul3A_185 : i32
      %add3A_187 = arith.constant 6144 : i32
      %add3A_188 = arith.addi %mul3A_186, %add3A_187 : i32
      "tpu.region"() ({
        %run_scoped3A = tpu.sem_alloc : memref<!tpu.dma_semaphore, #tpu.memory_space<semaphore_mem>>
        %dma_start3A = arith.constant 0 : i32
        %dma_start3A_193 = tpu.memref_slice %arg7[%dma_start3A] : memref<14336xi32, #tpu.memory_space<vmem>> -> memref<14336xi32, #tpu.memory_space<vmem>>
        %dma_start3A_194 = tpu.memref_slice %arg3[%add3A_188] : memref<327680xi32, #tpu.memory_space<hbm>> -> memref<14336xi32, #tpu.memory_space<hbm>>
        %dma_start3A_195 = arith.constant 0 : i32
        %dma_start3A_196 = tpu.memref_slice %arg7[%dma_start3A_195] : memref<14336xi32, #tpu.memory_space<vmem>> -> memref<14336xi32, #tpu.memory_space<vmem>>
        %dma_start3A_197 = tpu.memref_slice %arg3[%add3A_188] : memref<327680xi32, #tpu.memory_space<hbm>> -> memref<14336xi32, #tpu.memory_space<hbm>>
        tpu.enqueue_dma source(%dma_start3A_197 : memref<14336xi32, #tpu.memory_space<hbm>>) target(%dma_start3A_196 : memref<14336xi32, #tpu.memory_space<vmem>>) target_semaphore(%run_scoped3A : memref<!tpu.dma_semaphore, #tpu.memory_space<semaphore_mem>>)
        %dma_wait3A_198 = arith.constant 0 : i32
        %dma_wait3A_199 = tpu.memref_slice %arg7[%dma_wait3A_198] : memref<14336xi32, #tpu.memory_space<vmem>> -> memref<14336xi32, #tpu.memory_space<vmem>>
        %dma_wait3A_200 = tpu.memref_slice %arg3[%add3A_188] : memref<327680xi32, #tpu.memory_space<hbm>> -> memref<14336xi32, #tpu.memory_space<hbm>>
        %dma_wait3A_201 = arith.constant 0 : i32
        %dma_wait3A_202 = tpu.memref_slice %arg7[%dma_wait3A_201] : memref<14336xi32, #tpu.memory_space<vmem>> -> memref<14336xi32, #tpu.memory_space<vmem>>
        %dma_wait3A_203 = tpu.memref_slice %arg3[%add3A_188] : memref<327680xi32, #tpu.memory_space<hbm>> -> memref<14336xi32, #tpu.memory_space<hbm>>
        tpu.wait_dma2 semaphore(%run_scoped3A : memref<!tpu.dma_semaphore, #tpu.memory_space<semaphore_mem>>) src(%dma_wait3A_203 : memref<14336xi32, #tpu.memory_space<hbm>>) dst(%dma_wait3A_202 : memref<14336xi32, #tpu.memory_space<vmem>>)
        tpu.yield
      }) : () -> ()
      %mul3A_189 = arith.constant 20480 : i32
      %mul3A_190 = arith.muli %arg1, %mul3A_189 : i32
      %add3A_191 = arith.constant 6144 : i32
      %add3A_192 = arith.addi %mul3A_190, %add3A_191 : i32
      "tpu.region"() ({
        %run_scoped3A = tpu.sem_alloc : memref<!tpu.dma_semaphore, #tpu.memory_space<semaphore_mem>>
        %dma_start3A = arith.constant 0 : i32
        %dma_start3A_193 = tpu.memref_slice %arg8[%dma_start3A] : memref<14336xi32, #tpu.memory_space<vmem>> -> memref<14336xi32, #tpu.memory_space<vmem>>
        %dma_start3A_194 = tpu.memref_slice %arg4[%add3A_192] : memref<327680xi32, #tpu.memory_space<hbm>> -> memref<14336xi32, #tpu.memory_space<hbm>>
        %dma_start3A_195 = arith.constant 0 : i32
        %dma_start3A_196 = tpu.memref_slice %arg8[%dma_start3A_195] : memref<14336xi32, #tpu.memory_space<vmem>> -> memref<14336xi32, #tpu.memory_space<vmem>>
        %dma_start3A_197 = tpu.memref_slice %arg4[%add3A_192] : memref<327680xi32, #tpu.memory_space<hbm>> -> memref<14336xi32, #tpu.memory_space<hbm>>
        tpu.enqueue_dma source(%dma_start3A_197 : memref<14336xi32, #tpu.memory_space<hbm>>) target(%dma_start3A_196 : memref<14336xi32, #tpu.memory_space<vmem>>) target_semaphore(%run_scoped3A : memref<!tpu.dma_semaphore, #tpu.memory_space<semaphore_mem>>)
        %dma_wait3A_198 = arith.constant 0 : i32
        %dma_wait3A_199 = tpu.memref_slice %arg8[%dma_wait3A_198] : memref<14336xi32, #tpu.memory_space<vmem>> -> memref<14336xi32, #tpu.memory_space<vmem>>
        %dma_wait3A_200 = tpu.memref_slice %arg4[%add3A_192] : memref<327680xi32, #tpu.memory_space<hbm>> -> memref<14336xi32, #tpu.memory_space<hbm>>
        %dma_wait3A_201 = arith.constant 0 : i32
        %dma_wait3A_202 = tpu.memref_slice %arg8[%dma_wait3A_201] : memref<14336xi32, #tpu.memory_space<vmem>> -> memref<14336xi32, #tpu.memory_space<vmem>>
        %dma_wait3A_203 = tpu.memref_slice %arg4[%add3A_192] : memref<327680xi32, #tpu.memory_space<hbm>> -> memref<14336xi32, #tpu.memory_space<hbm>>
        tpu.wait_dma2 semaphore(%run_scoped3A : memref<!tpu.dma_semaphore, #tpu.memory_space<semaphore_mem>>) src(%dma_wait3A_203 : memref<14336xi32, #tpu.memory_space<hbm>>) dst(%dma_wait3A_202 : memref<14336xi32, #tpu.memory_space<vmem>>)
        tpu.yield
      }) : () -> ()
    } else {
    }
    %barrier3A = arith.constant 0 : index
    tpu.barrier barrier_id(%barrier3A)
    %sub3A = arith.constant 0 : i32
    %sub3A_53 = arith.subi %select_n3A, %sub3A : i32
    %sub3A_54 = arith.constant 2 : i32
    %sub3A_55 = arith.constant 1 : i32
    %sub3A_56 = arith.subi %sub3A_54, %sub3A_55 : i32
    %add3A_57 = arith.addi %sub3A_53, %sub3A_56 : i32
    %div3A = arith.constant 2 : i32
    %div3A_58 = arith.divsi %add3A_57, %div3A : i32
    %while3A = arith.constant 2 : i32
    %while3A_59 = arith.constant 0 : i32
    %while3A_60 = arith.constant 0 : i32
    %while3A_61 = arith.subi %div3A_58, %while3A_60 : i32
    %while3A_62 = arith.addi %while3A_60, %while3A_61 : i32
    %while3A_63 = arith.constant 1 : i32
    %while3A_64 = arith.divsi %while3A_61, %while3A_63 : i32
    %while3A_65 = arith.muli %while3A_64, %while3A_63 : i32
    %while3A_66 = arith.addi %while3A_60, %while3A_65 : i32
    %while3A_67 = arith.constant 1 : i32
    scf.for %while3A_185 = %while3A_60 to %while3A_66 step %while3A_67  : i32 {
      %mul3A_186 = arith.muli %while3A_185, %while3A : i32
      %add3A_187 = arith.addi %while3A_59, %mul3A_186 : i32
      %add3A_188 = arith.constant 0 : i32
      %add3A_189 = arith.addi %add3A_187, %add3A_188 : i32
      %ge3A = arith.constant 2 : i32
      %ge3A_190 = arith.cmpi sge, %add3A_189, %ge3A : i32
      %convert_element_type3A_191 = arith.extui %ge3A_190 : i1 to i32
      %cond3A_192 = arith.constant 0 : i32
      %cond3A_193 = arith.cmpi ne, %convert_element_type3A_191, %cond3A_192 : i32
      scf.if %cond3A_193 {
        %sub3A_324 = arith.constant 2 : i32
        %sub3A_325 = arith.subi %add3A_189, %sub3A_324 : i32
        %mul3A_326 = arith.constant 64 : i32
        %mul3A_327 = arith.muli %sub3A_325, %mul3A_326 : i32
        %add3A_328 = arith.constant 0 : i32
        %add3A_329 = arith.addi %mul3A_327, %add3A_328 : i32
        %get3A_330 = arith.index_cast %add3A_329 : i32 to index
        %get3A_331 = tpu.vector_load %arg8[%get3A_330] {strides = array<i32>} : memref<14336xi32, #tpu.memory_space<vmem>>, vector<16xi32>,
        %get3A_332 = vector.shape_cast %get3A_331 : vector<16xi32> to vector<16xi32>
        %dma_wait3A_333 = arith.constant 0 : i32
        %dma_wait3A_334 = arith.constant 0 : i32
        %dma_wait3A_335 = tpu.memref_slice %arg9[%dma_wait3A_333, %dma_wait3A_334] : memref<64x128xf32, #tpu.memory_space<vmem>> -> memref<16x128xf32, #tpu.memory_space<vmem>>
        %dma_wait3A_336 = arith.constant 0 : i32
        %dma_wait3A_337 = arith.constant 0 : i32
        %dma_wait3A_338 = tpu.memref_slice %arg6[%dma_wait3A_336, %dma_wait3A_337] : memref<10240x128xf32, #tpu.memory_space<vmem_shared>> -> memref<10240x128xf32, #tpu.memory_space<vmem_shared>>
        tpu.wait_indirect_dma semaphore(%arg13 : memref<!tpu.dma_semaphore, #tpu.memory_space<semaphore_mem>>) src(%dma_wait3A_335 : memref<16x128xf32, #tpu.memory_space<vmem>>) dst(%dma_wait3A_338 : memref<10240x128xf32, #tpu.memory_space<vmem_shared>>)
        %sub3A_339 = arith.constant 2 : i32
        %sub3A_340 = arith.subi %add3A_189, %sub3A_339 : i32
        %mul3A_341 = arith.constant 64 : i32
        %mul3A_342 = arith.muli %sub3A_340, %mul3A_341 : i32
        %add3A_343 = arith.constant 16 : i32
        %add3A_344 = arith.addi %mul3A_342, %add3A_343 : i32
        %get3A_345 = arith.index_cast %add3A_344 : i32 to index
        %get3A_346 = tpu.vector_load %arg8[%get3A_345] {strides = array<i32>} : memref<14336xi32, #tpu.memory_space<vmem>>, vector<16xi32>,
        %get3A_347 = vector.shape_cast %get3A_346 : vector<16xi32> to vector<16xi32>
        %dma_wait3A_348 = arith.constant 16 : i32
        %dma_wait3A_349 = arith.constant 0 : i32
        %dma_wait3A_350 = tpu.memref_slice %arg9[%dma_wait3A_348, %dma_wait3A_349] : memref<64x128xf32, #tpu.memory_space<vmem>> -> memref<16x128xf32, #tpu.memory_space<vmem>>
        %dma_wait3A_351 = arith.constant 0 : i32
        %dma_wait3A_352 = arith.constant 0 : i32
        %dma_wait3A_353 = tpu.memref_slice %arg6[%dma_wait3A_351, %dma_wait3A_352] : memref<10240x128xf32, #tpu.memory_space<vmem_shared>> -> memref<10240x128xf32, #tpu.memory_space<vmem_shared>>
        tpu.wait_indirect_dma semaphore(%arg13 : memref<!tpu.dma_semaphore, #tpu.memory_space<semaphore_mem>>) src(%dma_wait3A_350 : memref<16x128xf32, #tpu.memory_space<vmem>>) dst(%dma_wait3A_353 : memref<10240x128xf32, #tpu.memory_space<vmem_shared>>)
        %sub3A_354 = arith.constant 2 : i32
        %sub3A_355 = arith.subi %add3A_189, %sub3A_354 : i32
        %mul3A_356 = arith.constant 64 : i32
        %mul3A_357 = arith.muli %sub3A_355, %mul3A_356 : i32
        %add3A_358 = arith.constant 32 : i32
        %add3A_359 = arith.addi %mul3A_357, %add3A_358 : i32
        %get3A_360 = arith.index_cast %add3A_359 : i32 to index
        %get3A_361 = tpu.vector_load %arg8[%get3A_360] {strides = array<i32>} : memref<14336xi32, #tpu.memory_space<vmem>>, vector<16xi32>,
        %get3A_362 = vector.shape_cast %get3A_361 : vector<16xi32> to vector<16xi32>
        %dma_wait3A_363 = arith.constant 32 : i32
        %dma_wait3A_364 = arith.constant 0 : i32
        %dma_wait3A_365 = tpu.memref_slice %arg9[%dma_wait3A_363, %dma_wait3A_364] : memref<64x128xf32, #tpu.memory_space<vmem>> -> memref<16x128xf32, #tpu.memory_space<vmem>>
        %dma_wait3A_366 = arith.constant 0 : i32
        %dma_wait3A_367 = arith.constant 0 : i32
        %dma_wait3A_368 = tpu.memref_slice %arg6[%dma_wait3A_366, %dma_wait3A_367] : memref<10240x128xf32, #tpu.memory_space<vmem_shared>> -> memref<10240x128xf32, #tpu.memory_space<vmem_shared>>
        tpu.wait_indirect_dma semaphore(%arg13 : memref<!tpu.dma_semaphore, #tpu.memory_space<semaphore_mem>>) src(%dma_wait3A_365 : memref<16x128xf32, #tpu.memory_space<vmem>>) dst(%dma_wait3A_368 : memref<10240x128xf32, #tpu.memory_space<vmem_shared>>)
        %sub3A_369 = arith.constant 2 : i32
        %sub3A_370 = arith.subi %add3A_189, %sub3A_369 : i32
        %mul3A_371 = arith.constant 64 : i32
        %mul3A_372 = arith.muli %sub3A_370, %mul3A_371 : i32
        %add3A_373 = arith.constant 48 : i32
        %add3A_374 = arith.addi %mul3A_372, %add3A_373 : i32
        %get3A_375 = arith.index_cast %add3A_374 : i32 to index
        %get3A_376 = tpu.vector_load %arg8[%get3A_375] {strides = array<i32>} : memref<14336xi32, #tpu.memory_space<vmem>>, vector<16xi32>,
        %get3A_377 = vector.shape_cast %get3A_376 : vector<16xi32> to vector<16xi32>
        %dma_wait3A_378 = arith.constant 48 : i32
        %dma_wait3A_379 = arith.constant 0 : i32
        %dma_wait3A_380 = tpu.memref_slice %arg9[%dma_wait3A_378, %dma_wait3A_379] : memref<64x128xf32, #tpu.memory_space<vmem>> -> memref<16x128xf32, #tpu.memory_space<vmem>>
        %dma_wait3A_381 = arith.constant 0 : i32
        %dma_wait3A_382 = arith.constant 0 : i32
        %dma_wait3A_383 = tpu.memref_slice %arg6[%dma_wait3A_381, %dma_wait3A_382] : memref<10240x128xf32, #tpu.memory_space<vmem_shared>> -> memref<10240x128xf32, #tpu.memory_space<vmem_shared>>
        tpu.wait_indirect_dma semaphore(%arg13 : memref<!tpu.dma_semaphore, #tpu.memory_space<semaphore_mem>>) src(%dma_wait3A_380 : memref<16x128xf32, #tpu.memory_space<vmem>>) dst(%dma_wait3A_383 : memref<10240x128xf32, #tpu.memory_space<vmem_shared>>)
      } else {
      }
      %mul3A_194 = arith.constant 64 : i32
      %mul3A_195 = arith.muli %add3A_189, %mul3A_194 : i32
      %dma_start3A = tpu.memref_slice %arg7[%mul3A_195] : memref<14336xi32, #tpu.memory_space<vmem>> -> memref<64xi32, #tpu.memory_space<vmem>>
      %dma_start3A_196 = arith.constant 0 : i32
      %dma_start3A_197 = arith.constant 0 : i32
      %dma_start3A_198 = tpu.memref_slice %arg2[%dma_start3A_196, %dma_start3A_197] : memref<10000x128xf32, #tpu.memory_space<hbm>> -> memref<10000x128xf32, #tpu.memory_space<hbm>>
      tpu.enqueue_indirect_dma source(%dma_start3A_198 : memref<10000x128xf32, #tpu.memory_space<hbm>>) target(%arg9 : memref<64x128xf32, #tpu.memory_space<vmem>>) offsets(%dma_start3A : memref<64xi32, #tpu.memory_space<vmem>>) semaphore(%arg11 : memref<!tpu.dma_semaphore, #tpu.memory_space<semaphore_mem>>)
      %dma_wait3A_199 = tpu.memref_slice %arg7[%mul3A_195] : memref<14336xi32, #tpu.memory_space<vmem>> -> memref<64xi32, #tpu.memory_space<vmem>>
      %dma_wait3A_200 = arith.constant 0 : i32
      %dma_wait3A_201 = arith.constant 0 : i32
      %dma_wait3A_202 = tpu.memref_slice %arg2[%dma_wait3A_200, %dma_wait3A_201] : memref<10000x128xf32, #tpu.memory_space<hbm>> -> memref<10000x128xf32, #tpu.memory_space<hbm>>
      tpu.wait_indirect_dma semaphore(%arg11 : memref<!tpu.dma_semaphore, #tpu.memory_space<semaphore_mem>>) src(%dma_wait3A_202 : memref<10000x128xf32, #tpu.memory_space<hbm>>) dst(%arg9 : memref<64x128xf32, #tpu.memory_space<vmem>>)
      %mul3A_203 = arith.constant 64 : i32
      %mul3A_204 = arith.muli %add3A_189, %mul3A_203 : i32
      %add3A_205 = arith.constant 0 : i32
      %add3A_206 = arith.addi %mul3A_204, %add3A_205 : i32
      %get3A_207 = arith.index_cast %add3A_206 : i32 to index
      %get3A_208 = tpu.vector_load %arg8[%get3A_207] {strides = array<i32>} : memref<14336xi32, #tpu.memory_space<vmem>>, vector<16xi32>,
      %get3A_209 = vector.shape_cast %get3A_208 : vector<16xi32> to vector<16xi32>
      %dma_start3A_210 = arith.constant 0 : i32
      %dma_start3A_211 = arith.constant 0 : i32
      %dma_start3A_212 = tpu.memref_slice %arg9[%dma_start3A_210, %dma_start3A_211] : memref<64x128xf32, #tpu.memory_space<vmem>> -> memref<16x128xf32, #tpu.memory_space<vmem>>
      %dma_start3A_213 = arith.constant 0 : i32
      %dma_start3A_214 = arith.constant 0 : i32
      %dma_start3A_215 = tpu.memref_slice %arg6[%dma_start3A_213, %dma_start3A_214] : memref<10240x128xf32, #tpu.memory_space<vmem_shared>> -> memref<10240x128xf32, #tpu.memory_space<vmem_shared>>
      tpu.enqueue_indirect_dma source(%dma_start3A_212 : memref<16x128xf32, #tpu.memory_space<vmem>>) target(%dma_start3A_215 : memref<10240x128xf32, #tpu.memory_space<vmem_shared>>) offsets(%get3A_209 : vector<16xi32>) semaphore(%arg13 : memref<!tpu.dma_semaphore, #tpu.memory_space<semaphore_mem>>) {add = true}
      %mul3A_216 = arith.constant 64 : i32
      %mul3A_217 = arith.muli %add3A_189, %mul3A_216 : i32
      %add3A_218 = arith.constant 16 : i32
      %add3A_219 = arith.addi %mul3A_217, %add3A_218 : i32
      %get3A_220 = arith.index_cast %add3A_219 : i32 to index
      %get3A_221 = tpu.vector_load %arg8[%get3A_220] {strides = array<i32>} : memref<14336xi32, #tpu.memory_space<vmem>>, vector<16xi32>,
      %get3A_222 = vector.shape_cast %get3A_221 : vector<16xi32> to vector<16xi32>
      %dma_start3A_223 = arith.constant 16 : i32
      %dma_start3A_224 = arith.constant 0 : i32
      %dma_start3A_225 = tpu.memref_slice %arg9[%dma_start3A_223, %dma_start3A_224] : memref<64x128xf32, #tpu.memory_space<vmem>> -> memref<16x128xf32, #tpu.memory_space<vmem>>
      %dma_start3A_226 = arith.constant 0 : i32
      %dma_start3A_227 = arith.constant 0 : i32
      %dma_start3A_228 = tpu.memref_slice %arg6[%dma_start3A_226, %dma_start3A_227] : memref<10240x128xf32, #tpu.memory_space<vmem_shared>> -> memref<10240x128xf32, #tpu.memory_space<vmem_shared>>
      tpu.enqueue_indirect_dma source(%dma_start3A_225 : memref<16x128xf32, #tpu.memory_space<vmem>>) target(%dma_start3A_228 : memref<10240x128xf32, #tpu.memory_space<vmem_shared>>) offsets(%get3A_222 : vector<16xi32>) semaphore(%arg13 : memref<!tpu.dma_semaphore, #tpu.memory_space<semaphore_mem>>) {add = true}
      %mul3A_229 = arith.constant 64 : i32
      %mul3A_230 = arith.muli %add3A_189, %mul3A_229 : i32
      %add3A_231 = arith.constant 32 : i32
      %add3A_232 = arith.addi %mul3A_230, %add3A_231 : i32
      %get3A_233 = arith.index_cast %add3A_232 : i32 to index
      %get3A_234 = tpu.vector_load %arg8[%get3A_233] {strides = array<i32>} : memref<14336xi32, #tpu.memory_space<vmem>>, vector<16xi32>,
      %get3A_235 = vector.shape_cast %get3A_234 : vector<16xi32> to vector<16xi32>
      %dma_start3A_236 = arith.constant 32 : i32
      %dma_start3A_237 = arith.constant 0 : i32
      %dma_start3A_238 = tpu.memref_slice %arg9[%dma_start3A_236, %dma_start3A_237] : memref<64x128xf32, #tpu.memory_space<vmem>> -> memref<16x128xf32, #tpu.memory_space<vmem>>
      %dma_start3A_239 = arith.constant 0 : i32
      %dma_start3A_240 = arith.constant 0 : i32
      %dma_start3A_241 = tpu.memref_slice %arg6[%dma_start3A_239, %dma_start3A_240] : memref<10240x128xf32, #tpu.memory_space<vmem_shared>> -> memref<10240x128xf32, #tpu.memory_space<vmem_shared>>
      tpu.enqueue_indirect_dma source(%dma_start3A_238 : memref<16x128xf32, #tpu.memory_space<vmem>>) target(%dma_start3A_241 : memref<10240x128xf32, #tpu.memory_space<vmem_shared>>) offsets(%get3A_235 : vector<16xi32>) semaphore(%arg13 : memref<!tpu.dma_semaphore, #tpu.memory_space<semaphore_mem>>) {add = true}
      %mul3A_242 = arith.constant 64 : i32
      %mul3A_243 = arith.muli %add3A_189, %mul3A_242 : i32
      %add3A_244 = arith.constant 48 : i32
      %add3A_245 = arith.addi %mul3A_243, %add3A_244 : i32
      %get3A_246 = arith.index_cast %add3A_245 : i32 to index
      %get3A_247 = tpu.vector_load %arg8[%get3A_246] {strides = array<i32>} : memref<14336xi32, #tpu.memory_space<vmem>>, vector<16xi32>,
      %get3A_248 = vector.shape_cast %get3A_247 : vector<16xi32> to vector<16xi32>
      %dma_start3A_249 = arith.constant 48 : i32
      %dma_start3A_250 = arith.constant 0 : i32
      %dma_start3A_251 = tpu.memref_slice %arg9[%dma_start3A_249, %dma_start3A_250] : memref<64x128xf32, #tpu.memory_space<vmem>> -> memref<16x128xf32, #tpu.memory_space<vmem>>
      %dma_start3A_252 = arith.constant 0 : i32
      %dma_start3A_253 = arith.constant 0 : i32
      %dma_start3A_254 = tpu.memref_slice %arg6[%dma_start3A_252, %dma_start3A_253] : memref<10240x128xf32, #tpu.memory_space<vmem_shared>> -> memref<10240x128xf32, #tpu.memory_space<vmem_shared>>
      tpu.enqueue_indirect_dma source(%dma_start3A_251 : memref<16x128xf32, #tpu.memory_space<vmem>>) target(%dma_start3A_254 : memref<10240x128xf32, #tpu.memory_space<vmem_shared>>) offsets(%get3A_248 : vector<16xi32>) semaphore(%arg13 : memref<!tpu.dma_semaphore, #tpu.memory_space<semaphore_mem>>) {add = true}
      %add3A_255 = arith.constant 1 : i32
      %add3A_256 = arith.addi %add3A_187, %add3A_255 : i32
      %ge3A_257 = arith.constant 2 : i32
      %ge3A_258 = arith.cmpi sge, %add3A_256, %ge3A_257 : i32
      %convert_element_type3A_259 = arith.extui %ge3A_258 : i1 to i32
      %cond3A_260 = arith.constant 0 : i32
      %cond3A_261 = arith.cmpi ne, %convert_element_type3A_259, %cond3A_260 : i32
      scf.if %cond3A_261 {
        %sub3A_324 = arith.constant 2 : i32
        %sub3A_325 = arith.subi %add3A_256, %sub3A_324 : i32
        %mul3A_326 = arith.constant 64 : i32
        %mul3A_327 = arith.muli %sub3A_325, %mul3A_326 : i32
        %add3A_328 = arith.constant 0 : i32
        %add3A_329 = arith.addi %mul3A_327, %add3A_328 : i32
        %get3A_330 = arith.index_cast %add3A_329 : i32 to index
        %get3A_331 = tpu.vector_load %arg8[%get3A_330] {strides = array<i32>} : memref<14336xi32, #tpu.memory_space<vmem>>, vector<16xi32>,
        %get3A_332 = vector.shape_cast %get3A_331 : vector<16xi32> to vector<16xi32>
        %dma_wait3A_333 = arith.constant 0 : i32
        %dma_wait3A_334 = arith.constant 0 : i32
        %dma_wait3A_335 = tpu.memref_slice %arg10[%dma_wait3A_333, %dma_wait3A_334] : memref<64x128xf32, #tpu.memory_space<vmem>> -> memref<16x128xf32, #tpu.memory_space<vmem>>
        %dma_wait3A_336 = arith.constant 0 : i32
        %dma_wait3A_337 = arith.constant 0 : i32
        %dma_wait3A_338 = tpu.memref_slice %arg6[%dma_wait3A_336, %dma_wait3A_337] : memref<10240x128xf32, #tpu.memory_space<vmem_shared>> -> memref<10240x128xf32, #tpu.memory_space<vmem_shared>>
        tpu.wait_indirect_dma semaphore(%arg14 : memref<!tpu.dma_semaphore, #tpu.memory_space<semaphore_mem>>) src(%dma_wait3A_335 : memref<16x128xf32, #tpu.memory_space<vmem>>) dst(%dma_wait3A_338 : memref<10240x128xf32, #tpu.memory_space<vmem_shared>>)
        %sub3A_339 = arith.constant 2 : i32
        %sub3A_340 = arith.subi %add3A_256, %sub3A_339 : i32
        %mul3A_341 = arith.constant 64 : i32
        %mul3A_342 = arith.muli %sub3A_340, %mul3A_341 : i32
        %add3A_343 = arith.constant 16 : i32
        %add3A_344 = arith.addi %mul3A_342, %add3A_343 : i32
        %get3A_345 = arith.index_cast %add3A_344 : i32 to index
        %get3A_346 = tpu.vector_load %arg8[%get3A_345] {strides = array<i32>} : memref<14336xi32, #tpu.memory_space<vmem>>, vector<16xi32>,
        %get3A_347 = vector.shape_cast %get3A_346 : vector<16xi32> to vector<16xi32>
        %dma_wait3A_348 = arith.constant 16 : i32
        %dma_wait3A_349 = arith.constant 0 : i32
        %dma_wait3A_350 = tpu.memref_slice %arg10[%dma_wait3A_348, %dma_wait3A_349] : memref<64x128xf32, #tpu.memory_space<vmem>> -> memref<16x128xf32, #tpu.memory_space<vmem>>
        %dma_wait3A_351 = arith.constant 0 : i32
        %dma_wait3A_352 = arith.constant 0 : i32
        %dma_wait3A_353 = tpu.memref_slice %arg6[%dma_wait3A_351, %dma_wait3A_352] : memref<10240x128xf32, #tpu.memory_space<vmem_shared>> -> memref<10240x128xf32, #tpu.memory_space<vmem_shared>>
        tpu.wait_indirect_dma semaphore(%arg14 : memref<!tpu.dma_semaphore, #tpu.memory_space<semaphore_mem>>) src(%dma_wait3A_350 : memref<16x128xf32, #tpu.memory_space<vmem>>) dst(%dma_wait3A_353 : memref<10240x128xf32, #tpu.memory_space<vmem_shared>>)
        %sub3A_354 = arith.constant 2 : i32
        %sub3A_355 = arith.subi %add3A_256, %sub3A_354 : i32
        %mul3A_356 = arith.constant 64 : i32
        %mul3A_357 = arith.muli %sub3A_355, %mul3A_356 : i32
        %add3A_358 = arith.constant 32 : i32
        %add3A_359 = arith.addi %mul3A_357, %add3A_358 : i32
        %get3A_360 = arith.index_cast %add3A_359 : i32 to index
        %get3A_361 = tpu.vector_load %arg8[%get3A_360] {strides = array<i32>} : memref<14336xi32, #tpu.memory_space<vmem>>, vector<16xi32>,
        %get3A_362 = vector.shape_cast %get3A_361 : vector<16xi32> to vector<16xi32>
        %dma_wait3A_363 = arith.constant 32 : i32
        %dma_wait3A_364 = arith.constant 0 : i32
        %dma_wait3A_365 = tpu.memref_slice %arg10[%dma_wait3A_363, %dma_wait3A_364] : memref<64x128xf32, #tpu.memory_space<vmem>> -> memref<16x128xf32, #tpu.memory_space<vmem>>
        %dma_wait3A_366 = arith.constant 0 : i32
        %dma_wait3A_367 = arith.constant 0 : i32
        %dma_wait3A_368 = tpu.memref_slice %arg6[%dma_wait3A_366, %dma_wait3A_367] : memref<10240x128xf32, #tpu.memory_space<vmem_shared>> -> memref<10240x128xf32, #tpu.memory_space<vmem_shared>>
        tpu.wait_indirect_dma semaphore(%arg14 : memref<!tpu.dma_semaphore, #tpu.memory_space<semaphore_mem>>) src(%dma_wait3A_365 : memref<16x128xf32, #tpu.memory_space<vmem>>) dst(%dma_wait3A_368 : memref<10240x128xf32, #tpu.memory_space<vmem_shared>>)
        %sub3A_369 = arith.constant 2 : i32
        %sub3A_370 = arith.subi %add3A_256, %sub3A_369 : i32
        %mul3A_371 = arith.constant 64 : i32
        %mul3A_372 = arith.muli %sub3A_370, %mul3A_371 : i32
        %add3A_373 = arith.constant 48 : i32
        %add3A_374 = arith.addi %mul3A_372, %add3A_373 : i32
        %get3A_375 = arith.index_cast %add3A_374 : i32 to index
        %get3A_376 = tpu.vector_load %arg8[%get3A_375] {strides = array<i32>} : memref<14336xi32, #tpu.memory_space<vmem>>, vector<16xi32>,
        %get3A_377 = vector.shape_cast %get3A_376 : vector<16xi32> to vector<16xi32>
        %dma_wait3A_378 = arith.constant 48 : i32
        %dma_wait3A_379 = arith.constant 0 : i32
        %dma_wait3A_380 = tpu.memref_slice %arg10[%dma_wait3A_378, %dma_wait3A_379] : memref<64x128xf32, #tpu.memory_space<vmem>> -> memref<16x128xf32, #tpu.memory_space<vmem>>
        %dma_wait3A_381 = arith.constant 0 : i32
        %dma_wait3A_382 = arith.constant 0 : i32
        %dma_wait3A_383 = tpu.memref_slice %arg6[%dma_wait3A_381, %dma_wait3A_382] : memref<10240x128xf32, #tpu.memory_space<vmem_shared>> -> memref<10240x128xf32, #tpu.memory_space<vmem_shared>>
        tpu.wait_indirect_dma semaphore(%arg14 : memref<!tpu.dma_semaphore, #tpu.memory_space<semaphore_mem>>) src(%dma_wait3A_380 : memref<16x128xf32, #tpu.memory_space<vmem>>) dst(%dma_wait3A_383 : memref<10240x128xf32, #tpu.memory_space<vmem_shared>>)
      } else {
      }
      %mul3A_262 = arith.constant 64 : i32
      %mul3A_263 = arith.muli %add3A_256, %mul3A_262 : i32
      %dma_start3A_264 = tpu.memref_slice %arg7[%mul3A_263] : memref<14336xi32, #tpu.memory_space<vmem>> -> memref<64xi32, #tpu.memory_space<vmem>>
      %dma_start3A_265 = arith.constant 0 : i32
      %dma_start3A_266 = arith.constant 0 : i32
      %dma_start3A_267 = tpu.memref_slice %arg2[%dma_start3A_265, %dma_start3A_266] : memref<10000x128xf32, #tpu.memory_space<hbm>> -> memref<10000x128xf32, #tpu.memory_space<hbm>>
      tpu.enqueue_indirect_dma source(%dma_start3A_267 : memref<10000x128xf32, #tpu.memory_space<hbm>>) target(%arg10 : memref<64x128xf32, #tpu.memory_space<vmem>>) offsets(%dma_start3A_264 : memref<64xi32, #tpu.memory_space<vmem>>) semaphore(%arg12 : memref<!tpu.dma_semaphore, #tpu.memory_space<semaphore_mem>>)
      %dma_wait3A_268 = tpu.memref_slice %arg7[%mul3A_263] : memref<14336xi32, #tpu.memory_space<vmem>> -> memref<64xi32, #tpu.memory_space<vmem>>
      %dma_wait3A_269 = arith.constant 0 : i32
      %dma_wait3A_270 = arith.constant 0 : i32
      %dma_wait3A_271 = tpu.memref_slice %arg2[%dma_wait3A_269, %dma_wait3A_270] : memref<10000x128xf32, #tpu.memory_space<hbm>> -> memref<10000x128xf32, #tpu.memory_space<hbm>>
      tpu.wait_indirect_dma semaphore(%arg12 : memref<!tpu.dma_semaphore, #tpu.memory_space<semaphore_mem>>) src(%dma_wait3A_271 : memref<10000x128xf32, #tpu.memory_space<hbm>>) dst(%arg10 : memref<64x128xf32, #tpu.memory_space<vmem>>)
      %mul3A_272 = arith.constant 64 : i32
      %mul3A_273 = arith.muli %add3A_256, %mul3A_272 : i32
      %add3A_274 = arith.constant 0 : i32
      %add3A_275 = arith.addi %mul3A_273, %add3A_274 : i32
      %get3A_276 = arith.index_cast %add3A_275 : i32 to index
      %get3A_277 = tpu.vector_load %arg8[%get3A_276] {strides = array<i32>} : memref<14336xi32, #tpu.memory_space<vmem>>, vector<16xi32>,
      %get3A_278 = vector.shape_cast %get3A_277 : vector<16xi32> to vector<16xi32>
      %dma_start3A_279 = arith.constant 0 : i32
      %dma_start3A_280 = arith.constant 0 : i32
      %dma_start3A_281 = tpu.memref_slice %arg10[%dma_start3A_279, %dma_start3A_280] : memref<64x128xf32, #tpu.memory_space<vmem>> -> memref<16x128xf32, #tpu.memory_space<vmem>>
      %dma_start3A_282 = arith.constant 0 : i32
      %dma_start3A_283 = arith.constant 0 : i32
      %dma_start3A_284 = tpu.memref_slice %arg6[%dma_start3A_282, %dma_start3A_283] : memref<10240x128xf32, #tpu.memory_space<vmem_shared>> -> memref<10240x128xf32, #tpu.memory_space<vmem_shared>>
      tpu.enqueue_indirect_dma source(%dma_start3A_281 : memref<16x128xf32, #tpu.memory_space<vmem>>) target(%dma_start3A_284 : memref<10240x128xf32, #tpu.memory_space<vmem_shared>>) offsets(%get3A_278 : vector<16xi32>) semaphore(%arg14 : memref<!tpu.dma_semaphore, #tpu.memory_space<semaphore_mem>>) {add = true}
      %mul3A_285 = arith.constant 64 : i32
      %mul3A_286 = arith.muli %add3A_256, %mul3A_285 : i32
      %add3A_287 = arith.constant 16 : i32
      %add3A_288 = arith.addi %mul3A_286, %add3A_287 : i32
      %get3A_289 = arith.index_cast %add3A_288 : i32 to index
      %get3A_290 = tpu.vector_load %arg8[%get3A_289] {strides = array<i32>} : memref<14336xi32, #tpu.memory_space<vmem>>, vector<16xi32>,
      %get3A_291 = vector.shape_cast %get3A_290 : vector<16xi32> to vector<16xi32>
      %dma_start3A_292 = arith.constant 16 : i32
      %dma_start3A_293 = arith.constant 0 : i32
      %dma_start3A_294 = tpu.memref_slice %arg10[%dma_start3A_292, %dma_start3A_293] : memref<64x128xf32, #tpu.memory_space<vmem>> -> memref<16x128xf32, #tpu.memory_space<vmem>>
      %dma_start3A_295 = arith.constant 0 : i32
      %dma_start3A_296 = arith.constant 0 : i32
      %dma_start3A_297 = tpu.memref_slice %arg6[%dma_start3A_295, %dma_start3A_296] : memref<10240x128xf32, #tpu.memory_space<vmem_shared>> -> memref<10240x128xf32, #tpu.memory_space<vmem_shared>>
      tpu.enqueue_indirect_dma source(%dma_start3A_294 : memref<16x128xf32, #tpu.memory_space<vmem>>) target(%dma_start3A_297 : memref<10240x128xf32, #tpu.memory_space<vmem_shared>>) offsets(%get3A_291 : vector<16xi32>) semaphore(%arg14 : memref<!tpu.dma_semaphore, #tpu.memory_space<semaphore_mem>>) {add = true}
      %mul3A_298 = arith.constant 64 : i32
      %mul3A_299 = arith.muli %add3A_256, %mul3A_298 : i32
      %add3A_300 = arith.constant 32 : i32
      %add3A_301 = arith.addi %mul3A_299, %add3A_300 : i32
      %get3A_302 = arith.index_cast %add3A_301 : i32 to index
      %get3A_303 = tpu.vector_load %arg8[%get3A_302] {strides = array<i32>} : memref<14336xi32, #tpu.memory_space<vmem>>, vector<16xi32>,
      %get3A_304 = vector.shape_cast %get3A_303 : vector<16xi32> to vector<16xi32>
      %dma_start3A_305 = arith.constant 32 : i32
      %dma_start3A_306 = arith.constant 0 : i32
      %dma_start3A_307 = tpu.memref_slice %arg10[%dma_start3A_305, %dma_start3A_306] : memref<64x128xf32, #tpu.memory_space<vmem>> -> memref<16x128xf32, #tpu.memory_space<vmem>>
      %dma_start3A_308 = arith.constant 0 : i32
      %dma_start3A_309 = arith.constant 0 : i32
      %dma_start3A_310 = tpu.memref_slice %arg6[%dma_start3A_308, %dma_start3A_309] : memref<10240x128xf32, #tpu.memory_space<vmem_shared>> -> memref<10240x128xf32, #tpu.memory_space<vmem_shared>>
      tpu.enqueue_indirect_dma source(%dma_start3A_307 : memref<16x128xf32, #tpu.memory_space<vmem>>) target(%dma_start3A_310 : memref<10240x128xf32, #tpu.memory_space<vmem_shared>>) offsets(%get3A_304 : vector<16xi32>) semaphore(%arg14 : memref<!tpu.dma_semaphore, #tpu.memory_space<semaphore_mem>>) {add = true}
      %mul3A_311 = arith.constant 64 : i32
      %mul3A_312 = arith.muli %add3A_256, %mul3A_311 : i32
      %add3A_313 = arith.constant 48 : i32
      %add3A_314 = arith.addi %mul3A_312, %add3A_313 : i32
      %get3A_315 = arith.index_cast %add3A_314 : i32 to index
      %get3A_316 = tpu.vector_load %arg8[%get3A_315] {strides = array<i32>} : memref<14336xi32, #tpu.memory_space<vmem>>, vector<16xi32>,
      %get3A_317 = vector.shape_cast %get3A_316 : vector<16xi32> to vector<16xi32>
      %dma_start3A_318 = arith.constant 48 : i32
      %dma_start3A_319 = arith.constant 0 : i32
      %dma_start3A_320 = tpu.memref_slice %arg10[%dma_start3A_318, %dma_start3A_319] : memref<64x128xf32, #tpu.memory_space<vmem>> -> memref<16x128xf32, #tpu.memory_space<vmem>>
      %dma_start3A_321 = arith.constant 0 : i32
      %dma_start3A_322 = arith.constant 0 : i32
      %dma_start3A_323 = tpu.memref_slice %arg6[%dma_start3A_321, %dma_start3A_322] : memref<10240x128xf32, #tpu.memory_space<vmem_shared>> -> memref<10240x128xf32, #tpu.memory_space<vmem_shared>>
      tpu.enqueue_indirect_dma source(%dma_start3A_320 : memref<16x128xf32, #tpu.memory_space<vmem>>) target(%dma_start3A_323 : memref<10240x128xf32, #tpu.memory_space<vmem_shared>>) offsets(%get3A_317 : vector<16xi32>) semaphore(%arg14 : memref<!tpu.dma_semaphore, #tpu.memory_space<semaphore_mem>>) {add = true}
    }
    %while3A_68 = arith.constant 1 : i32
    scf.for %while3A_185 = %while3A_66 to %while3A_62 step %while3A_68  : i32 {
      %mul3A_186 = arith.muli %while3A_185, %while3A : i32
      %add3A_187 = arith.addi %while3A_59, %mul3A_186 : i32
      %add3A_188 = arith.constant 0 : i32
      %add3A_189 = arith.addi %add3A_187, %add3A_188 : i32
      %ge3A = arith.constant 2 : i32
      %ge3A_190 = arith.cmpi sge, %add3A_189, %ge3A : i32
      %convert_element_type3A_191 = arith.extui %ge3A_190 : i1 to i32
      %cond3A_192 = arith.constant 0 : i32
      %cond3A_193 = arith.cmpi ne, %convert_element_type3A_191, %cond3A_192 : i32
      scf.if %cond3A_193 {
        %sub3A_324 = arith.constant 2 : i32
        %sub3A_325 = arith.subi %add3A_189, %sub3A_324 : i32
        %mul3A_326 = arith.constant 64 : i32
        %mul3A_327 = arith.muli %sub3A_325, %mul3A_326 : i32
        %add3A_328 = arith.constant 0 : i32
        %add3A_329 = arith.addi %mul3A_327, %add3A_328 : i32
        %get3A_330 = arith.index_cast %add3A_329 : i32 to index
        %get3A_331 = tpu.vector_load %arg8[%get3A_330] {strides = array<i32>} : memref<14336xi32, #tpu.memory_space<vmem>>, vector<16xi32>,
        %get3A_332 = vector.shape_cast %get3A_331 : vector<16xi32> to vector<16xi32>
        %dma_wait3A_333 = arith.constant 0 : i32
        %dma_wait3A_334 = arith.constant 0 : i32
        %dma_wait3A_335 = tpu.memref_slice %arg9[%dma_wait3A_333, %dma_wait3A_334] : memref<64x128xf32, #tpu.memory_space<vmem>> -> memref<16x128xf32, #tpu.memory_space<vmem>>
        %dma_wait3A_336 = arith.constant 0 : i32
        %dma_wait3A_337 = arith.constant 0 : i32
        %dma_wait3A_338 = tpu.memref_slice %arg6[%dma_wait3A_336, %dma_wait3A_337] : memref<10240x128xf32, #tpu.memory_space<vmem_shared>> -> memref<10240x128xf32, #tpu.memory_space<vmem_shared>>
        tpu.wait_indirect_dma semaphore(%arg13 : memref<!tpu.dma_semaphore, #tpu.memory_space<semaphore_mem>>) src(%dma_wait3A_335 : memref<16x128xf32, #tpu.memory_space<vmem>>) dst(%dma_wait3A_338 : memref<10240x128xf32, #tpu.memory_space<vmem_shared>>)
        %sub3A_339 = arith.constant 2 : i32
        %sub3A_340 = arith.subi %add3A_189, %sub3A_339 : i32
        %mul3A_341 = arith.constant 64 : i32
        %mul3A_342 = arith.muli %sub3A_340, %mul3A_341 : i32
        %add3A_343 = arith.constant 16 : i32
        %add3A_344 = arith.addi %mul3A_342, %add3A_343 : i32
        %get3A_345 = arith.index_cast %add3A_344 : i32 to index
        %get3A_346 = tpu.vector_load %arg8[%get3A_345] {strides = array<i32>} : memref<14336xi32, #tpu.memory_space<vmem>>, vector<16xi32>,
        %get3A_347 = vector.shape_cast %get3A_346 : vector<16xi32> to vector<16xi32>
        %dma_wait3A_348 = arith.constant 16 : i32
        %dma_wait3A_349 = arith.constant 0 : i32
        %dma_wait3A_350 = tpu.memref_slice %arg9[%dma_wait3A_348, %dma_wait3A_349] : memref<64x128xf32, #tpu.memory_space<vmem>> -> memref<16x128xf32, #tpu.memory_space<vmem>>
        %dma_wait3A_351 = arith.constant 0 : i32
        %dma_wait3A_352 = arith.constant 0 : i32
        %dma_wait3A_353 = tpu.memref_slice %arg6[%dma_wait3A_351, %dma_wait3A_352] : memref<10240x128xf32, #tpu.memory_space<vmem_shared>> -> memref<10240x128xf32, #tpu.memory_space<vmem_shared>>
        tpu.wait_indirect_dma semaphore(%arg13 : memref<!tpu.dma_semaphore, #tpu.memory_space<semaphore_mem>>) src(%dma_wait3A_350 : memref<16x128xf32, #tpu.memory_space<vmem>>) dst(%dma_wait3A_353 : memref<10240x128xf32, #tpu.memory_space<vmem_shared>>)
        %sub3A_354 = arith.constant 2 : i32
        %sub3A_355 = arith.subi %add3A_189, %sub3A_354 : i32
        %mul3A_356 = arith.constant 64 : i32
        %mul3A_357 = arith.muli %sub3A_355, %mul3A_356 : i32
        %add3A_358 = arith.constant 32 : i32
        %add3A_359 = arith.addi %mul3A_357, %add3A_358 : i32
        %get3A_360 = arith.index_cast %add3A_359 : i32 to index
        %get3A_361 = tpu.vector_load %arg8[%get3A_360] {strides = array<i32>} : memref<14336xi32, #tpu.memory_space<vmem>>, vector<16xi32>,
        %get3A_362 = vector.shape_cast %get3A_361 : vector<16xi32> to vector<16xi32>
        %dma_wait3A_363 = arith.constant 32 : i32
        %dma_wait3A_364 = arith.constant 0 : i32
        %dma_wait3A_365 = tpu.memref_slice %arg9[%dma_wait3A_363, %dma_wait3A_364] : memref<64x128xf32, #tpu.memory_space<vmem>> -> memref<16x128xf32, #tpu.memory_space<vmem>>
        %dma_wait3A_366 = arith.constant 0 : i32
        %dma_wait3A_367 = arith.constant 0 : i32
        %dma_wait3A_368 = tpu.memref_slice %arg6[%dma_wait3A_366, %dma_wait3A_367] : memref<10240x128xf32, #tpu.memory_space<vmem_shared>> -> memref<10240x128xf32, #tpu.memory_space<vmem_shared>>
        tpu.wait_indirect_dma semaphore(%arg13 : memref<!tpu.dma_semaphore, #tpu.memory_space<semaphore_mem>>) src(%dma_wait3A_365 : memref<16x128xf32, #tpu.memory_space<vmem>>) dst(%dma_wait3A_368 : memref<10240x128xf32, #tpu.memory_space<vmem_shared>>)
        %sub3A_369 = arith.constant 2 : i32
        %sub3A_370 = arith.subi %add3A_189, %sub3A_369 : i32
        %mul3A_371 = arith.constant 64 : i32
        %mul3A_372 = arith.muli %sub3A_370, %mul3A_371 : i32
        %add3A_373 = arith.constant 48 : i32
        %add3A_374 = arith.addi %mul3A_372, %add3A_373 : i32
        %get3A_375 = arith.index_cast %add3A_374 : i32 to index
        %get3A_376 = tpu.vector_load %arg8[%get3A_375] {strides = array<i32>} : memref<14336xi32, #tpu.memory_space<vmem>>, vector<16xi32>,
        %get3A_377 = vector.shape_cast %get3A_376 : vector<16xi32> to vector<16xi32>
        %dma_wait3A_378 = arith.constant 48 : i32
        %dma_wait3A_379 = arith.constant 0 : i32
        %dma_wait3A_380 = tpu.memref_slice %arg9[%dma_wait3A_378, %dma_wait3A_379] : memref<64x128xf32, #tpu.memory_space<vmem>> -> memref<16x128xf32, #tpu.memory_space<vmem>>
        %dma_wait3A_381 = arith.constant 0 : i32
        %dma_wait3A_382 = arith.constant 0 : i32
        %dma_wait3A_383 = tpu.memref_slice %arg6[%dma_wait3A_381, %dma_wait3A_382] : memref<10240x128xf32, #tpu.memory_space<vmem_shared>> -> memref<10240x128xf32, #tpu.memory_space<vmem_shared>>
        tpu.wait_indirect_dma semaphore(%arg13 : memref<!tpu.dma_semaphore, #tpu.memory_space<semaphore_mem>>) src(%dma_wait3A_380 : memref<16x128xf32, #tpu.memory_space<vmem>>) dst(%dma_wait3A_383 : memref<10240x128xf32, #tpu.memory_space<vmem_shared>>)
      } else {
      }
      %mul3A_194 = arith.constant 64 : i32
      %mul3A_195 = arith.muli %add3A_189, %mul3A_194 : i32
      %dma_start3A = tpu.memref_slice %arg7[%mul3A_195] : memref<14336xi32, #tpu.memory_space<vmem>> -> memref<64xi32, #tpu.memory_space<vmem>>
      %dma_start3A_196 = arith.constant 0 : i32
      %dma_start3A_197 = arith.constant 0 : i32
      %dma_start3A_198 = tpu.memref_slice %arg2[%dma_start3A_196, %dma_start3A_197] : memref<10000x128xf32, #tpu.memory_space<hbm>> -> memref<10000x128xf32, #tpu.memory_space<hbm>>
      tpu.enqueue_indirect_dma source(%dma_start3A_198 : memref<10000x128xf32, #tpu.memory_space<hbm>>) target(%arg9 : memref<64x128xf32, #tpu.memory_space<vmem>>) offsets(%dma_start3A : memref<64xi32, #tpu.memory_space<vmem>>) semaphore(%arg11 : memref<!tpu.dma_semaphore, #tpu.memory_space<semaphore_mem>>)
      %dma_wait3A_199 = tpu.memref_slice %arg7[%mul3A_195] : memref<14336xi32, #tpu.memory_space<vmem>> -> memref<64xi32, #tpu.memory_space<vmem>>
      %dma_wait3A_200 = arith.constant 0 : i32
      %dma_wait3A_201 = arith.constant 0 : i32
      %dma_wait3A_202 = tpu.memref_slice %arg2[%dma_wait3A_200, %dma_wait3A_201] : memref<10000x128xf32, #tpu.memory_space<hbm>> -> memref<10000x128xf32, #tpu.memory_space<hbm>>
      tpu.wait_indirect_dma semaphore(%arg11 : memref<!tpu.dma_semaphore, #tpu.memory_space<semaphore_mem>>) src(%dma_wait3A_202 : memref<10000x128xf32, #tpu.memory_space<hbm>>) dst(%arg9 : memref<64x128xf32, #tpu.memory_space<vmem>>)
      %mul3A_203 = arith.constant 64 : i32
      %mul3A_204 = arith.muli %add3A_189, %mul3A_203 : i32
      %add3A_205 = arith.constant 0 : i32
      %add3A_206 = arith.addi %mul3A_204, %add3A_205 : i32
      %get3A_207 = arith.index_cast %add3A_206 : i32 to index
      %get3A_208 = tpu.vector_load %arg8[%get3A_207] {strides = array<i32>} : memref<14336xi32, #tpu.memory_space<vmem>>, vector<16xi32>,
      %get3A_209 = vector.shape_cast %get3A_208 : vector<16xi32> to vector<16xi32>
      %dma_start3A_210 = arith.constant 0 : i32
      %dma_start3A_211 = arith.constant 0 : i32
      %dma_start3A_212 = tpu.memref_slice %arg9[%dma_start3A_210, %dma_start3A_211] : memref<64x128xf32, #tpu.memory_space<vmem>> -> memref<16x128xf32, #tpu.memory_space<vmem>>
      %dma_start3A_213 = arith.constant 0 : i32
      %dma_start3A_214 = arith.constant 0 : i32
      %dma_start3A_215 = tpu.memref_slice %arg6[%dma_start3A_213, %dma_start3A_214] : memref<10240x128xf32, #tpu.memory_space<vmem_shared>> -> memref<10240x128xf32, #tpu.memory_space<vmem_shared>>
      tpu.enqueue_indirect_dma source(%dma_start3A_212 : memref<16x128xf32, #tpu.memory_space<vmem>>) target(%dma_start3A_215 : memref<10240x128xf32, #tpu.memory_space<vmem_shared>>) offsets(%get3A_209 : vector<16xi32>) semaphore(%arg13 : memref<!tpu.dma_semaphore, #tpu.memory_space<semaphore_mem>>) {add = true}
      %mul3A_216 = arith.constant 64 : i32
      %mul3A_217 = arith.muli %add3A_189, %mul3A_216 : i32
      %add3A_218 = arith.constant 16 : i32
      %add3A_219 = arith.addi %mul3A_217, %add3A_218 : i32
      %get3A_220 = arith.index_cast %add3A_219 : i32 to index
      %get3A_221 = tpu.vector_load %arg8[%get3A_220] {strides = array<i32>} : memref<14336xi32, #tpu.memory_space<vmem>>, vector<16xi32>,
      %get3A_222 = vector.shape_cast %get3A_221 : vector<16xi32> to vector<16xi32>
      %dma_start3A_223 = arith.constant 16 : i32
      %dma_start3A_224 = arith.constant 0 : i32
      %dma_start3A_225 = tpu.memref_slice %arg9[%dma_start3A_223, %dma_start3A_224] : memref<64x128xf32, #tpu.memory_space<vmem>> -> memref<16x128xf32, #tpu.memory_space<vmem>>
      %dma_start3A_226 = arith.constant 0 : i32
      %dma_start3A_227 = arith.constant 0 : i32
      %dma_start3A_228 = tpu.memref_slice %arg6[%dma_start3A_226, %dma_start3A_227] : memref<10240x128xf32, #tpu.memory_space<vmem_shared>> -> memref<10240x128xf32, #tpu.memory_space<vmem_shared>>
      tpu.enqueue_indirect_dma source(%dma_start3A_225 : memref<16x128xf32, #tpu.memory_space<vmem>>) target(%dma_start3A_228 : memref<10240x128xf32, #tpu.memory_space<vmem_shared>>) offsets(%get3A_222 : vector<16xi32>) semaphore(%arg13 : memref<!tpu.dma_semaphore, #tpu.memory_space<semaphore_mem>>) {add = true}
      %mul3A_229 = arith.constant 64 : i32
      %mul3A_230 = arith.muli %add3A_189, %mul3A_229 : i32
      %add3A_231 = arith.constant 32 : i32
      %add3A_232 = arith.addi %mul3A_230, %add3A_231 : i32
      %get3A_233 = arith.index_cast %add3A_232 : i32 to index
      %get3A_234 = tpu.vector_load %arg8[%get3A_233] {strides = array<i32>} : memref<14336xi32, #tpu.memory_space<vmem>>, vector<16xi32>,
      %get3A_235 = vector.shape_cast %get3A_234 : vector<16xi32> to vector<16xi32>
      %dma_start3A_236 = arith.constant 32 : i32
      %dma_start3A_237 = arith.constant 0 : i32
      %dma_start3A_238 = tpu.memref_slice %arg9[%dma_start3A_236, %dma_start3A_237] : memref<64x128xf32, #tpu.memory_space<vmem>> -> memref<16x128xf32, #tpu.memory_space<vmem>>
      %dma_start3A_239 = arith.constant 0 : i32
      %dma_start3A_240 = arith.constant 0 : i32
      %dma_start3A_241 = tpu.memref_slice %arg6[%dma_start3A_239, %dma_start3A_240] : memref<10240x128xf32, #tpu.memory_space<vmem_shared>> -> memref<10240x128xf32, #tpu.memory_space<vmem_shared>>
      tpu.enqueue_indirect_dma source(%dma_start3A_238 : memref<16x128xf32, #tpu.memory_space<vmem>>) target(%dma_start3A_241 : memref<10240x128xf32, #tpu.memory_space<vmem_shared>>) offsets(%get3A_235 : vector<16xi32>) semaphore(%arg13 : memref<!tpu.dma_semaphore, #tpu.memory_space<semaphore_mem>>) {add = true}
      %mul3A_242 = arith.constant 64 : i32
      %mul3A_243 = arith.muli %add3A_189, %mul3A_242 : i32
      %add3A_244 = arith.constant 48 : i32
      %add3A_245 = arith.addi %mul3A_243, %add3A_244 : i32
      %get3A_246 = arith.index_cast %add3A_245 : i32 to index
      %get3A_247 = tpu.vector_load %arg8[%get3A_246] {strides = array<i32>} : memref<14336xi32, #tpu.memory_space<vmem>>, vector<16xi32>,
      %get3A_248 = vector.shape_cast %get3A_247 : vector<16xi32> to vector<16xi32>
      %dma_start3A_249 = arith.constant 48 : i32
      %dma_start3A_250 = arith.constant 0 : i32
      %dma_start3A_251 = tpu.memref_slice %arg9[%dma_start3A_249, %dma_start3A_250] : memref<64x128xf32, #tpu.memory_space<vmem>> -> memref<16x128xf32, #tpu.memory_space<vmem>>
      %dma_start3A_252 = arith.constant 0 : i32
      %dma_start3A_253 = arith.constant 0 : i32
      %dma_start3A_254 = tpu.memref_slice %arg6[%dma_start3A_252, %dma_start3A_253] : memref<10240x128xf32, #tpu.memory_space<vmem_shared>> -> memref<10240x128xf32, #tpu.memory_space<vmem_shared>>
      tpu.enqueue_indirect_dma source(%dma_start3A_251 : memref<16x128xf32, #tpu.memory_space<vmem>>) target(%dma_start3A_254 : memref<10240x128xf32, #tpu.memory_space<vmem_shared>>) offsets(%get3A_248 : vector<16xi32>) semaphore(%arg13 : memref<!tpu.dma_semaphore, #tpu.memory_space<semaphore_mem>>) {add = true}
      %add3A_255 = arith.constant 1 : i32
      %add3A_256 = arith.addi %add3A_187, %add3A_255 : i32
      %ge3A_257 = arith.constant 2 : i32
      %ge3A_258 = arith.cmpi sge, %add3A_256, %ge3A_257 : i32
      %convert_element_type3A_259 = arith.extui %ge3A_258 : i1 to i32
      %cond3A_260 = arith.constant 0 : i32
      %cond3A_261 = arith.cmpi ne, %convert_element_type3A_259, %cond3A_260 : i32
      scf.if %cond3A_261 {
        %sub3A_324 = arith.constant 2 : i32
        %sub3A_325 = arith.subi %add3A_256, %sub3A_324 : i32
        %mul3A_326 = arith.constant 64 : i32
        %mul3A_327 = arith.muli %sub3A_325, %mul3A_326 : i32
        %add3A_328 = arith.constant 0 : i32
        %add3A_329 = arith.addi %mul3A_327, %add3A_328 : i32
        %get3A_330 = arith.index_cast %add3A_329 : i32 to index
        %get3A_331 = tpu.vector_load %arg8[%get3A_330] {strides = array<i32>} : memref<14336xi32, #tpu.memory_space<vmem>>, vector<16xi32>,
        %get3A_332 = vector.shape_cast %get3A_331 : vector<16xi32> to vector<16xi32>
        %dma_wait3A_333 = arith.constant 0 : i32
        %dma_wait3A_334 = arith.constant 0 : i32
        %dma_wait3A_335 = tpu.memref_slice %arg10[%dma_wait3A_333, %dma_wait3A_334] : memref<64x128xf32, #tpu.memory_space<vmem>> -> memref<16x128xf32, #tpu.memory_space<vmem>>
        %dma_wait3A_336 = arith.constant 0 : i32
        %dma_wait3A_337 = arith.constant 0 : i32
        %dma_wait3A_338 = tpu.memref_slice %arg6[%dma_wait3A_336, %dma_wait3A_337] : memref<10240x128xf32, #tpu.memory_space<vmem_shared>> -> memref<10240x128xf32, #tpu.memory_space<vmem_shared>>
        tpu.wait_indirect_dma semaphore(%arg14 : memref<!tpu.dma_semaphore, #tpu.memory_space<semaphore_mem>>) src(%dma_wait3A_335 : memref<16x128xf32, #tpu.memory_space<vmem>>) dst(%dma_wait3A_338 : memref<10240x128xf32, #tpu.memory_space<vmem_shared>>)
        %sub3A_339 = arith.constant 2 : i32
        %sub3A_340 = arith.subi %add3A_256, %sub3A_339 : i32
        %mul3A_341 = arith.constant 64 : i32
        %mul3A_342 = arith.muli %sub3A_340, %mul3A_341 : i32
        %add3A_343 = arith.constant 16 : i32
        %add3A_344 = arith.addi %mul3A_342, %add3A_343 : i32
        %get3A_345 = arith.index_cast %add3A_344 : i32 to index
        %get3A_346 = tpu.vector_load %arg8[%get3A_345] {strides = array<i32>} : memref<14336xi32, #tpu.memory_space<vmem>>, vector<16xi32>,
        %get3A_347 = vector.shape_cast %get3A_346 : vector<16xi32> to vector<16xi32>
        %dma_wait3A_348 = arith.constant 16 : i32
        %dma_wait3A_349 = arith.constant 0 : i32
        %dma_wait3A_350 = tpu.memref_slice %arg10[%dma_wait3A_348, %dma_wait3A_349] : memref<64x128xf32, #tpu.memory_space<vmem>> -> memref<16x128xf32, #tpu.memory_space<vmem>>
        %dma_wait3A_351 = arith.constant 0 : i32
        %dma_wait3A_352 = arith.constant 0 : i32
        %dma_wait3A_353 = tpu.memref_slice %arg6[%dma_wait3A_351, %dma_wait3A_352] : memref<10240x128xf32, #tpu.memory_space<vmem_shared>> -> memref<10240x128xf32, #tpu.memory_space<vmem_shared>>
        tpu.wait_indirect_dma semaphore(%arg14 : memref<!tpu.dma_semaphore, #tpu.memory_space<semaphore_mem>>) src(%dma_wait3A_350 : memref<16x128xf32, #tpu.memory_space<vmem>>) dst(%dma_wait3A_353 : memref<10240x128xf32, #tpu.memory_space<vmem_shared>>)
        %sub3A_354 = arith.constant 2 : i32
        %sub3A_355 = arith.subi %add3A_256, %sub3A_354 : i32
        %mul3A_356 = arith.constant 64 : i32
        %mul3A_357 = arith.muli %sub3A_355, %mul3A_356 : i32
        %add3A_358 = arith.constant 32 : i32
        %add3A_359 = arith.addi %mul3A_357, %add3A_358 : i32
        %get3A_360 = arith.index_cast %add3A_359 : i32 to index
        %get3A_361 = tpu.vector_load %arg8[%get3A_360] {strides = array<i32>} : memref<14336xi32, #tpu.memory_space<vmem>>, vector<16xi32>,
        %get3A_362 = vector.shape_cast %get3A_361 : vector<16xi32> to vector<16xi32>
        %dma_wait3A_363 = arith.constant 32 : i32
        %dma_wait3A_364 = arith.constant 0 : i32
        %dma_wait3A_365 = tpu.memref_slice %arg10[%dma_wait3A_363, %dma_wait3A_364] : memref<64x128xf32, #tpu.memory_space<vmem>> -> memref<16x128xf32, #tpu.memory_space<vmem>>
        %dma_wait3A_366 = arith.constant 0 : i32
        %dma_wait3A_367 = arith.constant 0 : i32
        %dma_wait3A_368 = tpu.memref_slice %arg6[%dma_wait3A_366, %dma_wait3A_367] : memref<10240x128xf32, #tpu.memory_space<vmem_shared>> -> memref<10240x128xf32, #tpu.memory_space<vmem_shared>>
        tpu.wait_indirect_dma semaphore(%arg14 : memref<!tpu.dma_semaphore, #tpu.memory_space<semaphore_mem>>) src(%dma_wait3A_365 : memref<16x128xf32, #tpu.memory_space<vmem>>) dst(%dma_wait3A_368 : memref<10240x128xf32, #tpu.memory_space<vmem_shared>>)
        %sub3A_369 = arith.constant 2 : i32
        %sub3A_370 = arith.subi %add3A_256, %sub3A_369 : i32
        %mul3A_371 = arith.constant 64 : i32
        %mul3A_372 = arith.muli %sub3A_370, %mul3A_371 : i32
        %add3A_373 = arith.constant 48 : i32
        %add3A_374 = arith.addi %mul3A_372, %add3A_373 : i32
        %get3A_375 = arith.index_cast %add3A_374 : i32 to index
        %get3A_376 = tpu.vector_load %arg8[%get3A_375] {strides = array<i32>} : memref<14336xi32, #tpu.memory_space<vmem>>, vector<16xi32>,
        %get3A_377 = vector.shape_cast %get3A_376 : vector<16xi32> to vector<16xi32>
        %dma_wait3A_378 = arith.constant 48 : i32
        %dma_wait3A_379 = arith.constant 0 : i32
        %dma_wait3A_380 = tpu.memref_slice %arg10[%dma_wait3A_378, %dma_wait3A_379] : memref<64x128xf32, #tpu.memory_space<vmem>> -> memref<16x128xf32, #tpu.memory_space<vmem>>
        %dma_wait3A_381 = arith.constant 0 : i32
        %dma_wait3A_382 = arith.constant 0 : i32
        %dma_wait3A_383 = tpu.memref_slice %arg6[%dma_wait3A_381, %dma_wait3A_382] : memref<10240x128xf32, #tpu.memory_space<vmem_shared>> -> memref<10240x128xf32, #tpu.memory_space<vmem_shared>>
        tpu.wait_indirect_dma semaphore(%arg14 : memref<!tpu.dma_semaphore, #tpu.memory_space<semaphore_mem>>) src(%dma_wait3A_380 : memref<16x128xf32, #tpu.memory_space<vmem>>) dst(%dma_wait3A_383 : memref<10240x128xf32, #tpu.memory_space<vmem_shared>>)
      } else {
      }
      %mul3A_262 = arith.constant 64 : i32
      %mul3A_263 = arith.muli %add3A_256, %mul3A_262 : i32
      %dma_start3A_264 = tpu.memref_slice %arg7[%mul3A_263] : memref<14336xi32, #tpu.memory_space<vmem>> -> memref<64xi32, #tpu.memory_space<vmem>>
      %dma_start3A_265 = arith.constant 0 : i32
      %dma_start3A_266 = arith.constant 0 : i32
      %dma_start3A_267 = tpu.memref_slice %arg2[%dma_start3A_265, %dma_start3A_266] : memref<10000x128xf32, #tpu.memory_space<hbm>> -> memref<10000x128xf32, #tpu.memory_space<hbm>>
      tpu.enqueue_indirect_dma source(%dma_start3A_267 : memref<10000x128xf32, #tpu.memory_space<hbm>>) target(%arg10 : memref<64x128xf32, #tpu.memory_space<vmem>>) offsets(%dma_start3A_264 : memref<64xi32, #tpu.memory_space<vmem>>) semaphore(%arg12 : memref<!tpu.dma_semaphore, #tpu.memory_space<semaphore_mem>>)
      %dma_wait3A_268 = tpu.memref_slice %arg7[%mul3A_263] : memref<14336xi32, #tpu.memory_space<vmem>> -> memref<64xi32, #tpu.memory_space<vmem>>
      %dma_wait3A_269 = arith.constant 0 : i32
      %dma_wait3A_270 = arith.constant 0 : i32
      %dma_wait3A_271 = tpu.memref_slice %arg2[%dma_wait3A_269, %dma_wait3A_270] : memref<10000x128xf32, #tpu.memory_space<hbm>> -> memref<10000x128xf32, #tpu.memory_space<hbm>>
      tpu.wait_indirect_dma semaphore(%arg12 : memref<!tpu.dma_semaphore, #tpu.memory_space<semaphore_mem>>) src(%dma_wait3A_271 : memref<10000x128xf32, #tpu.memory_space<hbm>>) dst(%arg10 : memref<64x128xf32, #tpu.memory_space<vmem>>)
      %mul3A_272 = arith.constant 64 : i32
      %mul3A_273 = arith.muli %add3A_256, %mul3A_272 : i32
      %add3A_274 = arith.constant 0 : i32
      %add3A_275 = arith.addi %mul3A_273, %add3A_274 : i32
      %get3A_276 = arith.index_cast %add3A_275 : i32 to index
      %get3A_277 = tpu.vector_load %arg8[%get3A_276] {strides = array<i32>} : memref<14336xi32, #tpu.memory_space<vmem>>, vector<16xi32>,
      %get3A_278 = vector.shape_cast %get3A_277 : vector<16xi32> to vector<16xi32>
      %dma_start3A_279 = arith.constant 0 : i32
      %dma_start3A_280 = arith.constant 0 : i32
      %dma_start3A_281 = tpu.memref_slice %arg10[%dma_start3A_279, %dma_start3A_280] : memref<64x128xf32, #tpu.memory_space<vmem>> -> memref<16x128xf32, #tpu.memory_space<vmem>>
      %dma_start3A_282 = arith.constant 0 : i32
      %dma_start3A_283 = arith.constant 0 : i32
      %dma_start3A_284 = tpu.memref_slice %arg6[%dma_start3A_282, %dma_start3A_283] : memref<10240x128xf32, #tpu.memory_space<vmem_shared>> -> memref<10240x128xf32, #tpu.memory_space<vmem_shared>>
      tpu.enqueue_indirect_dma source(%dma_start3A_281 : memref<16x128xf32, #tpu.memory_space<vmem>>) target(%dma_start3A_284 : memref<10240x128xf32, #tpu.memory_space<vmem_shared>>) offsets(%get3A_278 : vector<16xi32>) semaphore(%arg14 : memref<!tpu.dma_semaphore, #tpu.memory_space<semaphore_mem>>) {add = true}
      %mul3A_285 = arith.constant 64 : i32
      %mul3A_286 = arith.muli %add3A_256, %mul3A_285 : i32
      %add3A_287 = arith.constant 16 : i32
      %add3A_288 = arith.addi %mul3A_286, %add3A_287 : i32
      %get3A_289 = arith.index_cast %add3A_288 : i32 to index
      %get3A_290 = tpu.vector_load %arg8[%get3A_289] {strides = array<i32>} : memref<14336xi32, #tpu.memory_space<vmem>>, vector<16xi32>,
      %get3A_291 = vector.shape_cast %get3A_290 : vector<16xi32> to vector<16xi32>
      %dma_start3A_292 = arith.constant 16 : i32
      %dma_start3A_293 = arith.constant 0 : i32
      %dma_start3A_294 = tpu.memref_slice %arg10[%dma_start3A_292, %dma_start3A_293] : memref<64x128xf32, #tpu.memory_space<vmem>> -> memref<16x128xf32, #tpu.memory_space<vmem>>
      %dma_start3A_295 = arith.constant 0 : i32
      %dma_start3A_296 = arith.constant 0 : i32
      %dma_start3A_297 = tpu.memref_slice %arg6[%dma_start3A_295, %dma_start3A_296] : memref<10240x128xf32, #tpu.memory_space<vmem_shared>> -> memref<10240x128xf32, #tpu.memory_space<vmem_shared>>
      tpu.enqueue_indirect_dma source(%dma_start3A_294 : memref<16x128xf32, #tpu.memory_space<vmem>>) target(%dma_start3A_297 : memref<10240x128xf32, #tpu.memory_space<vmem_shared>>) offsets(%get3A_291 : vector<16xi32>) semaphore(%arg14 : memref<!tpu.dma_semaphore, #tpu.memory_space<semaphore_mem>>) {add = true}
      %mul3A_298 = arith.constant 64 : i32
      %mul3A_299 = arith.muli %add3A_256, %mul3A_298 : i32
      %add3A_300 = arith.constant 32 : i32
      %add3A_301 = arith.addi %mul3A_299, %add3A_300 : i32
      %get3A_302 = arith.index_cast %add3A_301 : i32 to index
      %get3A_303 = tpu.vector_load %arg8[%get3A_302] {strides = array<i32>} : memref<14336xi32, #tpu.memory_space<vmem>>, vector<16xi32>,
      %get3A_304 = vector.shape_cast %get3A_303 : vector<16xi32> to vector<16xi32>
      %dma_start3A_305 = arith.constant 32 : i32
      %dma_start3A_306 = arith.constant 0 : i32
      %dma_start3A_307 = tpu.memref_slice %arg10[%dma_start3A_305, %dma_start3A_306] : memref<64x128xf32, #tpu.memory_space<vmem>> -> memref<16x128xf32, #tpu.memory_space<vmem>>
      %dma_start3A_308 = arith.constant 0 : i32
      %dma_start3A_309 = arith.constant 0 : i32
      %dma_start3A_310 = tpu.memref_slice %arg6[%dma_start3A_308, %dma_start3A_309] : memref<10240x128xf32, #tpu.memory_space<vmem_shared>> -> memref<10240x128xf32, #tpu.memory_space<vmem_shared>>
      tpu.enqueue_indirect_dma source(%dma_start3A_307 : memref<16x128xf32, #tpu.memory_space<vmem>>) target(%dma_start3A_310 : memref<10240x128xf32, #tpu.memory_space<vmem_shared>>) offsets(%get3A_304 : vector<16xi32>) semaphore(%arg14 : memref<!tpu.dma_semaphore, #tpu.memory_space<semaphore_mem>>) {add = true}
      %mul3A_311 = arith.constant 64 : i32
      %mul3A_312 = arith.muli %add3A_256, %mul3A_311 : i32
      %add3A_313 = arith.constant 48 : i32
      %add3A_314 = arith.addi %mul3A_312, %add3A_313 : i32
      %get3A_315 = arith.index_cast %add3A_314 : i32 to index
      %get3A_316 = tpu.vector_load %arg8[%get3A_315] {strides = array<i32>} : memref<14336xi32, #tpu.memory_space<vmem>>, vector<16xi32>,
      %get3A_317 = vector.shape_cast %get3A_316 : vector<16xi32> to vector<16xi32>
      %dma_start3A_318 = arith.constant 48 : i32
      %dma_start3A_319 = arith.constant 0 : i32
      %dma_start3A_320 = tpu.memref_slice %arg10[%dma_start3A_318, %dma_start3A_319] : memref<64x128xf32, #tpu.memory_space<vmem>> -> memref<16x128xf32, #tpu.memory_space<vmem>>
      %dma_start3A_321 = arith.constant 0 : i32
      %dma_start3A_322 = arith.constant 0 : i32
      %dma_start3A_323 = tpu.memref_slice %arg6[%dma_start3A_321, %dma_start3A_322] : memref<10240x128xf32, #tpu.memory_space<vmem_shared>> -> memref<10240x128xf32, #tpu.memory_space<vmem_shared>>
      tpu.enqueue_indirect_dma source(%dma_start3A_320 : memref<16x128xf32, #tpu.memory_space<vmem>>) target(%dma_start3A_323 : memref<10240x128xf32, #tpu.memory_space<vmem_shared>>) offsets(%get3A_317 : vector<16xi32>) semaphore(%arg14 : memref<!tpu.dma_semaphore, #tpu.memory_space<semaphore_mem>>) {add = true}
    }
    %sub3A_69 = arith.constant 2 : i32
    %sub3A_70 = arith.subi %select_n3A, %sub3A_69 : i32
    %add3A_71 = arith.constant 0 : i32
    %add3A_72 = arith.addi %sub3A_70, %add3A_71 : i32
    %mul3A_73 = arith.constant 64 : i32
    %mul3A_74 = arith.muli %add3A_72, %mul3A_73 : i32
    %add3A_75 = arith.constant 0 : i32
    %add3A_76 = arith.addi %mul3A_74, %add3A_75 : i32
    %get3A = arith.index_cast %add3A_76 : i32 to index
    %get3A_77 = tpu.vector_load %arg8[%get3A] {strides = array<i32>} : memref<14336xi32, #tpu.memory_space<vmem>>, vector<16xi32>,
    %get3A_78 = vector.shape_cast %get3A_77 : vector<16xi32> to vector<16xi32>
    %dma_wait3A = arith.constant 0 : i32
    %dma_wait3A_79 = arith.constant 0 : i32
    %dma_wait3A_80 = tpu.memref_slice %arg9[%dma_wait3A, %dma_wait3A_79] : memref<64x128xf32, #tpu.memory_space<vmem>> -> memref<16x128xf32, #tpu.memory_space<vmem>>
    %dma_wait3A_81 = arith.constant 0 : i32
    %dma_wait3A_82 = arith.constant 0 : i32
    %dma_wait3A_83 = tpu.memref_slice %arg6[%dma_wait3A_81, %dma_wait3A_82] : memref<10240x128xf32, #tpu.memory_space<vmem_shared>> -> memref<10240x128xf32, #tpu.memory_space<vmem_shared>>
    tpu.wait_indirect_dma semaphore(%arg13 : memref<!tpu.dma_semaphore, #tpu.memory_space<semaphore_mem>>) src(%dma_wait3A_80 : memref<16x128xf32, #tpu.memory_space<vmem>>) dst(%dma_wait3A_83 : memref<10240x128xf32, #tpu.memory_space<vmem_shared>>)
    %mul3A_84 = arith.constant 64 : i32
    %mul3A_85 = arith.muli %add3A_72, %mul3A_84 : i32
    %add3A_86 = arith.constant 16 : i32
    %add3A_87 = arith.addi %mul3A_85, %add3A_86 : i32
    %get3A_88 = arith.index_cast %add3A_87 : i32 to index
    %get3A_89 = tpu.vector_load %arg8[%get3A_88] {strides = array<i32>} : memref<14336xi32, #tpu.memory_space<vmem>>, vector<16xi32>,
    %get3A_90 = vector.shape_cast %get3A_89 : vector<16xi32> to vector<16xi32>
    %dma_wait3A_91 = arith.constant 16 : i32
    %dma_wait3A_92 = arith.constant 0 : i32
    %dma_wait3A_93 = tpu.memref_slice %arg9[%dma_wait3A_91, %dma_wait3A_92] : memref<64x128xf32, #tpu.memory_space<vmem>> -> memref<16x128xf32, #tpu.memory_space<vmem>>
    %dma_wait3A_94 = arith.constant 0 : i32
    %dma_wait3A_95 = arith.constant 0 : i32
    %dma_wait3A_96 = tpu.memref_slice %arg6[%dma_wait3A_94, %dma_wait3A_95] : memref<10240x128xf32, #tpu.memory_space<vmem_shared>> -> memref<10240x128xf32, #tpu.memory_space<vmem_shared>>
    tpu.wait_indirect_dma semaphore(%arg13 : memref<!tpu.dma_semaphore, #tpu.memory_space<semaphore_mem>>) src(%dma_wait3A_93 : memref<16x128xf32, #tpu.memory_space<vmem>>) dst(%dma_wait3A_96 : memref<10240x128xf32, #tpu.memory_space<vmem_shared>>)
    %mul3A_97 = arith.constant 64 : i32
    %mul3A_98 = arith.muli %add3A_72, %mul3A_97 : i32
    %add3A_99 = arith.constant 32 : i32
    %add3A_100 = arith.addi %mul3A_98, %add3A_99 : i32
    %get3A_101 = arith.index_cast %add3A_100 : i32 to index
    %get3A_102 = tpu.vector_load %arg8[%get3A_101] {strides = array<i32>} : memref<14336xi32, #tpu.memory_space<vmem>>, vector<16xi32>,
    %get3A_103 = vector.shape_cast %get3A_102 : vector<16xi32> to vector<16xi32>
    %dma_wait3A_104 = arith.constant 32 : i32
    %dma_wait3A_105 = arith.constant 0 : i32
    %dma_wait3A_106 = tpu.memref_slice %arg9[%dma_wait3A_104, %dma_wait3A_105] : memref<64x128xf32, #tpu.memory_space<vmem>> -> memref<16x128xf32, #tpu.memory_space<vmem>>
    %dma_wait3A_107 = arith.constant 0 : i32
    %dma_wait3A_108 = arith.constant 0 : i32
    %dma_wait3A_109 = tpu.memref_slice %arg6[%dma_wait3A_107, %dma_wait3A_108] : memref<10240x128xf32, #tpu.memory_space<vmem_shared>> -> memref<10240x128xf32, #tpu.memory_space<vmem_shared>>
    tpu.wait_indirect_dma semaphore(%arg13 : memref<!tpu.dma_semaphore, #tpu.memory_space<semaphore_mem>>) src(%dma_wait3A_106 : memref<16x128xf32, #tpu.memory_space<vmem>>) dst(%dma_wait3A_109 : memref<10240x128xf32, #tpu.memory_space<vmem_shared>>)
    %mul3A_110 = arith.constant 64 : i32
    %mul3A_111 = arith.muli %add3A_72, %mul3A_110 : i32
    %add3A_112 = arith.constant 48 : i32
    %add3A_113 = arith.addi %mul3A_111, %add3A_112 : i32
    %get3A_114 = arith.index_cast %add3A_113 : i32 to index
    %get3A_115 = tpu.vector_load %arg8[%get3A_114] {strides = array<i32>} : memref<14336xi32, #tpu.memory_space<vmem>>, vector<16xi32>,
    %get3A_116 = vector.shape_cast %get3A_115 : vector<16xi32> to vector<16xi32>
    %dma_wait3A_117 = arith.constant 48 : i32
    %dma_wait3A_118 = arith.constant 0 : i32
    %dma_wait3A_119 = tpu.memref_slice %arg9[%dma_wait3A_117, %dma_wait3A_118] : memref<64x128xf32, #tpu.memory_space<vmem>> -> memref<16x128xf32, #tpu.memory_space<vmem>>
    %dma_wait3A_120 = arith.constant 0 : i32
    %dma_wait3A_121 = arith.constant 0 : i32
    %dma_wait3A_122 = tpu.memref_slice %arg6[%dma_wait3A_120, %dma_wait3A_121] : memref<10240x128xf32, #tpu.memory_space<vmem_shared>> -> memref<10240x128xf32, #tpu.memory_space<vmem_shared>>
    tpu.wait_indirect_dma semaphore(%arg13 : memref<!tpu.dma_semaphore, #tpu.memory_space<semaphore_mem>>) src(%dma_wait3A_119 : memref<16x128xf32, #tpu.memory_space<vmem>>) dst(%dma_wait3A_122 : memref<10240x128xf32, #tpu.memory_space<vmem_shared>>)
    %sub3A_123 = arith.constant 2 : i32
    %sub3A_124 = arith.subi %select_n3A, %sub3A_123 : i32
    %add3A_125 = arith.constant 1 : i32
    %add3A_126 = arith.addi %sub3A_124, %add3A_125 : i32
    %mul3A_127 = arith.constant 64 : i32
    %mul3A_128 = arith.muli %add3A_126, %mul3A_127 : i32
    %add3A_129 = arith.constant 0 : i32
    %add3A_130 = arith.addi %mul3A_128, %add3A_129 : i32
    %get3A_131 = arith.index_cast %add3A_130 : i32 to index
    %get3A_132 = tpu.vector_load %arg8[%get3A_131] {strides = array<i32>} : memref<14336xi32, #tpu.memory_space<vmem>>, vector<16xi32>,
    %get3A_133 = vector.shape_cast %get3A_132 : vector<16xi32> to vector<16xi32>
    %dma_wait3A_134 = arith.constant 0 : i32
    %dma_wait3A_135 = arith.constant 0 : i32
    %dma_wait3A_136 = tpu.memref_slice %arg10[%dma_wait3A_134, %dma_wait3A_135] : memref<64x128xf32, #tpu.memory_space<vmem>> -> memref<16x128xf32, #tpu.memory_space<vmem>>
    %dma_wait3A_137 = arith.constant 0 : i32
    %dma_wait3A_138 = arith.constant 0 : i32
    %dma_wait3A_139 = tpu.memref_slice %arg6[%dma_wait3A_137, %dma_wait3A_138] : memref<10240x128xf32, #tpu.memory_space<vmem_shared>> -> memref<10240x128xf32, #tpu.memory_space<vmem_shared>>
    tpu.wait_indirect_dma semaphore(%arg14 : memref<!tpu.dma_semaphore, #tpu.memory_space<semaphore_mem>>) src(%dma_wait3A_136 : memref<16x128xf32, #tpu.memory_space<vmem>>) dst(%dma_wait3A_139 : memref<10240x128xf32, #tpu.memory_space<vmem_shared>>)
    %mul3A_140 = arith.constant 64 : i32
    %mul3A_141 = arith.muli %add3A_126, %mul3A_140 : i32
    %add3A_142 = arith.constant 16 : i32
    %add3A_143 = arith.addi %mul3A_141, %add3A_142 : i32
    %get3A_144 = arith.index_cast %add3A_143 : i32 to index
    %get3A_145 = tpu.vector_load %arg8[%get3A_144] {strides = array<i32>} : memref<14336xi32, #tpu.memory_space<vmem>>, vector<16xi32>,
    %get3A_146 = vector.shape_cast %get3A_145 : vector<16xi32> to vector<16xi32>
    %dma_wait3A_147 = arith.constant 16 : i32
    %dma_wait3A_148 = arith.constant 0 : i32
    %dma_wait3A_149 = tpu.memref_slice %arg10[%dma_wait3A_147, %dma_wait3A_148] : memref<64x128xf32, #tpu.memory_space<vmem>> -> memref<16x128xf32, #tpu.memory_space<vmem>>
    %dma_wait3A_150 = arith.constant 0 : i32
    %dma_wait3A_151 = arith.constant 0 : i32
    %dma_wait3A_152 = tpu.memref_slice %arg6[%dma_wait3A_150, %dma_wait3A_151] : memref<10240x128xf32, #tpu.memory_space<vmem_shared>> -> memref<10240x128xf32, #tpu.memory_space<vmem_shared>>
    tpu.wait_indirect_dma semaphore(%arg14 : memref<!tpu.dma_semaphore, #tpu.memory_space<semaphore_mem>>) src(%dma_wait3A_149 : memref<16x128xf32, #tpu.memory_space<vmem>>) dst(%dma_wait3A_152 : memref<10240x128xf32, #tpu.memory_space<vmem_shared>>)
    %mul3A_153 = arith.constant 64 : i32
    %mul3A_154 = arith.muli %add3A_126, %mul3A_153 : i32
    %add3A_155 = arith.constant 32 : i32
    %add3A_156 = arith.addi %mul3A_154, %add3A_155 : i32
    %get3A_157 = arith.index_cast %add3A_156 : i32 to index
    %get3A_158 = tpu.vector_load %arg8[%get3A_157] {strides = array<i32>} : memref<14336xi32, #tpu.memory_space<vmem>>, vector<16xi32>,
    %get3A_159 = vector.shape_cast %get3A_158 : vector<16xi32> to vector<16xi32>
    %dma_wait3A_160 = arith.constant 32 : i32
    %dma_wait3A_161 = arith.constant 0 : i32
    %dma_wait3A_162 = tpu.memref_slice %arg10[%dma_wait3A_160, %dma_wait3A_161] : memref<64x128xf32, #tpu.memory_space<vmem>> -> memref<16x128xf32, #tpu.memory_space<vmem>>
    %dma_wait3A_163 = arith.constant 0 : i32
    %dma_wait3A_164 = arith.constant 0 : i32
    %dma_wait3A_165 = tpu.memref_slice %arg6[%dma_wait3A_163, %dma_wait3A_164] : memref<10240x128xf32, #tpu.memory_space<vmem_shared>> -> memref<10240x128xf32, #tpu.memory_space<vmem_shared>>
    tpu.wait_indirect_dma semaphore(%arg14 : memref<!tpu.dma_semaphore, #tpu.memory_space<semaphore_mem>>) src(%dma_wait3A_162 : memref<16x128xf32, #tpu.memory_space<vmem>>) dst(%dma_wait3A_165 : memref<10240x128xf32, #tpu.memory_space<vmem_shared>>)
    %mul3A_166 = arith.constant 64 : i32
    %mul3A_167 = arith.muli %add3A_126, %mul3A_166 : i32
    %add3A_168 = arith.constant 48 : i32
    %add3A_169 = arith.addi %mul3A_167, %add3A_168 : i32
    %get3A_170 = arith.index_cast %add3A_169 : i32 to index
    %get3A_171 = tpu.vector_load %arg8[%get3A_170] {strides = array<i32>} : memref<14336xi32, #tpu.memory_space<vmem>>, vector<16xi32>,
    %get3A_172 = vector.shape_cast %get3A_171 : vector<16xi32> to vector<16xi32>
    %dma_wait3A_173 = arith.constant 48 : i32
    %dma_wait3A_174 = arith.constant 0 : i32
    %dma_wait3A_175 = tpu.memref_slice %arg10[%dma_wait3A_173, %dma_wait3A_174] : memref<64x128xf32, #tpu.memory_space<vmem>> -> memref<16x128xf32, #tpu.memory_space<vmem>>
    %dma_wait3A_176 = arith.constant 0 : i32
    %dma_wait3A_177 = arith.constant 0 : i32
    %dma_wait3A_178 = tpu.memref_slice %arg6[%dma_wait3A_176, %dma_wait3A_177] : memref<10240x128xf32, #tpu.memory_space<vmem_shared>> -> memref<10240x128xf32, #tpu.memory_space<vmem_shared>>
    tpu.wait_indirect_dma semaphore(%arg14 : memref<!tpu.dma_semaphore, #tpu.memory_space<semaphore_mem>>) src(%dma_wait3A_175 : memref<16x128xf32, #tpu.memory_space<vmem>>) dst(%dma_wait3A_178 : memref<10240x128xf32, #tpu.memory_space<vmem_shared>>)
    %barrier3A_179 = arith.constant 0 : index
    tpu.barrier barrier_id(%barrier3A_179)
    %mul3A_180 = arith.constant 640 : i32
    %mul3A_181 = arith.muli %arg1, %mul3A_180 : i32
    %mul3A_182 = arith.constant 10240 : i32
    %mul3A_183 = arith.muli %arg0, %mul3A_182 : i32
    %add3A_184 = arith.addi %mul3A_183, %mul3A_181 : i32
    "tpu.region"() ({
      %run_scoped3A = tpu.sem_alloc : memref<!tpu.dma_semaphore, #tpu.memory_space<semaphore_mem>>
      %dma_start3A = arith.constant 0 : i32
      %dma_start3A_185 = tpu.memref_slice %arg5[%add3A_184, %dma_start3A] : memref<20480x128xf32, #tpu.memory_space<hbm>> -> memref<640x128xf32, #tpu.memory_space<hbm>>
      %dma_start3A_186 = arith.constant 0 : i32
      %dma_start3A_187 = tpu.memref_slice %arg6[%mul3A_181, %dma_start3A_186] : memref<10240x128xf32, #tpu.memory_space<vmem_shared>> -> memref<640x128xf32, #tpu.memory_space<vmem_shared>>
      tpu.enqueue_dma source(%dma_start3A_187 : memref<640x128xf32, #tpu.memory_space<vmem_shared>>) target(%dma_start3A_185 : memref<640x128xf32, #tpu.memory_space<hbm>>) target_semaphore(%run_scoped3A : memref<!tpu.dma_semaphore, #tpu.memory_space<semaphore_mem>>)
      %dma_wait3A_188 = arith.constant 0 : i32
      %dma_wait3A_189 = tpu.memref_slice %arg5[%add3A_184, %dma_wait3A_188] : memref<20480x128xf32, #tpu.memory_space<hbm>> -> memref<640x128xf32, #tpu.memory_space<hbm>>
      %dma_wait3A_190 = arith.constant 0 : i32
      %dma_wait3A_191 = tpu.memref_slice %arg6[%mul3A_181, %dma_wait3A_190] : memref<10240x128xf32, #tpu.memory_space<vmem_shared>> -> memref<640x128xf32, #tpu.memory_space<vmem_shared>>
      tpu.wait_dma2 semaphore(%run_scoped3A : memref<!tpu.dma_semaphore, #tpu.memory_space<semaphore_mem>>) src(%dma_wait3A_191 : memref<640x128xf32, #tpu.memory_space<vmem_shared>>) dst(%dma_wait3A_189 : memref<640x128xf32, #tpu.memory_space<hbm>>)
      tpu.yield
    }) : () -> ()
    return
  }
}

module attributes {stable_mosaic.version = 14 : i64} {
  func.func @_mm1_body(%arg0: i32, %arg1: memref<2x1000x16xf32, #tpu.memory_space<vmem>>, %arg2: memref<1000x128xf32, #tpu.memory_space<vmem>>, %arg3: memref<128x128xf32, #tpu.memory_space<vmem>>, %arg4: memref<1000x128xf32, #tpu.memory_space<vmem>>, %arg5: memref<1000x1xf32, #tpu.memory_space<vmem>>) attributes {dimension_semantics = [#tpu.dimension_semantics<arbitrary>], iteration_bounds = array<i64: 10>, scalar_prefetch = 0 : i64, scratch_operands = 0 : i64, tpu.core_type = #tpu.core_type<tc>, window_params = [{transform_indices = @transform_0, window_bounds = array<i64: 2, 1000, 16>}, {transform_indices = @transform_1, window_bounds = array<i64: 1000, 128>}, {pipeline_mode = #tpu.pipeline_mode<synchronous>, transform_indices = @transform_2, window_bounds = array<i64: 128, 128>}, {transform_indices = @transform_3, window_bounds = array<i64: 1000, 128>}, {transform_indices = @transform_4, window_bounds = array<i64: 1000, 1>}]} {
    %get3A = arith.constant 0 : index
    %get3A_0 = arith.constant 0 : index
    %get3A_1 = arith.constant 0 : index
    %get3A_2 = vector.load %arg1[%get3A, %get3A_0, %get3A_1] : memref<2x1000x16xf32, #tpu.memory_space<vmem>>, vector<1x1000x1xf32>
    %get3A_3 = vector.shape_cast %get3A_2 : vector<1x1000x1xf32> to vector<1000x1xf32>
    %get3A_4 = arith.constant 1 : index
    %get3A_5 = arith.constant 0 : index
    %get3A_6 = arith.constant 0 : index
    %get3A_7 = vector.load %arg1[%get3A_4, %get3A_5, %get3A_6] : memref<2x1000x16xf32, #tpu.memory_space<vmem>>, vector<1x1000x1xf32>
    %get3A_8 = vector.shape_cast %get3A_7 : vector<1x1000x1xf32> to vector<1000x1xf32>
    %add3A = arith.addf %get3A_3, %get3A_8 : vector<1000x1xf32>
    %add3A_9 = arith.constant 1.000000e+00 : f32
    %add3A_10 = vector.broadcast %add3A_9 : f32 to vector<1000x1xf32>
    %add3A_11 = arith.addf %add3A, %add3A_10 : vector<1000x1xf32>
    %rsqrt3A = math.rsqrt %add3A_11 : vector<1000x1xf32>
    %get3A_12 = arith.constant 0 : index
    %get3A_13 = arith.constant 0 : index
    %get3A_14 = vector.load %arg2[%get3A_12, %get3A_13] : memref<1000x128xf32, #tpu.memory_space<vmem>>, vector<1000x128xf32>
    %get3A_15 = arith.constant 0 : index
    %get3A_16 = arith.constant 0 : index
    %get3A_17 = vector.load %arg3[%get3A_15, %get3A_16] : memref<128x128xf32, #tpu.memory_space<vmem>>, vector<128x128xf32>
    %dot_general3A = arith.constant dense<0.000000e+00> : vector<1000x128xf32>
    %dot_general3A_18 = tpu.matmul %get3A_14, %get3A_17, %dot_general3A {dimension_numbers = #tpu.dot_dimension_numbers<[1], [0], [0], [1], [0, 0, 1, 1], [], []>, transpose_lhs_hint = false} : vector<1000x128xf32>, vector<128x128xf32>, vector<1000x128xf32> -> vector<1000x128xf32>
    %mul3A = vector.broadcast %rsqrt3A : vector<1000x1xf32> to vector<1000x128xf32>
    %mul3A_19 = arith.mulf %dot_general3A_18, %mul3A : vector<1000x128xf32>
    %swap3A = arith.constant 0 : index
    %swap3A_20 = arith.constant 0 : index
    %swap3A_21 = vector.load %arg4[%swap3A, %swap3A_20] : memref<1000x128xf32, #tpu.memory_space<vmem>>, vector<1000x128xf32>
    tpu.vector_store %arg4[%swap3A, %swap3A_20], %mul3A_19 {strides = array<i32>} : memref<1000x128xf32, #tpu.memory_space<vmem>>, vector<1000x128xf32>,
    %swap3A_22 = arith.constant 0 : index
    %swap3A_23 = arith.constant 0 : index
    %swap3A_24 = vector.load %arg5[%swap3A_22, %swap3A_23] : memref<1000x1xf32, #tpu.memory_space<vmem>>, vector<1000x1xf32>
    tpu.vector_store %arg5[%swap3A_22, %swap3A_23], %rsqrt3A {strides = array<i32>} : memref<1000x1xf32, #tpu.memory_space<vmem>>, vector<1000x1xf32>,
    return
  }
  func.func @transform_0(%arg0: i32) -> (i32, i32, i32) {
    %c0_i32 = arith.constant 0 : i32
    %c0_i32_0 = arith.constant 0 : i32
    %c0_i32_1 = arith.constant 0 : i32
    return %c0_i32, %arg0, %c0_i32_0 : i32, i32, i32
  }
  func.func @transform_1(%arg0: i32) -> (i32, i32) {
    %c0_i32 = arith.constant 0 : i32
    %c0_i32_0 = arith.constant 0 : i32
    return %arg0, %c0_i32 : i32, i32
  }
  func.func @transform_2(%arg0: i32) -> (i32, i32) {
    %c0_i32 = arith.constant 0 : i32
    %c0_i32_0 = arith.constant 0 : i32
    %c0_i32_1 = arith.constant 0 : i32
    return %c0_i32, %c0_i32_0 : i32, i32
  }
  func.func @transform_3(%arg0: i32) -> (i32, i32) {
    %c0_i32 = arith.constant 0 : i32
    %c0_i32_0 = arith.constant 0 : i32
    return %arg0, %c0_i32 : i32, i32
  }
  func.func @transform_4(%arg0: i32) -> (i32, i32) {
    %c0_i32 = arith.constant 0 : i32
    %c0_i32_0 = arith.constant 0 : i32
    return %arg0, %c0_i32 : i32, i32
  }
}

module attributes {stable_mosaic.version = 14 : i64} {
  func.func @_mid_body(%arg0: i32, %arg1: memref<2x1000x128xf32, #tpu.memory_space<vmem>>, %arg2: memref<1000x128xf32, #tpu.memory_space<vmem>>, %arg3: memref<1000x1xf32, #tpu.memory_space<vmem>>, %arg4: memref<1x128xf32, #tpu.memory_space<vmem>>, %arg5: memref<128x128xf32, #tpu.memory_space<vmem>>, %arg6: memref<1000x128xf32, #tpu.memory_space<vmem>>) attributes {dimension_semantics = [#tpu.dimension_semantics<arbitrary>], iteration_bounds = array<i64: 10>, scalar_prefetch = 0 : i64, scratch_operands = 0 : i64, tpu.core_type = #tpu.core_type<tc>, window_params = [{transform_indices = @transform_0, window_bounds = array<i64: 2, 1000, 128>}, {transform_indices = @transform_1, window_bounds = array<i64: 1000, 128>}, {transform_indices = @transform_2, window_bounds = array<i64: 1000, 1>}, {pipeline_mode = #tpu.pipeline_mode<synchronous>, transform_indices = @transform_3, window_bounds = array<i64: 1, 128>}, {pipeline_mode = #tpu.pipeline_mode<synchronous>, transform_indices = @transform_4, window_bounds = array<i64: 128, 128>}, {transform_indices = @transform_5, window_bounds = array<i64: 1000, 128>}]} {
    %get3A = arith.constant 0 : index
    %get3A_0 = arith.constant 0 : index
    %get3A_1 = vector.load %arg3[%get3A, %get3A_0] : memref<1000x1xf32, #tpu.memory_space<vmem>>, vector<1000x1xf32>
    %get3A_2 = arith.constant 0 : index
    %get3A_3 = arith.constant 0 : index
    %get3A_4 = arith.constant 0 : index
    %get3A_5 = vector.load %arg1[%get3A_2, %get3A_3, %get3A_4] : memref<2x1000x128xf32, #tpu.memory_space<vmem>>, vector<1x1000x128xf32>
    %get3A_6 = vector.shape_cast %get3A_5 : vector<1x1000x128xf32> to vector<1000x128xf32>
    %get3A_7 = arith.constant 1 : index
    %get3A_8 = arith.constant 0 : index
    %get3A_9 = arith.constant 0 : index
    %get3A_10 = vector.load %arg1[%get3A_7, %get3A_8, %get3A_9] : memref<2x1000x128xf32, #tpu.memory_space<vmem>>, vector<1x1000x128xf32>
    %get3A_11 = vector.shape_cast %get3A_10 : vector<1x1000x128xf32> to vector<1000x128xf32>
    %add3A = arith.addf %get3A_6, %get3A_11 : vector<1000x128xf32>
    %get3A_12 = arith.constant 0 : index
    %get3A_13 = arith.constant 0 : index
    %get3A_14 = vector.load %arg2[%get3A_12, %get3A_13] : memref<1000x128xf32, #tpu.memory_space<vmem>>, vector<1000x128xf32>
    %add3A_15 = arith.addf %add3A, %get3A_14 : vector<1000x128xf32>
    %mul3A = vector.broadcast %get3A_1 : vector<1000x1xf32> to vector<1000x128xf32>
    %mul3A_16 = arith.mulf %mul3A, %add3A_15 : vector<1000x128xf32>
    %get3A_17 = arith.constant 0 : index
    %get3A_18 = arith.constant 0 : index
    %get3A_19 = vector.load %arg4[%get3A_17, %get3A_18] : memref<1x128xf32, #tpu.memory_space<vmem>>, vector<1x128xf32>
    %add3A_20 = vector.broadcast %get3A_19 : vector<1x128xf32> to vector<1000x128xf32>
    %add3A_21 = arith.addf %mul3A_16, %add3A_20 : vector<1000x128xf32>
    %max3A = arith.constant 0.000000e+00 : f32
    %max3A_22 = vector.broadcast %max3A : f32 to vector<1000x128xf32>
    %max3A_23 = arith.maximumf %add3A_21, %max3A_22 : vector<1000x128xf32>
    %get3A_24 = arith.constant 0 : index
    %get3A_25 = arith.constant 0 : index
    %get3A_26 = vector.load %arg5[%get3A_24, %get3A_25] : memref<128x128xf32, #tpu.memory_space<vmem>>, vector<128x128xf32>
    %dot_general3A = arith.constant dense<0.000000e+00> : vector<1000x128xf32>
    %dot_general3A_27 = tpu.matmul %max3A_23, %get3A_26, %dot_general3A {dimension_numbers = #tpu.dot_dimension_numbers<[1], [0], [0], [1], [0, 0, 1, 1], [], []>, transpose_lhs_hint = false} : vector<1000x128xf32>, vector<128x128xf32>, vector<1000x128xf32> -> vector<1000x128xf32>
    %mul3A_28 = vector.broadcast %get3A_1 : vector<1000x1xf32> to vector<1000x128xf32>
    %mul3A_29 = arith.mulf %dot_general3A_27, %mul3A_28 : vector<1000x128xf32>
    %swap3A = arith.constant 0 : index
    %swap3A_30 = arith.constant 0 : index
    %swap3A_31 = vector.load %arg6[%swap3A, %swap3A_30] : memref<1000x128xf32, #tpu.memory_space<vmem>>, vector<1000x128xf32>
    tpu.vector_store %arg6[%swap3A, %swap3A_30], %mul3A_29 {strides = array<i32>} : memref<1000x128xf32, #tpu.memory_space<vmem>>, vector<1000x128xf32>,
    return
  }
  func.func @transform_0(%arg0: i32) -> (i32, i32, i32) {
    %c0_i32 = arith.constant 0 : i32
    %c0_i32_0 = arith.constant 0 : i32
    %c0_i32_1 = arith.constant 0 : i32
    return %c0_i32, %arg0, %c0_i32_0 : i32, i32, i32
  }
  func.func @transform_1(%arg0: i32) -> (i32, i32) {
    %c0_i32 = arith.constant 0 : i32
    %c0_i32_0 = arith.constant 0 : i32
    return %arg0, %c0_i32 : i32, i32
  }
  func.func @transform_2(%arg0: i32) -> (i32, i32) {
    %c0_i32 = arith.constant 0 : i32
    %c0_i32_0 = arith.constant 0 : i32
    return %arg0, %c0_i32 : i32, i32
  }
  func.func @transform_3(%arg0: i32) -> (i32, i32) {
    %c0_i32 = arith.constant 0 : i32
    %c0_i32_0 = arith.constant 0 : i32
    %c0_i32_1 = arith.constant 0 : i32
    return %c0_i32, %c0_i32_0 : i32, i32
  }
  func.func @transform_4(%arg0: i32) -> (i32, i32) {
    %c0_i32 = arith.constant 0 : i32
    %c0_i32_0 = arith.constant 0 : i32
    %c0_i32_1 = arith.constant 0 : i32
    return %c0_i32, %c0_i32_0 : i32, i32
  }
  func.func @transform_5(%arg0: i32) -> (i32, i32) {
    %c0_i32 = arith.constant 0 : i32
    %c0_i32_0 = arith.constant 0 : i32
    return %arg0, %c0_i32 : i32, i32
  }
}

module attributes {stable_mosaic.version = 14 : i64} {
  func.func @_head_body(%arg0: i32, %arg1: memref<2x1000x128xf32, #tpu.memory_space<vmem>>, %arg2: memref<1000x128xf32, #tpu.memory_space<vmem>>, %arg3: memref<1000x1xf32, #tpu.memory_space<vmem>>, %arg4: memref<1x128xf32, #tpu.memory_space<vmem>>, %arg5: memref<128x128xf32, #tpu.memory_space<vmem>>, %arg6: memref<1x128xf32, #tpu.memory_space<vmem>>, %arg7: memref<1000x128xf32, #tpu.memory_space<vmem>>) attributes {dimension_semantics = [#tpu.dimension_semantics<arbitrary>], iteration_bounds = array<i64: 10>, scalar_prefetch = 0 : i64, scratch_operands = 0 : i64, tpu.core_type = #tpu.core_type<tc>, window_params = [{transform_indices = @transform_0, window_bounds = array<i64: 2, 1000, 128>}, {transform_indices = @transform_1, window_bounds = array<i64: 1000, 128>}, {transform_indices = @transform_2, window_bounds = array<i64: 1000, 1>}, {pipeline_mode = #tpu.pipeline_mode<synchronous>, transform_indices = @transform_3, window_bounds = array<i64: 1, 128>}, {pipeline_mode = #tpu.pipeline_mode<synchronous>, transform_indices = @transform_4, window_bounds = array<i64: 128, 128>}, {pipeline_mode = #tpu.pipeline_mode<synchronous>, transform_indices = @transform_5, window_bounds = array<i64: 1, 128>}, {transform_indices = @transform_6, window_bounds = array<i64: 1000, 128>}]} {
    %get3A = arith.constant 0 : index
    %get3A_0 = arith.constant 0 : index
    %get3A_1 = vector.load %arg3[%get3A, %get3A_0] : memref<1000x1xf32, #tpu.memory_space<vmem>>, vector<1000x1xf32>
    %get3A_2 = arith.constant 0 : index
    %get3A_3 = arith.constant 0 : index
    %get3A_4 = arith.constant 0 : index
    %get3A_5 = vector.load %arg1[%get3A_2, %get3A_3, %get3A_4] : memref<2x1000x128xf32, #tpu.memory_space<vmem>>, vector<1x1000x128xf32>
    %get3A_6 = vector.shape_cast %get3A_5 : vector<1x1000x128xf32> to vector<1000x128xf32>
    %get3A_7 = arith.constant 1 : index
    %get3A_8 = arith.constant 0 : index
    %get3A_9 = arith.constant 0 : index
    %get3A_10 = vector.load %arg1[%get3A_7, %get3A_8, %get3A_9] : memref<2x1000x128xf32, #tpu.memory_space<vmem>>, vector<1x1000x128xf32>
    %get3A_11 = vector.shape_cast %get3A_10 : vector<1x1000x128xf32> to vector<1000x128xf32>
    %add3A = arith.addf %get3A_6, %get3A_11 : vector<1000x128xf32>
    %get3A_12 = arith.constant 0 : index
    %get3A_13 = arith.constant 0 : index
    %get3A_14 = vector.load %arg2[%get3A_12, %get3A_13] : memref<1000x128xf32, #tpu.memory_space<vmem>>, vector<1000x128xf32>
    %add3A_15 = arith.addf %add3A, %get3A_14 : vector<1000x128xf32>
    %mul3A = vector.broadcast %get3A_1 : vector<1000x1xf32> to vector<1000x128xf32>
    %mul3A_16 = arith.mulf %mul3A, %add3A_15 : vector<1000x128xf32>
    %get3A_17 = arith.constant 0 : index
    %get3A_18 = arith.constant 0 : index
    %get3A_19 = vector.load %arg4[%get3A_17, %get3A_18] : memref<1x128xf32, #tpu.memory_space<vmem>>, vector<1x128xf32>
    %add3A_20 = vector.broadcast %get3A_19 : vector<1x128xf32> to vector<1000x128xf32>
    %add3A_21 = arith.addf %mul3A_16, %add3A_20 : vector<1000x128xf32>
    %max3A = arith.constant 0.000000e+00 : f32
    %max3A_22 = vector.broadcast %max3A : f32 to vector<1000x128xf32>
    %max3A_23 = arith.maximumf %add3A_21, %max3A_22 : vector<1000x128xf32>
    %get3A_24 = arith.constant 0 : index
    %get3A_25 = arith.constant 0 : index
    %get3A_26 = vector.load %arg5[%get3A_24, %get3A_25] : memref<128x128xf32, #tpu.memory_space<vmem>>, vector<128x128xf32>
    %dot_general3A = arith.constant dense<0.000000e+00> : vector<1000x128xf32>
    %dot_general3A_27 = tpu.matmul %max3A_23, %get3A_26, %dot_general3A {dimension_numbers = #tpu.dot_dimension_numbers<[1], [0], [0], [1], [0, 0, 1, 1], [], []>, transpose_lhs_hint = false} : vector<1000x128xf32>, vector<128x128xf32>, vector<1000x128xf32> -> vector<1000x128xf32>
    %get3A_28 = arith.constant 0 : index
    %get3A_29 = arith.constant 0 : index
    %get3A_30 = vector.load %arg6[%get3A_28, %get3A_29] : memref<1x128xf32, #tpu.memory_space<vmem>>, vector<1x128xf32>
    %add3A_31 = vector.broadcast %get3A_30 : vector<1x128xf32> to vector<1000x128xf32>
    %add3A_32 = arith.addf %dot_general3A_27, %add3A_31 : vector<1000x128xf32>
    %swap3A = arith.constant 0 : index
    %swap3A_33 = arith.constant 0 : index
    %swap3A_34 = vector.load %arg7[%swap3A, %swap3A_33] : memref<1000x128xf32, #tpu.memory_space<vmem>>, vector<1000x128xf32>
    tpu.vector_store %arg7[%swap3A, %swap3A_33], %add3A_32 {strides = array<i32>} : memref<1000x128xf32, #tpu.memory_space<vmem>>, vector<1000x128xf32>,
    return
  }
  func.func @transform_0(%arg0: i32) -> (i32, i32, i32) {
    %c0_i32 = arith.constant 0 : i32
    %c0_i32_0 = arith.constant 0 : i32
    %c0_i32_1 = arith.constant 0 : i32
    return %c0_i32, %arg0, %c0_i32_0 : i32, i32, i32
  }
  func.func @transform_1(%arg0: i32) -> (i32, i32) {
    %c0_i32 = arith.constant 0 : i32
    %c0_i32_0 = arith.constant 0 : i32
    return %arg0, %c0_i32 : i32, i32
  }
  func.func @transform_2(%arg0: i32) -> (i32, i32) {
    %c0_i32 = arith.constant 0 : i32
    %c0_i32_0 = arith.constant 0 : i32
    return %arg0, %c0_i32 : i32, i32
  }
  func.func @transform_3(%arg0: i32) -> (i32, i32) {
    %c0_i32 = arith.constant 0 : i32
    %c0_i32_0 = arith.constant 0 : i32
    %c0_i32_1 = arith.constant 0 : i32
    return %c0_i32, %c0_i32_0 : i32, i32
  }
  func.func @transform_4(%arg0: i32) -> (i32, i32) {
    %c0_i32 = arith.constant 0 : i32
    %c0_i32_0 = arith.constant 0 : i32
    %c0_i32_1 = arith.constant 0 : i32
    return %c0_i32, %c0_i32_0 : i32, i32
  }
  func.func @transform_5(%arg0: i32) -> (i32, i32) {
    %c0_i32 = arith.constant 0 : i32
    %c0_i32_0 = arith.constant 0 : i32
    %c0_i32_1 = arith.constant 0 : i32
    return %c0_i32, %c0_i32_0 : i32, i32
  }
  func.func @transform_6(%arg0: i32) -> (i32, i32) {
    %c0_i32 = arith.constant 0 : i32
    %c0_i32_0 = arith.constant 0 : i32
    return %arg0, %c0_i32 : i32, i32
  }
}

</mosaic_0001>

<sc_bundles>
// kernel: kernel.11.cloned.1.call-start
scs
__scs_entry_jumppad:
0x0: {  	(pc) =	sbr.rel $0x88, $3  }
0x1: {  	(tag) =	ssettag $0x0;
	lr =	simm.s32 $0x1  }
0x2: {  	[smem:$0x3F99] =	sst lr;
	_ =	strace $0xD0000000  }
0x3: {  	_ = 	snop  }
0x4: {  	_ = 	snop  }
0x5: {  	_ = 	snop  }
0x6: {  	_ = 	snop  }
0x7: {  	_ = 	snop  }
__scs_overlays_trampoline_lowered:
0x8: {  	[smem:$0x3FA8] =	sst s0  }
0x9: {  	[smem:$0x3FA9] =	sst s1  }
0xa: {  	[smem:$0x3FAA] =	sst s2  }
0xb: {  	[smem:$0x3FAB] =	sst s3  }
0xc: {  	[smem:$0x3FAC] =	sst s4  }
0xd: {  	[smem:$0x3FAD] =	sst s5  }
0xe: {  	[smem:$0x3FAE] =	sst s6  }
0xf: {  	[smem:$0x3FAF] =	sst s7  }
0x10: {  	[smem:$0x3FB0] =	sst s8  }
0x11: {  	[smem:$0x3FB1] =	sst s9;
	s0 =	simm.s32 @!p0 $0x0  }
0x12: {  	s1 =	sld [smem:$0x3F97];
	s0 =	simm.s32 @p0 $0x1  }
0x13: {  	[smem:$0x3FB2] =	sst s0;
	s0 =	simm.s32 @!p1 $0x0  }
0x14: {  	s2 =	sld [smem:$0x3F96];
	s0 =	simm.s32 @p1 $0x1  }
0x15: {  	[smem:$0x3FB3] =	sst s0;
	s0 =	simm.s32 @!p2 $0x0  }
0x16: {  	s3 =	sld [smem:$0x3FDB];
	s0 =	simm.s32 @p2 $0x1  }
0x17: {  	s4 =	simm.s32 $0x1BF5;
	[smem:$0x3FB5] =	sst s0  }
0x18: {  	s0 =	sld [smem:$0x3F98];
	_ =	swait.ge [sflag:s4], $0x0  }
0x19: {  	s7 =	sld [smem:$0x3F99]  }
0x1a: {  	s8 =	sadd.s32 $0xFFFFE003, lr  }
0x1b: {  	s9 =	sadd.s32 $0xFFFFFEF7, lr;
	s5 =	simm.s32 $0xFFFFFFFF;
	p2 =	slt.u32 s8, $0xFFFFF086  }
0x1c: {  	p1 =	slt.u32 s9, $0xF7A;
	s5 =	simm.s32 @!p2 $0x0  }
0x1d: {  	s5 =	simm.s32 @p1 $0x1;
	p0 =	seq.s32 s7, s2  }
0x1e: {  	s7 =	smul.u32 @!p0 $0xF7A, s2;
	p2 =	seq.s32 @!p0 s5, $0x0  }
0x1f: {  	s9 =	smul.u32 $0xF7A, s1;
	s8 =	simm.s32 @!p0 $0x1BF5;
	p2 =	por !p2, p0  }
0x20: {  	[sflag:s8] =	ssyncset.s32 @!p0 $0xFFFFF086;
	s6 =	sadd.s32 @!p0 s3, s7;
	s7 =	simm.s32 @!p0 $0x108  }
0x21: {  	s3 =	sadd.s32 s3, s9;
	s6 =	sadd.s32 @!p0 $0x88, s6;
	s7 =	simm.s32 @p2 $0x1082  }
0x22: {  	[simem:s7], [sflag:s8] =	dma.local @!p0 [hbm:s6], $0xF7A  }
0x23: {  	s9 =	sor.u32 $0xD0000000, s2;
	s6 =	simm.s32 $0x108;
	_ =	swait.ge @!p0 [sflag:s8], $0x0  }
0x24: {  	s3 =	sadd.s32 $0x88, s3;
	s6 =	simm.s32 @!p1 $0x1082;
	[sflag:s4] =	ssyncset.s32 $0xFFFFF086  }
0x25: {  	[simem:s6], [sflag:s4] =	dma.local [hbm:s3], $0xF7A  }
0x26: {  	[smem:$0x3F99] =	sst s1;
	(tag) =	ssettag s2;
	_ =	strace s9  }
0x27: {  	s1 =	sld [smem:$0x3FA9]  }
0x28: {  	s2 =	sld [smem:$0x3FAA]  }
0x29: {  	s4 =	sld [smem:$0x3FAC]  }
0x2a: {  	p0 =	seq.s32 s5, $0x0;
	s5 =	sld [smem:$0x3FAD]  }
0x2b: {  	s6 =	sld [smem:$0x3FAE]  }
0x2c: {  	s7 =	sld [smem:$0x3FAF]  }
0x2d: {  	s3 =	simm.s32 $0x108;
	s8 =	sld [smem:$0x3FB0]  }
0x2e: {  	s3 =	simm.s32 @!p0 $0x1082;
	s9 =	sld [smem:$0x3FB1]  }
0x2f: {  	lr =	sadd.s32 s0, s3;
	s0 =	sld [smem:$0x3FA8]  }
0x30: {  	s3 =	sld [smem:$0x3FAB]  }
0x31: {  	[smem:$0x3FB4] =	sst s10  }
0x32: {  	s10 =	sld [smem:$0x3FB2];
	_ =	sdelay $0x3  }
0x33: {  	p0 =	seq.s32 s10, $0x1;
	s10 =	sld [smem:$0x3FB4];
	_ =	sdelay $0x3  }
0x34: {  	[smem:$0x3FB4] =	sst s10  }
0x35: {  	s10 =	sld [smem:$0x3FB3];
	_ =	sdelay $0x3  }
0x36: {  	p1 =	seq.s32 s10, $0x1;
	s10 =	sld [smem:$0x3FB4];
	_ =	sdelay $0x3  }
0x37: {  	[smem:$0x3FB4] =	sst s10  }
0x38: {  	s10 =	sld [smem:$0x3FB5]  }
0x39: {  	_ = 	snop;
	(pc) =	sbr.ind lr, $3  }
0x3a: {  	_ = 	snop  }
0x3b: {  	_ = 	snop  }
0x3c: {  	p2 =	seq.s32 s10, $0x1;
	s10 =	sld [smem:$0x3FB4]  }
0x3d: {  	_ =	shalt  }
0x3e: {  	_ =	shalt  }
0x3f: {  	_ =	shalt  }
0x40: {  	_ =	shalt  }
0x41: {  	_ =	shalt  }
0x42: {  	_ =	shalt  }
0x43: {  	_ =	shalt  }
0x44: {  	_ =	shalt  }
0x45: {  	_ =	shalt  }
0x46: {  	_ =	shalt  }
0x47: {  	_ =	shalt  }
0x48: {  	_ =	shalt  }
0x49: {  	_ =	shalt  }
0x4a: {  	_ =	shalt  }
0x4b: {  	_ =	shalt  }
0x4c: {  	_ =	shalt  }
0x4d: {  	_ =	shalt  }
0x4e: {  	_ =	shalt  }
0x4f: {  	_ =	shalt  }
0x50: {  	_ =	shalt  }
0x51: {  	_ =	shalt  }
0x52: {  	_ =	shalt  }
0x53: {  	_ =	shalt  }
0x54: {  	_ =	shalt  }
0x55: {  	_ =	shalt  }
0x56: {  	_ =	shalt  }
0x57: {  	_ =	shalt  }
0x58: {  	_ =	shalt  }
0x59: {  	_ =	shalt  }
0x5a: {  	_ =	shalt  }
0x5b: {  	_ =	shalt  }
0x5c: {  	_ =	shalt  }
0x5d: {  	_ =	shalt  }
0x5e: {  	_ =	shalt  }
0x5f: {  	_ =	shalt  }
0x60: {  	_ =	shalt  }
0x61: {  	_ =	shalt  }
0x62: {  	_ =	shalt  }
0x63: {  	_ =	shalt  }
0x64: {  	_ =	shalt  }
0x65: {  	_ =	shalt  }
0x66: {  	_ =	shalt  }
0x67: {  	_ =	shalt  }
0x68: {  	_ =	shalt  }
0x69: {  	_ =	shalt  }
0x6a: {  	_ =	shalt  }
0x6b: {  	_ =	shalt  }
0x6c: {  	_ =	shalt  }
0x6d: {  	_ =	shalt  }
0x6e: {  	_ =	shalt  }
0x6f: {  	_ =	shalt  }
0x70: {  	_ =	shalt  }
0x71: {  	_ =	shalt  }
0x72: {  	_ =	shalt  }
0x73: {  	_ =	shalt  }
0x74: {  	_ =	shalt  }
0x75: {  	_ =	shalt  }
0x76: {  	_ =	shalt  }
0x77: {  	_ =	shalt  }
0x78: {  	_ =	shalt  }
0x79: {  	_ =	shalt  }
0x7a: {  	_ =	shalt  }
0x7b: {  	_ =	shalt  }
0x7c: {  	_ =	shalt  }
0x7d: {  	_ =	shalt  }
0x7e: {  	_ =	shalt  }
0x7f: {  	_ =	shalt  }
0x80: {  	_ =	shalt  }
0x81: {  	_ =	shalt  }
0x82: {  	_ =	shalt  }
0x83: {  	_ =	shalt  }
0x84: {  	_ =	shalt  }
0x85: {  	_ =	shalt  }
0x86: {  	_ =	shalt  }
0x87: {  	_ =	shalt  }
.Lfunc_end0:
.L_simem_size_0:
called_computation.1_lowered:
.L_overlay_start_0:
0x88: {  	s2 =	sld [smem:$0x3FD9]  }
0x89: {  	s3 =	sld [smem:$0x3FFE];
	_ =	sdelay $0x1  }
0x8a: {  	s1 =	srdreg.scid  }
0x8b: {  	s0 =	sand.u32 $0x1, s1  }
0x8c: {  	s17 =	sshll.u32 s0, $0xA;
	s2 =	sadd.s32 s3, s2  }
0x8d: {  	s2 =	sadd.s32 s2, s17  }
0x8e: {  	[smem:$0x3FC0] =	sst s2  }
0x8f: {  	_ = 	snop  }
0x90: {  	s2 =	sld [smem:$0x3FD0];
	(tm) =	ssettm $0x1  }
0x91: {  	s18 =	sld [smem:$0x3FFB];
	_ =	sdelay $0x3  }
0x92: {  	_ =	strace s18  }
0x93: {  	s3 =	sld [smem:$0x3FFC];
	_ =	sdelay $0x3  }
0x94: {  	_ =	strace s3  }
0x95: {  	s3 =	sld [smem:$0x3FFD];
	_ =	sdelay $0x3  }
0x96: {  	_ =	strace s3  }
0x97: {  	_ =	strace $0x8FFFFFFF  }
0x98: {  	s19 =	sld [smem:$0x3FDB];
	_ =	sdelay $0x1  }
0x99: {  	s4 =	simm.s32 $_scs_section_size  }
0x9a: {  	s5 =	simm.s32 $_size__tile_overlayer_lowered;
	s6 =	simm.s32 $_tile_overlayer_lowered  }
0x9b: {  	s22 =	simm.s32 $0x1BFF;
	s21 =	sshll.u32 s6, $0x1;
	s3 =	sadd.s32 s4, s19  }
0x9c: {  	s7 =	simm.s32 $0x0;
	s20 =	sshll.u32 s5, $0x1;
	s5 =	sadd.s32 s21, s3  }
0x9d: {  	[timem:s7], [sflag:s22] =	dma.local [hbm:s5], s20  }
0x9e: {  	_ =	swait.ge [sflag:s22], s20  }
0x9f: {  	s4 =	ssub.s32 $0x0, s20;
	[sflag:s22] =	ssyncset.done $0x0  }
0xa0: {  	[sflag:s22] =	ssyncadd.s32 s4;
	_ =	sdelay $0x1  }
0xa1: {  	s23 =	simm.s32 $0x1B8B  }
0xa2: {  	_ =	swait.ge [sflag:s23], $0x1  }
0xa3: {  	[sflag:s23] =	ssyncset.done $0x0  }
0xa4: {  	s25 =	simm.s32 $0x1B8E;
	s24 =	sld [smem:$0x3FFE];
	[sflag:s23] =	ssyncadd.s32 $0xFFFFFFFF  }
0xa5: {  	s26 =	simm.s32 $execute0_lowered;
	[smem:$0x3FD2] =	sst s25  }
0xa6: {  	s5 =	sshll.u32 s26, $0x1;
	_ =	strace $0x80000049;
	[dreg:$0x1] =	wrdreg $0xFFFFFFFF  }
0xa7: {  	s28 =	simm.s32 $_size_execute0_lowered;
	s3 =	sadd.s32 s3, s5;
	[dreg:$0x0] =	wrdreg $0x0  }
0xa8: {  	s5 =	sshll.u32 s28, $0x1;
	[dreg:$0x2] =	wrdreg s3  }
0xa9: {  	[dreg:$0x3] =	wrdreg s5  }
0xaa: {  	[dreg:$0x4] =	wrdreg $0xC0  }
0xab: {  	_ =	task [dreg:s7], $0x5FFFF  }
0xac: {  	[dreg:$0x1] =	wrdreg $0xFFFFFFFF  }
0xad: {  	[dreg:$0x0] =	wrdreg $0x60  }
0xae: {  	[dreg:$0x2] =	wrdreg s24  }
0xaf: {  	[dreg:$0x3] =	wrdreg s2  }
0xb0: {  	[dreg:$0x4] =	wrdreg $0x0  }
0xb1: {  	[dreg:$0x5] =	wrdreg $0x9  }
0xb2: {  	_ =	task.clear_ibuf [dreg:s7], $0x6FFFF;
	_ =	strace $0x90000049  }
0xb3: {  	s29 =	simm.s32 $0x9;
	_ =	strace $0x8000004B  }
0xb4: {  	_ =	swait.ge [sflag:s29], $0x1  }
0xb5: {  	[sflag:s29] =	ssyncadd.s32 $0xFFFFFFFF  }
0xb6: {  	_ =	strace $0x9000004B  }
0xb7: {  	_ =	sfence  }
0xb8: {  	s30 =	sld [smem:$0x0];
	_ =	sdelay $0x2  }
0xb9: {  	s31 =	sshll.u32 s1, $0xD;
	s1 =	sshrl.u32 s1, $0x2  }
0xba: {  	s3 =	sand.u32 $0x4000, s31;
	s1 =	sadd.s32 s1, s30  }
0xbb: {  	s0 =	sor.u32 s3, s0;
	s1 =	sshll.u32 s1, $0x11  }
0xbc: {  	s0 =	sor.u32 s1, s0  }
0xbd: {  	s0 =	sadd.s32 $0x8F2B, s0  }
0xbe: {  	[sflag:s0] =	ssyncadd.remote.s32 $0x1  }
0xbf: {  	_ =	sfence.sel $0xFFFF  }
0xc0: {  	[dreg:$0x0] =	wrdreg $0xFFFFFFFF;
	(pc) =	sbr.abs _section_cstart, $3  }
0xc1: {  	[dreg:$0x1] =	wrdreg $0xFFFFFFFF  }
0xc2: {  	_ =	task.clear_ibuf [dreg:s7], $0x2FFFF;
	_ =	strace $0x9FFFFFFF  }
0xc3: {  	(tm) =	ssettm $0x7FFFFFFF  }
tec
execute0_lowered:
.L_overlay_start_1:
0x0: {  	(tag) =	ssettag $0x1  }
0x1: {  	s0 =	rddreg [dreg:$0x0]  }
0x2: {  	s1 =	rddreg [dreg:$0x1]  }
0x3: {  	s2 =	rddreg [dreg:$0x2];
	s11 =	stileid.u32  }
0x4: {  	s4 =	srdreg.scid;
	s3 =	simm.s32 $0x0;
	s5 =	smul.u32 $0x2800, s11  }
0x5: {  	s28 =	simm.s32 $0x1C000;
	s29 =	simm.s32 $0x1C800;
	s8 =	smul.u32 $0x50000, s11  }
0x6: {  	s31 =	simm.s32 $0x1D000;
	s30 =	simm.s32 $0x1E800;
	s21 =	smul.u32 $0x5000, s11  }
0x7: {  	s6 =	sand.u32 $0x1, s4;
	[smem:$0x7FF] =	sst s3;
	s26 =	smul.u32 $0xA00, s11  }
0x8: {  	s4 =	sadd.s32 $0x2800, s0;
	s9 =	sadd.s32 $0x52800, s0;
	s7 =	smul.u32 $0x28000, s6  }
0x9: {  	_ =	strace $0x8000004A;
	s10 =	ssub.s32 $0x2, s6;
	p0 =	sne.s32 s6, $0x0  }
0xa: {  	s6 =	simm.s32 $0x3;
	s8 =	sshrl.u32 s8, $0x2;
	s5 =	sadd.s32 s5, s7  }
0xb: {  	s19 =	sshrl.u32 s10, $0x1;
	s0 =	sadd.s32 s5, s0;
	s5 =	sadd.s32 s8, s2  }
0xc: {  	s17 =	sadd.s32 s9, s26;
	s18 =	sadd.s32 s1, s26;
	s8 =	sadd.s32 $0x2000, s5  }
0xd: {  	s26 =	simm.s32 $0x1B800;
	s20 =	sadd.s32 $0x4000, s5;
	[dreg:$0x4] =	wrdreg s8  }
0xe: {  	s7 =	ssub.s32 s10, s19;
	s22 =	sadd.s32 $0x6000, s5;
	[dreg:$0x5] =	wrdreg s20  }
0xf: {  	s23 =	sadd.s32 $0x8000, s5;
	s24 =	sadd.s32 $0xA000, s5;
	[dreg:$0x6] =	wrdreg s22  }
0x10: {  	s25 =	sadd.s32 $0xC000, s5;
	s12 =	sadd.s32 $0xE000, s5;
	[dreg:$0x7] =	wrdreg s23  }
0x11: {  	s13 =	sadd.s32 $0x10000, s5;
	s14 =	sadd.s32 $0x12000, s5;
	[dreg:$0x8] =	wrdreg s24  }
0x12: {  	s19 =	sadd.s32 $0x5C800, s0;
	s0 =	simm.s32 $0x2;
	[dreg:$0x9] =	wrdreg s25  }
0x13: {  	s8 =	sshrl.u32 s21, $0x3;
	s20 =	smax.u32 s7, $0x1;
	s21 =	simm.s32 $0x1B000  }
0x14: {  	s22 =	simm.s32 $0x5;
	s23 =	simm.s32 $0x40;
	s25 =	simm.s32 $0x1  }
0x15: {  	s24 =	simm.s32 $0x1E000;
	s7 =	simm.s32 $0x4;
	s8 =	sadd.s32 $0x300, s8  }
0x16: {  	v0 =	vimm.f32 $0.0e+00;
	vm0 =	vmmov $0xffff;
	s15 =	sadd.s32 s9, s8;
	s16 =	sadd.s32 s1, s8;
	s1 =	simm.s32 $0x1D800  }
.LBB2_1:
0x17: {  	s8 =	simm.s32 $0x0;
	s9 =	simm.s32 $0x200  }
.LBB2_2:
0x18: {  	p1 =	sne.s32 s9, $0x7E00;
	[tilespmem:s8+$0x1B070] =	vst v0  }
0x19: {  	[tilespmem:s8+$0x1B000] =	vst v0  }
0x1a: {  	[tilespmem:s8+$0x1B010] =	vst v0  }
.Ltmp0:
0x1b: {  	[tilespmem:s8+$0x1B020] =	vst v0;
	(pc) =	sbr.rel @p1 .LBB2_2-.Ltmp0, $4  }
0x1c: {  	[tilespmem:s8+$0x1B030] =	vst v0  }
0x1d: {  	[tilespmem:s8+$0x1B040] =	vst v0  }
0x1e: {  	[tilespmem:s8+$0x1B050] =	vst v0  }
0x1f: {  	[tilespmem:s8+$0x1B060] =	vst v0;
	s8 =	sshra.s32 s9, $0x2;
	s9 =	sadd.s32 $0x200, s9  }
0x20: {  	[tilespmem:s8+$0x1B070] =	vst v0  }
0x21: {  	[tilespmem:s8+$0x1B000] =	vst v0  }
0x22: {  	[tilespmem:s8+$0x1B010] =	vst v0  }
0x23: {  	[tilespmem:s8+$0x1B020] =	vst v0  }
0x24: {  	[tilespmem:s8+$0x1B030] =	vst v0  }
0x25: {  	[tilespmem:s8+$0x1B040] =	vst v0  }
0x26: {  	[tilespmem:s8+$0x1B050] =	vst v0  }
0x27: {  	[tilespmem:s8+$0x1B060] =	vst v0  }
0x28: {  	[spmem:s5] =	stream.linear.scatter [tilespmem:s21], [sflag:$0x5], $0x2000, $0x38;
	[tilespmem:$0x1F000] =	vst v63  }
0x29: {  	_ =	swait.ge [sflag:s22], $0x2000  }
0x2a: {  	[sflag:s22] =	ssyncset.done $0x0  }
0x2b: {  	s10 =	rddreg [dreg:$0x4];
	[sflag:s22] =	ssyncadd.s32 $0xFFFFE000  }
0x2c: {  	[spmem:s10] =	stream.linear.scatter [tilespmem:s21], [sflag:$0x5], $0x2000, $0x38;
	[tilespmem:$0x1F000] =	vst v63  }
0x2d: {  	_ =	swait.ge [sflag:s22], $0x2000  }
0x2e: {  	[sflag:s22] =	ssyncset.done $0x0  }
0x2f: {  	s11 =	rddreg [dreg:$0x5];
	[sflag:s22] =	ssyncadd.s32 $0xFFFFE000  }
0x30: {  	[spmem:s11] =	stream.linear.scatter [tilespmem:s21], [sflag:$0x5], $0x2000, $0x38;
	[tilespmem:$0x1F000] =	vst v63  }
0x31: {  	_ =	swait.ge [sflag:s22], $0x2000  }
0x32: {  	[sflag:s22] =	ssyncset.done $0x0  }
0x33: {  	s9 =	rddreg [dreg:$0x6];
	[sflag:s22] =	ssyncadd.s32 $0xFFFFE000  }
0x34: {  	[spmem:s9] =	stream.linear.scatter [tilespmem:s21], [sflag:$0x5], $0x2000, $0x38;
	[tilespmem:$0x1F000] =	vst v63  }
0x35: {  	_ =	swait.ge [sflag:s22], $0x2000  }
0x36: {  	[sflag:s22] =	ssyncset.done $0x0  }
0x37: {  	s10 =	rddreg [dreg:$0x7];
	[sflag:s22] =	ssyncadd.s32 $0xFFFFE000  }
0x38: {  	[spmem:s10] =	stream.linear.scatter [tilespmem:s21], [sflag:$0x5], $0x2000, $0x38;
	[tilespmem:$0x1F000] =	vst v63  }
0x39: {  	_ =	swait.ge [sflag:s22], $0x2000  }
0x3a: {  	[sflag:s22] =	ssyncset.done $0x0  }
0x3b: {  	s11 =	rddreg [dreg:$0x8];
	[sflag:s22] =	ssyncadd.s32 $0xFFFFE000  }
0x3c: {  	[spmem:s11] =	stream.linear.scatter [tilespmem:s21], [sflag:$0x5], $0x2000, $0x38;
	[tilespmem:$0x1F000] =	vst v63  }
0x3d: {  	_ =	swait.ge [sflag:s22], $0x2000  }
0x3e: {  	[sflag:s22] =	ssyncset.done $0x0  }
0x3f: {  	s9 =	rddreg [dreg:$0x9];
	[sflag:s22] =	ssyncadd.s32 $0xFFFFE000  }
0x40: {  	[spmem:s9] =	stream.linear.scatter [tilespmem:s21], [sflag:$0x5], $0x2000, $0x38;
	[tilespmem:$0x1F000] =	vst v63  }
0x41: {  	_ =	swait.ge [sflag:s22], $0x2000  }
0x42: {  	[sflag:s22] =	ssyncset.done $0x0  }
0x43: {  	[sflag:s22] =	ssyncadd.s32 $0xFFFFE000  }
0x44: {  	[spmem:s12] =	stream.linear.scatter [tilespmem:s21], [sflag:$0x5], $0x2000, $0x38;
	[tilespmem:$0x1F000] =	vst v63  }
0x45: {  	_ =	swait.ge [sflag:s22], $0x2000  }
0x46: {  	[sflag:s22] =	ssyncset.done $0x0  }
0x47: {  	[sflag:s22] =	ssyncadd.s32 $0xFFFFE000  }
0x48: {  	[spmem:s13] =	stream.linear.scatter [tilespmem:s21], [sflag:$0x5], $0x2000, $0x38;
	[tilespmem:$0x1F000] =	vst v63  }
0x49: {  	_ =	swait.ge [sflag:s22], $0x2000  }
0x4a: {  	[sflag:s22] =	ssyncset.done $0x0  }
0x4b: {  	[sflag:s22] =	ssyncadd.s32 $0xFFFFE000  }
0x4c: {  	[spmem:s14] =	stream.linear.scatter [tilespmem:s21], [sflag:$0x5], $0x2000, $0x38;
	[tilespmem:$0x1F000] =	vst v63  }
0x4d: {  	_ =	swait.ge [sflag:s22], $0x2000  }
0x4e: {  	[sflag:s22] =	ssyncset.done $0x0  }
0x4f: {  	s8 =	simm.s32 @p0 $0x0;
	s9 =	simm.s32 @p0 $0x14000;
	[sflag:s22] =	ssyncadd.s32 $0xFFFFE000  }
0x50: {  	[tilespmem:s9], [sflag:$0x5] =	stream.linear.gather @p0 [hbm4b:s15+s8], $0x3800, $0x38;
	[tilespmem:$0x1F000] =	vst v63  }
0x51: {  	s9 =	simm.s32 @p0 $0x5  }
0x52: {  	_ =	swait.ge @p0 [sflag:s9], $0x3800  }
0x53: {  	[sflag:s9] =	ssyncset.done @p0 $0x0  }
0x54: {  	s10 =	simm.s32 @p0 $0x17800;
	[sflag:s9] =	ssyncadd.s32 @p0 $0xFFFFC800  }
0x55: {  	[tilespmem:s10], [sflag:$0x5] =	stream.linear.gather @p0 [hbm4b:s16+s8], $0x3800, $0x38;
	[tilespmem:$0x1F000] =	vst v63  }
0x56: {  	_ =	swait.ge @p0 [sflag:s9], $0x3800  }
0x57: {  	[sflag:s9] =	ssyncset.done @p0 $0x0  }
0x58: {  	s8 =	simm.s32 @!p0 $0x0;
	[sflag:s9] =	ssyncadd.s32 @p0 $0xFFFFC800;
	s9 =	simm.s32 @!p0 $0x14000  }
0x59: {  	[tilespmem:s9], [sflag:$0x5] =	stream.linear.gather @!p0 [hbm4b:s17+s8], $0x1800, $0x38;
	[tilespmem:$0x1F000] =	vst v63  }
0x5a: {  	s9 =	simm.s32 @!p0 $0x5  }
0x5b: {  	_ =	swait.ge @!p0 [sflag:s9], $0x1800  }
0x5c: {  	[sflag:s9] =	ssyncset.done @!p0 $0x0  }
0x5d: {  	s10 =	simm.s32 @!p0 $0x17800;
	[sflag:s9] =	ssyncadd.s32 @!p0 $0xFFFFE800  }
0x5e: {  	[tilespmem:s10], [sflag:$0x5] =	stream.linear.gather @!p0 [hbm4b:s18+s8], $0x1800, $0x38;
	[tilespmem:$0x1F000] =	vst v63  }
0x5f: {  	_ =	swait.ge @!p0 [sflag:s9], $0x1800  }
0x60: {  	[sflag:s9] =	ssyncset.done @!p0 $0x0  }
0x61: {  	[sflag:s9] =	ssyncadd.s32 @!p0 $0xFFFFE800  }
0x62: {  	s10 =	simm.s32 $0x14000;
	[bflag:$0x0] =	sbarrier.arrive $0xFFFF  }
0x63: {  	[tilespmem:s21], [sflag:$0x1] =	stream.indirect.gather [hbm4b:s4+s23], $0x80, s10, s23, $0xb8;
	[tilespmem:$0x1F000] =	vst v63  }
0x64: {  	_ =	swait.ge [sflag:s25], $0x2000  }
0x65: {  	[sflag:s25] =	ssyncset.done $0x0  }
0x66: {  	[sflag:s25] =	ssyncadd.s32 $0xFFFFE000  }
0x67: {  	v1 =	vld [tilespmem:$0x17800];
	_ =	sdelay $0x7  }
0x68: {  	[spmem:s2] =	stream.indirect_vreg.scatter.add.f32 [tilespmem:s21], [sflag:$0x3], $0x80, v1, vm0, $0xb8;
	[tilespmem:$0x1F000] =	vst v63  }
0x69: {  	v1 =	vld [tilespmem:$0x17810];
	_ =	sdelay $0x7  }
0x6a: {  	[spmem:s2] =	stream.indirect_vreg.scatter.add.f32 [tilespmem:s26], [sflag:$0x3], $0x80, v1, vm0, $0xb8;
	[tilespmem:$0x1F000] =	vst v63  }
0x6b: {  	v1 =	vld [tilespmem:$0x17820];
	_ =	sdelay $0x7  }
0x6c: {  	[spmem:s2] =	stream.indirect_vreg.scatter.add.f32 [tilespmem:s28], [sflag:$0x3], $0x80, v1, vm0, $0xb8;
	[tilespmem:$0x1F000] =	vst v63  }
0x6d: {  	v1 =	vld [tilespmem:$0x17830];
	_ =	sdelay $0x7  }
0x6e: {  	[spmem:s2] =	stream.indirect_vreg.scatter.add.f32 [tilespmem:s29], [sflag:$0x3], $0x80, v1, vm0, $0xb8;
	[tilespmem:$0x1F000] =	vst v63  }
0x6f: {  	s11 =	simm.s32 $0x14040  }
0x70: {  	[tilespmem:s31], [sflag:$0x2] =	stream.indirect.gather [hbm4b:s4+s23], $0x80, s11, s23, $0xb8;
	[tilespmem:$0x1F000] =	vst v63  }
0x71: {  	_ =	swait.ge [sflag:s0], $0x2000  }
0x72: {  	[sflag:s0] =	ssyncset.done $0x0  }
0x73: {  	[sflag:s0] =	ssyncadd.s32 $0xFFFFE000  }
0x74: {  	v1 =	vld [tilespmem:$0x17840];
	_ =	sdelay $0x7  }
0x75: {  	[spmem:s2] =	stream.indirect_vreg.scatter.add.f32 [tilespmem:s31], [sflag:$0x4], $0x80, v1, vm0, $0xb8;
	[tilespmem:$0x1F000] =	vst v63  }
0x76: {  	v1 =	vld [tilespmem:$0x17850];
	_ =	sdelay $0x7  }
0x77: {  	[spmem:s2] =	stream.indirect_vreg.scatter.add.f32 [tilespmem:s1], [sflag:$0x4], $0x80, v1, vm0, $0xb8;
	[tilespmem:$0x1F000] =	vst v63  }
0x78: {  	v1 =	vld [tilespmem:$0x17860];
	_ =	sdelay $0x7  }
0x79: {  	[spmem:s2] =	stream.indirect_vreg.scatter.add.f32 [tilespmem:s24], [sflag:$0x4], $0x80, v1, vm0, $0xb8;
	[tilespmem:$0x1F000] =	vst v63  }
0x7a: {  	v1 =	vld [tilespmem:$0x17870];
	_ =	sdelay $0x4  }
0x7b: {  	s8 =	simm.s32 @!p0 $0x30  }
0x7c: {  	s8 =	simm.s32 @p0 $0x70  }
0x7d: {  	s8 =	sadd.s32 $0xFFFFFFFF, s8;
	s9 =	simm.s32 $0x14080;
	s10 =	simm.s32 $0x178F0  }
0x7e: {  	[spmem:s2] =	stream.indirect_vreg.scatter.add.f32 [tilespmem:s30], [sflag:$0x4], $0x80, v1, vm0, $0xb8;
	[tilespmem:$0x1F000] =	vst v63  }
.LBB2_4:
0x7f: {  	_ =	swait.ge [sflag:s6], $0x800  }
0x80: {  	[sflag:s6] =	ssyncset.done $0x0  }
0x81: {  	[sflag:s6] =	ssyncadd.s32 $0xFFFFF800  }
0x82: {  	_ =	swait.ge [sflag:s6], $0x800  }
0x83: {  	[sflag:s6] =	ssyncset.done $0x0  }
0x84: {  	[sflag:s6] =	ssyncadd.s32 $0xFFFFF800  }
0x85: {  	_ =	swait.ge [sflag:s6], $0x800  }
0x86: {  	[sflag:s6] =	ssyncset.done $0x0  }
0x87: {  	[sflag:s6] =	ssyncadd.s32 $0xFFFFF800  }
0x88: {  	_ =	swait.ge [sflag:s6], $0x800  }
0x89: {  	[sflag:s6] =	ssyncset.done $0x0  }
0x8a: {  	[sflag:s6] =	ssyncadd.s32 $0xFFFFF800  }
0x8b: {  	[tilespmem:s21], [sflag:$0x1] =	stream.indirect.gather [hbm4b:s4+s23], $0x80, s9, s23, $0xb8;
	[tilespmem:$0x1F000] =	vst v63  }
0x8c: {  	_ =	swait.ge [sflag:s25], $0x2000  }
0x8d: {  	[sflag:s25] =	ssyncset.done $0x0  }
0x8e: {  	[sflag:s25] =	ssyncadd.s32 $0xFFFFE000  }
0x8f: {  	v1 =	vld [tilespmem:s10+$0xFFFFFF90];
	_ =	sdelay $0x7  }
0x90: {  	[spmem:s2] =	stream.indirect_vreg.scatter.add.f32 [tilespmem:s21], [sflag:$0x3], $0x80, v1, vm0, $0xb8;
	[tilespmem:$0x1F000] =	vst v63  }
0x91: {  	v1 =	vld [tilespmem:s10+$0xFFFFFFA0];
	_ =	sdelay $0x7  }
0x92: {  	[spmem:s2] =	stream.indirect_vreg.scatter.add.f32 [tilespmem:s26], [sflag:$0x3], $0x80, v1, vm0, $0xb8;
	[tilespmem:$0x1F000] =	vst v63  }
0x93: {  	v1 =	vld [tilespmem:s10+$0xFFFFFFB0];
	_ =	sdelay $0x7  }
0x94: {  	[spmem:s2] =	stream.indirect_vreg.scatter.add.f32 [tilespmem:s28], [sflag:$0x3], $0x80, v1, vm0, $0xb8;
	[tilespmem:$0x1F000] =	vst v63  }
0x95: {  	v1 =	vld [tilespmem:s10+$0xFFFFFFC0];
	_ =	sdelay $0x7  }
0x96: {  	[spmem:s2] =	stream.indirect_vreg.scatter.add.f32 [tilespmem:s29], [sflag:$0x3], $0x80, v1, vm0, $0xb8;
	[tilespmem:$0x1F000] =	vst v63  }
0x97: {  	_ =	swait.ge [sflag:s7], $0x800  }
0x98: {  	[sflag:s7] =	ssyncset.done $0x0  }
0x99: {  	[sflag:s7] =	ssyncadd.s32 $0xFFFFF800  }
0x9a: {  	_ =	swait.ge [sflag:s7], $0x800  }
0x9b: {  	[sflag:s7] =	ssyncset.done $0x0  }
0x9c: {  	[sflag:s7] =	ssyncadd.s32 $0xFFFFF800  }
0x9d: {  	_ =	swait.ge [sflag:s7], $0x800  }
0x9e: {  	[sflag:s7] =	ssyncset.done $0x0  }
0x9f: {  	[sflag:s7] =	ssyncadd.s32 $0xFFFFF800  }
0xa0: {  	_ =	swait.ge [sflag:s7], $0x800  }
0xa1: {  	[sflag:s7] =	ssyncset.done $0x0  }
0xa2: {  	s11 =	sadd.s32 $0x40, s9;
	[sflag:s7] =	ssyncadd.s32 $0xFFFFF800  }
0xa3: {  	[tilespmem:s31], [sflag:$0x2] =	stream.indirect.gather [hbm4b:s4+s23], $0x80, s11, s23, $0xb8;
	[tilespmem:$0x1F000] =	vst v63  }
0xa4: {  	_ =	swait.ge [sflag:s0], $0x2000  }
0xa5: {  	[sflag:s0] =	ssyncset.done $0x0  }
0xa6: {  	[sflag:s0] =	ssyncadd.s32 $0xFFFFE000  }
0xa7: {  	v1 =	vld [tilespmem:s10+$0xFFFFFFD0];
	_ =	sdelay $0x7  }
0xa8: {  	[spmem:s2] =	stream.indirect_vreg.scatter.add.f32 [tilespmem:s31], [sflag:$0x4], $0x80, v1, vm0, $0xb8;
	[tilespmem:$0x1F000] =	vst v63  }
0xa9: {  	v1 =	vld [tilespmem:s10+$0xFFFFFFE0];
	_ =	sdelay $0x7  }
0xaa: {  	[spmem:s2] =	stream.indirect_vreg.scatter.add.f32 [tilespmem:s1], [sflag:$0x4], $0x80, v1, vm0, $0xb8;
	[tilespmem:$0x1F000] =	vst v63  }
0xab: {  	v1 =	vld [tilespmem:s10+$0xFFFFFFF0];
	_ =	sdelay $0x7  }
0xac: {  	[spmem:s2] =	stream.indirect_vreg.scatter.add.f32 [tilespmem:s24], [sflag:$0x4], $0x80, v1, vm0, $0xb8;
	[tilespmem:$0x1F000] =	vst v63  }
0xad: {  	v1 =	vld [tilespmem:s10+$0x0];
	_ =	sdelay $0x2  }
0xae: {  	p1 =	sne.s32 s8, $0x1  }
.Ltmp1:
0xaf: {  	_ = 	snop;
	(pc) =	sbr.rel @p1 .LBB2_4-.Ltmp1, $3  }
0xb0: {  	_ =	sdelay $0x1  }
0xb1: {  	s8 =	sadd.s32 $0xFFFFFFFF, s8;
	s9 =	sadd.s32 $0x80, s9;
	s10 =	sadd.s32 $0x80, s10  }
0xb2: {  	[spmem:s2] =	stream.indirect_vreg.scatter.add.f32 [tilespmem:s30], [sflag:$0x4], $0x80, v1, vm0, $0xb8;
	[tilespmem:$0x1F000] =	vst v63  }
0xb3: {  	_ =	swait.ge [sflag:s6], $0x800  }
0xb4: {  	[sflag:s6] =	ssyncset.done $0x0  }
0xb5: {  	[sflag:s6] =	ssyncadd.s32 $0xFFFFF800  }
0xb6: {  	_ =	swait.ge [sflag:s6], $0x800  }
0xb7: {  	[sflag:s6] =	ssyncset.done $0x0  }
0xb8: {  	[sflag:s6] =	ssyncadd.s32 $0xFFFFF800  }
0xb9: {  	_ =	swait.ge [sflag:s6], $0x800  }
0xba: {  	[sflag:s6] =	ssyncset.done $0x0  }
0xbb: {  	[sflag:s6] =	ssyncadd.s32 $0xFFFFF800  }
0xbc: {  	_ =	swait.ge [sflag:s6], $0x800  }
0xbd: {  	[sflag:s6] =	ssyncset.done $0x0  }
0xbe: {  	[sflag:s6] =	ssyncadd.s32 $0xFFFFF800  }
0xbf: {  	_ =	swait.ge [sflag:s7], $0x800  }
0xc0: {  	[sflag:s7] =	ssyncset.done $0x0  }
0xc1: {  	[sflag:s7] =	ssyncadd.s32 $0xFFFFF800  }
0xc2: {  	_ =	swait.ge [sflag:s7], $0x800  }
0xc3: {  	[sflag:s7] =	ssyncset.done $0x0  }
0xc4: {  	[sflag:s7] =	ssyncadd.s32 $0xFFFFF800  }
0xc5: {  	_ =	swait.ge [sflag:s7], $0x800  }
0xc6: {  	[sflag:s7] =	ssyncset.done $0x0  }
0xc7: {  	[sflag:s7] =	ssyncadd.s32 $0xFFFFF800  }
0xc8: {  	s8 =	stileid.u32;
	_ =	swait.ge [sflag:s7], $0x800  }
0xc9: {  	s9 =	sshrl.u32 s5, $0x3;
	s3 =	sadd.s32 $0x1, s3;
	[sflag:s7] =	ssyncset.done $0x0  }
0xca: {  	s8 =	sshll.u32 s8, $0x6;
	p1 =	sne.s32 s3, s20;
	[sflag:s7] =	ssyncadd.s32 $0xFFFFF800  }
.Ltmp2:
0xcb: {  	s8 =	sor.u32 $0x1C05, s8;
	[bflag:$0x0] =	sbarrier.arrive $0xFFFF;
	(pc) =	sbr.rel @p1 .LBB2_1-.Ltmp2, $4  }
0xcc: {  	[hbm:s19], [sflag:s8] =	dma.local [spmem:s9], $0x2800  }
0xcd: {  	_ =	swait.ge [sflag:s22], $0x2800  }
0xce: {  	[sflag:s22] =	ssyncset.done $0x0  }
0xcf: {  	[sflag:s22] =	ssyncadd.s32 $0xFFFFD800  }
0xd0: {  	_ =	sfence.sel $0x180000  }
0xd1: {  	[bflag:$0x0] =	sbarrier.arrive $0xFFFF  }
0xd2: {  	_ =	strace $0x9000004A  }
0xd3: {  	s0 =	stileid.u32;
	[bflag:$0x2] =	sbarrier.arrive $0xFFFF  }
0xd4: {  	p0 =	sne.s32 s0, $0x0;
	s0 =	rddreg [dreg:$0x3]  }
0xd5: {  	s0 =	sadd.s32 @!p0 $0x100000, s0  }
0xd6: {  	[sflag:s0] =	ssyncadd.tile.s32 @!p0 $0x1;
	_ =	shalt  }
.Lfunc_end2:
_tile_overlayer_lowered:
.L_overlay_start_2:
0xd7: {  	(tag) =	ssettag $0x2  }
0xd8: {  	s0 =	rddreg [dreg:$0x0];
	s2 =	stileid.u32  }
0xd9: {  	s1 =	rddreg [dreg:$0x1];
	p0 =	sne.s32 s2, $0x0  }
0xda: {  	s3 =	rddreg [dreg:$0x2];
	[bflag:$0x3] =	sbarrier.arrive $0xFFFF;
	s2 =	simm.s32 @!p0 $0x1C05  }
0xdb: {  	[timem:s3], [sflag:s2] =	dma.local @!p0 [hbm:s0], s1  }
0xdc: {  	s0 =	simm.s32 @!p0 $0x5  }
0xdd: {  	_ =	swait.ge @!p0 [sflag:s0], s1  }
0xde: {  	s1 =	ssub.s32 @!p0 $0x0, s1;
	[sflag:s0] =	ssyncset.done @!p0 $0x0  }
0xdf: {  	[sflag:s0] =	ssyncadd.s32 @!p0 s1  }
0xe0: {  	[bflag:$0x3] =	sbarrier.arrive $0xFFFF  }
0xe1: {  	_ =	shalt  }

// kernel: kernel.14.cloned.1.call-start
scs
__scs_entry_jumppad:
0x0: {  	(pc) =	sbr.rel $0x88, $3  }
0x1: {  	(tag) =	ssettag $0x0;
	lr =	simm.s32 $0x1  }
0x2: {  	[smem:$0x3F99] =	sst lr;
	_ =	strace $0xD0000000  }
0x3: {  	_ = 	snop  }
0x4: {  	_ = 	snop  }
0x5: {  	_ = 	snop  }
0x6: {  	_ = 	snop  }
0x7: {  	_ = 	snop  }
__scs_overlays_trampoline_lowered:
0x8: {  	[smem:$0x3FA8] =	sst s0  }
0x9: {  	[smem:$0x3FA9] =	sst s1  }
0xa: {  	[smem:$0x3FAA] =	sst s2  }
0xb: {  	[smem:$0x3FAB] =	sst s3  }
0xc: {  	[smem:$0x3FAC] =	sst s4  }
0xd: {  	[smem:$0x3FAD] =	sst s5  }
0xe: {  	[smem:$0x3FAE] =	sst s6  }
0xf: {  	[smem:$0x3FAF] =	sst s7  }
0x10: {  	[smem:$0x3FB0] =	sst s8  }
0x11: {  	[smem:$0x3FB1] =	sst s9;
	s0 =	simm.s32 @!p0 $0x0  }
0x12: {  	s1 =	sld [smem:$0x3F97];
	s0 =	simm.s32 @p0 $0x1  }
0x13: {  	[smem:$0x3FB2] =	sst s0;
	s0 =	simm.s32 @!p1 $0x0  }
0x14: {  	s2 =	sld [smem:$0x3F96];
	s0 =	simm.s32 @p1 $0x1  }
0x15: {  	[smem:$0x3FB3] =	sst s0;
	s0 =	simm.s32 @!p2 $0x0  }
0x16: {  	s3 =	sld [smem:$0x3FDB];
	s0 =	simm.s32 @p2 $0x1  }
0x17: {  	s4 =	simm.s32 $0x1BF5;
	[smem:$0x3FB5] =	sst s0  }
0x18: {  	s0 =	sld [smem:$0x3F98];
	_ =	swait.ge [sflag:s4], $0x0  }
0x19: {  	s7 =	sld [smem:$0x3F99]  }
0x1a: {  	s8 =	sadd.s32 $0xFFFFE003, lr  }
0x1b: {  	s9 =	sadd.s32 $0xFFFFFEF7, lr;
	s5 =	simm.s32 $0xFFFFFFFF;
	p2 =	slt.u32 s8, $0xFFFFF086  }
0x1c: {  	p1 =	slt.u32 s9, $0xF7A;
	s5 =	simm.s32 @!p2 $0x0  }
0x1d: {  	s5 =	simm.s32 @p1 $0x1;
	p0 =	seq.s32 s7, s2  }
0x1e: {  	s7 =	smul.u32 @!p0 $0xF7A, s2;
	p2 =	seq.s32 @!p0 s5, $0x0  }
0x1f: {  	s9 =	smul.u32 $0xF7A, s1;
	s8 =	simm.s32 @!p0 $0x1BF5;
	p2 =	por !p2, p0  }
0x20: {  	[sflag:s8] =	ssyncset.s32 @!p0 $0xFFFFF086;
	s6 =	sadd.s32 @!p0 s3, s7;
	s7 =	simm.s32 @!p0 $0x108  }
0x21: {  	s3 =	sadd.s32 s3, s9;
	s6 =	sadd.s32 @!p0 $0x88, s6;
	s7 =	simm.s32 @p2 $0x1082  }
0x22: {  	[simem:s7], [sflag:s8] =	dma.local @!p0 [hbm:s6], $0xF7A  }
0x23: {  	s9 =	sor.u32 $0xD0000000, s2;
	s6 =	simm.s32 $0x108;
	_ =	swait.ge @!p0 [sflag:s8], $0x0  }
0x24: {  	s3 =	sadd.s32 $0x88, s3;
	s6 =	simm.s32 @!p1 $0x1082;
	[sflag:s4] =	ssyncset.s32 $0xFFFFF086  }
0x25: {  	[simem:s6], [sflag:s4] =	dma.local [hbm:s3], $0xF7A  }
0x26: {  	[smem:$0x3F99] =	sst s1;
	(tag) =	ssettag s2;
	_ =	strace s9  }
0x27: {  	s1 =	sld [smem:$0x3FA9]  }
0x28: {  	s2 =	sld [smem:$0x3FAA]  }
0x29: {  	s4 =	sld [smem:$0x3FAC]  }
0x2a: {  	p0 =	seq.s32 s5, $0x0;
	s5 =	sld [smem:$0x3FAD]  }
0x2b: {  	s6 =	sld [smem:$0x3FAE]  }
0x2c: {  	s7 =	sld [smem:$0x3FAF]  }
0x2d: {  	s3 =	simm.s32 $0x108;
	s8 =	sld [smem:$0x3FB0]  }
0x2e: {  	s3 =	simm.s32 @!p0 $0x1082;
	s9 =	sld [smem:$0x3FB1]  }
0x2f: {  	lr =	sadd.s32 s0, s3;
	s0 =	sld [smem:$0x3FA8]  }
0x30: {  	s3 =	sld [smem:$0x3FAB]  }
0x31: {  	[smem:$0x3FB4] =	sst s10  }
0x32: {  	s10 =	sld [smem:$0x3FB2];
	_ =	sdelay $0x3  }
0x33: {  	p0 =	seq.s32 s10, $0x1;
	s10 =	sld [smem:$0x3FB4];
	_ =	sdelay $0x3  }
0x34: {  	[smem:$0x3FB4] =	sst s10  }
0x35: {  	s10 =	sld [smem:$0x3FB3];
	_ =	sdelay $0x3  }
0x36: {  	p1 =	seq.s32 s10, $0x1;
	s10 =	sld [smem:$0x3FB4];
	_ =	sdelay $0x3  }
0x37: {  	[smem:$0x3FB4] =	sst s10  }
0x38: {  	s10 =	sld [smem:$0x3FB5]  }
0x39: {  	_ = 	snop;
	(pc) =	sbr.ind lr, $3  }
0x3a: {  	_ = 	snop  }
0x3b: {  	_ = 	snop  }
0x3c: {  	p2 =	seq.s32 s10, $0x1;
	s10 =	sld [smem:$0x3FB4]  }
0x3d: {  	_ =	shalt  }
0x3e: {  	_ =	shalt  }
0x3f: {  	_ =	shalt  }
0x40: {  	_ =	shalt  }
0x41: {  	_ =	shalt  }
0x42: {  	_ =	shalt  }
0x43: {  	_ =	shalt  }
0x44: {  	_ =	shalt  }
0x45: {  	_ =	shalt  }
0x46: {  	_ =	shalt  }
0x47: {  	_ =	shalt  }
0x48: {  	_ =	shalt  }
0x49: {  	_ =	shalt  }
0x4a: {  	_ =	shalt  }
0x4b: {  	_ =	shalt  }
0x4c: {  	_ =	shalt  }
0x4d: {  	_ =	shalt  }
0x4e: {  	_ =	shalt  }
0x4f: {  	_ =	shalt  }
0x50: {  	_ =	shalt  }
0x51: {  	_ =	shalt  }
0x52: {  	_ =	shalt  }
0x53: {  	_ =	shalt  }
0x54: {  	_ =	shalt  }
0x55: {  	_ =	shalt  }
0x56: {  	_ =	shalt  }
0x57: {  	_ =	shalt  }
0x58: {  	_ =	shalt  }
0x59: {  	_ =	shalt  }
0x5a: {  	_ =	shalt  }
0x5b: {  	_ =	shalt  }
0x5c: {  	_ =	shalt  }
0x5d: {  	_ =	shalt  }
0x5e: {  	_ =	shalt  }
0x5f: {  	_ =	shalt  }
0x60: {  	_ =	shalt  }
0x61: {  	_ =	shalt  }
0x62: {  	_ =	shalt  }
0x63: {  	_ =	shalt  }
0x64: {  	_ =	shalt  }
0x65: {  	_ =	shalt  }
0x66: {  	_ =	shalt  }
0x67: {  	_ =	shalt  }
0x68: {  	_ =	shalt  }
0x69: {  	_ =	shalt  }
0x6a: {  	_ =	shalt  }
0x6b: {  	_ =	shalt  }
0x6c: {  	_ =	shalt  }
0x6d: {  	_ =	shalt  }
0x6e: {  	_ =	shalt  }
0x6f: {  	_ =	shalt  }
0x70: {  	_ =	shalt  }
0x71: {  	_ =	shalt  }
0x72: {  	_ =	shalt  }
0x73: {  	_ =	shalt  }
0x74: {  	_ =	shalt  }
0x75: {  	_ =	shalt  }
0x76: {  	_ =	shalt  }
0x77: {  	_ =	shalt  }
0x78: {  	_ =	shalt  }
0x79: {  	_ =	shalt  }
0x7a: {  	_ =	shalt  }
0x7b: {  	_ =	shalt  }
0x7c: {  	_ =	shalt  }
0x7d: {  	_ =	shalt  }
0x7e: {  	_ =	shalt  }
0x7f: {  	_ =	shalt  }
0x80: {  	_ =	shalt  }
0x81: {  	_ =	shalt  }
0x82: {  	_ =	shalt  }
0x83: {  	_ =	shalt  }
0x84: {  	_ =	shalt  }
0x85: {  	_ =	shalt  }
0x86: {  	_ =	shalt  }
0x87: {  	_ =	shalt  }
.Lfunc_end0:
.L_simem_size_0:
called_computation.2_lowered:
.L_overlay_start_0:
0x88: {  	s2 =	sld [smem:$0x3FD9]  }
0x89: {  	s3 =	sld [smem:$0x3FFE];
	_ =	sdelay $0x1  }
0x8a: {  	s1 =	srdreg.scid  }
0x8b: {  	s0 =	sand.u32 $0x1, s1  }
0x8c: {  	s17 =	sshll.u32 s0, $0xA;
	s2 =	sadd.s32 s3, s2  }
0x8d: {  	s2 =	sadd.s32 s2, s17  }
0x8e: {  	[smem:$0x3FC0] =	sst s2  }
0x8f: {  	_ = 	snop  }
0x90: {  	s2 =	sld [smem:$0x3FD0];
	(tm) =	ssettm $0x1  }
0x91: {  	s18 =	sld [smem:$0x3FFB];
	_ =	sdelay $0x3  }
0x92: {  	_ =	strace s18  }
0x93: {  	s3 =	sld [smem:$0x3FFC];
	_ =	sdelay $0x3  }
0x94: {  	_ =	strace s3  }
0x95: {  	s3 =	sld [smem:$0x3FFD];
	_ =	sdelay $0x3  }
0x96: {  	_ =	strace s3  }
0x97: {  	_ =	strace $0x8FFFFFFF  }
0x98: {  	s19 =	sld [smem:$0x3FDB];
	_ =	sdelay $0x1  }
0x99: {  	s4 =	simm.s32 $_scs_section_size  }
0x9a: {  	s5 =	simm.s32 $_size__tile_overlayer_lowered;
	s6 =	simm.s32 $_tile_overlayer_lowered  }
0x9b: {  	s22 =	simm.s32 $0x1BFF;
	s21 =	sshll.u32 s6, $0x1;
	s3 =	sadd.s32 s4, s19  }
0x9c: {  	s7 =	simm.s32 $0x0;
	s20 =	sshll.u32 s5, $0x1;
	s5 =	sadd.s32 s21, s3  }
0x9d: {  	[timem:s7], [sflag:s22] =	dma.local [hbm:s5], s20  }
0x9e: {  	_ =	swait.ge [sflag:s22], s20  }
0x9f: {  	s4 =	ssub.s32 $0x0, s20;
	[sflag:s22] =	ssyncset.done $0x0  }
0xa0: {  	[sflag:s22] =	ssyncadd.s32 s4;
	_ =	sdelay $0x1  }
0xa1: {  	s23 =	simm.s32 $0x1B8B  }
0xa2: {  	_ =	swait.ge [sflag:s23], $0x1  }
0xa3: {  	[sflag:s23] =	ssyncset.done $0x0  }
0xa4: {  	s25 =	simm.s32 $0x1B8E;
	s24 =	sld [smem:$0x3FFE];
	[sflag:s23] =	ssyncadd.s32 $0xFFFFFFFF  }
0xa5: {  	s26 =	simm.s32 $execute0_lowered;
	[smem:$0x3FD2] =	sst s25  }
0xa6: {  	s5 =	sshll.u32 s26, $0x1;
	_ =	strace $0x8000004C;
	[dreg:$0x1] =	wrdreg $0xFFFFFFFF  }
0xa7: {  	s28 =	simm.s32 $_size_execute0_lowered;
	s3 =	sadd.s32 s3, s5;
	[dreg:$0x0] =	wrdreg $0x0  }
0xa8: {  	s5 =	sshll.u32 s28, $0x1;
	[dreg:$0x2] =	wrdreg s3  }
0xa9: {  	[dreg:$0x3] =	wrdreg s5  }
0xaa: {  	[dreg:$0x4] =	wrdreg $0xC0  }
0xab: {  	_ =	task [dreg:s7], $0x5FFFF  }
0xac: {  	[dreg:$0x1] =	wrdreg $0xFFFFFFFF  }
0xad: {  	[dreg:$0x0] =	wrdreg $0x60  }
0xae: {  	[dreg:$0x2] =	wrdreg s24  }
0xaf: {  	[dreg:$0x3] =	wrdreg s2  }
0xb0: {  	[dreg:$0x4] =	wrdreg $0x0  }
0xb1: {  	[dreg:$0x5] =	wrdreg $0x9  }
0xb2: {  	_ =	task.clear_ibuf [dreg:s7], $0x6FFFF;
	_ =	strace $0x9000004C  }
0xb3: {  	s29 =	simm.s32 $0x9;
	_ =	strace $0x8000004E  }
0xb4: {  	_ =	swait.ge [sflag:s29], $0x1  }
0xb5: {  	[sflag:s29] =	ssyncadd.s32 $0xFFFFFFFF  }
0xb6: {  	_ =	strace $0x9000004E  }
0xb7: {  	_ =	sfence  }
0xb8: {  	s30 =	sld [smem:$0x0];
	_ =	sdelay $0x2  }
0xb9: {  	s31 =	sshll.u32 s1, $0xD;
	s1 =	sshrl.u32 s1, $0x2  }
0xba: {  	s3 =	sand.u32 $0x4000, s31;
	s1 =	sadd.s32 s1, s30  }
0xbb: {  	s0 =	sor.u32 s3, s0;
	s1 =	sshll.u32 s1, $0x11  }
0xbc: {  	s0 =	sor.u32 s1, s0  }
0xbd: {  	s0 =	sadd.s32 $0x8F2B, s0  }
0xbe: {  	[sflag:s0] =	ssyncadd.remote.s32 $0x1  }
0xbf: {  	_ =	sfence.sel $0xFFFF  }
0xc0: {  	[dreg:$0x0] =	wrdreg $0xFFFFFFFF;
	(pc) =	sbr.abs _section_cstart, $3  }
0xc1: {  	[dreg:$0x1] =	wrdreg $0xFFFFFFFF  }
0xc2: {  	_ =	task.clear_ibuf [dreg:s7], $0x2FFFF;
	_ =	strace $0x9FFFFFFF  }
0xc3: {  	(tm) =	ssettm $0x7FFFFFFF  }
tec
execute0_lowered:
.L_overlay_start_1:
0x0: {  	(tag) =	ssettag $0x1  }
0x1: {  	s0 =	rddreg [dreg:$0x0]  }
0x2: {  	s1 =	rddreg [dreg:$0x1]  }
0x3: {  	s2 =	rddreg [dreg:$0x2];
	s11 =	stileid.u32  }
0x4: {  	s4 =	srdreg.scid;
	s3 =	simm.s32 $0x0;
	s5 =	smul.u32 $0x2800, s11  }
0x5: {  	s28 =	simm.s32 $0x1C000;
	s29 =	simm.s32 $0x1C800;
	s8 =	smul.u32 $0x50000, s11  }
0x6: {  	s31 =	simm.s32 $0x1D000;
	s30 =	simm.s32 $0x1E800;
	s21 =	smul.u32 $0x5000, s11  }
0x7: {  	s6 =	sand.u32 $0x1, s4;
	[smem:$0x7FF] =	sst s3;
	s26 =	smul.u32 $0xA00, s11  }
0x8: {  	s4 =	sadd.s32 $0x2800, s0;
	s9 =	sadd.s32 $0x52800, s0;
	s7 =	smul.u32 $0x28000, s6  }
0x9: {  	_ =	strace $0x8000004D;
	s10 =	ssub.s32 $0x2, s6;
	p0 =	sne.s32 s6, $0x0  }
0xa: {  	s6 =	simm.s32 $0x3;
	s8 =	sshrl.u32 s8, $0x2;
	s5 =	sadd.s32 s5, s7  }
0xb: {  	s19 =	sshrl.u32 s10, $0x1;
	s0 =	sadd.s32 s5, s0;
	s5 =	sadd.s32 s8, s2  }
0xc: {  	s17 =	sadd.s32 s9, s26;
	s18 =	sadd.s32 s1, s26;
	s8 =	sadd.s32 $0x2000, s5  }
0xd: {  	s26 =	simm.s32 $0x1B800;
	s20 =	sadd.s32 $0x4000, s5;
	[dreg:$0x4] =	wrdreg s8  }
0xe: {  	s7 =	ssub.s32 s10, s19;
	s22 =	sadd.s32 $0x6000, s5;
	[dreg:$0x5] =	wrdreg s20  }
0xf: {  	s23 =	sadd.s32 $0x8000, s5;
	s24 =	sadd.s32 $0xA000, s5;
	[dreg:$0x6] =	wrdreg s22  }
0x10: {  	s25 =	sadd.s32 $0xC000, s5;
	s12 =	sadd.s32 $0xE000, s5;
	[dreg:$0x7] =	wrdreg s23  }
0x11: {  	s13 =	sadd.s32 $0x10000, s5;
	s14 =	sadd.s32 $0x12000, s5;
	[dreg:$0x8] =	wrdreg s24  }
0x12: {  	s19 =	sadd.s32 $0x5C800, s0;
	s0 =	simm.s32 $0x2;
	[dreg:$0x9] =	wrdreg s25  }
0x13: {  	s8 =	sshrl.u32 s21, $0x3;
	s20 =	smax.u32 s7, $0x1;
	s21 =	simm.s32 $0x1B000  }
0x14: {  	s22 =	simm.s32 $0x5;
	s23 =	simm.s32 $0x40;
	s25 =	simm.s32 $0x1  }
0x15: {  	s24 =	simm.s32 $0x1E000;
	s7 =	simm.s32 $0x4;
	s8 =	sadd.s32 $0x300, s8  }
0x16: {  	v0 =	vimm.f32 $0.0e+00;
	vm0 =	vmmov $0xffff;
	s15 =	sadd.s32 s9, s8;
	s16 =	sadd.s32 s1, s8;
	s1 =	simm.s32 $0x1D800  }
.LBB2_1:
0x17: {  	s8 =	simm.s32 $0x0;
	s9 =	simm.s32 $0x200  }
.LBB2_2:
0x18: {  	p1 =	sne.s32 s9, $0x7E00;
	[tilespmem:s8+$0x1B070] =	vst v0  }
0x19: {  	[tilespmem:s8+$0x1B000] =	vst v0  }
0x1a: {  	[tilespmem:s8+$0x1B010] =	vst v0  }
.Ltmp0:
0x1b: {  	[tilespmem:s8+$0x1B020] =	vst v0;
	(pc) =	sbr.rel @p1 .LBB2_2-.Ltmp0, $4  }
0x1c: {  	[tilespmem:s8+$0x1B030] =	vst v0  }
0x1d: {  	[tilespmem:s8+$0x1B040] =	vst v0  }
0x1e: {  	[tilespmem:s8+$0x1B050] =	vst v0  }
0x1f: {  	[tilespmem:s8+$0x1B060] =	vst v0;
	s8 =	sshra.s32 s9, $0x2;
	s9 =	sadd.s32 $0x200, s9  }
0x20: {  	[tilespmem:s8+$0x1B070] =	vst v0  }
0x21: {  	[tilespmem:s8+$0x1B000] =	vst v0  }
0x22: {  	[tilespmem:s8+$0x1B010] =	vst v0  }
0x23: {  	[tilespmem:s8+$0x1B020] =	vst v0  }
0x24: {  	[tilespmem:s8+$0x1B030] =	vst v0  }
0x25: {  	[tilespmem:s8+$0x1B040] =	vst v0  }
0x26: {  	[tilespmem:s8+$0x1B050] =	vst v0  }
0x27: {  	[tilespmem:s8+$0x1B060] =	vst v0  }
0x28: {  	[spmem:s5] =	stream.linear.scatter [tilespmem:s21], [sflag:$0x5], $0x2000, $0x38;
	[tilespmem:$0x1F000] =	vst v63  }
0x29: {  	_ =	swait.ge [sflag:s22], $0x2000  }
0x2a: {  	[sflag:s22] =	ssyncset.done $0x0  }
0x2b: {  	s10 =	rddreg [dreg:$0x4];
	[sflag:s22] =	ssyncadd.s32 $0xFFFFE000  }
0x2c: {  	[spmem:s10] =	stream.linear.scatter [tilespmem:s21], [sflag:$0x5], $0x2000, $0x38;
	[tilespmem:$0x1F000] =	vst v63  }
0x2d: {  	_ =	swait.ge [sflag:s22], $0x2000  }
0x2e: {  	[sflag:s22] =	ssyncset.done $0x0  }
0x2f: {  	s11 =	rddreg [dreg:$0x5];
	[sflag:s22] =	ssyncadd.s32 $0xFFFFE000  }
0x30: {  	[spmem:s11] =	stream.linear.scatter [tilespmem:s21], [sflag:$0x5], $0x2000, $0x38;
	[tilespmem:$0x1F000] =	vst v63  }
0x31: {  	_ =	swait.ge [sflag:s22], $0x2000  }
0x32: {  	[sflag:s22] =	ssyncset.done $0x0  }
0x33: {  	s9 =	rddreg [dreg:$0x6];
	[sflag:s22] =	ssyncadd.s32 $0xFFFFE000  }
0x34: {  	[spmem:s9] =	stream.linear.scatter [tilespmem:s21], [sflag:$0x5], $0x2000, $0x38;
	[tilespmem:$0x1F000] =	vst v63  }
0x35: {  	_ =	swait.ge [sflag:s22], $0x2000  }
0x36: {  	[sflag:s22] =	ssyncset.done $0x0  }
0x37: {  	s10 =	rddreg [dreg:$0x7];
	[sflag:s22] =	ssyncadd.s32 $0xFFFFE000  }
0x38: {  	[spmem:s10] =	stream.linear.scatter [tilespmem:s21], [sflag:$0x5], $0x2000, $0x38;
	[tilespmem:$0x1F000] =	vst v63  }
0x39: {  	_ =	swait.ge [sflag:s22], $0x2000  }
0x3a: {  	[sflag:s22] =	ssyncset.done $0x0  }
0x3b: {  	s11 =	rddreg [dreg:$0x8];
	[sflag:s22] =	ssyncadd.s32 $0xFFFFE000  }
0x3c: {  	[spmem:s11] =	stream.linear.scatter [tilespmem:s21], [sflag:$0x5], $0x2000, $0x38;
	[tilespmem:$0x1F000] =	vst v63  }
0x3d: {  	_ =	swait.ge [sflag:s22], $0x2000  }
0x3e: {  	[sflag:s22] =	ssyncset.done $0x0  }
0x3f: {  	s9 =	rddreg [dreg:$0x9];
	[sflag:s22] =	ssyncadd.s32 $0xFFFFE000  }
0x40: {  	[spmem:s9] =	stream.linear.scatter [tilespmem:s21], [sflag:$0x5], $0x2000, $0x38;
	[tilespmem:$0x1F000] =	vst v63  }
0x41: {  	_ =	swait.ge [sflag:s22], $0x2000  }
0x42: {  	[sflag:s22] =	ssyncset.done $0x0  }
0x43: {  	[sflag:s22] =	ssyncadd.s32 $0xFFFFE000  }
0x44: {  	[spmem:s12] =	stream.linear.scatter [tilespmem:s21], [sflag:$0x5], $0x2000, $0x38;
	[tilespmem:$0x1F000] =	vst v63  }
0x45: {  	_ =	swait.ge [sflag:s22], $0x2000  }
0x46: {  	[sflag:s22] =	ssyncset.done $0x0  }
0x47: {  	[sflag:s22] =	ssyncadd.s32 $0xFFFFE000  }
0x48: {  	[spmem:s13] =	stream.linear.scatter [tilespmem:s21], [sflag:$0x5], $0x2000, $0x38;
	[tilespmem:$0x1F000] =	vst v63  }
0x49: {  	_ =	swait.ge [sflag:s22], $0x2000  }
0x4a: {  	[sflag:s22] =	ssyncset.done $0x0  }
0x4b: {  	[sflag:s22] =	ssyncadd.s32 $0xFFFFE000  }
0x4c: {  	[spmem:s14] =	stream.linear.scatter [tilespmem:s21], [sflag:$0x5], $0x2000, $0x38;
	[tilespmem:$0x1F000] =	vst v63  }
0x4d: {  	_ =	swait.ge [sflag:s22], $0x2000  }
0x4e: {  	[sflag:s22] =	ssyncset.done $0x0  }
0x4f: {  	s8 =	simm.s32 @p0 $0x0;
	s9 =	simm.s32 @p0 $0x14000;
	[sflag:s22] =	ssyncadd.s32 $0xFFFFE000  }
0x50: {  	[tilespmem:s9], [sflag:$0x5] =	stream.linear.gather @p0 [hbm4b:s15+s8], $0x3800, $0x38;
	[tilespmem:$0x1F000] =	vst v63  }
0x51: {  	s9 =	simm.s32 @p0 $0x5  }
0x52: {  	_ =	swait.ge @p0 [sflag:s9], $0x3800  }
0x53: {  	[sflag:s9] =	ssyncset.done @p0 $0x0  }
0x54: {  	s10 =	simm.s32 @p0 $0x17800;
	[sflag:s9] =	ssyncadd.s32 @p0 $0xFFFFC800  }
0x55: {  	[tilespmem:s10], [sflag:$0x5] =	stream.linear.gather @p0 [hbm4b:s16+s8], $0x3800, $0x38;
	[tilespmem:$0x1F000] =	vst v63  }
0x56: {  	_ =	swait.ge @p0 [sflag:s9], $0x3800  }
0x57: {  	[sflag:s9] =	ssyncset.done @p0 $0x0  }
0x58: {  	s8 =	simm.s32 @!p0 $0x0;
	[sflag:s9] =	ssyncadd.s32 @p0 $0xFFFFC800;
	s9 =	simm.s32 @!p0 $0x14000  }
0x59: {  	[tilespmem:s9], [sflag:$0x5] =	stream.linear.gather @!p0 [hbm4b:s17+s8], $0x1800, $0x38;
	[tilespmem:$0x1F000] =	vst v63  }
0x5a: {  	s9 =	simm.s32 @!p0 $0x5  }
0x5b: {  	_ =	swait.ge @!p0 [sflag:s9], $0x1800  }
0x5c: {  	[sflag:s9] =	ssyncset.done @!p0 $0x0  }
0x5d: {  	s10 =	simm.s32 @!p0 $0x17800;
	[sflag:s9] =	ssyncadd.s32 @!p0 $0xFFFFE800  }
0x5e: {  	[tilespmem:s10], [sflag:$0x5] =	stream.linear.gather @!p0 [hbm4b:s18+s8], $0x1800, $0x38;
	[tilespmem:$0x1F000] =	vst v63  }
0x5f: {  	_ =	swait.ge @!p0 [sflag:s9], $0x1800  }
0x60: {  	[sflag:s9] =	ssyncset.done @!p0 $0x0  }
0x61: {  	[sflag:s9] =	ssyncadd.s32 @!p0 $0xFFFFE800  }
0x62: {  	s10 =	simm.s32 $0x14000;
	[bflag:$0x0] =	sbarrier.arrive $0xFFFF  }
0x63: {  	[tilespmem:s21], [sflag:$0x1] =	stream.indirect.gather [hbm4b:s4+s23], $0x80, s10, s23, $0xb8;
	[tilespmem:$0x1F000] =	vst v63  }
0x64: {  	_ =	swait.ge [sflag:s25], $0x2000  }
0x65: {  	[sflag:s25] =	ssyncset.done $0x0  }
0x66: {  	[sflag:s25] =	ssyncadd.s32 $0xFFFFE000  }
0x67: {  	v1 =	vld [tilespmem:$0x17800];
	_ =	sdelay $0x7  }
0x68: {  	[spmem:s2] =	stream.indirect_vreg.scatter.add.f32 [tilespmem:s21], [sflag:$0x3], $0x80, v1, vm0, $0xb8;
	[tilespmem:$0x1F000] =	vst v63  }
0x69: {  	v1 =	vld [tilespmem:$0x17810];
	_ =	sdelay $0x7  }
0x6a: {  	[spmem:s2] =	stream.indirect_vreg.scatter.add.f32 [tilespmem:s26], [sflag:$0x3], $0x80, v1, vm0, $0xb8;
	[tilespmem:$0x1F000] =	vst v63  }
0x6b: {  	v1 =	vld [tilespmem:$0x17820];
	_ =	sdelay $0x7  }
0x6c: {  	[spmem:s2] =	stream.indirect_vreg.scatter.add.f32 [tilespmem:s28], [sflag:$0x3], $0x80, v1, vm0, $0xb8;
	[tilespmem:$0x1F000] =	vst v63  }
0x6d: {  	v1 =	vld [tilespmem:$0x17830];
	_ =	sdelay $0x7  }
0x6e: {  	[spmem:s2] =	stream.indirect_vreg.scatter.add.f32 [tilespmem:s29], [sflag:$0x3], $0x80, v1, vm0, $0xb8;
	[tilespmem:$0x1F000] =	vst v63  }
0x6f: {  	s11 =	simm.s32 $0x14040  }
0x70: {  	[tilespmem:s31], [sflag:$0x2] =	stream.indirect.gather [hbm4b:s4+s23], $0x80, s11, s23, $0xb8;
	[tilespmem:$0x1F000] =	vst v63  }
0x71: {  	_ =	swait.ge [sflag:s0], $0x2000  }
0x72: {  	[sflag:s0] =	ssyncset.done $0x0  }
0x73: {  	[sflag:s0] =	ssyncadd.s32 $0xFFFFE000  }
0x74: {  	v1 =	vld [tilespmem:$0x17840];
	_ =	sdelay $0x7  }
0x75: {  	[spmem:s2] =	stream.indirect_vreg.scatter.add.f32 [tilespmem:s31], [sflag:$0x4], $0x80, v1, vm0, $0xb8;
	[tilespmem:$0x1F000] =	vst v63  }
0x76: {  	v1 =	vld [tilespmem:$0x17850];
	_ =	sdelay $0x7  }
0x77: {  	[spmem:s2] =	stream.indirect_vreg.scatter.add.f32 [tilespmem:s1], [sflag:$0x4], $0x80, v1, vm0, $0xb8;
	[tilespmem:$0x1F000] =	vst v63  }
0x78: {  	v1 =	vld [tilespmem:$0x17860];
	_ =	sdelay $0x7  }
0x79: {  	[spmem:s2] =	stream.indirect_vreg.scatter.add.f32 [tilespmem:s24], [sflag:$0x4], $0x80, v1, vm0, $0xb8;
	[tilespmem:$0x1F000] =	vst v63  }
0x7a: {  	v1 =	vld [tilespmem:$0x17870];
	_ =	sdelay $0x4  }
0x7b: {  	s8 =	simm.s32 @!p0 $0x30  }
0x7c: {  	s8 =	simm.s32 @p0 $0x70  }
0x7d: {  	s8 =	sadd.s32 $0xFFFFFFFF, s8;
	s9 =	simm.s32 $0x14080;
	s10 =	simm.s32 $0x178F0  }
0x7e: {  	[spmem:s2] =	stream.indirect_vreg.scatter.add.f32 [tilespmem:s30], [sflag:$0x4], $0x80, v1, vm0, $0xb8;
	[tilespmem:$0x1F000] =	vst v63  }
.LBB2_4:
0x7f: {  	_ =	swait.ge [sflag:s6], $0x800  }
0x80: {  	[sflag:s6] =	ssyncset.done $0x0  }
0x81: {  	[sflag:s6] =	ssyncadd.s32 $0xFFFFF800  }
0x82: {  	_ =	swait.ge [sflag:s6], $0x800  }
0x83: {  	[sflag:s6] =	ssyncset.done $0x0  }
0x84: {  	[sflag:s6] =	ssyncadd.s32 $0xFFFFF800  }
0x85: {  	_ =	swait.ge [sflag:s6], $0x800  }
0x86: {  	[sflag:s6] =	ssyncset.done $0x0  }
0x87: {  	[sflag:s6] =	ssyncadd.s32 $0xFFFFF800  }
0x88: {  	_ =	swait.ge [sflag:s6], $0x800  }
0x89: {  	[sflag:s6] =	ssyncset.done $0x0  }
0x8a: {  	[sflag:s6] =	ssyncadd.s32 $0xFFFFF800  }
0x8b: {  	[tilespmem:s21], [sflag:$0x1] =	stream.indirect.gather [hbm4b:s4+s23], $0x80, s9, s23, $0xb8;
	[tilespmem:$0x1F000] =	vst v63  }
0x8c: {  	_ =	swait.ge [sflag:s25], $0x2000  }
0x8d: {  	[sflag:s25] =	ssyncset.done $0x0  }
0x8e: {  	[sflag:s25] =	ssyncadd.s32 $0xFFFFE000  }
0x8f: {  	v1 =	vld [tilespmem:s10+$0xFFFFFF90];
	_ =	sdelay $0x7  }
0x90: {  	[spmem:s2] =	stream.indirect_vreg.scatter.add.f32 [tilespmem:s21], [sflag:$0x3], $0x80, v1, vm0, $0xb8;
	[tilespmem:$0x1F000] =	vst v63  }
0x91: {  	v1 =	vld [tilespmem:s10+$0xFFFFFFA0];
	_ =	sdelay $0x7  }
0x92: {  	[spmem:s2] =	stream.indirect_vreg.scatter.add.f32 [tilespmem:s26], [sflag:$0x3], $0x80, v1, vm0, $0xb8;
	[tilespmem:$0x1F000] =	vst v63  }
0x93: {  	v1 =	vld [tilespmem:s10+$0xFFFFFFB0];
	_ =	sdelay $0x7  }
0x94: {  	[spmem:s2] =	stream.indirect_vreg.scatter.add.f32 [tilespmem:s28], [sflag:$0x3], $0x80, v1, vm0, $0xb8;
	[tilespmem:$0x1F000] =	vst v63  }
0x95: {  	v1 =	vld [tilespmem:s10+$0xFFFFFFC0];
	_ =	sdelay $0x7  }
0x96: {  	[spmem:s2] =	stream.indirect_vreg.scatter.add.f32 [tilespmem:s29], [sflag:$0x3], $0x80, v1, vm0, $0xb8;
	[tilespmem:$0x1F000] =	vst v63  }
0x97: {  	_ =	swait.ge [sflag:s7], $0x800  }
0x98: {  	[sflag:s7] =	ssyncset.done $0x0  }
0x99: {  	[sflag:s7] =	ssyncadd.s32 $0xFFFFF800  }
0x9a: {  	_ =	swait.ge [sflag:s7], $0x800  }
0x9b: {  	[sflag:s7] =	ssyncset.done $0x0  }
0x9c: {  	[sflag:s7] =	ssyncadd.s32 $0xFFFFF800  }
0x9d: {  	_ =	swait.ge [sflag:s7], $0x800  }
0x9e: {  	[sflag:s7] =	ssyncset.done $0x0  }
0x9f: {  	[sflag:s7] =	ssyncadd.s32 $0xFFFFF800  }
0xa0: {  	_ =	swait.ge [sflag:s7], $0x800  }
0xa1: {  	[sflag:s7] =	ssyncset.done $0x0  }
0xa2: {  	s11 =	sadd.s32 $0x40, s9;
	[sflag:s7] =	ssyncadd.s32 $0xFFFFF800  }
0xa3: {  	[tilespmem:s31], [sflag:$0x2] =	stream.indirect.gather [hbm4b:s4+s23], $0x80, s11, s23, $0xb8;
	[tilespmem:$0x1F000] =	vst v63  }
0xa4: {  	_ =	swait.ge [sflag:s0], $0x2000  }
0xa5: {  	[sflag:s0] =	ssyncset.done $0x0  }
0xa6: {  	[sflag:s0] =	ssyncadd.s32 $0xFFFFE000  }
0xa7: {  	v1 =	vld [tilespmem:s10+$0xFFFFFFD0];
	_ =	sdelay $0x7  }
0xa8: {  	[spmem:s2] =	stream.indirect_vreg.scatter.add.f32 [tilespmem:s31], [sflag:$0x4], $0x80, v1, vm0, $0xb8;
	[tilespmem:$0x1F000] =	vst v63  }
0xa9: {  	v1 =	vld [tilespmem:s10+$0xFFFFFFE0];
	_ =	sdelay $0x7  }
0xaa: {  	[spmem:s2] =	stream.indirect_vreg.scatter.add.f32 [tilespmem:s1], [sflag:$0x4], $0x80, v1, vm0, $0xb8;
	[tilespmem:$0x1F000] =	vst v63  }
0xab: {  	v1 =	vld [tilespmem:s10+$0xFFFFFFF0];
	_ =	sdelay $0x7  }
0xac: {  	[spmem:s2] =	stream.indirect_vreg.scatter.add.f32 [tilespmem:s24], [sflag:$0x4], $0x80, v1, vm0, $0xb8;
	[tilespmem:$0x1F000] =	vst v63  }
0xad: {  	v1 =	vld [tilespmem:s10+$0x0];
	_ =	sdelay $0x2  }
0xae: {  	p1 =	sne.s32 s8, $0x1  }
.Ltmp1:
0xaf: {  	_ = 	snop;
	(pc) =	sbr.rel @p1 .LBB2_4-.Ltmp1, $3  }
0xb0: {  	_ =	sdelay $0x1  }
0xb1: {  	s8 =	sadd.s32 $0xFFFFFFFF, s8;
	s9 =	sadd.s32 $0x80, s9;
	s10 =	sadd.s32 $0x80, s10  }
0xb2: {  	[spmem:s2] =	stream.indirect_vreg.scatter.add.f32 [tilespmem:s30], [sflag:$0x4], $0x80, v1, vm0, $0xb8;
	[tilespmem:$0x1F000] =	vst v63  }
0xb3: {  	_ =	swait.ge [sflag:s6], $0x800  }
0xb4: {  	[sflag:s6] =	ssyncset.done $0x0  }
0xb5: {  	[sflag:s6] =	ssyncadd.s32 $0xFFFFF800  }
0xb6: {  	_ =	swait.ge [sflag:s6], $0x800  }
0xb7: {  	[sflag:s6] =	ssyncset.done $0x0  }
0xb8: {  	[sflag:s6] =	ssyncadd.s32 $0xFFFFF800  }
0xb9: {  	_ =	swait.ge [sflag:s6], $0x800  }
0xba: {  	[sflag:s6] =	ssyncset.done $0x0  }
0xbb: {  	[sflag:s6] =	ssyncadd.s32 $0xFFFFF800  }
0xbc: {  	_ =	swait.ge [sflag:s6], $0x800  }
0xbd: {  	[sflag:s6] =	ssyncset.done $0x0  }
0xbe: {  	[sflag:s6] =	ssyncadd.s32 $0xFFFFF800  }
0xbf: {  	_ =	swait.ge [sflag:s7], $0x800  }
0xc0: {  	[sflag:s7] =	ssyncset.done $0x0  }
0xc1: {  	[sflag:s7] =	ssyncadd.s32 $0xFFFFF800  }
0xc2: {  	_ =	swait.ge [sflag:s7], $0x800  }
0xc3: {  	[sflag:s7] =	ssyncset.done $0x0  }
0xc4: {  	[sflag:s7] =	ssyncadd.s32 $0xFFFFF800  }
0xc5: {  	_ =	swait.ge [sflag:s7], $0x800  }
0xc6: {  	[sflag:s7] =	ssyncset.done $0x0  }
0xc7: {  	[sflag:s7] =	ssyncadd.s32 $0xFFFFF800  }
0xc8: {  	s8 =	stileid.u32;
	_ =	swait.ge [sflag:s7], $0x800  }
0xc9: {  	s9 =	sshrl.u32 s5, $0x3;
	s3 =	sadd.s32 $0x1, s3;
	[sflag:s7] =	ssyncset.done $0x0  }
0xca: {  	s8 =	sshll.u32 s8, $0x6;
	p1 =	sne.s32 s3, s20;
	[sflag:s7] =	ssyncadd.s32 $0xFFFFF800  }
.Ltmp2:
0xcb: {  	s8 =	sor.u32 $0x1C05, s8;
	[bflag:$0x0] =	sbarrier.arrive $0xFFFF;
	(pc) =	sbr.rel @p1 .LBB2_1-.Ltmp2, $4  }
0xcc: {  	[hbm:s19], [sflag:s8] =	dma.local [spmem:s9], $0x2800  }
0xcd: {  	_ =	swait.ge [sflag:s22], $0x2800  }
0xce: {  	[sflag:s22] =	ssyncset.done $0x0  }
0xcf: {  	[sflag:s22] =	ssyncadd.s32 $0xFFFFD800  }
0xd0: {  	_ =	sfence.sel $0x180000  }
0xd1: {  	[bflag:$0x0] =	sbarrier.arrive $0xFFFF  }
0xd2: {  	_ =	strace $0x9000004D  }
0xd3: {  	s0 =	stileid.u32;
	[bflag:$0x2] =	sbarrier.arrive $0xFFFF  }
0xd4: {  	p0 =	sne.s32 s0, $0x0;
	s0 =	rddreg [dreg:$0x3]  }
0xd5: {  	s0 =	sadd.s32 @!p0 $0x100000, s0  }
0xd6: {  	[sflag:s0] =	ssyncadd.tile.s32 @!p0 $0x1;
	_ =	shalt  }
.Lfunc_end2:
_tile_overlayer_lowered:
.L_overlay_start_2:
0xd7: {  	(tag) =	ssettag $0x2  }
0xd8: {  	s0 =	rddreg [dreg:$0x0];
	s2 =	stileid.u32  }
0xd9: {  	s1 =	rddreg [dreg:$0x1];
	p0 =	sne.s32 s2, $0x0  }
0xda: {  	s3 =	rddreg [dreg:$0x2];
	[bflag:$0x3] =	sbarrier.arrive $0xFFFF;
	s2 =	simm.s32 @!p0 $0x1C05  }
0xdb: {  	[timem:s3], [sflag:s2] =	dma.local @!p0 [hbm:s0], s1  }
0xdc: {  	s0 =	simm.s32 @!p0 $0x5  }
0xdd: {  	_ =	swait.ge @!p0 [sflag:s0], s1  }
0xde: {  	s1 =	ssub.s32 @!p0 $0x0, s1;
	[sflag:s0] =	ssyncset.done @!p0 $0x0  }
0xdf: {  	[sflag:s0] =	ssyncadd.s32 @!p0 s1  }
0xe0: {  	[bflag:$0x3] =	sbarrier.arrive $0xFFFF  }
0xe1: {  	_ =	shalt  }

// kernel: kernel.8.cloned.1.call-start
scs
__scs_entry_jumppad:
0x0: {  	(pc) =	sbr.rel $0x88, $3  }
0x1: {  	(tag) =	ssettag $0x0;
	lr =	simm.s32 $0x1  }
0x2: {  	[smem:$0x3F99] =	sst lr;
	_ =	strace $0xD0000000  }
0x3: {  	_ = 	snop  }
0x4: {  	_ = 	snop  }
0x5: {  	_ = 	snop  }
0x6: {  	_ = 	snop  }
0x7: {  	_ = 	snop  }
__scs_overlays_trampoline_lowered:
0x8: {  	[smem:$0x3FA8] =	sst s0  }
0x9: {  	[smem:$0x3FA9] =	sst s1  }
0xa: {  	[smem:$0x3FAA] =	sst s2  }
0xb: {  	[smem:$0x3FAB] =	sst s3  }
0xc: {  	[smem:$0x3FAC] =	sst s4  }
0xd: {  	[smem:$0x3FAD] =	sst s5  }
0xe: {  	[smem:$0x3FAE] =	sst s6  }
0xf: {  	[smem:$0x3FAF] =	sst s7  }
0x10: {  	[smem:$0x3FB0] =	sst s8  }
0x11: {  	[smem:$0x3FB1] =	sst s9;
	s0 =	simm.s32 @!p0 $0x0  }
0x12: {  	s1 =	sld [smem:$0x3F97];
	s0 =	simm.s32 @p0 $0x1  }
0x13: {  	[smem:$0x3FB2] =	sst s0;
	s0 =	simm.s32 @!p1 $0x0  }
0x14: {  	s2 =	sld [smem:$0x3F96];
	s0 =	simm.s32 @p1 $0x1  }
0x15: {  	[smem:$0x3FB3] =	sst s0;
	s0 =	simm.s32 @!p2 $0x0  }
0x16: {  	s3 =	sld [smem:$0x3FDB];
	s0 =	simm.s32 @p2 $0x1  }
0x17: {  	s4 =	simm.s32 $0x1BF5;
	[smem:$0x3FB5] =	sst s0  }
0x18: {  	s0 =	sld [smem:$0x3F98];
	_ =	swait.ge [sflag:s4], $0x0  }
0x19: {  	s7 =	sld [smem:$0x3F99]  }
0x1a: {  	s8 =	sadd.s32 $0xFFFFE003, lr  }
0x1b: {  	s9 =	sadd.s32 $0xFFFFFEF7, lr;
	s5 =	simm.s32 $0xFFFFFFFF;
	p2 =	slt.u32 s8, $0xFFFFF086  }
0x1c: {  	p1 =	slt.u32 s9, $0xF7A;
	s5 =	simm.s32 @!p2 $0x0  }
0x1d: {  	s5 =	simm.s32 @p1 $0x1;
	p0 =	seq.s32 s7, s2  }
0x1e: {  	s7 =	smul.u32 @!p0 $0xF7A, s2;
	p2 =	seq.s32 @!p0 s5, $0x0  }
0x1f: {  	s9 =	smul.u32 $0xF7A, s1;
	s8 =	simm.s32 @!p0 $0x1BF5;
	p2 =	por !p2, p0  }
0x20: {  	[sflag:s8] =	ssyncset.s32 @!p0 $0xFFFFF086;
	s6 =	sadd.s32 @!p0 s3, s7;
	s7 =	simm.s32 @!p0 $0x108  }
0x21: {  	s3 =	sadd.s32 s3, s9;
	s6 =	sadd.s32 @!p0 $0x88, s6;
	s7 =	simm.s32 @p2 $0x1082  }
0x22: {  	[simem:s7], [sflag:s8] =	dma.local @!p0 [hbm:s6], $0xF7A  }
0x23: {  	s9 =	sor.u32 $0xD0000000, s2;
	s6 =	simm.s32 $0x108;
	_ =	swait.ge @!p0 [sflag:s8], $0x0  }
0x24: {  	s3 =	sadd.s32 $0x88, s3;
	s6 =	simm.s32 @!p1 $0x1082;
	[sflag:s4] =	ssyncset.s32 $0xFFFFF086  }
0x25: {  	[simem:s6], [sflag:s4] =	dma.local [hbm:s3], $0xF7A  }
0x26: {  	[smem:$0x3F99] =	sst s1;
	(tag) =	ssettag s2;
	_ =	strace s9  }
0x27: {  	s1 =	sld [smem:$0x3FA9]  }
0x28: {  	s2 =	sld [smem:$0x3FAA]  }
0x29: {  	s4 =	sld [smem:$0x3FAC]  }
0x2a: {  	p0 =	seq.s32 s5, $0x0;
	s5 =	sld [smem:$0x3FAD]  }
0x2b: {  	s6 =	sld [smem:$0x3FAE]  }
0x2c: {  	s7 =	sld [smem:$0x3FAF]  }
0x2d: {  	s3 =	simm.s32 $0x108;
	s8 =	sld [smem:$0x3FB0]  }
0x2e: {  	s3 =	simm.s32 @!p0 $0x1082;
	s9 =	sld [smem:$0x3FB1]  }
0x2f: {  	lr =	sadd.s32 s0, s3;
	s0 =	sld [smem:$0x3FA8]  }
0x30: {  	s3 =	sld [smem:$0x3FAB]  }
0x31: {  	[smem:$0x3FB4] =	sst s10  }
0x32: {  	s10 =	sld [smem:$0x3FB2];
	_ =	sdelay $0x3  }
0x33: {  	p0 =	seq.s32 s10, $0x1;
	s10 =	sld [smem:$0x3FB4];
	_ =	sdelay $0x3  }
0x34: {  	[smem:$0x3FB4] =	sst s10  }
0x35: {  	s10 =	sld [smem:$0x3FB3];
	_ =	sdelay $0x3  }
0x36: {  	p1 =	seq.s32 s10, $0x1;
	s10 =	sld [smem:$0x3FB4];
	_ =	sdelay $0x3  }
0x37: {  	[smem:$0x3FB4] =	sst s10  }
0x38: {  	s10 =	sld [smem:$0x3FB5]  }
0x39: {  	_ = 	snop;
	(pc) =	sbr.ind lr, $3  }
0x3a: {  	_ = 	snop  }
0x3b: {  	_ = 	snop  }
0x3c: {  	p2 =	seq.s32 s10, $0x1;
	s10 =	sld [smem:$0x3FB4]  }
0x3d: {  	_ =	shalt  }
0x3e: {  	_ =	shalt  }
0x3f: {  	_ =	shalt  }
0x40: {  	_ =	shalt  }
0x41: {  	_ =	shalt  }
0x42: {  	_ =	shalt  }
0x43: {  	_ =	shalt  }
0x44: {  	_ =	shalt  }
0x45: {  	_ =	shalt  }
0x46: {  	_ =	shalt  }
0x47: {  	_ =	shalt  }
0x48: {  	_ =	shalt  }
0x49: {  	_ =	shalt  }
0x4a: {  	_ =	shalt  }
0x4b: {  	_ =	shalt  }
0x4c: {  	_ =	shalt  }
0x4d: {  	_ =	shalt  }
0x4e: {  	_ =	shalt  }
0x4f: {  	_ =	shalt  }
0x50: {  	_ =	shalt  }
0x51: {  	_ =	shalt  }
0x52: {  	_ =	shalt  }
0x53: {  	_ =	shalt  }
0x54: {  	_ =	shalt  }
0x55: {  	_ =	shalt  }
0x56: {  	_ =	shalt  }
0x57: {  	_ =	shalt  }
0x58: {  	_ =	shalt  }
0x59: {  	_ =	shalt  }
0x5a: {  	_ =	shalt  }
0x5b: {  	_ =	shalt  }
0x5c: {  	_ =	shalt  }
0x5d: {  	_ =	shalt  }
0x5e: {  	_ =	shalt  }
0x5f: {  	_ =	shalt  }
0x60: {  	_ =	shalt  }
0x61: {  	_ =	shalt  }
0x62: {  	_ =	shalt  }
0x63: {  	_ =	shalt  }
0x64: {  	_ =	shalt  }
0x65: {  	_ =	shalt  }
0x66: {  	_ =	shalt  }
0x67: {  	_ =	shalt  }
0x68: {  	_ =	shalt  }
0x69: {  	_ =	shalt  }
0x6a: {  	_ =	shalt  }
0x6b: {  	_ =	shalt  }
0x6c: {  	_ =	shalt  }
0x6d: {  	_ =	shalt  }
0x6e: {  	_ =	shalt  }
0x6f: {  	_ =	shalt  }
0x70: {  	_ =	shalt  }
0x71: {  	_ =	shalt  }
0x72: {  	_ =	shalt  }
0x73: {  	_ =	shalt  }
0x74: {  	_ =	shalt  }
0x75: {  	_ =	shalt  }
0x76: {  	_ =	shalt  }
0x77: {  	_ =	shalt  }
0x78: {  	_ =	shalt  }
0x79: {  	_ =	shalt  }
0x7a: {  	_ =	shalt  }
0x7b: {  	_ =	shalt  }
0x7c: {  	_ =	shalt  }
0x7d: {  	_ =	shalt  }
0x7e: {  	_ =	shalt  }
0x7f: {  	_ =	shalt  }
0x80: {  	_ =	shalt  }
0x81: {  	_ =	shalt  }
0x82: {  	_ =	shalt  }
0x83: {  	_ =	shalt  }
0x84: {  	_ =	shalt  }
0x85: {  	_ =	shalt  }
0x86: {  	_ =	shalt  }
0x87: {  	_ =	shalt  }
.Lfunc_end0:
.L_simem_size_0:
called_computation_lowered:
.L_overlay_start_0:
0x88: {  	s2 =	sld [smem:$0x3FD9]  }
0x89: {  	s3 =	sld [smem:$0x3FFE];
	_ =	sdelay $0x1  }
0x8a: {  	s1 =	srdreg.scid  }
0x8b: {  	s0 =	sand.u32 $0x1, s1  }
0x8c: {  	s17 =	sshll.u32 s0, $0xA;
	s2 =	sadd.s32 s3, s2  }
0x8d: {  	s2 =	sadd.s32 s2, s17  }
0x8e: {  	[smem:$0x3FC0] =	sst s2  }
0x8f: {  	_ = 	snop  }
0x90: {  	s2 =	sld [smem:$0x3FD0];
	(tm) =	ssettm $0x1  }
0x91: {  	s18 =	sld [smem:$0x3FFB];
	_ =	sdelay $0x3  }
0x92: {  	_ =	strace s18  }
0x93: {  	s3 =	sld [smem:$0x3FFC];
	_ =	sdelay $0x3  }
0x94: {  	_ =	strace s3  }
0x95: {  	s3 =	sld [smem:$0x3FFD];
	_ =	sdelay $0x3  }
0x96: {  	_ =	strace s3  }
0x97: {  	_ =	strace $0x8FFFFFFF  }
0x98: {  	s19 =	sld [smem:$0x3FDB];
	_ =	sdelay $0x1  }
0x99: {  	s4 =	simm.s32 $_scs_section_size  }
0x9a: {  	s5 =	simm.s32 $_size__tile_overlayer_lowered;
	s6 =	simm.s32 $_tile_overlayer_lowered  }
0x9b: {  	s22 =	simm.s32 $0x1BFF;
	s21 =	sshll.u32 s6, $0x1;
	s3 =	sadd.s32 s4, s19  }
0x9c: {  	s7 =	simm.s32 $0x0;
	s20 =	sshll.u32 s5, $0x1;
	s5 =	sadd.s32 s21, s3  }
0x9d: {  	[timem:s7], [sflag:s22] =	dma.local [hbm:s5], s20  }
0x9e: {  	_ =	swait.ge [sflag:s22], s20  }
0x9f: {  	s4 =	ssub.s32 $0x0, s20;
	[sflag:s22] =	ssyncset.done $0x0  }
0xa0: {  	[sflag:s22] =	ssyncadd.s32 s4;
	_ =	sdelay $0x1  }
0xa1: {  	s23 =	simm.s32 $0x1B8B  }
0xa2: {  	_ =	swait.ge [sflag:s23], $0x1  }
0xa3: {  	[sflag:s23] =	ssyncset.done $0x0  }
0xa4: {  	s25 =	simm.s32 $0x1B8E;
	s24 =	sld [smem:$0x3FFE];
	[sflag:s23] =	ssyncadd.s32 $0xFFFFFFFF  }
0xa5: {  	s26 =	simm.s32 $execute0_lowered;
	[smem:$0x3FD2] =	sst s25  }
0xa6: {  	s5 =	sshll.u32 s26, $0x1;
	_ =	strace $0x80000046;
	[dreg:$0x1] =	wrdreg $0xFFFFFFFF  }
0xa7: {  	s28 =	simm.s32 $_size_execute0_lowered;
	s3 =	sadd.s32 s3, s5;
	[dreg:$0x0] =	wrdreg $0x0  }
0xa8: {  	s5 =	sshll.u32 s28, $0x1;
	[dreg:$0x2] =	wrdreg s3  }
0xa9: {  	[dreg:$0x3] =	wrdreg s5  }
0xaa: {  	[dreg:$0x4] =	wrdreg $0xC0  }
0xab: {  	_ =	task [dreg:s7], $0x5FFFF  }
0xac: {  	[dreg:$0x1] =	wrdreg $0xFFFFFFFF  }
0xad: {  	[dreg:$0x0] =	wrdreg $0x60  }
0xae: {  	[dreg:$0x2] =	wrdreg s2  }
0xaf: {  	[dreg:$0x3] =	wrdreg s24  }
0xb0: {  	[dreg:$0x4] =	wrdreg $0x0  }
0xb1: {  	[dreg:$0x5] =	wrdreg $0x9  }
0xb2: {  	_ =	task.clear_ibuf [dreg:s7], $0x6FFFF;
	_ =	strace $0x90000046  }
0xb3: {  	s29 =	simm.s32 $0x9;
	_ =	strace $0x80000048  }
0xb4: {  	_ =	swait.ge [sflag:s29], $0x1  }
0xb5: {  	[sflag:s29] =	ssyncadd.s32 $0xFFFFFFFF  }
0xb6: {  	_ =	strace $0x90000048  }
0xb7: {  	_ =	sfence  }
0xb8: {  	s30 =	sld [smem:$0x0];
	_ =	sdelay $0x2  }
0xb9: {  	s31 =	sshll.u32 s1, $0xD;
	s1 =	sshrl.u32 s1, $0x2  }
0xba: {  	s3 =	sand.u32 $0x4000, s31;
	s1 =	sadd.s32 s1, s30  }
0xbb: {  	s0 =	sor.u32 s3, s0;
	s1 =	sshll.u32 s1, $0x11  }
0xbc: {  	s0 =	sor.u32 s1, s0  }
0xbd: {  	s0 =	sadd.s32 $0x8F2B, s0  }
0xbe: {  	[sflag:s0] =	ssyncadd.remote.s32 $0x1  }
0xbf: {  	_ =	sfence.sel $0xFFFF  }
0xc0: {  	[dreg:$0x0] =	wrdreg $0xFFFFFFFF;
	(pc) =	sbr.abs _section_cstart, $3  }
0xc1: {  	[dreg:$0x1] =	wrdreg $0xFFFFFFFF  }
0xc2: {  	_ =	task.clear_ibuf [dreg:s7], $0x2FFFF;
	_ =	strace $0x9FFFFFFF  }
0xc3: {  	(tm) =	ssettm $0x7FFFFFFF  }
tec
execute0_lowered:
.L_overlay_start_1:
0x0: {  	(tag) =	ssettag $0x1  }
0x1: {  	s14 =	rddreg [dreg:$0x0]  }
0x2: {  	s4 =	rddreg [dreg:$0x1];
	s1 =	srdreg.scid  }
0x3: {  	s0 =	stileid.u32;
	s2 =	rddreg [dreg:$0x2];
	s3 =	simm.s32 $0x0  }
0x4: {  	s18 =	simm.s32 $0x1;
	s19 =	simm.s32 $0x2800;
	s20 =	simm.s32 $0x5000  }
0x5: {  	s5 =	sand.u32 $0x1, s1;
	s6 =	smul.u32 $0x2800, s0;
	s1 =	rddreg [dreg:$0x3]  }
0x6: {  	[smem:$0x7FF] =	sst s3;
	s8 =	smul.u32 $0x50000, s0;
	s31 =	sshll.u32 s0, $0x1  }
0x7: {  	s21 =	sshll.u32 s0, $0x6;
	s7 =	smul.u32 $0x28000, s5;
	_ =	strace $0x80000047  }
0x8: {  	s28 =	ssub.s32 $0x2, s5;
	s9 =	sor.u32 s5, s31;
	s21 =	sor.u32 $0x1C01, s21  }
0x9: {  	s29 =	sshrl.u32 s28, $0x1;
	s17 =	smul.u32 $0x500, s9;
	s6 =	sadd.s32 s6, s7  }
0xa: {  	s30 =	sshrl.u32 s8, $0x2;
	s16 =	ssub.s32 s28, s29;
	s15 =	sadd.s32 s6, s4  }
0xb: {  	s4 =	sadd.s32 s30, s2;
	s14 =	sadd.s32 s14, s17;
	s16 =	smax.u32 s16, $0x1  }
0xc: {  	s17 =	simm.s32 $0x5800;
	s5 =	sadd.s32 $0x2000, s4;
	s6 =	sadd.s32 $0x4000, s4  }
0xd: {  	s7 =	sadd.s32 $0x6000, s4;
	s8 =	sadd.s32 $0x8000, s4;
	s9 =	sadd.s32 $0xA000, s4  }
0xe: {  	s10 =	sadd.s32 $0xC000, s4;
	s11 =	sadd.s32 $0xE000, s4;
	s12 =	sadd.s32 $0x10000, s4  }
0xf: {  	v0 =	vimm.f32 $1.000000000e+00;
	v1 =	vimm.f32 $0.0e+00;
	vm0 =	vmmov $0xffff;
	s13 =	sadd.s32 $0x12000, s4;
	s15 =	sadd.s32 $0x2800, s15;
	s22 =	sshrl.u32 s4, $0x3  }
.LBB2_1:
0x10: {  	[tilespmem:$0x5000] =	vst v0  }
0x11: {  	[tilespmem:$0x5080] =	vst v0  }
0x12: {  	[tilespmem:$0x5100] =	vst v0  }
0x13: {  	[tilespmem:$0x5180] =	vst v0  }
0x14: {  	[tilespmem:$0x5200] =	vst v0  }
0x15: {  	[tilespmem:$0x5280] =	vst v0  }
0x16: {  	[tilespmem:$0x5300] =	vst v0  }
0x17: {  	[tilespmem:$0x5380] =	vst v0  }
0x18: {  	[tilespmem:$0x5400] =	vst v0  }
0x19: {  	[tilespmem:$0x5480] =	vst v0  }
0x1a: {  	[tilespmem:$0x5500] =	vst v0  }
0x1b: {  	[tilespmem:$0x5580] =	vst v0  }
0x1c: {  	[tilespmem:$0x5600] =	vst v0  }
0x1d: {  	[tilespmem:$0x5680] =	vst v0  }
0x1e: {  	[tilespmem:$0x5700] =	vst v0  }
0x1f: {  	[tilespmem:$0x5780] =	vst v0;
	s23 =	simm.s32 $0x200;
	s24 =	simm.s32 $0x0  }
.LBB2_2:
0x20: {  	p0 =	sne.s32 s23, $0x7E00;
	[tilespmem:s24+$0x5800] =	vst v1;
	s24 =	smov.u32 s23;
	s23 =	sadd.s32 $0x200, s23  }
.Ltmp0:
0x21: {  	(pc) =	sbr.rel @p0 .LBB2_2-.Ltmp0, $2  }
0x22: {  	_ =	sdelay $0x2  }
0x23: {  	s24 =	sshra.s32 s24, $0x2  }
0x24: {  	[tilespmem:s24+$0x5800] =	vst v1  }
0x25: {  	[spmem:s4] =	stream.linear.scatter [tilespmem:s17], [sflag:$0x1], $0x2000, $0x38;
	[tilespmem:$0x7800] =	vst v63  }
0x26: {  	_ =	swait.ge [sflag:s18], $0x2000  }
0x27: {  	[sflag:s18] =	ssyncset.done $0x0  }
0x28: {  	[sflag:s18] =	ssyncadd.s32 $0xFFFFE000  }
0x29: {  	[spmem:s5] =	stream.linear.scatter [tilespmem:s17], [sflag:$0x1], $0x2000, $0x38;
	[tilespmem:$0x7800] =	vst v63  }
0x2a: {  	_ =	swait.ge [sflag:s18], $0x2000  }
0x2b: {  	[sflag:s18] =	ssyncset.done $0x0  }
0x2c: {  	[sflag:s18] =	ssyncadd.s32 $0xFFFFE000  }
0x2d: {  	[spmem:s6] =	stream.linear.scatter [tilespmem:s17], [sflag:$0x1], $0x2000, $0x38;
	[tilespmem:$0x7800] =	vst v63  }
0x2e: {  	_ =	swait.ge [sflag:s18], $0x2000  }
0x2f: {  	[sflag:s18] =	ssyncset.done $0x0  }
0x30: {  	[sflag:s18] =	ssyncadd.s32 $0xFFFFE000  }
0x31: {  	[spmem:s7] =	stream.linear.scatter [tilespmem:s17], [sflag:$0x1], $0x2000, $0x38;
	[tilespmem:$0x7800] =	vst v63  }
0x32: {  	_ =	swait.ge [sflag:s18], $0x2000  }
0x33: {  	[sflag:s18] =	ssyncset.done $0x0  }
0x34: {  	[sflag:s18] =	ssyncadd.s32 $0xFFFFE000  }
0x35: {  	[spmem:s8] =	stream.linear.scatter [tilespmem:s17], [sflag:$0x1], $0x2000, $0x38;
	[tilespmem:$0x7800] =	vst v63  }
0x36: {  	_ =	swait.ge [sflag:s18], $0x2000  }
0x37: {  	[sflag:s18] =	ssyncset.done $0x0  }
0x38: {  	[sflag:s18] =	ssyncadd.s32 $0xFFFFE000  }
0x39: {  	[spmem:s9] =	stream.linear.scatter [tilespmem:s17], [sflag:$0x1], $0x2000, $0x38;
	[tilespmem:$0x7800] =	vst v63  }
0x3a: {  	_ =	swait.ge [sflag:s18], $0x2000  }
0x3b: {  	[sflag:s18] =	ssyncset.done $0x0  }
0x3c: {  	[sflag:s18] =	ssyncadd.s32 $0xFFFFE000  }
0x3d: {  	[spmem:s10] =	stream.linear.scatter [tilespmem:s17], [sflag:$0x1], $0x2000, $0x38;
	[tilespmem:$0x7800] =	vst v63  }
0x3e: {  	_ =	swait.ge [sflag:s18], $0x2000  }
0x3f: {  	[sflag:s18] =	ssyncset.done $0x0  }
0x40: {  	[sflag:s18] =	ssyncadd.s32 $0xFFFFE000  }
0x41: {  	[spmem:s11] =	stream.linear.scatter [tilespmem:s17], [sflag:$0x1], $0x2000, $0x38;
	[tilespmem:$0x7800] =	vst v63  }
0x42: {  	_ =	swait.ge [sflag:s18], $0x2000  }
0x43: {  	[sflag:s18] =	ssyncset.done $0x0  }
0x44: {  	[sflag:s18] =	ssyncadd.s32 $0xFFFFE000  }
0x45: {  	[spmem:s12] =	stream.linear.scatter [tilespmem:s17], [sflag:$0x1], $0x2000, $0x38;
	[tilespmem:$0x7800] =	vst v63  }
0x46: {  	_ =	swait.ge [sflag:s18], $0x2000  }
0x47: {  	[sflag:s18] =	ssyncset.done $0x0  }
0x48: {  	[sflag:s18] =	ssyncadd.s32 $0xFFFFE000  }
0x49: {  	[spmem:s13] =	stream.linear.scatter [tilespmem:s17], [sflag:$0x1], $0x2000, $0x38;
	[tilespmem:$0x7800] =	vst v63  }
0x4a: {  	_ =	swait.ge [sflag:s18], $0x2000  }
0x4b: {  	[sflag:s18] =	ssyncset.done $0x0  }
0x4c: {  	s23 =	simm.s32 $0x0;
	[sflag:s18] =	ssyncadd.s32 $0xFFFFE000  }
0x4d: {  	[tilespmem:s19], [sflag:$0x1] =	stream.linear.gather [hbm4b:s14+s23], $0x2800, $0x38;
	[tilespmem:$0x7800] =	vst v63  }
0x4e: {  	_ =	swait.ge [sflag:s18], $0x2800  }
0x4f: {  	[sflag:s18] =	ssyncset.done $0x0  }
0x50: {  	[sflag:s18] =	ssyncadd.s32 $0xFFFFD800  }
0x51: {  	s31 =	simm.s32 $0x0;
	[bflag:$0x0] =	sbarrier.arrive $0xFFFF  }
0x52: {  	s23 =	simm.s32 $0x40;
	v2 =	vld [tilespmem:s31+$0x2800]  }
.LBB2_4:
0x53: {  	p0 =	sne.s32 s23, $0x9FC0;
	_ =	sdelay $0x6  }
0x54: {  	[spmem:s2] =	stream.indirect_vreg.scatter.add.f32 [tilespmem:s20], [sflag:$0x1], $0x10, v2, vm0, $0xb8;
	[tilespmem:$0x7800] =	vst v63  }
.Ltmp1:
0x55: {  	_ = 	snop;
	(pc) =	sbr.rel @p0 .LBB2_4-.Ltmp1, $4  }
0x56: {  	_ =	swait.ge [sflag:s18], $0x100  }
0x57: {  	[sflag:s18] =	ssyncset.done $0x0  }
0x58: {  	s24 =	sshra.s32 s23, $0x2;
	[sflag:s18] =	ssyncadd.s32 $0xFFFFFF00  }
0x59: {  	s23 =	sadd.s32 $0x40, s23;
	v2 =	vld [tilespmem:s24+$0x2800]  }
0x5a: {  	_ =	sdelay $0x7  }
0x5b: {  	[spmem:s2] =	stream.indirect_vreg.scatter.add.f32 [tilespmem:s20], [sflag:$0x1], $0x10, v2, vm0, $0xb8;
	[tilespmem:$0x7800] =	vst v63  }
0x5c: {  	_ =	swait.ge [sflag:s18], $0x100  }
0x5d: {  	s3 =	sadd.s32 $0x1, s3;
	[sflag:s18] =	ssyncset.done $0x0  }
0x5e: {  	p0 =	sne.s32 s3, s16;
	[sflag:s18] =	ssyncadd.s32 $0xFFFFFF00  }
.Ltmp2:
0x5f: {  	[bflag:$0x0] =	sbarrier.arrive $0xFFFF;
	(pc) =	sbr.rel @p0 .LBB2_1-.Ltmp2, $4  }
0x60: {  	[hbm:s15], [sflag:s21] =	dma.local [spmem:s22], $0x2800  }
0x61: {  	_ =	swait.ge [sflag:s18], $0x2800  }
0x62: {  	[sflag:s18] =	ssyncset.done $0x0  }
0x63: {  	[sflag:s18] =	ssyncadd.s32 $0xFFFFD800  }
0x64: {  	_ =	sfence.sel $0x180000  }
0x65: {  	[bflag:$0x0] =	sbarrier.arrive $0xFFFF  }
0x66: {  	p0 =	sne.s32 s0, $0x0;
	_ =	strace $0x90000047  }
0x67: {  	s0 =	sadd.s32 @!p0 $0x100000, s1;
	[bflag:$0x2] =	sbarrier.arrive $0xFFFF  }
0x68: {  	[sflag:s0] =	ssyncadd.tile.s32 @!p0 $0x1;
	_ =	shalt  }
.Lfunc_end2:
_tile_overlayer_lowered:
.L_overlay_start_2:
0x69: {  	(tag) =	ssettag $0x2  }
0x6a: {  	s0 =	rddreg [dreg:$0x0];
	s2 =	stileid.u32  }
0x6b: {  	s1 =	rddreg [dreg:$0x1];
	p0 =	sne.s32 s2, $0x0  }
0x6c: {  	s3 =	rddreg [dreg:$0x2];
	[bflag:$0x3] =	sbarrier.arrive $0xFFFF;
	s2 =	simm.s32 @!p0 $0x1C01  }
0x6d: {  	[timem:s3], [sflag:s2] =	dma.local @!p0 [hbm:s0], s1  }
0x6e: {  	s0 =	simm.s32 @!p0 $0x1  }
0x6f: {  	_ =	swait.ge @!p0 [sflag:s0], s1  }
0x70: {  	s1 =	ssub.s32 @!p0 $0x0, s1;
	[sflag:s0] =	ssyncset.done @!p0 $0x0  }
0x71: {  	[sflag:s0] =	ssyncadd.s32 @!p0 s1  }
0x72: {  	[bflag:$0x3] =	sbarrier.arrive $0xFFFF  }
0x73: {  	_ =	shalt  }

</sc_bundles>
